<compile_context>
chip_gen: v7x
topology: tpu7x:2x2x1
jax: 0.10.2.dev20260603
libtpu: 0.0.44.dev20260713+nightly
codegen_flags: <defaults>
</compile_context>

<pallas_src>
import functools

import jax
import jax.numpy as jnp
from jax import lax
from jax.experimental import pallas as pl
from jax.experimental.pallas import tpu as pltpu
from jax.experimental.pallas import tpu_sc as plsc

_TEMP = 101.0

_NC = 2
_NS = 16
_NW = _NC * _NS
_BH = 80
_BA = 80
_HW = 16


def _mesh():
    return plsc.VectorSubcoreMesh(core_axis_name="c", subcore_axis_name="s")


def _make_hist(N, NJ):
    ZR = 128
    STRIDE, SZ = 624, 640
    assert STRIDE * (_NS - 1) + SZ == N and SZ % ZR == 0

    @functools.partial(
        pl.kernel,
        out_type=jax.ShapeDtypeStruct((_NC, N, _HW), jnp.float32),
        mesh=_mesh(),
        scratch_types=[
            pltpu.VMEM((NJ, _BH), jnp.int32),
            pltpu.VMEM((_BH, _HW), jnp.float32),
            pltpu.VMEM((ZR, _HW), jnp.float32),
            pltpu.VMEM_SHARED((N, _HW), jnp.float32),
            pltpu.SemaphoreType.DMA,
        ],
        compiler_params=pltpu.CompilerParams(use_tc_tiling_on_sc=False),
    )
    def hist(dst_hbm, out_hbm, dst_v, ones_v, z_v, acc, sh):
        c = lax.axis_index("c")
        s = lax.axis_index("s")
        wid = s * _NC + c

        def fill_ones(r, carry):
            ones_v[r, :] = jnp.full((_HW,), 1.0, jnp.float32)
            return carry

        lax.fori_loop(0, _BH, fill_ones, 0)

        def fill_zero(r, carry):
            z_v[r, :] = jnp.zeros((_HW,), jnp.float32)
            return carry

        lax.fori_loop(0, ZR, fill_zero, 0)

        def zcopy(k, carry):
            pltpu.sync_copy(z_v, acc.at[pl.ds(s * STRIDE + k * ZR, ZR)])
            return carry

        lax.fori_loop(0, SZ // ZR, zcopy, 0)
        plsc.subcore_barrier()

        pltpu.sync_copy(dst_hbm.at[wid], dst_v)

        HDEPTH = 6

        def scat(j, carry):
            pltpu.async_copy(ones_v, acc.at[dst_v.at[j]], sh, add=True)

            @pl.when(j >= HDEPTH)
            def _():
                pltpu.make_async_copy(ones_v, acc.at[dst_v.at[0]],
                                      sh).wait()
            return carry

        lax.fori_loop(0, NJ, scat, 0)
        for _ in range(min(HDEPTH, NJ)):
            pltpu.make_async_copy(ones_v, acc.at[dst_v.at[0]], sh).wait()
        plsc.subcore_barrier()
        pltpu.sync_copy(acc.at[pl.ds(s * STRIDE, SZ)],
                        out_hbm.at[c, pl.ds(s * STRIDE, SZ)])

    return hist


def _make_agg(N, D, NJ):
    ZR = 128
    STRIDE, SZ = 624, 640
    assert STRIDE * (_NS - 1) + SZ == N and SZ % ZR == 0
    DH = D // 2

    @functools.partial(
        pl.kernel,
        out_type=jax.ShapeDtypeStruct((_NC, N, DH), jnp.float32),
        mesh=_mesh(),
        scratch_types=[
            pltpu.VMEM((NJ, _BA), jnp.int32),
            pltpu.VMEM((NJ, _BA), jnp.int32),
            *([pltpu.VMEM((_BA, DH), jnp.float32)] * 8),
            pltpu.VMEM((ZR, DH), jnp.float32),
            pltpu.VMEM_SHARED((N, DH), jnp.float32),
            *([pltpu.SemaphoreType.DMA] * 16),
        ],
        compiler_params=pltpu.CompilerParams(use_tc_tiling_on_sc=False),
    )
    def agg(src_hbm, dst_hbm, xsa_hbm, xsb_hbm, out_hbm,
            src_v, dst_v, b0, b1, b2, b3, b4, b5, b6, b7, z_v, acc,
            g0, g1, g2, g3, g4, g5, g6, g7,
            t0, t1, t2, t3, t4, t5, t6, t7):
        bufs = (b0, b1, b2, b3, b4, b5, b6, b7)
        sg = (g0, g1, g2, g3, g4, g5, g6, g7)
        ss = (t0, t1, t2, t3, t4, t5, t6, t7)
        c = lax.axis_index("c")
        s = lax.axis_index("s")

        def fill_zero(r, carry):
            for q in range(DH // 16):
                z_v[r, pl.ds(q * 16, 16)] = jnp.zeros((16,), jnp.float32)
            return carry

        lax.fori_loop(0, ZR, fill_zero, 0)

        def zcopy(k, carry):
            pltpu.sync_copy(z_v, acc.at[pl.ds(s * STRIDE + k * ZR, ZR)])
            return carry

        lax.fori_loop(0, SZ // ZR, zcopy, 0)
        plsc.subcore_barrier()

        pltpu.sync_copy(src_hbm.at[s], src_v)
        pltpu.sync_copy(dst_hbm.at[s], dst_v)

        NB = 8
        GD = 6
        SD = 2
        assert NJ % NB in (0, 2) and NJ >= 2 * NB

        def run(xs_hbm):
            def gather(j, b):
                pltpu.async_copy(xs_hbm.at[src_v.at[j]], bufs[b], sg[b])

            def wait_gather(j, b):
                pltpu.make_async_copy(xs_hbm.at[src_v.at[j]],
                                      bufs[b], sg[b]).wait()

            def scatter(j, b):
                pltpu.async_copy(bufs[b], acc.at[dst_v.at[j]], ss[b],
                                 add=True)

            def drain_scatter(b):
                pltpu.make_async_copy(bufs[b], acc.at[dst_v.at[0]],
                                      ss[b]).wait()

            for j in range(GD):
                gather(j, j)

            def octet(i, carry):
                for b in range(NB):
                    j = NB * i + b
                    wait_gather(j, b)
                    if b < SD:
                        @pl.when(j >= SD)
                        def _():
                            drain_scatter((b + GD) % NB)
                    else:
                        drain_scatter((b + GD) % NB)

                    @pl.when(j + GD < NJ)
                    def _():
                        gather(j + GD, (b + GD) % NB)

                    scatter(j, b)
                return carry

            lax.fori_loop(0, NJ // NB, octet, 0)
            for j in range(NJ - (NJ % NB), NJ):
                b = j % NB
                wait_gather(j, b)
                drain_scatter((b + GD) % NB)
                scatter(j, b)
            for j in range(NJ - SD, NJ):
                drain_scatter(j % NB)

        @pl.when(c == 0)
        def _():
            run(xsa_hbm)

        @pl.when(c == 1)
        def _():
            run(xsb_hbm)

        plsc.subcore_barrier()
        pltpu.sync_copy(acc.at[pl.ds(s * STRIDE, SZ)],
                        out_hbm.at[c, pl.ds(s * STRIDE, SZ)])

    return agg


def _prescale_body(hist_ref, x_ref, xsa_ref, xsb_ref, dis_ref):
    deg = hist_ref[0, :, 0:1] + hist_ref[1, :, 0:1] + 1.0
    dis = lax.rsqrt(deg)
    dis_ref[...] = dis
    xs = x_ref[...] * dis
    dh = xsa_ref.shape[1]
    xsa_ref[...] = xs[:, :dh]
    xsb_ref[...] = xs[:, dh:]


def _prescale(hist, x, RB):
    N, D = x.shape
    DH = D // 2
    grid = (N // RB,)
    return pl.pallas_call(
        _prescale_body,
        grid=grid,
        in_specs=[
            pl.BlockSpec((_NC, RB, _HW), lambda i: (0, i, 0)),
            pl.BlockSpec((RB, D), lambda i: (i, 0)),
        ],
        out_specs=[
            pl.BlockSpec((RB, DH), lambda i: (i, 0)),
            pl.BlockSpec((RB, DH), lambda i: (i, 0)),
            pl.BlockSpec((RB, 1), lambda i: (i, 0)),
        ],
        out_shape=[
            jax.ShapeDtypeStruct((N, DH), jnp.float32),
            jax.ShapeDtypeStruct((N, DH), jnp.float32),
            jax.ShapeDtypeStruct((N, 1), jnp.float32),
        ],
    )(hist, x)


def _gates(top, G):
    logits = lax.dot_general(top, G, (((1,), (1,)), ((), ())),
                             preferred_element_type=jnp.float32) / _TEMP
    m = jnp.max(logits, axis=1, keepdims=True)
    e = jnp.exp(logits - m)
    return e / jnp.sum(e, axis=1, keepdims=True)


def _mixture(parts_ref, dis, xprev, top_ref, W_ref, b_ref, G_ref):
    aggf = jnp.concatenate([parts_ref[0], parts_ref[1]], axis=1)
    z = dis * aggf + (dis * dis) * xprev
    g = _gates(top_ref[...], G_ref[...])
    acc = jnp.zeros_like(z)
    for i in range(W_ref.shape[0]):
        eo = lax.dot_general(z, W_ref[i], (((1,), (1,)), ((), ())),
                             preferred_element_type=jnp.float32) + b_ref[i]
        acc = acc + g[:, i:i + 1] * jnp.maximum(eo, 0.0)
    return acc


def _mix1_body(parts_ref, dis_ref, x_ref, top_ref, W_ref, b_ref, G_ref,
               h_ref, xsa_ref, xsb_ref):
    dis = dis_ref[...]
    h = _mixture(parts_ref, dis, x_ref[...], top_ref, W_ref, b_ref, G_ref)
    h_ref[...] = h
    xs = h * dis
    dh = xsa_ref.shape[1]
    xsa_ref[...] = xs[:, :dh]
    xsb_ref[...] = xs[:, dh:]


def _mix2_body(parts_ref, dis_ref, h1_ref, top_ref, W_ref, b_ref, G_ref,
               fcW_ref, fcb_ref, out_ref):
    dis = dis_ref[...]
    h = _mixture(parts_ref, dis, h1_ref[...], top_ref, W_ref, b_ref, G_ref)
    out_ref[...] = lax.dot_general(h, fcW_ref[...], (((1,), (1,)), ((), ())),
                                   preferred_element_type=jnp.float32) \
        + fcb_ref[...]


def _mix_specs(N, D, TOP, EX, RB):
    return [
        pl.BlockSpec((_NC, RB, D // 2), lambda i: (0, i, 0)),
        pl.BlockSpec((RB, 1), lambda i: (i, 0)),
        pl.BlockSpec((RB, D), lambda i: (i, 0)),
        pl.BlockSpec((RB, TOP), lambda i: (i, 0)),
        pl.BlockSpec((EX, D, D), lambda i: (0, 0, 0)),
        pl.BlockSpec((EX, D), lambda i: (0, 0)),
        pl.BlockSpec((EX, TOP), lambda i: (0, 0)),
    ]


def _mix1(parts, dis, x, top, W, b, G, RB):
    N, D = x.shape
    EX, TOP = G.shape
    return pl.pallas_call(
        _mix1_body,
        grid=(N // RB,),
        in_specs=_mix_specs(N, D, TOP, EX, RB),
        out_specs=[
            pl.BlockSpec((RB, D), lambda i: (i, 0)),
            pl.BlockSpec((RB, D // 2), lambda i: (i, 0)),
            pl.BlockSpec((RB, D // 2), lambda i: (i, 0)),
        ],
        out_shape=[
            jax.ShapeDtypeStruct((N, D), jnp.float32),
            jax.ShapeDtypeStruct((N, D // 2), jnp.float32),
            jax.ShapeDtypeStruct((N, D // 2), jnp.float32),
        ],
    )(parts, dis, x, top, W, b, G)


def _mix2(parts, dis, h1, top, W, b, G, fcW, fcb, RB):
    N, D = h1.shape
    EX, TOP = G.shape
    specs = _mix_specs(N, D, TOP, EX, RB) + [
        pl.BlockSpec((D, D), lambda i: (0, 0)),
        pl.BlockSpec((D,), lambda i: (0,)),
    ]
    return pl.pallas_call(
        _mix2_body,
        grid=(N // RB,),
        in_specs=specs,
        out_specs=pl.BlockSpec((RB, D), lambda i: (i, 0)),
        out_shape=jax.ShapeDtypeStruct((N, D), jnp.float32),
    )(parts, dis, h1, top, W, b, G, fcW, fcb)


def kernel(x, edge_index, top_features, W1, b1, W2, b2, G1, G2, fcW, fcb):
    N, D = x.shape
    E = edge_index.shape[1]
    NJ32 = E // (_NW * _BH)
    RB = 2000

    NJ16 = E // (_NS * _BA)
    src16 = edge_index[0].reshape(_NS, NJ16, _BA)
    dst16 = edge_index[1].reshape(_NS, NJ16, _BA)
    dst32 = edge_index[1].reshape(_NW, NJ32, _BH)

    hist_k = _make_hist(N, NJ32)
    agg_k = _make_agg(N, D, NJ16)

    hist = hist_k(dst32)
    xs1a, xs1b, dis = _prescale(hist, x, RB)
    parts1 = agg_k(src16, dst16, xs1a, xs1b)
    h1, xs2a, xs2b = _mix1(parts1, dis, x, top_features, W1, b1, G1, RB)
    parts2 = agg_k(src16, dst16, xs2a, xs2b)
    return _mix2(parts2, dis, h1, top_features, W2, b2, G2, fcW, fcb, RB)

# --- scband reference (transcript-rebuilt; emitter-appended) ---
"""Pipeline reference for scband-camo-e-gnn-7086696038966 (READ-ONLY COPY).

The authoritative reference and input builder live on the scoring server;
editing this copy changes nothing except your own understanding.
"""

import jax, jax.numpy as jnp
import numpy as np

N = 10000
E = 320000
D = 128
TOP = 4
EXPERTS = 3
TEMP = 101.0  # batch counter = 0 on first call: 100 - 0/(200*0.01) + 1.0


def setup_inputs(seed: int = 0) -> dict:
    key = jax.random.key(seed)
    ks = jax.random.split(key, 12)
    scale = 0.05
    x = jax.random.normal(ks[0], (N, D), dtype=jnp.float32)
    edge_index = jax.random.randint(ks[1], (2, E), 0, N, dtype=jnp.int32)
    top_features = jax.random.normal(ks[2], (N, TOP), dtype=jnp.float32)
    W1 = jax.random.normal(ks[3], (EXPERTS, D, D), dtype=jnp.float32) * scale
    b1 = jnp.zeros((EXPERTS, D), dtype=jnp.float32)
    W2 = jax.random.normal(ks[4], (EXPERTS, D, D), dtype=jnp.float32) * scale
    b2 = jnp.zeros((EXPERTS, D), dtype=jnp.float32)
    G1 = jax.random.normal(ks[5], (EXPERTS, TOP), dtype=jnp.float32) * scale
    G2 = jax.random.normal(ks[6], (EXPERTS, TOP), dtype=jnp.float32) * scale
    fcW = jax.random.normal(ks[7], (D, D), dtype=jnp.float32) * scale
    fcb = jnp.zeros((D,), dtype=jnp.float32)
    return {"x": x, "edge_index": edge_index, "top_features": top_features,
            "W1": W1, "b1": b1, "W2": W2, "b2": b2, "G1": G1, "G2": G2,
            "fcW": fcW, "fcb": fcb}


def gcn_conv(x, edge_index, W, b):
    # Faithful GCNConv: add self-loops, symmetric normalization, linear transform,
    # message = norm * h[src], scatter-add to dst, add bias.
    n = x.shape[0]
    loop = jnp.arange(n, dtype=edge_index.dtype)
    src = jnp.concatenate([edge_index[0], loop])
    dst = jnp.concatenate([edge_index[1], loop])
    deg = jnp.zeros((n,), dtype=x.dtype).at[dst].add(1.0)
    dis = jnp.where(deg > 0, deg ** -0.5, 0.0)
    norm = dis[src] * dis[dst]
    h = x @ W.T
    msg = h[src] * norm[:, None]
    out = jnp.zeros_like(h).at[dst].add(msg)
    return out + b


def camoe_layer(x, edge_index, gate_features, Ws, bs, G, temp):
    gate = jax.nn.softmax((gate_features @ G.T) / temp, axis=-1)
    out = jnp.zeros((x.shape[0], Ws.shape[1]), dtype=x.dtype)
    for i in range(Ws.shape[0]):
        eo = jax.nn.relu(gcn_conv(x, edge_index, Ws[i], bs[i]))
        out = out + gate[:, i][:, None] * eo
    return out


def reference(x, edge_index, top_features, W1, b1, W2, b2, G1, G2, fcW, fcb):
    # eval mode: dropout is identity; node_classification=True so no pooling.
    h = camoe_layer(x, edge_index, top_features, W1, b1, G1, TEMP)
    h = camoe_layer(h, edge_index, top_features, W2, b2, G2, TEMP)
    return h @ fcW.T + fcb

if __name__ == "__main__":
    import jax
    _d = setup_inputs()
    print(jax.jit(kernel)(*tuple(_d.values())))

</pallas_src>

<mosaic_0001>
#map = affine_map<(d0, d1) -> (0, 0, 0)>
module attributes {stable_mosaic.version = 14 : i64} {
  func.func @hist(%arg0: i32, %arg1: i32, %arg2: memref<32x125x80xi32, #tpu.memory_space<hbm>>, %arg3: memref<2x10000x16xf32, #tpu.memory_space<hbm>>, %arg4: memref<125x80xi32, #tpu.memory_space<vmem>>, %arg5: memref<80x16xf32, #tpu.memory_space<vmem>>, %arg6: memref<128x16xf32, #tpu.memory_space<vmem>>, %arg7: memref<10000x16xf32, #tpu.memory_space<vmem_shared>>, %arg8: memref<!tpu.dma_semaphore, #tpu.memory_space<semaphore_mem>>) attributes {dimension_semantics = [#tpu.dimension_semantics<core_parallel>, #tpu.dimension_semantics<subcore_parallel>], iteration_bounds = array<i64: 2, 16>, scalar_prefetch = 0 : i64, scratch_operands = 5 : i64, tpu.core_type = #tpu.core_type<sc_vector_subcore>, window_params = [{transform_indices = #map}, {transform_indices = #map}]} {
    %mul3A = arith.constant 2 : i32
    %mul3A_0 = arith.muli %arg1, %mul3A : i32
    %add3A = arith.addi %mul3A_0, %arg0 : i32
    %scan3A = arith.constant 0 : i32
    %scan3A_1 = arith.constant 0 : i32
    %scan3A_2 = arith.constant 80 : i32
    %scan3A_3 = arith.addi %scan3A_1, %scan3A_2 : i32
    %scan3A_4 = arith.constant 1 : i32
    scf.for %scan3A_70 = %scan3A_1 to %scan3A_3 step %scan3A_4  : i32 {
      %broadcast_in_dim3A = arith.constant 1.000000e+00 : f32
      %broadcast_in_dim3A_71 = vector.broadcast %broadcast_in_dim3A : f32 to vector<16xf32>
      %swap3A = arith.index_cast %scan3A_70 : i32 to index
      %swap3A_72 = arith.constant 0 : index
      %swap3A_73 = tpu.vector_load %arg5[%swap3A, %swap3A_72] {strides = array<i32>} : memref<80x16xf32, #tpu.memory_space<vmem>>, vector<1x16xf32>,
      %swap3A_74 = vector.shape_cast %swap3A_73 : vector<1x16xf32> to vector<16xf32>
      %swap3A_75 = vector.shape_cast %broadcast_in_dim3A_71 : vector<16xf32> to vector<1x16xf32>
      tpu.vector_store %arg5[%swap3A, %swap3A_72], %swap3A_75 {strides = array<i32>} : memref<80x16xf32, #tpu.memory_space<vmem>>, vector<1x16xf32>,
    }
    %scan3A_5 = arith.constant 80 : i32
    %scan3A_6 = arith.constant 0 : i32
    %scan3A_7 = arith.constant 0 : i32
    %scan3A_8 = arith.constant 128 : i32
    %scan3A_9 = arith.addi %scan3A_7, %scan3A_8 : i32
    %scan3A_10 = arith.constant 1 : i32
    scf.for %scan3A_70 = %scan3A_7 to %scan3A_9 step %scan3A_10  : i32 {
      %broadcast_in_dim3A = arith.constant 0.000000e+00 : f32
      %broadcast_in_dim3A_71 = vector.broadcast %broadcast_in_dim3A : f32 to vector<16xf32>
      %swap3A = arith.index_cast %scan3A_70 : i32 to index
      %swap3A_72 = arith.constant 0 : index
      %swap3A_73 = tpu.vector_load %arg6[%swap3A, %swap3A_72] {strides = array<i32>} : memref<128x16xf32, #tpu.memory_space<vmem>>, vector<1x16xf32>,
      %swap3A_74 = vector.shape_cast %swap3A_73 : vector<1x16xf32> to vector<16xf32>
      %swap3A_75 = vector.shape_cast %broadcast_in_dim3A_71 : vector<16xf32> to vector<1x16xf32>
      tpu.vector_store %arg6[%swap3A, %swap3A_72], %swap3A_75 {strides = array<i32>} : memref<128x16xf32, #tpu.memory_space<vmem>>, vector<1x16xf32>,
    }
    %scan3A_11 = arith.constant 128 : i32
    %scan3A_12 = arith.constant 0 : i32
    %scan3A_13 = arith.constant 0 : i32
    %scan3A_14 = arith.constant 5 : i32
    %scan3A_15 = arith.addi %scan3A_13, %scan3A_14 : i32
    %scan3A_16 = arith.constant 1 : i32
    scf.for %scan3A_70 = %scan3A_13 to %scan3A_15 step %scan3A_16  : i32 {
      %mul3A_71 = arith.constant 624 : i32
      %mul3A_72 = arith.muli %arg1, %mul3A_71 : i32
      %mul3A_73 = arith.constant 128 : i32
      %mul3A_74 = arith.muli %scan3A_70, %mul3A_73 : i32
      %add3A_75 = arith.addi %mul3A_72, %mul3A_74 : i32
      "tpu.region"() ({
        %run_scoped3A = tpu.sem_alloc : memref<!tpu.dma_semaphore, #tpu.memory_space<semaphore_mem>>
        %dma_start3A = arith.constant 0 : i32
        %dma_start3A_76 = tpu.memref_slice %arg7[%add3A_75, %dma_start3A] : memref<10000x16xf32, #tpu.memory_space<vmem_shared>> -> memref<128x16xf32, #tpu.memory_space<vmem_shared>>
        %dma_start3A_77 = arith.constant 0 : i32
        %dma_start3A_78 = tpu.memref_slice %arg7[%add3A_75, %dma_start3A_77] : memref<10000x16xf32, #tpu.memory_space<vmem_shared>> -> memref<128x16xf32, #tpu.memory_space<vmem_shared>>
        tpu.enqueue_dma source(%arg6 : memref<128x16xf32, #tpu.memory_space<vmem>>) target(%dma_start3A_78 : memref<128x16xf32, #tpu.memory_space<vmem_shared>>) target_semaphore(%run_scoped3A : memref<!tpu.dma_semaphore, #tpu.memory_space<semaphore_mem>>)
        %dma_wait3A_79 = arith.constant 0 : i32
        %dma_wait3A_80 = tpu.memref_slice %arg7[%add3A_75, %dma_wait3A_79] : memref<10000x16xf32, #tpu.memory_space<vmem_shared>> -> memref<128x16xf32, #tpu.memory_space<vmem_shared>>
        %dma_wait3A_81 = arith.constant 0 : i32
        %dma_wait3A_82 = tpu.memref_slice %arg7[%add3A_75, %dma_wait3A_81] : memref<10000x16xf32, #tpu.memory_space<vmem_shared>> -> memref<128x16xf32, #tpu.memory_space<vmem_shared>>
        tpu.wait_dma2 semaphore(%run_scoped3A : memref<!tpu.dma_semaphore, #tpu.memory_space<semaphore_mem>>) src(%arg6 : memref<128x16xf32, #tpu.memory_space<vmem>>) dst(%dma_wait3A_82 : memref<128x16xf32, #tpu.memory_space<vmem_shared>>)
        tpu.yield
      }) : () -> ()
    }
    %scan3A_17 = arith.constant 5 : i32
    %barrier3A = arith.constant 0 : index
    tpu.barrier barrier_id(%barrier3A)
    "tpu.region"() ({
      %run_scoped3A = tpu.sem_alloc : memref<!tpu.dma_semaphore, #tpu.memory_space<semaphore_mem>>
      %dma_start3A = arith.constant 0 : i32
      %dma_start3A_70 = arith.constant 0 : i32
      %dma_start3A_71 = tpu.memref_slice %arg2[%add3A, %dma_start3A, %dma_start3A_70] : memref<32x125x80xi32, #tpu.memory_space<hbm>> -> memref<1x125x80xi32, #tpu.memory_space<hbm>>
      %dma_start3A_72 = tpu.memref_squeeze %dma_start3A_71 : memref<1x125x80xi32, #tpu.memory_space<hbm>> -> memref<125x80xi32, #tpu.memory_space<hbm>>
      %dma_start3A_73 = arith.constant 0 : i32
      %dma_start3A_74 = arith.constant 0 : i32
      %dma_start3A_75 = tpu.memref_slice %arg2[%add3A, %dma_start3A_73, %dma_start3A_74] : memref<32x125x80xi32, #tpu.memory_space<hbm>> -> memref<1x125x80xi32, #tpu.memory_space<hbm>>
      %dma_start3A_76 = tpu.memref_squeeze %dma_start3A_75 : memref<1x125x80xi32, #tpu.memory_space<hbm>> -> memref<125x80xi32, #tpu.memory_space<hbm>>
      tpu.enqueue_dma source(%dma_start3A_76 : memref<125x80xi32, #tpu.memory_space<hbm>>) target(%arg4 : memref<125x80xi32, #tpu.memory_space<vmem>>) target_semaphore(%run_scoped3A : memref<!tpu.dma_semaphore, #tpu.memory_space<semaphore_mem>>)
      %dma_wait3A_77 = arith.constant 0 : i32
      %dma_wait3A_78 = arith.constant 0 : i32
      %dma_wait3A_79 = tpu.memref_slice %arg2[%add3A, %dma_wait3A_77, %dma_wait3A_78] : memref<32x125x80xi32, #tpu.memory_space<hbm>> -> memref<1x125x80xi32, #tpu.memory_space<hbm>>
      %dma_wait3A_80 = tpu.memref_squeeze %dma_wait3A_79 : memref<1x125x80xi32, #tpu.memory_space<hbm>> -> memref<125x80xi32, #tpu.memory_space<hbm>>
      %dma_wait3A_81 = arith.constant 0 : i32
      %dma_wait3A_82 = arith.constant 0 : i32
      %dma_wait3A_83 = tpu.memref_slice %arg2[%add3A, %dma_wait3A_81, %dma_wait3A_82] : memref<32x125x80xi32, #tpu.memory_space<hbm>> -> memref<1x125x80xi32, #tpu.memory_space<hbm>>
      %dma_wait3A_84 = tpu.memref_squeeze %dma_wait3A_83 : memref<1x125x80xi32, #tpu.memory_space<hbm>> -> memref<125x80xi32, #tpu.memory_space<hbm>>
      tpu.wait_dma2 semaphore(%run_scoped3A : memref<!tpu.dma_semaphore, #tpu.memory_space<semaphore_mem>>) src(%dma_wait3A_84 : memref<125x80xi32, #tpu.memory_space<hbm>>) dst(%arg4 : memref<125x80xi32, #tpu.memory_space<vmem>>)
      tpu.yield
    }) : () -> ()
    %scan3A_18 = arith.constant 0 : i32
    %scan3A_19 = arith.constant 0 : i32
    %scan3A_20 = arith.constant 125 : i32
    %scan3A_21 = arith.addi %scan3A_19, %scan3A_20 : i32
    %scan3A_22 = arith.constant 1 : i32
    scf.for %scan3A_70 = %scan3A_19 to %scan3A_21 step %scan3A_22  : i32 {
      %dma_start3A = arith.constant 0 : i32
      %dma_start3A_71 = tpu.memref_slice %arg4[%scan3A_70, %dma_start3A] : memref<125x80xi32, #tpu.memory_space<vmem>> -> memref<1x80xi32, #tpu.memory_space<vmem>>
      %dma_start3A_72 = tpu.memref_squeeze %dma_start3A_71 : memref<1x80xi32, #tpu.memory_space<vmem>> -> memref<80xi32, #tpu.memory_space<vmem>>
      %dma_start3A_73 = arith.constant 0 : i32
      %dma_start3A_74 = arith.constant 0 : i32
      %dma_start3A_75 = tpu.memref_slice %arg7[%dma_start3A_73, %dma_start3A_74] : memref<10000x16xf32, #tpu.memory_space<vmem_shared>> -> memref<10000x16xf32, #tpu.memory_space<vmem_shared>>
      tpu.enqueue_indirect_dma source(%arg5 : memref<80x16xf32, #tpu.memory_space<vmem>>) target(%dma_start3A_75 : memref<10000x16xf32, #tpu.memory_space<vmem_shared>>) offsets(%dma_start3A_72 : memref<80xi32, #tpu.memory_space<vmem>>) semaphore(%arg8 : memref<!tpu.dma_semaphore, #tpu.memory_space<semaphore_mem>>) {add = true}
      %ge3A = arith.constant 6 : i32
      %ge3A_76 = arith.cmpi sge, %scan3A_70, %ge3A : i32
      %convert_element_type3A = arith.extui %ge3A_76 : i1 to i32
      %cond3A = arith.constant 0 : i32
      %cond3A_77 = arith.cmpi ne, %convert_element_type3A, %cond3A : i32
      scf.if %cond3A_77 {
        %dma_wait3A_78 = arith.constant 0 : i32
        %dma_wait3A_79 = arith.constant 0 : i32
        %dma_wait3A_80 = tpu.memref_slice %arg4[%dma_wait3A_78, %dma_wait3A_79] : memref<125x80xi32, #tpu.memory_space<vmem>> -> memref<1x80xi32, #tpu.memory_space<vmem>>
        %dma_wait3A_81 = tpu.memref_squeeze %dma_wait3A_80 : memref<1x80xi32, #tpu.memory_space<vmem>> -> memref<80xi32, #tpu.memory_space<vmem>>
        %dma_wait3A_82 = arith.constant 0 : i32
        %dma_wait3A_83 = arith.constant 0 : i32
        %dma_wait3A_84 = tpu.memref_slice %arg7[%dma_wait3A_82, %dma_wait3A_83] : memref<10000x16xf32, #tpu.memory_space<vmem_shared>> -> memref<10000x16xf32, #tpu.memory_space<vmem_shared>>
        tpu.wait_indirect_dma semaphore(%arg8 : memref<!tpu.dma_semaphore, #tpu.memory_space<semaphore_mem>>) src(%arg5 : memref<80x16xf32, #tpu.memory_space<vmem>>) dst(%dma_wait3A_84 : memref<10000x16xf32, #tpu.memory_space<vmem_shared>>)
      } else {
      }
    }
    %scan3A_23 = arith.constant 125 : i32
    %dma_wait3A = arith.constant 0 : i32
    %dma_wait3A_24 = arith.constant 0 : i32
    %dma_wait3A_25 = tpu.memref_slice %arg4[%dma_wait3A, %dma_wait3A_24] : memref<125x80xi32, #tpu.memory_space<vmem>> -> memref<1x80xi32, #tpu.memory_space<vmem>>
    %dma_wait3A_26 = tpu.memref_squeeze %dma_wait3A_25 : memref<1x80xi32, #tpu.memory_space<vmem>> -> memref<80xi32, #tpu.memory_space<vmem>>
    %dma_wait3A_27 = arith.constant 0 : i32
    %dma_wait3A_28 = arith.constant 0 : i32
    %dma_wait3A_29 = tpu.memref_slice %arg7[%dma_wait3A_27, %dma_wait3A_28] : memref<10000x16xf32, #tpu.memory_space<vmem_shared>> -> memref<10000x16xf32, #tpu.memory_space<vmem_shared>>
    tpu.wait_indirect_dma semaphore(%arg8 : memref<!tpu.dma_semaphore, #tpu.memory_space<semaphore_mem>>) src(%arg5 : memref<80x16xf32, #tpu.memory_space<vmem>>) dst(%dma_wait3A_29 : memref<10000x16xf32, #tpu.memory_space<vmem_shared>>)
    %dma_wait3A_30 = arith.constant 0 : i32
    %dma_wait3A_31 = arith.constant 0 : i32
    %dma_wait3A_32 = tpu.memref_slice %arg4[%dma_wait3A_30, %dma_wait3A_31] : memref<125x80xi32, #tpu.memory_space<vmem>> -> memref<1x80xi32, #tpu.memory_space<vmem>>
    %dma_wait3A_33 = tpu.memref_squeeze %dma_wait3A_32 : memref<1x80xi32, #tpu.memory_space<vmem>> -> memref<80xi32, #tpu.memory_space<vmem>>
    %dma_wait3A_34 = arith.constant 0 : i32
    %dma_wait3A_35 = arith.constant 0 : i32
    %dma_wait3A_36 = tpu.memref_slice %arg7[%dma_wait3A_34, %dma_wait3A_35] : memref<10000x16xf32, #tpu.memory_space<vmem_shared>> -> memref<10000x16xf32, #tpu.memory_space<vmem_shared>>
    tpu.wait_indirect_dma semaphore(%arg8 : memref<!tpu.dma_semaphore, #tpu.memory_space<semaphore_mem>>) src(%arg5 : memref<80x16xf32, #tpu.memory_space<vmem>>) dst(%dma_wait3A_36 : memref<10000x16xf32, #tpu.memory_space<vmem_shared>>)
    %dma_wait3A_37 = arith.constant 0 : i32
    %dma_wait3A_38 = arith.constant 0 : i32
    %dma_wait3A_39 = tpu.memref_slice %arg4[%dma_wait3A_37, %dma_wait3A_38] : memref<125x80xi32, #tpu.memory_space<vmem>> -> memref<1x80xi32, #tpu.memory_space<vmem>>
    %dma_wait3A_40 = tpu.memref_squeeze %dma_wait3A_39 : memref<1x80xi32, #tpu.memory_space<vmem>> -> memref<80xi32, #tpu.memory_space<vmem>>
    %dma_wait3A_41 = arith.constant 0 : i32
    %dma_wait3A_42 = arith.constant 0 : i32
    %dma_wait3A_43 = tpu.memref_slice %arg7[%dma_wait3A_41, %dma_wait3A_42] : memref<10000x16xf32, #tpu.memory_space<vmem_shared>> -> memref<10000x16xf32, #tpu.memory_space<vmem_shared>>
    tpu.wait_indirect_dma semaphore(%arg8 : memref<!tpu.dma_semaphore, #tpu.memory_space<semaphore_mem>>) src(%arg5 : memref<80x16xf32, #tpu.memory_space<vmem>>) dst(%dma_wait3A_43 : memref<10000x16xf32, #tpu.memory_space<vmem_shared>>)
    %dma_wait3A_44 = arith.constant 0 : i32
    %dma_wait3A_45 = arith.constant 0 : i32
    %dma_wait3A_46 = tpu.memref_slice %arg4[%dma_wait3A_44, %dma_wait3A_45] : memref<125x80xi32, #tpu.memory_space<vmem>> -> memref<1x80xi32, #tpu.memory_space<vmem>>
    %dma_wait3A_47 = tpu.memref_squeeze %dma_wait3A_46 : memref<1x80xi32, #tpu.memory_space<vmem>> -> memref<80xi32, #tpu.memory_space<vmem>>
    %dma_wait3A_48 = arith.constant 0 : i32
    %dma_wait3A_49 = arith.constant 0 : i32
    %dma_wait3A_50 = tpu.memref_slice %arg7[%dma_wait3A_48, %dma_wait3A_49] : memref<10000x16xf32, #tpu.memory_space<vmem_shared>> -> memref<10000x16xf32, #tpu.memory_space<vmem_shared>>
    tpu.wait_indirect_dma semaphore(%arg8 : memref<!tpu.dma_semaphore, #tpu.memory_space<semaphore_mem>>) src(%arg5 : memref<80x16xf32, #tpu.memory_space<vmem>>) dst(%dma_wait3A_50 : memref<10000x16xf32, #tpu.memory_space<vmem_shared>>)
    %dma_wait3A_51 = arith.constant 0 : i32
    %dma_wait3A_52 = arith.constant 0 : i32
    %dma_wait3A_53 = tpu.memref_slice %arg4[%dma_wait3A_51, %dma_wait3A_52] : memref<125x80xi32, #tpu.memory_space<vmem>> -> memref<1x80xi32, #tpu.memory_space<vmem>>
    %dma_wait3A_54 = tpu.memref_squeeze %dma_wait3A_53 : memref<1x80xi32, #tpu.memory_space<vmem>> -> memref<80xi32, #tpu.memory_space<vmem>>
    %dma_wait3A_55 = arith.constant 0 : i32
    %dma_wait3A_56 = arith.constant 0 : i32
    %dma_wait3A_57 = tpu.memref_slice %arg7[%dma_wait3A_55, %dma_wait3A_56] : memref<10000x16xf32, #tpu.memory_space<vmem_shared>> -> memref<10000x16xf32, #tpu.memory_space<vmem_shared>>
    tpu.wait_indirect_dma semaphore(%arg8 : memref<!tpu.dma_semaphore, #tpu.memory_space<semaphore_mem>>) src(%arg5 : memref<80x16xf32, #tpu.memory_space<vmem>>) dst(%dma_wait3A_57 : memref<10000x16xf32, #tpu.memory_space<vmem_shared>>)
    %dma_wait3A_58 = arith.constant 0 : i32
    %dma_wait3A_59 = arith.constant 0 : i32
    %dma_wait3A_60 = tpu.memref_slice %arg4[%dma_wait3A_58, %dma_wait3A_59] : memref<125x80xi32, #tpu.memory_space<vmem>> -> memref<1x80xi32, #tpu.memory_space<vmem>>
    %dma_wait3A_61 = tpu.memref_squeeze %dma_wait3A_60 : memref<1x80xi32, #tpu.memory_space<vmem>> -> memref<80xi32, #tpu.memory_space<vmem>>
    %dma_wait3A_62 = arith.constant 0 : i32
    %dma_wait3A_63 = arith.constant 0 : i32
    %dma_wait3A_64 = tpu.memref_slice %arg7[%dma_wait3A_62, %dma_wait3A_63] : memref<10000x16xf32, #tpu.memory_space<vmem_shared>> -> memref<10000x16xf32, #tpu.memory_space<vmem_shared>>
    tpu.wait_indirect_dma semaphore(%arg8 : memref<!tpu.dma_semaphore, #tpu.memory_space<semaphore_mem>>) src(%arg5 : memref<80x16xf32, #tpu.memory_space<vmem>>) dst(%dma_wait3A_64 : memref<10000x16xf32, #tpu.memory_space<vmem_shared>>)
    %barrier3A_65 = arith.constant 0 : index
    tpu.barrier barrier_id(%barrier3A_65)
    %mul3A_66 = arith.constant 624 : i32
    %mul3A_67 = arith.muli %arg1, %mul3A_66 : i32
    %mul3A_68 = arith.constant 624 : i32
    %mul3A_69 = arith.muli %arg1, %mul3A_68 : i32
    "tpu.region"() ({
      %run_scoped3A = tpu.sem_alloc : memref<!tpu.dma_semaphore, #tpu.memory_space<semaphore_mem>>
      %dma_start3A = arith.constant 0 : i32
      %dma_start3A_70 = tpu.memref_slice %arg3[%arg0, %mul3A_69, %dma_start3A] : memref<2x10000x16xf32, #tpu.memory_space<hbm>> -> memref<1x640x16xf32, #tpu.memory_space<hbm>>
      %dma_start3A_71 = tpu.memref_squeeze %dma_start3A_70 : memref<1x640x16xf32, #tpu.memory_space<hbm>> -> memref<640x16xf32, #tpu.memory_space<hbm>>
      %dma_start3A_72 = arith.constant 0 : i32
      %dma_start3A_73 = tpu.memref_slice %arg7[%mul3A_67, %dma_start3A_72] : memref<10000x16xf32, #tpu.memory_space<vmem_shared>> -> memref<640x16xf32, #tpu.memory_space<vmem_shared>>
      tpu.enqueue_dma source(%dma_start3A_73 : memref<640x16xf32, #tpu.memory_space<vmem_shared>>) target(%dma_start3A_71 : memref<640x16xf32, #tpu.memory_space<hbm>>) target_semaphore(%run_scoped3A : memref<!tpu.dma_semaphore, #tpu.memory_space<semaphore_mem>>)
      %dma_wait3A_74 = arith.constant 0 : i32
      %dma_wait3A_75 = tpu.memref_slice %arg3[%arg0, %mul3A_69, %dma_wait3A_74] : memref<2x10000x16xf32, #tpu.memory_space<hbm>> -> memref<1x640x16xf32, #tpu.memory_space<hbm>>
      %dma_wait3A_76 = tpu.memref_squeeze %dma_wait3A_75 : memref<1x640x16xf32, #tpu.memory_space<hbm>> -> memref<640x16xf32, #tpu.memory_space<hbm>>
      %dma_wait3A_77 = arith.constant 0 : i32
      %dma_wait3A_78 = tpu.memref_slice %arg7[%mul3A_67, %dma_wait3A_77] : memref<10000x16xf32, #tpu.memory_space<vmem_shared>> -> memref<640x16xf32, #tpu.memory_space<vmem_shared>>
      tpu.wait_dma2 semaphore(%run_scoped3A : memref<!tpu.dma_semaphore, #tpu.memory_space<semaphore_mem>>) src(%dma_wait3A_78 : memref<640x16xf32, #tpu.memory_space<vmem_shared>>) dst(%dma_wait3A_76 : memref<640x16xf32, #tpu.memory_space<hbm>>)
      tpu.yield
    }) : () -> ()
    return
  }
}

#map = affine_map<(d0, d1) -> (0, 0, 0)>
#map1 = affine_map<(d0, d1) -> (0, 0)>
module attributes {stable_mosaic.version = 14 : i64} {
  func.func @agg(%arg0: i32, %arg1: i32, %arg2: memref<16x250x80xi32, #tpu.memory_space<hbm>>, %arg3: memref<16x250x80xi32, #tpu.memory_space<hbm>>, %arg4: memref<10000x64xf32, #tpu.memory_space<hbm>>, %arg5: memref<10000x64xf32, #tpu.memory_space<hbm>>, %arg6: memref<2x10000x64xf32, #tpu.memory_space<hbm>>, %arg7: memref<250x80xi32, #tpu.memory_space<vmem>>, %arg8: memref<250x80xi32, #tpu.memory_space<vmem>>, %arg9: memref<80x64xf32, #tpu.memory_space<vmem>>, %arg10: memref<80x64xf32, #tpu.memory_space<vmem>>, %arg11: memref<80x64xf32, #tpu.memory_space<vmem>>, %arg12: memref<80x64xf32, #tpu.memory_space<vmem>>, %arg13: memref<80x64xf32, #tpu.memory_space<vmem>>, %arg14: memref<80x64xf32, #tpu.memory_space<vmem>>, %arg15: memref<80x64xf32, #tpu.memory_space<vmem>>, %arg16: memref<80x64xf32, #tpu.memory_space<vmem>>, %arg17: memref<128x64xf32, #tpu.memory_space<vmem>>, %arg18: memref<10000x64xf32, #tpu.memory_space<vmem_shared>>, %arg19: memref<!tpu.dma_semaphore, #tpu.memory_space<semaphore_mem>>, %arg20: memref<!tpu.dma_semaphore, #tpu.memory_space<semaphore_mem>>, %arg21: memref<!tpu.dma_semaphore, #tpu.memory_space<semaphore_mem>>, %arg22: memref<!tpu.dma_semaphore, #tpu.memory_space<semaphore_mem>>, %arg23: memref<!tpu.dma_semaphore, #tpu.memory_space<semaphore_mem>>, %arg24: memref<!tpu.dma_semaphore, #tpu.memory_space<semaphore_mem>>, %arg25: memref<!tpu.dma_semaphore, #tpu.memory_space<semaphore_mem>>, %arg26: memref<!tpu.dma_semaphore, #tpu.memory_space<semaphore_mem>>, %arg27: memref<!tpu.dma_semaphore, #tpu.memory_space<semaphore_mem>>, %arg28: memref<!tpu.dma_semaphore, #tpu.memory_space<semaphore_mem>>, %arg29: memref<!tpu.dma_semaphore, #tpu.memory_space<semaphore_mem>>, %arg30: memref<!tpu.dma_semaphore, #tpu.memory_space<semaphore_mem>>, %arg31: memref<!tpu.dma_semaphore, #tpu.memory_space<semaphore_mem>>, %arg32: memref<!tpu.dma_semaphore, #tpu.memory_space<semaphore_mem>>, %arg33: memref<!tpu.dma_semaphore, #tpu.memory_space<semaphore_mem>>, %arg34: memref<!tpu.dma_semaphore, #tpu.memory_space<semaphore_mem>>) attributes {dimension_semantics = [#tpu.dimension_semantics<core_parallel>, #tpu.dimension_semantics<subcore_parallel>], iteration_bounds = array<i64: 2, 16>, scalar_prefetch = 0 : i64, scratch_operands = 28 : i64, tpu.core_type = #tpu.core_type<sc_vector_subcore>, window_params = [{transform_indices = #map}, {transform_indices = #map}, {transform_indices = #map1}, {transform_indices = #map1}, {transform_indices = #map}]} {
    %scan3A = arith.constant 0 : i32
    %scan3A_0 = arith.constant 0 : i32
    %scan3A_1 = arith.constant 128 : i32
    %scan3A_2 = arith.addi %scan3A_0, %scan3A_1 : i32
    %scan3A_3 = arith.constant 1 : i32
    scf.for %scan3A_22 = %scan3A_0 to %scan3A_2 step %scan3A_3  : i32 {
      %broadcast_in_dim3A = arith.constant 0.000000e+00 : f32
      %broadcast_in_dim3A_23 = vector.broadcast %broadcast_in_dim3A : f32 to vector<16xf32>
      %swap3A = arith.index_cast %scan3A_22 : i32 to index
      %swap3A_24 = arith.constant 0 : index
      %swap3A_25 = tpu.vector_load %arg17[%swap3A, %swap3A_24] {strides = array<i32>} : memref<128x64xf32, #tpu.memory_space<vmem>>, vector<1x16xf32>,
      %swap3A_26 = vector.shape_cast %swap3A_25 : vector<1x16xf32> to vector<16xf32>
      %swap3A_27 = vector.shape_cast %broadcast_in_dim3A_23 : vector<16xf32> to vector<1x16xf32>
      tpu.vector_store %arg17[%swap3A, %swap3A_24], %swap3A_27 {strides = array<i32>} : memref<128x64xf32, #tpu.memory_space<vmem>>, vector<1x16xf32>,
      %broadcast_in_dim3A_28 = arith.constant 0.000000e+00 : f32
      %broadcast_in_dim3A_29 = vector.broadcast %broadcast_in_dim3A_28 : f32 to vector<16xf32>
      %swap3A_30 = arith.index_cast %scan3A_22 : i32 to index
      %swap3A_31 = arith.constant 16 : index
      %swap3A_32 = tpu.vector_load %arg17[%swap3A_30, %swap3A_31] {strides = array<i32>} : memref<128x64xf32, #tpu.memory_space<vmem>>, vector<1x16xf32>,
      %swap3A_33 = vector.shape_cast %swap3A_32 : vector<1x16xf32> to vector<16xf32>
      %swap3A_34 = vector.shape_cast %broadcast_in_dim3A_29 : vector<16xf32> to vector<1x16xf32>
      tpu.vector_store %arg17[%swap3A_30, %swap3A_31], %swap3A_34 {strides = array<i32>} : memref<128x64xf32, #tpu.memory_space<vmem>>, vector<1x16xf32>,
      %broadcast_in_dim3A_35 = arith.constant 0.000000e+00 : f32
      %broadcast_in_dim3A_36 = vector.broadcast %broadcast_in_dim3A_35 : f32 to vector<16xf32>
      %swap3A_37 = arith.index_cast %scan3A_22 : i32 to index
      %swap3A_38 = arith.constant 32 : index
      %swap3A_39 = tpu.vector_load %arg17[%swap3A_37, %swap3A_38] {strides = array<i32>} : memref<128x64xf32, #tpu.memory_space<vmem>>, vector<1x16xf32>,
      %swap3A_40 = vector.shape_cast %swap3A_39 : vector<1x16xf32> to vector<16xf32>
      %swap3A_41 = vector.shape_cast %broadcast_in_dim3A_36 : vector<16xf32> to vector<1x16xf32>
      tpu.vector_store %arg17[%swap3A_37, %swap3A_38], %swap3A_41 {strides = array<i32>} : memref<128x64xf32, #tpu.memory_space<vmem>>, vector<1x16xf32>,
      %broadcast_in_dim3A_42 = arith.constant 0.000000e+00 : f32
      %broadcast_in_dim3A_43 = vector.broadcast %broadcast_in_dim3A_42 : f32 to vector<16xf32>
      %swap3A_44 = arith.index_cast %scan3A_22 : i32 to index
      %swap3A_45 = arith.constant 48 : index
      %swap3A_46 = tpu.vector_load %arg17[%swap3A_44, %swap3A_45] {strides = array<i32>} : memref<128x64xf32, #tpu.memory_space<vmem>>, vector<1x16xf32>,
      %swap3A_47 = vector.shape_cast %swap3A_46 : vector<1x16xf32> to vector<16xf32>
      %swap3A_48 = vector.shape_cast %broadcast_in_dim3A_43 : vector<16xf32> to vector<1x16xf32>
      tpu.vector_store %arg17[%swap3A_44, %swap3A_45], %swap3A_48 {strides = array<i32>} : memref<128x64xf32, #tpu.memory_space<vmem>>, vector<1x16xf32>,
    }
    %scan3A_4 = arith.constant 128 : i32
    %scan3A_5 = arith.constant 0 : i32
    %scan3A_6 = arith.constant 0 : i32
    %scan3A_7 = arith.constant 5 : i32
    %scan3A_8 = arith.addi %scan3A_6, %scan3A_7 : i32
    %scan3A_9 = arith.constant 1 : i32
    scf.for %scan3A_22 = %scan3A_6 to %scan3A_8 step %scan3A_9  : i32 {
      %mul3A_23 = arith.constant 624 : i32
      %mul3A_24 = arith.muli %arg1, %mul3A_23 : i32
      %mul3A_25 = arith.constant 128 : i32
      %mul3A_26 = arith.muli %scan3A_22, %mul3A_25 : i32
      %add3A = arith.addi %mul3A_24, %mul3A_26 : i32
      "tpu.region"() ({
        %run_scoped3A = tpu.sem_alloc : memref<!tpu.dma_semaphore, #tpu.memory_space<semaphore_mem>>
        %dma_start3A = arith.constant 0 : i32
        %dma_start3A_27 = tpu.memref_slice %arg18[%add3A, %dma_start3A] : memref<10000x64xf32, #tpu.memory_space<vmem_shared>> -> memref<128x64xf32, #tpu.memory_space<vmem_shared>>
        %dma_start3A_28 = arith.constant 0 : i32
        %dma_start3A_29 = tpu.memref_slice %arg18[%add3A, %dma_start3A_28] : memref<10000x64xf32, #tpu.memory_space<vmem_shared>> -> memref<128x64xf32, #tpu.memory_space<vmem_shared>>
        tpu.enqueue_dma source(%arg17 : memref<128x64xf32, #tpu.memory_space<vmem>>) target(%dma_start3A_29 : memref<128x64xf32, #tpu.memory_space<vmem_shared>>) target_semaphore(%run_scoped3A : memref<!tpu.dma_semaphore, #tpu.memory_space<semaphore_mem>>)
        %dma_wait3A = arith.constant 0 : i32
        %dma_wait3A_30 = tpu.memref_slice %arg18[%add3A, %dma_wait3A] : memref<10000x64xf32, #tpu.memory_space<vmem_shared>> -> memref<128x64xf32, #tpu.memory_space<vmem_shared>>
        %dma_wait3A_31 = arith.constant 0 : i32
        %dma_wait3A_32 = tpu.memref_slice %arg18[%add3A, %dma_wait3A_31] : memref<10000x64xf32, #tpu.memory_space<vmem_shared>> -> memref<128x64xf32, #tpu.memory_space<vmem_shared>>
        tpu.wait_dma2 semaphore(%run_scoped3A : memref<!tpu.dma_semaphore, #tpu.memory_space<semaphore_mem>>) src(%arg17 : memref<128x64xf32, #tpu.memory_space<vmem>>) dst(%dma_wait3A_32 : memref<128x64xf32, #tpu.memory_space<vmem_shared>>)
        tpu.yield
      }) : () -> ()
    }
    %scan3A_10 = arith.constant 5 : i32
    %barrier3A = arith.constant 0 : index
    tpu.barrier barrier_id(%barrier3A)
    "tpu.region"() ({
      %run_scoped3A = tpu.sem_alloc : memref<!tpu.dma_semaphore, #tpu.memory_space<semaphore_mem>>
      %dma_start3A = arith.constant 0 : i32
      %dma_start3A_22 = arith.constant 0 : i32
      %dma_start3A_23 = tpu.memref_slice %arg2[%arg1, %dma_start3A, %dma_start3A_22] : memref<16x250x80xi32, #tpu.memory_space<hbm>> -> memref<1x250x80xi32, #tpu.memory_space<hbm>>
      %dma_start3A_24 = tpu.memref_squeeze %dma_start3A_23 : memref<1x250x80xi32, #tpu.memory_space<hbm>> -> memref<250x80xi32, #tpu.memory_space<hbm>>
      %dma_start3A_25 = arith.constant 0 : i32
      %dma_start3A_26 = arith.constant 0 : i32
      %dma_start3A_27 = tpu.memref_slice %arg2[%arg1, %dma_start3A_25, %dma_start3A_26] : memref<16x250x80xi32, #tpu.memory_space<hbm>> -> memref<1x250x80xi32, #tpu.memory_space<hbm>>
      %dma_start3A_28 = tpu.memref_squeeze %dma_start3A_27 : memref<1x250x80xi32, #tpu.memory_space<hbm>> -> memref<250x80xi32, #tpu.memory_space<hbm>>
      tpu.enqueue_dma source(%dma_start3A_28 : memref<250x80xi32, #tpu.memory_space<hbm>>) target(%arg7 : memref<250x80xi32, #tpu.memory_space<vmem>>) target_semaphore(%run_scoped3A : memref<!tpu.dma_semaphore, #tpu.memory_space<semaphore_mem>>)
      %dma_wait3A = arith.constant 0 : i32
      %dma_wait3A_29 = arith.constant 0 : i32
      %dma_wait3A_30 = tpu.memref_slice %arg2[%arg1, %dma_wait3A, %dma_wait3A_29] : memref<16x250x80xi32, #tpu.memory_space<hbm>> -> memref<1x250x80xi32, #tpu.memory_space<hbm>>
      %dma_wait3A_31 = tpu.memref_squeeze %dma_wait3A_30 : memref<1x250x80xi32, #tpu.memory_space<hbm>> -> memref<250x80xi32, #tpu.memory_space<hbm>>
      %dma_wait3A_32 = arith.constant 0 : i32
      %dma_wait3A_33 = arith.constant 0 : i32
      %dma_wait3A_34 = tpu.memref_slice %arg2[%arg1, %dma_wait3A_32, %dma_wait3A_33] : memref<16x250x80xi32, #tpu.memory_space<hbm>> -> memref<1x250x80xi32, #tpu.memory_space<hbm>>
      %dma_wait3A_35 = tpu.memref_squeeze %dma_wait3A_34 : memref<1x250x80xi32, #tpu.memory_space<hbm>> -> memref<250x80xi32, #tpu.memory_space<hbm>>
      tpu.wait_dma2 semaphore(%run_scoped3A : memref<!tpu.dma_semaphore, #tpu.memory_space<semaphore_mem>>) src(%dma_wait3A_35 : memref<250x80xi32, #tpu.memory_space<hbm>>) dst(%arg7 : memref<250x80xi32, #tpu.memory_space<vmem>>)
      tpu.yield
    }) : () -> ()
    "tpu.region"() ({
      %run_scoped3A = tpu.sem_alloc : memref<!tpu.dma_semaphore, #tpu.memory_space<semaphore_mem>>
      %dma_start3A = arith.constant 0 : i32
      %dma_start3A_22 = arith.constant 0 : i32
      %dma_start3A_23 = tpu.memref_slice %arg3[%arg1, %dma_start3A, %dma_start3A_22] : memref<16x250x80xi32, #tpu.memory_space<hbm>> -> memref<1x250x80xi32, #tpu.memory_space<hbm>>
      %dma_start3A_24 = tpu.memref_squeeze %dma_start3A_23 : memref<1x250x80xi32, #tpu.memory_space<hbm>> -> memref<250x80xi32, #tpu.memory_space<hbm>>
      %dma_start3A_25 = arith.constant 0 : i32
      %dma_start3A_26 = arith.constant 0 : i32
      %dma_start3A_27 = tpu.memref_slice %arg3[%arg1, %dma_start3A_25, %dma_start3A_26] : memref<16x250x80xi32, #tpu.memory_space<hbm>> -> memref<1x250x80xi32, #tpu.memory_space<hbm>>
      %dma_start3A_28 = tpu.memref_squeeze %dma_start3A_27 : memref<1x250x80xi32, #tpu.memory_space<hbm>> -> memref<250x80xi32, #tpu.memory_space<hbm>>
      tpu.enqueue_dma source(%dma_start3A_28 : memref<250x80xi32, #tpu.memory_space<hbm>>) target(%arg8 : memref<250x80xi32, #tpu.memory_space<vmem>>) target_semaphore(%run_scoped3A : memref<!tpu.dma_semaphore, #tpu.memory_space<semaphore_mem>>)
      %dma_wait3A = arith.constant 0 : i32
      %dma_wait3A_29 = arith.constant 0 : i32
      %dma_wait3A_30 = tpu.memref_slice %arg3[%arg1, %dma_wait3A, %dma_wait3A_29] : memref<16x250x80xi32, #tpu.memory_space<hbm>> -> memref<1x250x80xi32, #tpu.memory_space<hbm>>
      %dma_wait3A_31 = tpu.memref_squeeze %dma_wait3A_30 : memref<1x250x80xi32, #tpu.memory_space<hbm>> -> memref<250x80xi32, #tpu.memory_space<hbm>>
      %dma_wait3A_32 = arith.constant 0 : i32
      %dma_wait3A_33 = arith.constant 0 : i32
      %dma_wait3A_34 = tpu.memref_slice %arg3[%arg1, %dma_wait3A_32, %dma_wait3A_33] : memref<16x250x80xi32, #tpu.memory_space<hbm>> -> memref<1x250x80xi32, #tpu.memory_space<hbm>>
      %dma_wait3A_35 = tpu.memref_squeeze %dma_wait3A_34 : memref<1x250x80xi32, #tpu.memory_space<hbm>> -> memref<250x80xi32, #tpu.memory_space<hbm>>
      tpu.wait_dma2 semaphore(%run_scoped3A : memref<!tpu.dma_semaphore, #tpu.memory_space<semaphore_mem>>) src(%dma_wait3A_35 : memref<250x80xi32, #tpu.memory_space<hbm>>) dst(%arg8 : memref<250x80xi32, #tpu.memory_space<vmem>>)
      tpu.yield
    }) : () -> ()
    %eq3A = arith.constant 0 : i32
    %eq3A_11 = arith.cmpi eq, %arg0, %eq3A : i32
    %convert_element_type3A = arith.extui %eq3A_11 : i1 to i32
    %cond3A = arith.constant 0 : i32
    %cond3A_12 = arith.cmpi ne, %convert_element_type3A, %cond3A : i32
    scf.if %cond3A_12 {
      %dma_start3A = arith.constant 0 : i32
      %dma_start3A_22 = arith.constant 0 : i32
      %dma_start3A_23 = tpu.memref_slice %arg7[%dma_start3A, %dma_start3A_22] : memref<250x80xi32, #tpu.memory_space<vmem>> -> memref<1x80xi32, #tpu.memory_space<vmem>>
      %dma_start3A_24 = tpu.memref_squeeze %dma_start3A_23 : memref<1x80xi32, #tpu.memory_space<vmem>> -> memref<80xi32, #tpu.memory_space<vmem>>
      %dma_start3A_25 = arith.constant 0 : i32
      %dma_start3A_26 = arith.constant 0 : i32
      %dma_start3A_27 = tpu.memref_slice %arg4[%dma_start3A_25, %dma_start3A_26] : memref<10000x64xf32, #tpu.memory_space<hbm>> -> memref<10000x64xf32, #tpu.memory_space<hbm>>
      tpu.enqueue_indirect_dma source(%dma_start3A_27 : memref<10000x64xf32, #tpu.memory_space<hbm>>) target(%arg9 : memref<80x64xf32, #tpu.memory_space<vmem>>) offsets(%dma_start3A_24 : memref<80xi32, #tpu.memory_space<vmem>>) semaphore(%arg19 : memref<!tpu.dma_semaphore, #tpu.memory_space<semaphore_mem>>)
      %dma_start3A_28 = arith.constant 1 : i32
      %dma_start3A_29 = arith.constant 0 : i32
      %dma_start3A_30 = tpu.memref_slice %arg7[%dma_start3A_28, %dma_start3A_29] : memref<250x80xi32, #tpu.memory_space<vmem>> -> memref<1x80xi32, #tpu.memory_space<vmem>>
      %dma_start3A_31 = tpu.memref_squeeze %dma_start3A_30 : memref<1x80xi32, #tpu.memory_space<vmem>> -> memref<80xi32, #tpu.memory_space<vmem>>
      %dma_start3A_32 = arith.constant 0 : i32
      %dma_start3A_33 = arith.constant 0 : i32
      %dma_start3A_34 = tpu.memref_slice %arg4[%dma_start3A_32, %dma_start3A_33] : memref<10000x64xf32, #tpu.memory_space<hbm>> -> memref<10000x64xf32, #tpu.memory_space<hbm>>
      tpu.enqueue_indirect_dma source(%dma_start3A_34 : memref<10000x64xf32, #tpu.memory_space<hbm>>) target(%arg10 : memref<80x64xf32, #tpu.memory_space<vmem>>) offsets(%dma_start3A_31 : memref<80xi32, #tpu.memory_space<vmem>>) semaphore(%arg20 : memref<!tpu.dma_semaphore, #tpu.memory_space<semaphore_mem>>)
      %dma_start3A_35 = arith.constant 2 : i32
      %dma_start3A_36 = arith.constant 0 : i32
      %dma_start3A_37 = tpu.memref_slice %arg7[%dma_start3A_35, %dma_start3A_36] : memref<250x80xi32, #tpu.memory_space<vmem>> -> memref<1x80xi32, #tpu.memory_space<vmem>>
      %dma_start3A_38 = tpu.memref_squeeze %dma_start3A_37 : memref<1x80xi32, #tpu.memory_space<vmem>> -> memref<80xi32, #tpu.memory_space<vmem>>
      %dma_start3A_39 = arith.constant 0 : i32
      %dma_start3A_40 = arith.constant 0 : i32
      %dma_start3A_41 = tpu.memref_slice %arg4[%dma_start3A_39, %dma_start3A_40] : memref<10000x64xf32, #tpu.memory_space<hbm>> -> memref<10000x64xf32, #tpu.memory_space<hbm>>
      tpu.enqueue_indirect_dma source(%dma_start3A_41 : memref<10000x64xf32, #tpu.memory_space<hbm>>) target(%arg11 : memref<80x64xf32, #tpu.memory_space<vmem>>) offsets(%dma_start3A_38 : memref<80xi32, #tpu.memory_space<vmem>>) semaphore(%arg21 : memref<!tpu.dma_semaphore, #tpu.memory_space<semaphore_mem>>)
      %dma_start3A_42 = arith.constant 3 : i32
      %dma_start3A_43 = arith.constant 0 : i32
      %dma_start3A_44 = tpu.memref_slice %arg7[%dma_start3A_42, %dma_start3A_43] : memref<250x80xi32, #tpu.memory_space<vmem>> -> memref<1x80xi32, #tpu.memory_space<vmem>>
      %dma_start3A_45 = tpu.memref_squeeze %dma_start3A_44 : memref<1x80xi32, #tpu.memory_space<vmem>> -> memref<80xi32, #tpu.memory_space<vmem>>
      %dma_start3A_46 = arith.constant 0 : i32
      %dma_start3A_47 = arith.constant 0 : i32
      %dma_start3A_48 = tpu.memref_slice %arg4[%dma_start3A_46, %dma_start3A_47] : memref<10000x64xf32, #tpu.memory_space<hbm>> -> memref<10000x64xf32, #tpu.memory_space<hbm>>
      tpu.enqueue_indirect_dma source(%dma_start3A_48 : memref<10000x64xf32, #tpu.memory_space<hbm>>) target(%arg12 : memref<80x64xf32, #tpu.memory_space<vmem>>) offsets(%dma_start3A_45 : memref<80xi32, #tpu.memory_space<vmem>>) semaphore(%arg22 : memref<!tpu.dma_semaphore, #tpu.memory_space<semaphore_mem>>)
      %dma_start3A_49 = arith.constant 4 : i32
      %dma_start3A_50 = arith.constant 0 : i32
      %dma_start3A_51 = tpu.memref_slice %arg7[%dma_start3A_49, %dma_start3A_50] : memref<250x80xi32, #tpu.memory_space<vmem>> -> memref<1x80xi32, #tpu.memory_space<vmem>>
      %dma_start3A_52 = tpu.memref_squeeze %dma_start3A_51 : memref<1x80xi32, #tpu.memory_space<vmem>> -> memref<80xi32, #tpu.memory_space<vmem>>
      %dma_start3A_53 = arith.constant 0 : i32
      %dma_start3A_54 = arith.constant 0 : i32
      %dma_start3A_55 = tpu.memref_slice %arg4[%dma_start3A_53, %dma_start3A_54] : memref<10000x64xf32, #tpu.memory_space<hbm>> -> memref<10000x64xf32, #tpu.memory_space<hbm>>
      tpu.enqueue_indirect_dma source(%dma_start3A_55 : memref<10000x64xf32, #tpu.memory_space<hbm>>) target(%arg13 : memref<80x64xf32, #tpu.memory_space<vmem>>) offsets(%dma_start3A_52 : memref<80xi32, #tpu.memory_space<vmem>>) semaphore(%arg23 : memref<!tpu.dma_semaphore, #tpu.memory_space<semaphore_mem>>)
      %dma_start3A_56 = arith.constant 5 : i32
      %dma_start3A_57 = arith.constant 0 : i32
      %dma_start3A_58 = tpu.memref_slice %arg7[%dma_start3A_56, %dma_start3A_57] : memref<250x80xi32, #tpu.memory_space<vmem>> -> memref<1x80xi32, #tpu.memory_space<vmem>>
      %dma_start3A_59 = tpu.memref_squeeze %dma_start3A_58 : memref<1x80xi32, #tpu.memory_space<vmem>> -> memref<80xi32, #tpu.memory_space<vmem>>
      %dma_start3A_60 = arith.constant 0 : i32
      %dma_start3A_61 = arith.constant 0 : i32
      %dma_start3A_62 = tpu.memref_slice %arg4[%dma_start3A_60, %dma_start3A_61] : memref<10000x64xf32, #tpu.memory_space<hbm>> -> memref<10000x64xf32, #tpu.memory_space<hbm>>
      tpu.enqueue_indirect_dma source(%dma_start3A_62 : memref<10000x64xf32, #tpu.memory_space<hbm>>) target(%arg14 : memref<80x64xf32, #tpu.memory_space<vmem>>) offsets(%dma_start3A_59 : memref<80xi32, #tpu.memory_space<vmem>>) semaphore(%arg24 : memref<!tpu.dma_semaphore, #tpu.memory_space<semaphore_mem>>)
      %scan3A_63 = arith.constant 0 : i32
      %scan3A_64 = arith.constant 0 : i32
      %scan3A_65 = arith.constant 31 : i32
      %scan3A_66 = arith.addi %scan3A_64, %scan3A_65 : i32
      %scan3A_67 = arith.constant 1 : i32
      scf.for %scan3A_124 = %scan3A_64 to %scan3A_66 step %scan3A_67  : i32 {
        %mul3A_125 = arith.constant 8 : i32
        %mul3A_126 = arith.muli %mul3A_125, %scan3A_124 : i32
        %add3A = arith.constant 0 : i32
        %add3A_127 = arith.addi %mul3A_126, %add3A : i32
        %dma_wait3A_128 = arith.constant 0 : i32
        %dma_wait3A_129 = tpu.memref_slice %arg7[%add3A_127, %dma_wait3A_128] : memref<250x80xi32, #tpu.memory_space<vmem>> -> memref<1x80xi32, #tpu.memory_space<vmem>>
        %dma_wait3A_130 = tpu.memref_squeeze %dma_wait3A_129 : memref<1x80xi32, #tpu.memory_space<vmem>> -> memref<80xi32, #tpu.memory_space<vmem>>
        %dma_wait3A_131 = arith.constant 0 : i32
        %dma_wait3A_132 = arith.constant 0 : i32
        %dma_wait3A_133 = tpu.memref_slice %arg4[%dma_wait3A_131, %dma_wait3A_132] : memref<10000x64xf32, #tpu.memory_space<hbm>> -> memref<10000x64xf32, #tpu.memory_space<hbm>>
        tpu.wait_indirect_dma semaphore(%arg19 : memref<!tpu.dma_semaphore, #tpu.memory_space<semaphore_mem>>) src(%dma_wait3A_133 : memref<10000x64xf32, #tpu.memory_space<hbm>>) dst(%arg9 : memref<80x64xf32, #tpu.memory_space<vmem>>)
        %ge3A = arith.constant 2 : i32
        %ge3A_134 = arith.cmpi sge, %add3A_127, %ge3A : i32
        %convert_element_type3A_135 = arith.extui %ge3A_134 : i1 to i32
        %cond3A_136 = arith.constant 0 : i32
        %cond3A_137 = arith.cmpi ne, %convert_element_type3A_135, %cond3A_136 : i32
        scf.if %cond3A_137 {
          %dma_wait3A_358 = arith.constant 0 : i32
          %dma_wait3A_359 = arith.constant 0 : i32
          %dma_wait3A_360 = tpu.memref_slice %arg8[%dma_wait3A_358, %dma_wait3A_359] : memref<250x80xi32, #tpu.memory_space<vmem>> -> memref<1x80xi32, #tpu.memory_space<vmem>>
          %dma_wait3A_361 = tpu.memref_squeeze %dma_wait3A_360 : memref<1x80xi32, #tpu.memory_space<vmem>> -> memref<80xi32, #tpu.memory_space<vmem>>
          %dma_wait3A_362 = arith.constant 0 : i32
          %dma_wait3A_363 = arith.constant 0 : i32
          %dma_wait3A_364 = tpu.memref_slice %arg18[%dma_wait3A_362, %dma_wait3A_363] : memref<10000x64xf32, #tpu.memory_space<vmem_shared>> -> memref<10000x64xf32, #tpu.memory_space<vmem_shared>>
          tpu.wait_indirect_dma semaphore(%arg33 : memref<!tpu.dma_semaphore, #tpu.memory_space<semaphore_mem>>) src(%arg15 : memref<80x64xf32, #tpu.memory_space<vmem>>) dst(%dma_wait3A_364 : memref<10000x64xf32, #tpu.memory_space<vmem_shared>>)
        } else {
        }
        %add3A_138 = arith.constant 6 : i32
        %add3A_139 = arith.addi %add3A_127, %add3A_138 : i32
        %lt3A = arith.constant 250 : i32
        %lt3A_140 = arith.cmpi slt, %add3A_139, %lt3A : i32
        %convert_element_type3A_141 = arith.extui %lt3A_140 : i1 to i32
        %cond3A_142 = arith.constant 0 : i32
        %cond3A_143 = arith.cmpi ne, %convert_element_type3A_141, %cond3A_142 : i32
        scf.if %cond3A_143 {
          %add3A_358 = arith.constant 6 : i32
          %add3A_359 = arith.addi %add3A_127, %add3A_358 : i32
          %dma_start3A_360 = arith.constant 0 : i32
          %dma_start3A_361 = tpu.memref_slice %arg7[%add3A_359, %dma_start3A_360] : memref<250x80xi32, #tpu.memory_space<vmem>> -> memref<1x80xi32, #tpu.memory_space<vmem>>
          %dma_start3A_362 = tpu.memref_squeeze %dma_start3A_361 : memref<1x80xi32, #tpu.memory_space<vmem>> -> memref<80xi32, #tpu.memory_space<vmem>>
          %dma_start3A_363 = arith.constant 0 : i32
          %dma_start3A_364 = arith.constant 0 : i32
          %dma_start3A_365 = tpu.memref_slice %arg4[%dma_start3A_363, %dma_start3A_364] : memref<10000x64xf32, #tpu.memory_space<hbm>> -> memref<10000x64xf32, #tpu.memory_space<hbm>>
          tpu.enqueue_indirect_dma source(%dma_start3A_365 : memref<10000x64xf32, #tpu.memory_space<hbm>>) target(%arg15 : memref<80x64xf32, #tpu.memory_space<vmem>>) offsets(%dma_start3A_362 : memref<80xi32, #tpu.memory_space<vmem>>) semaphore(%arg25 : memref<!tpu.dma_semaphore, #tpu.memory_space<semaphore_mem>>)
        } else {
        }
        %dma_start3A_144 = arith.constant 0 : i32
        %dma_start3A_145 = tpu.memref_slice %arg8[%add3A_127, %dma_start3A_144] : memref<250x80xi32, #tpu.memory_space<vmem>> -> memref<1x80xi32, #tpu.memory_space<vmem>>
        %dma_start3A_146 = tpu.memref_squeeze %dma_start3A_145 : memref<1x80xi32, #tpu.memory_space<vmem>> -> memref<80xi32, #tpu.memory_space<vmem>>
        %dma_start3A_147 = arith.constant 0 : i32
        %dma_start3A_148 = arith.constant 0 : i32
        %dma_start3A_149 = tpu.memref_slice %arg18[%dma_start3A_147, %dma_start3A_148] : memref<10000x64xf32, #tpu.memory_space<vmem_shared>> -> memref<10000x64xf32, #tpu.memory_space<vmem_shared>>
        tpu.enqueue_indirect_dma source(%arg9 : memref<80x64xf32, #tpu.memory_space<vmem>>) target(%dma_start3A_149 : memref<10000x64xf32, #tpu.memory_space<vmem_shared>>) offsets(%dma_start3A_146 : memref<80xi32, #tpu.memory_space<vmem>>) semaphore(%arg27 : memref<!tpu.dma_semaphore, #tpu.memory_space<semaphore_mem>>) {add = true}
        %mul3A_150 = arith.constant 8 : i32
        %mul3A_151 = arith.muli %mul3A_150, %scan3A_124 : i32
        %add3A_152 = arith.constant 1 : i32
        %add3A_153 = arith.addi %mul3A_151, %add3A_152 : i32
        %dma_wait3A_154 = arith.constant 0 : i32
        %dma_wait3A_155 = tpu.memref_slice %arg7[%add3A_153, %dma_wait3A_154] : memref<250x80xi32, #tpu.memory_space<vmem>> -> memref<1x80xi32, #tpu.memory_space<vmem>>
        %dma_wait3A_156 = tpu.memref_squeeze %dma_wait3A_155 : memref<1x80xi32, #tpu.memory_space<vmem>> -> memref<80xi32, #tpu.memory_space<vmem>>
        %dma_wait3A_157 = arith.constant 0 : i32
        %dma_wait3A_158 = arith.constant 0 : i32
        %dma_wait3A_159 = tpu.memref_slice %arg4[%dma_wait3A_157, %dma_wait3A_158] : memref<10000x64xf32, #tpu.memory_space<hbm>> -> memref<10000x64xf32, #tpu.memory_space<hbm>>
        tpu.wait_indirect_dma semaphore(%arg20 : memref<!tpu.dma_semaphore, #tpu.memory_space<semaphore_mem>>) src(%dma_wait3A_159 : memref<10000x64xf32, #tpu.memory_space<hbm>>) dst(%arg10 : memref<80x64xf32, #tpu.memory_space<vmem>>)
        %ge3A_160 = arith.constant 2 : i32
        %ge3A_161 = arith.cmpi sge, %add3A_153, %ge3A_160 : i32
        %convert_element_type3A_162 = arith.extui %ge3A_161 : i1 to i32
        %cond3A_163 = arith.constant 0 : i32
        %cond3A_164 = arith.cmpi ne, %convert_element_type3A_162, %cond3A_163 : i32
        scf.if %cond3A_164 {
          %dma_wait3A_358 = arith.constant 0 : i32
          %dma_wait3A_359 = arith.constant 0 : i32
          %dma_wait3A_360 = tpu.memref_slice %arg8[%dma_wait3A_358, %dma_wait3A_359] : memref<250x80xi32, #tpu.memory_space<vmem>> -> memref<1x80xi32, #tpu.memory_space<vmem>>
          %dma_wait3A_361 = tpu.memref_squeeze %dma_wait3A_360 : memref<1x80xi32, #tpu.memory_space<vmem>> -> memref<80xi32, #tpu.memory_space<vmem>>
          %dma_wait3A_362 = arith.constant 0 : i32
          %dma_wait3A_363 = arith.constant 0 : i32
          %dma_wait3A_364 = tpu.memref_slice %arg18[%dma_wait3A_362, %dma_wait3A_363] : memref<10000x64xf32, #tpu.memory_space<vmem_shared>> -> memref<10000x64xf32, #tpu.memory_space<vmem_shared>>
          tpu.wait_indirect_dma semaphore(%arg34 : memref<!tpu.dma_semaphore, #tpu.memory_space<semaphore_mem>>) src(%arg16 : memref<80x64xf32, #tpu.memory_space<vmem>>) dst(%dma_wait3A_364 : memref<10000x64xf32, #tpu.memory_space<vmem_shared>>)
        } else {
        }
        %add3A_165 = arith.constant 6 : i32
        %add3A_166 = arith.addi %add3A_153, %add3A_165 : i32
        %lt3A_167 = arith.constant 250 : i32
        %lt3A_168 = arith.cmpi slt, %add3A_166, %lt3A_167 : i32
        %convert_element_type3A_169 = arith.extui %lt3A_168 : i1 to i32
        %cond3A_170 = arith.constant 0 : i32
        %cond3A_171 = arith.cmpi ne, %convert_element_type3A_169, %cond3A_170 : i32
        scf.if %cond3A_171 {
          %add3A_358 = arith.constant 6 : i32
          %add3A_359 = arith.addi %add3A_153, %add3A_358 : i32
          %dma_start3A_360 = arith.constant 0 : i32
          %dma_start3A_361 = tpu.memref_slice %arg7[%add3A_359, %dma_start3A_360] : memref<250x80xi32, #tpu.memory_space<vmem>> -> memref<1x80xi32, #tpu.memory_space<vmem>>
          %dma_start3A_362 = tpu.memref_squeeze %dma_start3A_361 : memref<1x80xi32, #tpu.memory_space<vmem>> -> memref<80xi32, #tpu.memory_space<vmem>>
          %dma_start3A_363 = arith.constant 0 : i32
          %dma_start3A_364 = arith.constant 0 : i32
          %dma_start3A_365 = tpu.memref_slice %arg4[%dma_start3A_363, %dma_start3A_364] : memref<10000x64xf32, #tpu.memory_space<hbm>> -> memref<10000x64xf32, #tpu.memory_space<hbm>>
          tpu.enqueue_indirect_dma source(%dma_start3A_365 : memref<10000x64xf32, #tpu.memory_space<hbm>>) target(%arg16 : memref<80x64xf32, #tpu.memory_space<vmem>>) offsets(%dma_start3A_362 : memref<80xi32, #tpu.memory_space<vmem>>) semaphore(%arg26 : memref<!tpu.dma_semaphore, #tpu.memory_space<semaphore_mem>>)
        } else {
        }
        %dma_start3A_172 = arith.constant 0 : i32
        %dma_start3A_173 = tpu.memref_slice %arg8[%add3A_153, %dma_start3A_172] : memref<250x80xi32, #tpu.memory_space<vmem>> -> memref<1x80xi32, #tpu.memory_space<vmem>>
        %dma_start3A_174 = tpu.memref_squeeze %dma_start3A_173 : memref<1x80xi32, #tpu.memory_space<vmem>> -> memref<80xi32, #tpu.memory_space<vmem>>
        %dma_start3A_175 = arith.constant 0 : i32
        %dma_start3A_176 = arith.constant 0 : i32
        %dma_start3A_177 = tpu.memref_slice %arg18[%dma_start3A_175, %dma_start3A_176] : memref<10000x64xf32, #tpu.memory_space<vmem_shared>> -> memref<10000x64xf32, #tpu.memory_space<vmem_shared>>
        tpu.enqueue_indirect_dma source(%arg10 : memref<80x64xf32, #tpu.memory_space<vmem>>) target(%dma_start3A_177 : memref<10000x64xf32, #tpu.memory_space<vmem_shared>>) offsets(%dma_start3A_174 : memref<80xi32, #tpu.memory_space<vmem>>) semaphore(%arg28 : memref<!tpu.dma_semaphore, #tpu.memory_space<semaphore_mem>>) {add = true}
        %mul3A_178 = arith.constant 8 : i32
        %mul3A_179 = arith.muli %mul3A_178, %scan3A_124 : i32
        %add3A_180 = arith.constant 2 : i32
        %add3A_181 = arith.addi %mul3A_179, %add3A_180 : i32
        %dma_wait3A_182 = arith.constant 0 : i32
        %dma_wait3A_183 = tpu.memref_slice %arg7[%add3A_181, %dma_wait3A_182] : memref<250x80xi32, #tpu.memory_space<vmem>> -> memref<1x80xi32, #tpu.memory_space<vmem>>
        %dma_wait3A_184 = tpu.memref_squeeze %dma_wait3A_183 : memref<1x80xi32, #tpu.memory_space<vmem>> -> memref<80xi32, #tpu.memory_space<vmem>>
        %dma_wait3A_185 = arith.constant 0 : i32
        %dma_wait3A_186 = arith.constant 0 : i32
        %dma_wait3A_187 = tpu.memref_slice %arg4[%dma_wait3A_185, %dma_wait3A_186] : memref<10000x64xf32, #tpu.memory_space<hbm>> -> memref<10000x64xf32, #tpu.memory_space<hbm>>
        tpu.wait_indirect_dma semaphore(%arg21 : memref<!tpu.dma_semaphore, #tpu.memory_space<semaphore_mem>>) src(%dma_wait3A_187 : memref<10000x64xf32, #tpu.memory_space<hbm>>) dst(%arg11 : memref<80x64xf32, #tpu.memory_space<vmem>>)
        %dma_wait3A_188 = arith.constant 0 : i32
        %dma_wait3A_189 = arith.constant 0 : i32
        %dma_wait3A_190 = tpu.memref_slice %arg8[%dma_wait3A_188, %dma_wait3A_189] : memref<250x80xi32, #tpu.memory_space<vmem>> -> memref<1x80xi32, #tpu.memory_space<vmem>>
        %dma_wait3A_191 = tpu.memref_squeeze %dma_wait3A_190 : memref<1x80xi32, #tpu.memory_space<vmem>> -> memref<80xi32, #tpu.memory_space<vmem>>
        %dma_wait3A_192 = arith.constant 0 : i32
        %dma_wait3A_193 = arith.constant 0 : i32
        %dma_wait3A_194 = tpu.memref_slice %arg18[%dma_wait3A_192, %dma_wait3A_193] : memref<10000x64xf32, #tpu.memory_space<vmem_shared>> -> memref<10000x64xf32, #tpu.memory_space<vmem_shared>>
        tpu.wait_indirect_dma semaphore(%arg27 : memref<!tpu.dma_semaphore, #tpu.memory_space<semaphore_mem>>) src(%arg9 : memref<80x64xf32, #tpu.memory_space<vmem>>) dst(%dma_wait3A_194 : memref<10000x64xf32, #tpu.memory_space<vmem_shared>>)
        %add3A_195 = arith.constant 6 : i32
        %add3A_196 = arith.addi %add3A_181, %add3A_195 : i32
        %lt3A_197 = arith.constant 250 : i32
        %lt3A_198 = arith.cmpi slt, %add3A_196, %lt3A_197 : i32
        %convert_element_type3A_199 = arith.extui %lt3A_198 : i1 to i32
        %cond3A_200 = arith.constant 0 : i32
        %cond3A_201 = arith.cmpi ne, %convert_element_type3A_199, %cond3A_200 : i32
        scf.if %cond3A_201 {
          %add3A_358 = arith.constant 6 : i32
          %add3A_359 = arith.addi %add3A_181, %add3A_358 : i32
          %dma_start3A_360 = arith.constant 0 : i32
          %dma_start3A_361 = tpu.memref_slice %arg7[%add3A_359, %dma_start3A_360] : memref<250x80xi32, #tpu.memory_space<vmem>> -> memref<1x80xi32, #tpu.memory_space<vmem>>
          %dma_start3A_362 = tpu.memref_squeeze %dma_start3A_361 : memref<1x80xi32, #tpu.memory_space<vmem>> -> memref<80xi32, #tpu.memory_space<vmem>>
          %dma_start3A_363 = arith.constant 0 : i32
          %dma_start3A_364 = arith.constant 0 : i32
          %dma_start3A_365 = tpu.memref_slice %arg4[%dma_start3A_363, %dma_start3A_364] : memref<10000x64xf32, #tpu.memory_space<hbm>> -> memref<10000x64xf32, #tpu.memory_space<hbm>>
          tpu.enqueue_indirect_dma source(%dma_start3A_365 : memref<10000x64xf32, #tpu.memory_space<hbm>>) target(%arg9 : memref<80x64xf32, #tpu.memory_space<vmem>>) offsets(%dma_start3A_362 : memref<80xi32, #tpu.memory_space<vmem>>) semaphore(%arg19 : memref<!tpu.dma_semaphore, #tpu.memory_space<semaphore_mem>>)
        } else {
        }
        %dma_start3A_202 = arith.constant 0 : i32
        %dma_start3A_203 = tpu.memref_slice %arg8[%add3A_181, %dma_start3A_202] : memref<250x80xi32, #tpu.memory_space<vmem>> -> memref<1x80xi32, #tpu.memory_space<vmem>>
        %dma_start3A_204 = tpu.memref_squeeze %dma_start3A_203 : memref<1x80xi32, #tpu.memory_space<vmem>> -> memref<80xi32, #tpu.memory_space<vmem>>
        %dma_start3A_205 = arith.constant 0 : i32
        %dma_start3A_206 = arith.constant 0 : i32
        %dma_start3A_207 = tpu.memref_slice %arg18[%dma_start3A_205, %dma_start3A_206] : memref<10000x64xf32, #tpu.memory_space<vmem_shared>> -> memref<10000x64xf32, #tpu.memory_space<vmem_shared>>
        tpu.enqueue_indirect_dma source(%arg11 : memref<80x64xf32, #tpu.memory_space<vmem>>) target(%dma_start3A_207 : memref<10000x64xf32, #tpu.memory_space<vmem_shared>>) offsets(%dma_start3A_204 : memref<80xi32, #tpu.memory_space<vmem>>) semaphore(%arg29 : memref<!tpu.dma_semaphore, #tpu.memory_space<semaphore_mem>>) {add = true}
        %mul3A_208 = arith.constant 8 : i32
        %mul3A_209 = arith.muli %mul3A_208, %scan3A_124 : i32
        %add3A_210 = arith.constant 3 : i32
        %add3A_211 = arith.addi %mul3A_209, %add3A_210 : i32
        %dma_wait3A_212 = arith.constant 0 : i32
        %dma_wait3A_213 = tpu.memref_slice %arg7[%add3A_211, %dma_wait3A_212] : memref<250x80xi32, #tpu.memory_space<vmem>> -> memref<1x80xi32, #tpu.memory_space<vmem>>
        %dma_wait3A_214 = tpu.memref_squeeze %dma_wait3A_213 : memref<1x80xi32, #tpu.memory_space<vmem>> -> memref<80xi32, #tpu.memory_space<vmem>>
        %dma_wait3A_215 = arith.constant 0 : i32
        %dma_wait3A_216 = arith.constant 0 : i32
        %dma_wait3A_217 = tpu.memref_slice %arg4[%dma_wait3A_215, %dma_wait3A_216] : memref<10000x64xf32, #tpu.memory_space<hbm>> -> memref<10000x64xf32, #tpu.memory_space<hbm>>
        tpu.wait_indirect_dma semaphore(%arg22 : memref<!tpu.dma_semaphore, #tpu.memory_space<semaphore_mem>>) src(%dma_wait3A_217 : memref<10000x64xf32, #tpu.memory_space<hbm>>) dst(%arg12 : memref<80x64xf32, #tpu.memory_space<vmem>>)
        %dma_wait3A_218 = arith.constant 0 : i32
        %dma_wait3A_219 = arith.constant 0 : i32
        %dma_wait3A_220 = tpu.memref_slice %arg8[%dma_wait3A_218, %dma_wait3A_219] : memref<250x80xi32, #tpu.memory_space<vmem>> -> memref<1x80xi32, #tpu.memory_space<vmem>>
        %dma_wait3A_221 = tpu.memref_squeeze %dma_wait3A_220 : memref<1x80xi32, #tpu.memory_space<vmem>> -> memref<80xi32, #tpu.memory_space<vmem>>
        %dma_wait3A_222 = arith.constant 0 : i32
        %dma_wait3A_223 = arith.constant 0 : i32
        %dma_wait3A_224 = tpu.memref_slice %arg18[%dma_wait3A_222, %dma_wait3A_223] : memref<10000x64xf32, #tpu.memory_space<vmem_shared>> -> memref<10000x64xf32, #tpu.memory_space<vmem_shared>>
        tpu.wait_indirect_dma semaphore(%arg28 : memref<!tpu.dma_semaphore, #tpu.memory_space<semaphore_mem>>) src(%arg10 : memref<80x64xf32, #tpu.memory_space<vmem>>) dst(%dma_wait3A_224 : memref<10000x64xf32, #tpu.memory_space<vmem_shared>>)
        %add3A_225 = arith.constant 6 : i32
        %add3A_226 = arith.addi %add3A_211, %add3A_225 : i32
        %lt3A_227 = arith.constant 250 : i32
        %lt3A_228 = arith.cmpi slt, %add3A_226, %lt3A_227 : i32
        %convert_element_type3A_229 = arith.extui %lt3A_228 : i1 to i32
        %cond3A_230 = arith.constant 0 : i32
        %cond3A_231 = arith.cmpi ne, %convert_element_type3A_229, %cond3A_230 : i32
        scf.if %cond3A_231 {
          %add3A_358 = arith.constant 6 : i32
          %add3A_359 = arith.addi %add3A_211, %add3A_358 : i32
          %dma_start3A_360 = arith.constant 0 : i32
          %dma_start3A_361 = tpu.memref_slice %arg7[%add3A_359, %dma_start3A_360] : memref<250x80xi32, #tpu.memory_space<vmem>> -> memref<1x80xi32, #tpu.memory_space<vmem>>
          %dma_start3A_362 = tpu.memref_squeeze %dma_start3A_361 : memref<1x80xi32, #tpu.memory_space<vmem>> -> memref<80xi32, #tpu.memory_space<vmem>>
          %dma_start3A_363 = arith.constant 0 : i32
          %dma_start3A_364 = arith.constant 0 : i32
          %dma_start3A_365 = tpu.memref_slice %arg4[%dma_start3A_363, %dma_start3A_364] : memref<10000x64xf32, #tpu.memory_space<hbm>> -> memref<10000x64xf32, #tpu.memory_space<hbm>>
          tpu.enqueue_indirect_dma source(%dma_start3A_365 : memref<10000x64xf32, #tpu.memory_space<hbm>>) target(%arg10 : memref<80x64xf32, #tpu.memory_space<vmem>>) offsets(%dma_start3A_362 : memref<80xi32, #tpu.memory_space<vmem>>) semaphore(%arg20 : memref<!tpu.dma_semaphore, #tpu.memory_space<semaphore_mem>>)
        } else {
        }
        %dma_start3A_232 = arith.constant 0 : i32
        %dma_start3A_233 = tpu.memref_slice %arg8[%add3A_211, %dma_start3A_232] : memref<250x80xi32, #tpu.memory_space<vmem>> -> memref<1x80xi32, #tpu.memory_space<vmem>>
        %dma_start3A_234 = tpu.memref_squeeze %dma_start3A_233 : memref<1x80xi32, #tpu.memory_space<vmem>> -> memref<80xi32, #tpu.memory_space<vmem>>
        %dma_start3A_235 = arith.constant 0 : i32
        %dma_start3A_236 = arith.constant 0 : i32
        %dma_start3A_237 = tpu.memref_slice %arg18[%dma_start3A_235, %dma_start3A_236] : memref<10000x64xf32, #tpu.memory_space<vmem_shared>> -> memref<10000x64xf32, #tpu.memory_space<vmem_shared>>
        tpu.enqueue_indirect_dma source(%arg12 : memref<80x64xf32, #tpu.memory_space<vmem>>) target(%dma_start3A_237 : memref<10000x64xf32, #tpu.memory_space<vmem_shared>>) offsets(%dma_start3A_234 : memref<80xi32, #tpu.memory_space<vmem>>) semaphore(%arg30 : memref<!tpu.dma_semaphore, #tpu.memory_space<semaphore_mem>>) {add = true}
        %mul3A_238 = arith.constant 8 : i32
        %mul3A_239 = arith.muli %mul3A_238, %scan3A_124 : i32
        %add3A_240 = arith.constant 4 : i32
        %add3A_241 = arith.addi %mul3A_239, %add3A_240 : i32
        %dma_wait3A_242 = arith.constant 0 : i32
        %dma_wait3A_243 = tpu.memref_slice %arg7[%add3A_241, %dma_wait3A_242] : memref<250x80xi32, #tpu.memory_space<vmem>> -> memref<1x80xi32, #tpu.memory_space<vmem>>
        %dma_wait3A_244 = tpu.memref_squeeze %dma_wait3A_243 : memref<1x80xi32, #tpu.memory_space<vmem>> -> memref<80xi32, #tpu.memory_space<vmem>>
        %dma_wait3A_245 = arith.constant 0 : i32
        %dma_wait3A_246 = arith.constant 0 : i32
        %dma_wait3A_247 = tpu.memref_slice %arg4[%dma_wait3A_245, %dma_wait3A_246] : memref<10000x64xf32, #tpu.memory_space<hbm>> -> memref<10000x64xf32, #tpu.memory_space<hbm>>
        tpu.wait_indirect_dma semaphore(%arg23 : memref<!tpu.dma_semaphore, #tpu.memory_space<semaphore_mem>>) src(%dma_wait3A_247 : memref<10000x64xf32, #tpu.memory_space<hbm>>) dst(%arg13 : memref<80x64xf32, #tpu.memory_space<vmem>>)
        %dma_wait3A_248 = arith.constant 0 : i32
        %dma_wait3A_249 = arith.constant 0 : i32
        %dma_wait3A_250 = tpu.memref_slice %arg8[%dma_wait3A_248, %dma_wait3A_249] : memref<250x80xi32, #tpu.memory_space<vmem>> -> memref<1x80xi32, #tpu.memory_space<vmem>>
        %dma_wait3A_251 = tpu.memref_squeeze %dma_wait3A_250 : memref<1x80xi32, #tpu.memory_space<vmem>> -> memref<80xi32, #tpu.memory_space<vmem>>
        %dma_wait3A_252 = arith.constant 0 : i32
        %dma_wait3A_253 = arith.constant 0 : i32
        %dma_wait3A_254 = tpu.memref_slice %arg18[%dma_wait3A_252, %dma_wait3A_253] : memref<10000x64xf32, #tpu.memory_space<vmem_shared>> -> memref<10000x64xf32, #tpu.memory_space<vmem_shared>>
        tpu.wait_indirect_dma semaphore(%arg29 : memref<!tpu.dma_semaphore, #tpu.memory_space<semaphore_mem>>) src(%arg11 : memref<80x64xf32, #tpu.memory_space<vmem>>) dst(%dma_wait3A_254 : memref<10000x64xf32, #tpu.memory_space<vmem_shared>>)
        %add3A_255 = arith.constant 6 : i32
        %add3A_256 = arith.addi %add3A_241, %add3A_255 : i32
        %lt3A_257 = arith.constant 250 : i32
        %lt3A_258 = arith.cmpi slt, %add3A_256, %lt3A_257 : i32
        %convert_element_type3A_259 = arith.extui %lt3A_258 : i1 to i32
        %cond3A_260 = arith.constant 0 : i32
        %cond3A_261 = arith.cmpi ne, %convert_element_type3A_259, %cond3A_260 : i32
        scf.if %cond3A_261 {
          %add3A_358 = arith.constant 6 : i32
          %add3A_359 = arith.addi %add3A_241, %add3A_358 : i32
          %dma_start3A_360 = arith.constant 0 : i32
          %dma_start3A_361 = tpu.memref_slice %arg7[%add3A_359, %dma_start3A_360] : memref<250x80xi32, #tpu.memory_space<vmem>> -> memref<1x80xi32, #tpu.memory_space<vmem>>
          %dma_start3A_362 = tpu.memref_squeeze %dma_start3A_361 : memref<1x80xi32, #tpu.memory_space<vmem>> -> memref<80xi32, #tpu.memory_space<vmem>>
          %dma_start3A_363 = arith.constant 0 : i32
          %dma_start3A_364 = arith.constant 0 : i32
          %dma_start3A_365 = tpu.memref_slice %arg4[%dma_start3A_363, %dma_start3A_364] : memref<10000x64xf32, #tpu.memory_space<hbm>> -> memref<10000x64xf32, #tpu.memory_space<hbm>>
          tpu.enqueue_indirect_dma source(%dma_start3A_365 : memref<10000x64xf32, #tpu.memory_space<hbm>>) target(%arg11 : memref<80x64xf32, #tpu.memory_space<vmem>>) offsets(%dma_start3A_362 : memref<80xi32, #tpu.memory_space<vmem>>) semaphore(%arg21 : memref<!tpu.dma_semaphore, #tpu.memory_space<semaphore_mem>>)
        } else {
        }
        %dma_start3A_262 = arith.constant 0 : i32
        %dma_start3A_263 = tpu.memref_slice %arg8[%add3A_241, %dma_start3A_262] : memref<250x80xi32, #tpu.memory_space<vmem>> -> memref<1x80xi32, #tpu.memory_space<vmem>>
        %dma_start3A_264 = tpu.memref_squeeze %dma_start3A_263 : memref<1x80xi32, #tpu.memory_space<vmem>> -> memref<80xi32, #tpu.memory_space<vmem>>
        %dma_start3A_265 = arith.constant 0 : i32
        %dma_start3A_266 = arith.constant 0 : i32
        %dma_start3A_267 = tpu.memref_slice %arg18[%dma_start3A_265, %dma_start3A_266] : memref<10000x64xf32, #tpu.memory_space<vmem_shared>> -> memref<10000x64xf32, #tpu.memory_space<vmem_shared>>
        tpu.enqueue_indirect_dma source(%arg13 : memref<80x64xf32, #tpu.memory_space<vmem>>) target(%dma_start3A_267 : memref<10000x64xf32, #tpu.memory_space<vmem_shared>>) offsets(%dma_start3A_264 : memref<80xi32, #tpu.memory_space<vmem>>) semaphore(%arg31 : memref<!tpu.dma_semaphore, #tpu.memory_space<semaphore_mem>>) {add = true}
        %mul3A_268 = arith.constant 8 : i32
        %mul3A_269 = arith.muli %mul3A_268, %scan3A_124 : i32
        %add3A_270 = arith.constant 5 : i32
        %add3A_271 = arith.addi %mul3A_269, %add3A_270 : i32
        %dma_wait3A_272 = arith.constant 0 : i32
        %dma_wait3A_273 = tpu.memref_slice %arg7[%add3A_271, %dma_wait3A_272] : memref<250x80xi32, #tpu.memory_space<vmem>> -> memref<1x80xi32, #tpu.memory_space<vmem>>
        %dma_wait3A_274 = tpu.memref_squeeze %dma_wait3A_273 : memref<1x80xi32, #tpu.memory_space<vmem>> -> memref<80xi32, #tpu.memory_space<vmem>>
        %dma_wait3A_275 = arith.constant 0 : i32
        %dma_wait3A_276 = arith.constant 0 : i32
        %dma_wait3A_277 = tpu.memref_slice %arg4[%dma_wait3A_275, %dma_wait3A_276] : memref<10000x64xf32, #tpu.memory_space<hbm>> -> memref<10000x64xf32, #tpu.memory_space<hbm>>
        tpu.wait_indirect_dma semaphore(%arg24 : memref<!tpu.dma_semaphore, #tpu.memory_space<semaphore_mem>>) src(%dma_wait3A_277 : memref<10000x64xf32, #tpu.memory_space<hbm>>) dst(%arg14 : memref<80x64xf32, #tpu.memory_space<vmem>>)
        %dma_wait3A_278 = arith.constant 0 : i32
        %dma_wait3A_279 = arith.constant 0 : i32
        %dma_wait3A_280 = tpu.memref_slice %arg8[%dma_wait3A_278, %dma_wait3A_279] : memref<250x80xi32, #tpu.memory_space<vmem>> -> memref<1x80xi32, #tpu.memory_space<vmem>>
        %dma_wait3A_281 = tpu.memref_squeeze %dma_wait3A_280 : memref<1x80xi32, #tpu.memory_space<vmem>> -> memref<80xi32, #tpu.memory_space<vmem>>
        %dma_wait3A_282 = arith.constant 0 : i32
        %dma_wait3A_283 = arith.constant 0 : i32
        %dma_wait3A_284 = tpu.memref_slice %arg18[%dma_wait3A_282, %dma_wait3A_283] : memref<10000x64xf32, #tpu.memory_space<vmem_shared>> -> memref<10000x64xf32, #tpu.memory_space<vmem_shared>>
        tpu.wait_indirect_dma semaphore(%arg30 : memref<!tpu.dma_semaphore, #tpu.memory_space<semaphore_mem>>) src(%arg12 : memref<80x64xf32, #tpu.memory_space<vmem>>) dst(%dma_wait3A_284 : memref<10000x64xf32, #tpu.memory_space<vmem_shared>>)
        %add3A_285 = arith.constant 6 : i32
        %add3A_286 = arith.addi %add3A_271, %add3A_285 : i32
        %lt3A_287 = arith.constant 250 : i32
        %lt3A_288 = arith.cmpi slt, %add3A_286, %lt3A_287 : i32
        %convert_element_type3A_289 = arith.extui %lt3A_288 : i1 to i32
        %cond3A_290 = arith.constant 0 : i32
        %cond3A_291 = arith.cmpi ne, %convert_element_type3A_289, %cond3A_290 : i32
        scf.if %cond3A_291 {
          %add3A_358 = arith.constant 6 : i32
          %add3A_359 = arith.addi %add3A_271, %add3A_358 : i32
          %dma_start3A_360 = arith.constant 0 : i32
          %dma_start3A_361 = tpu.memref_slice %arg7[%add3A_359, %dma_start3A_360] : memref<250x80xi32, #tpu.memory_space<vmem>> -> memref<1x80xi32, #tpu.memory_space<vmem>>
          %dma_start3A_362 = tpu.memref_squeeze %dma_start3A_361 : memref<1x80xi32, #tpu.memory_space<vmem>> -> memref<80xi32, #tpu.memory_space<vmem>>
          %dma_start3A_363 = arith.constant 0 : i32
          %dma_start3A_364 = arith.constant 0 : i32
          %dma_start3A_365 = tpu.memref_slice %arg4[%dma_start3A_363, %dma_start3A_364] : memref<10000x64xf32, #tpu.memory_space<hbm>> -> memref<10000x64xf32, #tpu.memory_space<hbm>>
          tpu.enqueue_indirect_dma source(%dma_start3A_365 : memref<10000x64xf32, #tpu.memory_space<hbm>>) target(%arg12 : memref<80x64xf32, #tpu.memory_space<vmem>>) offsets(%dma_start3A_362 : memref<80xi32, #tpu.memory_space<vmem>>) semaphore(%arg22 : memref<!tpu.dma_semaphore, #tpu.memory_space<semaphore_mem>>)
        } else {
        }
        %dma_start3A_292 = arith.constant 0 : i32
        %dma_start3A_293 = tpu.memref_slice %arg8[%add3A_271, %dma_start3A_292] : memref<250x80xi32, #tpu.memory_space<vmem>> -> memref<1x80xi32, #tpu.memory_space<vmem>>
        %dma_start3A_294 = tpu.memref_squeeze %dma_start3A_293 : memref<1x80xi32, #tpu.memory_space<vmem>> -> memref<80xi32, #tpu.memory_space<vmem>>
        %dma_start3A_295 = arith.constant 0 : i32
        %dma_start3A_296 = arith.constant 0 : i32
        %dma_start3A_297 = tpu.memref_slice %arg18[%dma_start3A_295, %dma_start3A_296] : memref<10000x64xf32, #tpu.memory_space<vmem_shared>> -> memref<10000x64xf32, #tpu.memory_space<vmem_shared>>
        tpu.enqueue_indirect_dma source(%arg14 : memref<80x64xf32, #tpu.memory_space<vmem>>) target(%dma_start3A_297 : memref<10000x64xf32, #tpu.memory_space<vmem_shared>>) offsets(%dma_start3A_294 : memref<80xi32, #tpu.memory_space<vmem>>) semaphore(%arg32 : memref<!tpu.dma_semaphore, #tpu.memory_space<semaphore_mem>>) {add = true}
        %mul3A_298 = arith.constant 8 : i32
        %mul3A_299 = arith.muli %mul3A_298, %scan3A_124 : i32
        %add3A_300 = arith.constant 6 : i32
        %add3A_301 = arith.addi %mul3A_299, %add3A_300 : i32
        %dma_wait3A_302 = arith.constant 0 : i32
        %dma_wait3A_303 = tpu.memref_slice %arg7[%add3A_301, %dma_wait3A_302] : memref<250x80xi32, #tpu.memory_space<vmem>> -> memref<1x80xi32, #tpu.memory_space<vmem>>
        %dma_wait3A_304 = tpu.memref_squeeze %dma_wait3A_303 : memref<1x80xi32, #tpu.memory_space<vmem>> -> memref<80xi32, #tpu.memory_space<vmem>>
        %dma_wait3A_305 = arith.constant 0 : i32
        %dma_wait3A_306 = arith.constant 0 : i32
        %dma_wait3A_307 = tpu.memref_slice %arg4[%dma_wait3A_305, %dma_wait3A_306] : memref<10000x64xf32, #tpu.memory_space<hbm>> -> memref<10000x64xf32, #tpu.memory_space<hbm>>
        tpu.wait_indirect_dma semaphore(%arg25 : memref<!tpu.dma_semaphore, #tpu.memory_space<semaphore_mem>>) src(%dma_wait3A_307 : memref<10000x64xf32, #tpu.memory_space<hbm>>) dst(%arg15 : memref<80x64xf32, #tpu.memory_space<vmem>>)
        %dma_wait3A_308 = arith.constant 0 : i32
        %dma_wait3A_309 = arith.constant 0 : i32
        %dma_wait3A_310 = tpu.memref_slice %arg8[%dma_wait3A_308, %dma_wait3A_309] : memref<250x80xi32, #tpu.memory_space<vmem>> -> memref<1x80xi32, #tpu.memory_space<vmem>>
        %dma_wait3A_311 = tpu.memref_squeeze %dma_wait3A_310 : memref<1x80xi32, #tpu.memory_space<vmem>> -> memref<80xi32, #tpu.memory_space<vmem>>
        %dma_wait3A_312 = arith.constant 0 : i32
        %dma_wait3A_313 = arith.constant 0 : i32
        %dma_wait3A_314 = tpu.memref_slice %arg18[%dma_wait3A_312, %dma_wait3A_313] : memref<10000x64xf32, #tpu.memory_space<vmem_shared>> -> memref<10000x64xf32, #tpu.memory_space<vmem_shared>>
        tpu.wait_indirect_dma semaphore(%arg31 : memref<!tpu.dma_semaphore, #tpu.memory_space<semaphore_mem>>) src(%arg13 : memref<80x64xf32, #tpu.memory_space<vmem>>) dst(%dma_wait3A_314 : memref<10000x64xf32, #tpu.memory_space<vmem_shared>>)
        %add3A_315 = arith.constant 6 : i32
        %add3A_316 = arith.addi %add3A_301, %add3A_315 : i32
        %lt3A_317 = arith.constant 250 : i32
        %lt3A_318 = arith.cmpi slt, %add3A_316, %lt3A_317 : i32
        %convert_element_type3A_319 = arith.extui %lt3A_318 : i1 to i32
        %cond3A_320 = arith.constant 0 : i32
        %cond3A_321 = arith.cmpi ne, %convert_element_type3A_319, %cond3A_320 : i32
        scf.if %cond3A_321 {
          %add3A_358 = arith.constant 6 : i32
          %add3A_359 = arith.addi %add3A_301, %add3A_358 : i32
          %dma_start3A_360 = arith.constant 0 : i32
          %dma_start3A_361 = tpu.memref_slice %arg7[%add3A_359, %dma_start3A_360] : memref<250x80xi32, #tpu.memory_space<vmem>> -> memref<1x80xi32, #tpu.memory_space<vmem>>
          %dma_start3A_362 = tpu.memref_squeeze %dma_start3A_361 : memref<1x80xi32, #tpu.memory_space<vmem>> -> memref<80xi32, #tpu.memory_space<vmem>>
          %dma_start3A_363 = arith.constant 0 : i32
          %dma_start3A_364 = arith.constant 0 : i32
          %dma_start3A_365 = tpu.memref_slice %arg4[%dma_start3A_363, %dma_start3A_364] : memref<10000x64xf32, #tpu.memory_space<hbm>> -> memref<10000x64xf32, #tpu.memory_space<hbm>>
          tpu.enqueue_indirect_dma source(%dma_start3A_365 : memref<10000x64xf32, #tpu.memory_space<hbm>>) target(%arg13 : memref<80x64xf32, #tpu.memory_space<vmem>>) offsets(%dma_start3A_362 : memref<80xi32, #tpu.memory_space<vmem>>) semaphore(%arg23 : memref<!tpu.dma_semaphore, #tpu.memory_space<semaphore_mem>>)
        } else {
        }
        %dma_start3A_322 = arith.constant 0 : i32
        %dma_start3A_323 = tpu.memref_slice %arg8[%add3A_301, %dma_start3A_322] : memref<250x80xi32, #tpu.memory_space<vmem>> -> memref<1x80xi32, #tpu.memory_space<vmem>>
        %dma_start3A_324 = tpu.memref_squeeze %dma_start3A_323 : memref<1x80xi32, #tpu.memory_space<vmem>> -> memref<80xi32, #tpu.memory_space<vmem>>
        %dma_start3A_325 = arith.constant 0 : i32
        %dma_start3A_326 = arith.constant 0 : i32
        %dma_start3A_327 = tpu.memref_slice %arg18[%dma_start3A_325, %dma_start3A_326] : memref<10000x64xf32, #tpu.memory_space<vmem_shared>> -> memref<10000x64xf32, #tpu.memory_space<vmem_shared>>
        tpu.enqueue_indirect_dma source(%arg15 : memref<80x64xf32, #tpu.memory_space<vmem>>) target(%dma_start3A_327 : memref<10000x64xf32, #tpu.memory_space<vmem_shared>>) offsets(%dma_start3A_324 : memref<80xi32, #tpu.memory_space<vmem>>) semaphore(%arg33 : memref<!tpu.dma_semaphore, #tpu.memory_space<semaphore_mem>>) {add = true}
        %mul3A_328 = arith.constant 8 : i32
        %mul3A_329 = arith.muli %mul3A_328, %scan3A_124 : i32
        %add3A_330 = arith.constant 7 : i32
        %add3A_331 = arith.addi %mul3A_329, %add3A_330 : i32
        %dma_wait3A_332 = arith.constant 0 : i32
        %dma_wait3A_333 = tpu.memref_slice %arg7[%add3A_331, %dma_wait3A_332] : memref<250x80xi32, #tpu.memory_space<vmem>> -> memref<1x80xi32, #tpu.memory_space<vmem>>
        %dma_wait3A_334 = tpu.memref_squeeze %dma_wait3A_333 : memref<1x80xi32, #tpu.memory_space<vmem>> -> memref<80xi32, #tpu.memory_space<vmem>>
        %dma_wait3A_335 = arith.constant 0 : i32
        %dma_wait3A_336 = arith.constant 0 : i32
        %dma_wait3A_337 = tpu.memref_slice %arg4[%dma_wait3A_335, %dma_wait3A_336] : memref<10000x64xf32, #tpu.memory_space<hbm>> -> memref<10000x64xf32, #tpu.memory_space<hbm>>
        tpu.wait_indirect_dma semaphore(%arg26 : memref<!tpu.dma_semaphore, #tpu.memory_space<semaphore_mem>>) src(%dma_wait3A_337 : memref<10000x64xf32, #tpu.memory_space<hbm>>) dst(%arg16 : memref<80x64xf32, #tpu.memory_space<vmem>>)
        %dma_wait3A_338 = arith.constant 0 : i32
        %dma_wait3A_339 = arith.constant 0 : i32
        %dma_wait3A_340 = tpu.memref_slice %arg8[%dma_wait3A_338, %dma_wait3A_339] : memref<250x80xi32, #tpu.memory_space<vmem>> -> memref<1x80xi32, #tpu.memory_space<vmem>>
        %dma_wait3A_341 = tpu.memref_squeeze %dma_wait3A_340 : memref<1x80xi32, #tpu.memory_space<vmem>> -> memref<80xi32, #tpu.memory_space<vmem>>
        %dma_wait3A_342 = arith.constant 0 : i32
        %dma_wait3A_343 = arith.constant 0 : i32
        %dma_wait3A_344 = tpu.memref_slice %arg18[%dma_wait3A_342, %dma_wait3A_343] : memref<10000x64xf32, #tpu.memory_space<vmem_shared>> -> memref<10000x64xf32, #tpu.memory_space<vmem_shared>>
        tpu.wait_indirect_dma semaphore(%arg32 : memref<!tpu.dma_semaphore, #tpu.memory_space<semaphore_mem>>) src(%arg14 : memref<80x64xf32, #tpu.memory_space<vmem>>) dst(%dma_wait3A_344 : memref<10000x64xf32, #tpu.memory_space<vmem_shared>>)
        %add3A_345 = arith.constant 6 : i32
        %add3A_346 = arith.addi %add3A_331, %add3A_345 : i32
        %lt3A_347 = arith.constant 250 : i32
        %lt3A_348 = arith.cmpi slt, %add3A_346, %lt3A_347 : i32
        %convert_element_type3A_349 = arith.extui %lt3A_348 : i1 to i32
        %cond3A_350 = arith.constant 0 : i32
        %cond3A_351 = arith.cmpi ne, %convert_element_type3A_349, %cond3A_350 : i32
        scf.if %cond3A_351 {
          %add3A_358 = arith.constant 6 : i32
          %add3A_359 = arith.addi %add3A_331, %add3A_358 : i32
          %dma_start3A_360 = arith.constant 0 : i32
          %dma_start3A_361 = tpu.memref_slice %arg7[%add3A_359, %dma_start3A_360] : memref<250x80xi32, #tpu.memory_space<vmem>> -> memref<1x80xi32, #tpu.memory_space<vmem>>
          %dma_start3A_362 = tpu.memref_squeeze %dma_start3A_361 : memref<1x80xi32, #tpu.memory_space<vmem>> -> memref<80xi32, #tpu.memory_space<vmem>>
          %dma_start3A_363 = arith.constant 0 : i32
          %dma_start3A_364 = arith.constant 0 : i32
          %dma_start3A_365 = tpu.memref_slice %arg4[%dma_start3A_363, %dma_start3A_364] : memref<10000x64xf32, #tpu.memory_space<hbm>> -> memref<10000x64xf32, #tpu.memory_space<hbm>>
          tpu.enqueue_indirect_dma source(%dma_start3A_365 : memref<10000x64xf32, #tpu.memory_space<hbm>>) target(%arg14 : memref<80x64xf32, #tpu.memory_space<vmem>>) offsets(%dma_start3A_362 : memref<80xi32, #tpu.memory_space<vmem>>) semaphore(%arg24 : memref<!tpu.dma_semaphore, #tpu.memory_space<semaphore_mem>>)
        } else {
        }
        %dma_start3A_352 = arith.constant 0 : i32
        %dma_start3A_353 = tpu.memref_slice %arg8[%add3A_331, %dma_start3A_352] : memref<250x80xi32, #tpu.memory_space<vmem>> -> memref<1x80xi32, #tpu.memory_space<vmem>>
        %dma_start3A_354 = tpu.memref_squeeze %dma_start3A_353 : memref<1x80xi32, #tpu.memory_space<vmem>> -> memref<80xi32, #tpu.memory_space<vmem>>
        %dma_start3A_355 = arith.constant 0 : i32
        %dma_start3A_356 = arith.constant 0 : i32
        %dma_start3A_357 = tpu.memref_slice %arg18[%dma_start3A_355, %dma_start3A_356] : memref<10000x64xf32, #tpu.memory_space<vmem_shared>> -> memref<10000x64xf32, #tpu.memory_space<vmem_shared>>
        tpu.enqueue_indirect_dma source(%arg16 : memref<80x64xf32, #tpu.memory_space<vmem>>) target(%dma_start3A_357 : memref<10000x64xf32, #tpu.memory_space<vmem_shared>>) offsets(%dma_start3A_354 : memref<80xi32, #tpu.memory_space<vmem>>) semaphore(%arg34 : memref<!tpu.dma_semaphore, #tpu.memory_space<semaphore_mem>>) {add = true}
      }
      %scan3A_68 = arith.constant 31 : i32
      %dma_wait3A = arith.constant 248 : i32
      %dma_wait3A_69 = arith.constant 0 : i32
      %dma_wait3A_70 = tpu.memref_slice %arg7[%dma_wait3A, %dma_wait3A_69] : memref<250x80xi32, #tpu.memory_space<vmem>> -> memref<1x80xi32, #tpu.memory_space<vmem>>
      %dma_wait3A_71 = tpu.memref_squeeze %dma_wait3A_70 : memref<1x80xi32, #tpu.memory_space<vmem>> -> memref<80xi32, #tpu.memory_space<vmem>>
      %dma_wait3A_72 = arith.constant 0 : i32
      %dma_wait3A_73 = arith.constant 0 : i32
      %dma_wait3A_74 = tpu.memref_slice %arg4[%dma_wait3A_72, %dma_wait3A_73] : memref<10000x64xf32, #tpu.memory_space<hbm>> -> memref<10000x64xf32, #tpu.memory_space<hbm>>
      tpu.wait_indirect_dma semaphore(%arg19 : memref<!tpu.dma_semaphore, #tpu.memory_space<semaphore_mem>>) src(%dma_wait3A_74 : memref<10000x64xf32, #tpu.memory_space<hbm>>) dst(%arg9 : memref<80x64xf32, #tpu.memory_space<vmem>>)
      %dma_wait3A_75 = arith.constant 0 : i32
      %dma_wait3A_76 = arith.constant 0 : i32
      %dma_wait3A_77 = tpu.memref_slice %arg8[%dma_wait3A_75, %dma_wait3A_76] : memref<250x80xi32, #tpu.memory_space<vmem>> -> memref<1x80xi32, #tpu.memory_space<vmem>>
      %dma_wait3A_78 = tpu.memref_squeeze %dma_wait3A_77 : memref<1x80xi32, #tpu.memory_space<vmem>> -> memref<80xi32, #tpu.memory_space<vmem>>
      %dma_wait3A_79 = arith.constant 0 : i32
      %dma_wait3A_80 = arith.constant 0 : i32
      %dma_wait3A_81 = tpu.memref_slice %arg18[%dma_wait3A_79, %dma_wait3A_80] : memref<10000x64xf32, #tpu.memory_space<vmem_shared>> -> memref<10000x64xf32, #tpu.memory_space<vmem_shared>>
      tpu.wait_indirect_dma semaphore(%arg33 : memref<!tpu.dma_semaphore, #tpu.memory_space<semaphore_mem>>) src(%arg15 : memref<80x64xf32, #tpu.memory_space<vmem>>) dst(%dma_wait3A_81 : memref<10000x64xf32, #tpu.memory_space<vmem_shared>>)
      %dma_start3A_82 = arith.constant 248 : i32
      %dma_start3A_83 = arith.constant 0 : i32
      %dma_start3A_84 = tpu.memref_slice %arg8[%dma_start3A_82, %dma_start3A_83] : memref<250x80xi32, #tpu.memory_space<vmem>> -> memref<1x80xi32, #tpu.memory_space<vmem>>
      %dma_start3A_85 = tpu.memref_squeeze %dma_start3A_84 : memref<1x80xi32, #tpu.memory_space<vmem>> -> memref<80xi32, #tpu.memory_space<vmem>>
      %dma_start3A_86 = arith.constant 0 : i32
      %dma_start3A_87 = arith.constant 0 : i32
      %dma_start3A_88 = tpu.memref_slice %arg18[%dma_start3A_86, %dma_start3A_87] : memref<10000x64xf32, #tpu.memory_space<vmem_shared>> -> memref<10000x64xf32, #tpu.memory_space<vmem_shared>>
      tpu.enqueue_indirect_dma source(%arg9 : memref<80x64xf32, #tpu.memory_space<vmem>>) target(%dma_start3A_88 : memref<10000x64xf32, #tpu.memory_space<vmem_shared>>) offsets(%dma_start3A_85 : memref<80xi32, #tpu.memory_space<vmem>>) semaphore(%arg27 : memref<!tpu.dma_semaphore, #tpu.memory_space<semaphore_mem>>) {add = true}
      %dma_wait3A_89 = arith.constant 249 : i32
      %dma_wait3A_90 = arith.constant 0 : i32
      %dma_wait3A_91 = tpu.memref_slice %arg7[%dma_wait3A_89, %dma_wait3A_90] : memref<250x80xi32, #tpu.memory_space<vmem>> -> memref<1x80xi32, #tpu.memory_space<vmem>>
      %dma_wait3A_92 = tpu.memref_squeeze %dma_wait3A_91 : memref<1x80xi32, #tpu.memory_space<vmem>> -> memref<80xi32, #tpu.memory_space<vmem>>
      %dma_wait3A_93 = arith.constant 0 : i32
      %dma_wait3A_94 = arith.constant 0 : i32
      %dma_wait3A_95 = tpu.memref_slice %arg4[%dma_wait3A_93, %dma_wait3A_94] : memref<10000x64xf32, #tpu.memory_space<hbm>> -> memref<10000x64xf32, #tpu.memory_space<hbm>>
      tpu.wait_indirect_dma semaphore(%arg20 : memref<!tpu.dma_semaphore, #tpu.memory_space<semaphore_mem>>) src(%dma_wait3A_95 : memref<10000x64xf32, #tpu.memory_space<hbm>>) dst(%arg10 : memref<80x64xf32, #tpu.memory_space<vmem>>)
      %dma_wait3A_96 = arith.constant 0 : i32
      %dma_wait3A_97 = arith.constant 0 : i32
      %dma_wait3A_98 = tpu.memref_slice %arg8[%dma_wait3A_96, %dma_wait3A_97] : memref<250x80xi32, #tpu.memory_space<vmem>> -> memref<1x80xi32, #tpu.memory_space<vmem>>
      %dma_wait3A_99 = tpu.memref_squeeze %dma_wait3A_98 : memref<1x80xi32, #tpu.memory_space<vmem>> -> memref<80xi32, #tpu.memory_space<vmem>>
      %dma_wait3A_100 = arith.constant 0 : i32
      %dma_wait3A_101 = arith.constant 0 : i32
      %dma_wait3A_102 = tpu.memref_slice %arg18[%dma_wait3A_100, %dma_wait3A_101] : memref<10000x64xf32, #tpu.memory_space<vmem_shared>> -> memref<10000x64xf32, #tpu.memory_space<vmem_shared>>
      tpu.wait_indirect_dma semaphore(%arg34 : memref<!tpu.dma_semaphore, #tpu.memory_space<semaphore_mem>>) src(%arg16 : memref<80x64xf32, #tpu.memory_space<vmem>>) dst(%dma_wait3A_102 : memref<10000x64xf32, #tpu.memory_space<vmem_shared>>)
      %dma_start3A_103 = arith.constant 249 : i32
      %dma_start3A_104 = arith.constant 0 : i32
      %dma_start3A_105 = tpu.memref_slice %arg8[%dma_start3A_103, %dma_start3A_104] : memref<250x80xi32, #tpu.memory_space<vmem>> -> memref<1x80xi32, #tpu.memory_space<vmem>>
      %dma_start3A_106 = tpu.memref_squeeze %dma_start3A_105 : memref<1x80xi32, #tpu.memory_space<vmem>> -> memref<80xi32, #tpu.memory_space<vmem>>
      %dma_start3A_107 = arith.constant 0 : i32
      %dma_start3A_108 = arith.constant 0 : i32
      %dma_start3A_109 = tpu.memref_slice %arg18[%dma_start3A_107, %dma_start3A_108] : memref<10000x64xf32, #tpu.memory_space<vmem_shared>> -> memref<10000x64xf32, #tpu.memory_space<vmem_shared>>
      tpu.enqueue_indirect_dma source(%arg10 : memref<80x64xf32, #tpu.memory_space<vmem>>) target(%dma_start3A_109 : memref<10000x64xf32, #tpu.memory_space<vmem_shared>>) offsets(%dma_start3A_106 : memref<80xi32, #tpu.memory_space<vmem>>) semaphore(%arg28 : memref<!tpu.dma_semaphore, #tpu.memory_space<semaphore_mem>>) {add = true}
      %dma_wait3A_110 = arith.constant 0 : i32
      %dma_wait3A_111 = arith.constant 0 : i32
      %dma_wait3A_112 = tpu.memref_slice %arg8[%dma_wait3A_110, %dma_wait3A_111] : memref<250x80xi32, #tpu.memory_space<vmem>> -> memref<1x80xi32, #tpu.memory_space<vmem>>
      %dma_wait3A_113 = tpu.memref_squeeze %dma_wait3A_112 : memref<1x80xi32, #tpu.memory_space<vmem>> -> memref<80xi32, #tpu.memory_space<vmem>>
      %dma_wait3A_114 = arith.constant 0 : i32
      %dma_wait3A_115 = arith.constant 0 : i32
      %dma_wait3A_116 = tpu.memref_slice %arg18[%dma_wait3A_114, %dma_wait3A_115] : memref<10000x64xf32, #tpu.memory_space<vmem_shared>> -> memref<10000x64xf32, #tpu.memory_space<vmem_shared>>
      tpu.wait_indirect_dma semaphore(%arg27 : memref<!tpu.dma_semaphore, #tpu.memory_space<semaphore_mem>>) src(%arg9 : memref<80x64xf32, #tpu.memory_space<vmem>>) dst(%dma_wait3A_116 : memref<10000x64xf32, #tpu.memory_space<vmem_shared>>)
      %dma_wait3A_117 = arith.constant 0 : i32
      %dma_wait3A_118 = arith.constant 0 : i32
      %dma_wait3A_119 = tpu.memref_slice %arg8[%dma_wait3A_117, %dma_wait3A_118] : memref<250x80xi32, #tpu.memory_space<vmem>> -> memref<1x80xi32, #tpu.memory_space<vmem>>
      %dma_wait3A_120 = tpu.memref_squeeze %dma_wait3A_119 : memref<1x80xi32, #tpu.memory_space<vmem>> -> memref<80xi32, #tpu.memory_space<vmem>>
      %dma_wait3A_121 = arith.constant 0 : i32
      %dma_wait3A_122 = arith.constant 0 : i32
      %dma_wait3A_123 = tpu.memref_slice %arg18[%dma_wait3A_121, %dma_wait3A_122] : memref<10000x64xf32, #tpu.memory_space<vmem_shared>> -> memref<10000x64xf32, #tpu.memory_space<vmem_shared>>
      tpu.wait_indirect_dma semaphore(%arg28 : memref<!tpu.dma_semaphore, #tpu.memory_space<semaphore_mem>>) src(%arg10 : memref<80x64xf32, #tpu.memory_space<vmem>>) dst(%dma_wait3A_123 : memref<10000x64xf32, #tpu.memory_space<vmem_shared>>)
    } else {
    }
    %eq3A_13 = arith.constant 1 : i32
    %eq3A_14 = arith.cmpi eq, %arg0, %eq3A_13 : i32
    %convert_element_type3A_15 = arith.extui %eq3A_14 : i1 to i32
    %cond3A_16 = arith.constant 0 : i32
    %cond3A_17 = arith.cmpi ne, %convert_element_type3A_15, %cond3A_16 : i32
    scf.if %cond3A_17 {
      %dma_start3A = arith.constant 0 : i32
      %dma_start3A_22 = arith.constant 0 : i32
      %dma_start3A_23 = tpu.memref_slice %arg7[%dma_start3A, %dma_start3A_22] : memref<250x80xi32, #tpu.memory_space<vmem>> -> memref<1x80xi32, #tpu.memory_space<vmem>>
      %dma_start3A_24 = tpu.memref_squeeze %dma_start3A_23 : memref<1x80xi32, #tpu.memory_space<vmem>> -> memref<80xi32, #tpu.memory_space<vmem>>
      %dma_start3A_25 = arith.constant 0 : i32
      %dma_start3A_26 = arith.constant 0 : i32
      %dma_start3A_27 = tpu.memref_slice %arg5[%dma_start3A_25, %dma_start3A_26] : memref<10000x64xf32, #tpu.memory_space<hbm>> -> memref<10000x64xf32, #tpu.memory_space<hbm>>
      tpu.enqueue_indirect_dma source(%dma_start3A_27 : memref<10000x64xf32, #tpu.memory_space<hbm>>) target(%arg9 : memref<80x64xf32, #tpu.memory_space<vmem>>) offsets(%dma_start3A_24 : memref<80xi32, #tpu.memory_space<vmem>>) semaphore(%arg19 : memref<!tpu.dma_semaphore, #tpu.memory_space<semaphore_mem>>)
      %dma_start3A_28 = arith.constant 1 : i32
      %dma_start3A_29 = arith.constant 0 : i32
      %dma_start3A_30 = tpu.memref_slice %arg7[%dma_start3A_28, %dma_start3A_29] : memref<250x80xi32, #tpu.memory_space<vmem>> -> memref<1x80xi32, #tpu.memory_space<vmem>>
      %dma_start3A_31 = tpu.memref_squeeze %dma_start3A_30 : memref<1x80xi32, #tpu.memory_space<vmem>> -> memref<80xi32, #tpu.memory_space<vmem>>
      %dma_start3A_32 = arith.constant 0 : i32
      %dma_start3A_33 = arith.constant 0 : i32
      %dma_start3A_34 = tpu.memref_slice %arg5[%dma_start3A_32, %dma_start3A_33] : memref<10000x64xf32, #tpu.memory_space<hbm>> -> memref<10000x64xf32, #tpu.memory_space<hbm>>
      tpu.enqueue_indirect_dma source(%dma_start3A_34 : memref<10000x64xf32, #tpu.memory_space<hbm>>) target(%arg10 : memref<80x64xf32, #tpu.memory_space<vmem>>) offsets(%dma_start3A_31 : memref<80xi32, #tpu.memory_space<vmem>>) semaphore(%arg20 : memref<!tpu.dma_semaphore, #tpu.memory_space<semaphore_mem>>)
      %dma_start3A_35 = arith.constant 2 : i32
      %dma_start3A_36 = arith.constant 0 : i32
      %dma_start3A_37 = tpu.memref_slice %arg7[%dma_start3A_35, %dma_start3A_36] : memref<250x80xi32, #tpu.memory_space<vmem>> -> memref<1x80xi32, #tpu.memory_space<vmem>>
      %dma_start3A_38 = tpu.memref_squeeze %dma_start3A_37 : memref<1x80xi32, #tpu.memory_space<vmem>> -> memref<80xi32, #tpu.memory_space<vmem>>
      %dma_start3A_39 = arith.constant 0 : i32
      %dma_start3A_40 = arith.constant 0 : i32
      %dma_start3A_41 = tpu.memref_slice %arg5[%dma_start3A_39, %dma_start3A_40] : memref<10000x64xf32, #tpu.memory_space<hbm>> -> memref<10000x64xf32, #tpu.memory_space<hbm>>
      tpu.enqueue_indirect_dma source(%dma_start3A_41 : memref<10000x64xf32, #tpu.memory_space<hbm>>) target(%arg11 : memref<80x64xf32, #tpu.memory_space<vmem>>) offsets(%dma_start3A_38 : memref<80xi32, #tpu.memory_space<vmem>>) semaphore(%arg21 : memref<!tpu.dma_semaphore, #tpu.memory_space<semaphore_mem>>)
      %dma_start3A_42 = arith.constant 3 : i32
      %dma_start3A_43 = arith.constant 0 : i32
      %dma_start3A_44 = tpu.memref_slice %arg7[%dma_start3A_42, %dma_start3A_43] : memref<250x80xi32, #tpu.memory_space<vmem>> -> memref<1x80xi32, #tpu.memory_space<vmem>>
      %dma_start3A_45 = tpu.memref_squeeze %dma_start3A_44 : memref<1x80xi32, #tpu.memory_space<vmem>> -> memref<80xi32, #tpu.memory_space<vmem>>
      %dma_start3A_46 = arith.constant 0 : i32
      %dma_start3A_47 = arith.constant 0 : i32
      %dma_start3A_48 = tpu.memref_slice %arg5[%dma_start3A_46, %dma_start3A_47] : memref<10000x64xf32, #tpu.memory_space<hbm>> -> memref<10000x64xf32, #tpu.memory_space<hbm>>
      tpu.enqueue_indirect_dma source(%dma_start3A_48 : memref<10000x64xf32, #tpu.memory_space<hbm>>) target(%arg12 : memref<80x64xf32, #tpu.memory_space<vmem>>) offsets(%dma_start3A_45 : memref<80xi32, #tpu.memory_space<vmem>>) semaphore(%arg22 : memref<!tpu.dma_semaphore, #tpu.memory_space<semaphore_mem>>)
      %dma_start3A_49 = arith.constant 4 : i32
      %dma_start3A_50 = arith.constant 0 : i32
      %dma_start3A_51 = tpu.memref_slice %arg7[%dma_start3A_49, %dma_start3A_50] : memref<250x80xi32, #tpu.memory_space<vmem>> -> memref<1x80xi32, #tpu.memory_space<vmem>>
      %dma_start3A_52 = tpu.memref_squeeze %dma_start3A_51 : memref<1x80xi32, #tpu.memory_space<vmem>> -> memref<80xi32, #tpu.memory_space<vmem>>
      %dma_start3A_53 = arith.constant 0 : i32
      %dma_start3A_54 = arith.constant 0 : i32
      %dma_start3A_55 = tpu.memref_slice %arg5[%dma_start3A_53, %dma_start3A_54] : memref<10000x64xf32, #tpu.memory_space<hbm>> -> memref<10000x64xf32, #tpu.memory_space<hbm>>
      tpu.enqueue_indirect_dma source(%dma_start3A_55 : memref<10000x64xf32, #tpu.memory_space<hbm>>) target(%arg13 : memref<80x64xf32, #tpu.memory_space<vmem>>) offsets(%dma_start3A_52 : memref<80xi32, #tpu.memory_space<vmem>>) semaphore(%arg23 : memref<!tpu.dma_semaphore, #tpu.memory_space<semaphore_mem>>)
      %dma_start3A_56 = arith.constant 5 : i32
      %dma_start3A_57 = arith.constant 0 : i32
      %dma_start3A_58 = tpu.memref_slice %arg7[%dma_start3A_56, %dma_start3A_57] : memref<250x80xi32, #tpu.memory_space<vmem>> -> memref<1x80xi32, #tpu.memory_space<vmem>>
      %dma_start3A_59 = tpu.memref_squeeze %dma_start3A_58 : memref<1x80xi32, #tpu.memory_space<vmem>> -> memref<80xi32, #tpu.memory_space<vmem>>
      %dma_start3A_60 = arith.constant 0 : i32
      %dma_start3A_61 = arith.constant 0 : i32
      %dma_start3A_62 = tpu.memref_slice %arg5[%dma_start3A_60, %dma_start3A_61] : memref<10000x64xf32, #tpu.memory_space<hbm>> -> memref<10000x64xf32, #tpu.memory_space<hbm>>
      tpu.enqueue_indirect_dma source(%dma_start3A_62 : memref<10000x64xf32, #tpu.memory_space<hbm>>) target(%arg14 : memref<80x64xf32, #tpu.memory_space<vmem>>) offsets(%dma_start3A_59 : memref<80xi32, #tpu.memory_space<vmem>>) semaphore(%arg24 : memref<!tpu.dma_semaphore, #tpu.memory_space<semaphore_mem>>)
      %scan3A_63 = arith.constant 0 : i32
      %scan3A_64 = arith.constant 0 : i32
      %scan3A_65 = arith.constant 31 : i32
      %scan3A_66 = arith.addi %scan3A_64, %scan3A_65 : i32
      %scan3A_67 = arith.constant 1 : i32
      scf.for %scan3A_124 = %scan3A_64 to %scan3A_66 step %scan3A_67  : i32 {
        %mul3A_125 = arith.constant 8 : i32
        %mul3A_126 = arith.muli %mul3A_125, %scan3A_124 : i32
        %add3A = arith.constant 0 : i32
        %add3A_127 = arith.addi %mul3A_126, %add3A : i32
        %dma_wait3A_128 = arith.constant 0 : i32
        %dma_wait3A_129 = tpu.memref_slice %arg7[%add3A_127, %dma_wait3A_128] : memref<250x80xi32, #tpu.memory_space<vmem>> -> memref<1x80xi32, #tpu.memory_space<vmem>>
        %dma_wait3A_130 = tpu.memref_squeeze %dma_wait3A_129 : memref<1x80xi32, #tpu.memory_space<vmem>> -> memref<80xi32, #tpu.memory_space<vmem>>
        %dma_wait3A_131 = arith.constant 0 : i32
        %dma_wait3A_132 = arith.constant 0 : i32
        %dma_wait3A_133 = tpu.memref_slice %arg5[%dma_wait3A_131, %dma_wait3A_132] : memref<10000x64xf32, #tpu.memory_space<hbm>> -> memref<10000x64xf32, #tpu.memory_space<hbm>>
        tpu.wait_indirect_dma semaphore(%arg19 : memref<!tpu.dma_semaphore, #tpu.memory_space<semaphore_mem>>) src(%dma_wait3A_133 : memref<10000x64xf32, #tpu.memory_space<hbm>>) dst(%arg9 : memref<80x64xf32, #tpu.memory_space<vmem>>)
        %ge3A = arith.constant 2 : i32
        %ge3A_134 = arith.cmpi sge, %add3A_127, %ge3A : i32
        %convert_element_type3A_135 = arith.extui %ge3A_134 : i1 to i32
        %cond3A_136 = arith.constant 0 : i32
        %cond3A_137 = arith.cmpi ne, %convert_element_type3A_135, %cond3A_136 : i32
        scf.if %cond3A_137 {
          %dma_wait3A_358 = arith.constant 0 : i32
          %dma_wait3A_359 = arith.constant 0 : i32
          %dma_wait3A_360 = tpu.memref_slice %arg8[%dma_wait3A_358, %dma_wait3A_359] : memref<250x80xi32, #tpu.memory_space<vmem>> -> memref<1x80xi32, #tpu.memory_space<vmem>>
          %dma_wait3A_361 = tpu.memref_squeeze %dma_wait3A_360 : memref<1x80xi32, #tpu.memory_space<vmem>> -> memref<80xi32, #tpu.memory_space<vmem>>
          %dma_wait3A_362 = arith.constant 0 : i32
          %dma_wait3A_363 = arith.constant 0 : i32
          %dma_wait3A_364 = tpu.memref_slice %arg18[%dma_wait3A_362, %dma_wait3A_363] : memref<10000x64xf32, #tpu.memory_space<vmem_shared>> -> memref<10000x64xf32, #tpu.memory_space<vmem_shared>>
          tpu.wait_indirect_dma semaphore(%arg33 : memref<!tpu.dma_semaphore, #tpu.memory_space<semaphore_mem>>) src(%arg15 : memref<80x64xf32, #tpu.memory_space<vmem>>) dst(%dma_wait3A_364 : memref<10000x64xf32, #tpu.memory_space<vmem_shared>>)
        } else {
        }
        %add3A_138 = arith.constant 6 : i32
        %add3A_139 = arith.addi %add3A_127, %add3A_138 : i32
        %lt3A = arith.constant 250 : i32
        %lt3A_140 = arith.cmpi slt, %add3A_139, %lt3A : i32
        %convert_element_type3A_141 = arith.extui %lt3A_140 : i1 to i32
        %cond3A_142 = arith.constant 0 : i32
        %cond3A_143 = arith.cmpi ne, %convert_element_type3A_141, %cond3A_142 : i32
        scf.if %cond3A_143 {
          %add3A_358 = arith.constant 6 : i32
          %add3A_359 = arith.addi %add3A_127, %add3A_358 : i32
          %dma_start3A_360 = arith.constant 0 : i32
          %dma_start3A_361 = tpu.memref_slice %arg7[%add3A_359, %dma_start3A_360] : memref<250x80xi32, #tpu.memory_space<vmem>> -> memref<1x80xi32, #tpu.memory_space<vmem>>
          %dma_start3A_362 = tpu.memref_squeeze %dma_start3A_361 : memref<1x80xi32, #tpu.memory_space<vmem>> -> memref<80xi32, #tpu.memory_space<vmem>>
          %dma_start3A_363 = arith.constant 0 : i32
          %dma_start3A_364 = arith.constant 0 : i32
          %dma_start3A_365 = tpu.memref_slice %arg5[%dma_start3A_363, %dma_start3A_364] : memref<10000x64xf32, #tpu.memory_space<hbm>> -> memref<10000x64xf32, #tpu.memory_space<hbm>>
          tpu.enqueue_indirect_dma source(%dma_start3A_365 : memref<10000x64xf32, #tpu.memory_space<hbm>>) target(%arg15 : memref<80x64xf32, #tpu.memory_space<vmem>>) offsets(%dma_start3A_362 : memref<80xi32, #tpu.memory_space<vmem>>) semaphore(%arg25 : memref<!tpu.dma_semaphore, #tpu.memory_space<semaphore_mem>>)
        } else {
        }
        %dma_start3A_144 = arith.constant 0 : i32
        %dma_start3A_145 = tpu.memref_slice %arg8[%add3A_127, %dma_start3A_144] : memref<250x80xi32, #tpu.memory_space<vmem>> -> memref<1x80xi32, #tpu.memory_space<vmem>>
        %dma_start3A_146 = tpu.memref_squeeze %dma_start3A_145 : memref<1x80xi32, #tpu.memory_space<vmem>> -> memref<80xi32, #tpu.memory_space<vmem>>
        %dma_start3A_147 = arith.constant 0 : i32
        %dma_start3A_148 = arith.constant 0 : i32
        %dma_start3A_149 = tpu.memref_slice %arg18[%dma_start3A_147, %dma_start3A_148] : memref<10000x64xf32, #tpu.memory_space<vmem_shared>> -> memref<10000x64xf32, #tpu.memory_space<vmem_shared>>
        tpu.enqueue_indirect_dma source(%arg9 : memref<80x64xf32, #tpu.memory_space<vmem>>) target(%dma_start3A_149 : memref<10000x64xf32, #tpu.memory_space<vmem_shared>>) offsets(%dma_start3A_146 : memref<80xi32, #tpu.memory_space<vmem>>) semaphore(%arg27 : memref<!tpu.dma_semaphore, #tpu.memory_space<semaphore_mem>>) {add = true}
        %mul3A_150 = arith.constant 8 : i32
        %mul3A_151 = arith.muli %mul3A_150, %scan3A_124 : i32
        %add3A_152 = arith.constant 1 : i32
        %add3A_153 = arith.addi %mul3A_151, %add3A_152 : i32
        %dma_wait3A_154 = arith.constant 0 : i32
        %dma_wait3A_155 = tpu.memref_slice %arg7[%add3A_153, %dma_wait3A_154] : memref<250x80xi32, #tpu.memory_space<vmem>> -> memref<1x80xi32, #tpu.memory_space<vmem>>
        %dma_wait3A_156 = tpu.memref_squeeze %dma_wait3A_155 : memref<1x80xi32, #tpu.memory_space<vmem>> -> memref<80xi32, #tpu.memory_space<vmem>>
        %dma_wait3A_157 = arith.constant 0 : i32
        %dma_wait3A_158 = arith.constant 0 : i32
        %dma_wait3A_159 = tpu.memref_slice %arg5[%dma_wait3A_157, %dma_wait3A_158] : memref<10000x64xf32, #tpu.memory_space<hbm>> -> memref<10000x64xf32, #tpu.memory_space<hbm>>
        tpu.wait_indirect_dma semaphore(%arg20 : memref<!tpu.dma_semaphore, #tpu.memory_space<semaphore_mem>>) src(%dma_wait3A_159 : memref<10000x64xf32, #tpu.memory_space<hbm>>) dst(%arg10 : memref<80x64xf32, #tpu.memory_space<vmem>>)
        %ge3A_160 = arith.constant 2 : i32
        %ge3A_161 = arith.cmpi sge, %add3A_153, %ge3A_160 : i32
        %convert_element_type3A_162 = arith.extui %ge3A_161 : i1 to i32
        %cond3A_163 = arith.constant 0 : i32
        %cond3A_164 = arith.cmpi ne, %convert_element_type3A_162, %cond3A_163 : i32
        scf.if %cond3A_164 {
          %dma_wait3A_358 = arith.constant 0 : i32
          %dma_wait3A_359 = arith.constant 0 : i32
          %dma_wait3A_360 = tpu.memref_slice %arg8[%dma_wait3A_358, %dma_wait3A_359] : memref<250x80xi32, #tpu.memory_space<vmem>> -> memref<1x80xi32, #tpu.memory_space<vmem>>
          %dma_wait3A_361 = tpu.memref_squeeze %dma_wait3A_360 : memref<1x80xi32, #tpu.memory_space<vmem>> -> memref<80xi32, #tpu.memory_space<vmem>>
          %dma_wait3A_362 = arith.constant 0 : i32
          %dma_wait3A_363 = arith.constant 0 : i32
          %dma_wait3A_364 = tpu.memref_slice %arg18[%dma_wait3A_362, %dma_wait3A_363] : memref<10000x64xf32, #tpu.memory_space<vmem_shared>> -> memref<10000x64xf32, #tpu.memory_space<vmem_shared>>
          tpu.wait_indirect_dma semaphore(%arg34 : memref<!tpu.dma_semaphore, #tpu.memory_space<semaphore_mem>>) src(%arg16 : memref<80x64xf32, #tpu.memory_space<vmem>>) dst(%dma_wait3A_364 : memref<10000x64xf32, #tpu.memory_space<vmem_shared>>)
        } else {
        }
        %add3A_165 = arith.constant 6 : i32
        %add3A_166 = arith.addi %add3A_153, %add3A_165 : i32
        %lt3A_167 = arith.constant 250 : i32
        %lt3A_168 = arith.cmpi slt, %add3A_166, %lt3A_167 : i32
        %convert_element_type3A_169 = arith.extui %lt3A_168 : i1 to i32
        %cond3A_170 = arith.constant 0 : i32
        %cond3A_171 = arith.cmpi ne, %convert_element_type3A_169, %cond3A_170 : i32
        scf.if %cond3A_171 {
          %add3A_358 = arith.constant 6 : i32
          %add3A_359 = arith.addi %add3A_153, %add3A_358 : i32
          %dma_start3A_360 = arith.constant 0 : i32
          %dma_start3A_361 = tpu.memref_slice %arg7[%add3A_359, %dma_start3A_360] : memref<250x80xi32, #tpu.memory_space<vmem>> -> memref<1x80xi32, #tpu.memory_space<vmem>>
          %dma_start3A_362 = tpu.memref_squeeze %dma_start3A_361 : memref<1x80xi32, #tpu.memory_space<vmem>> -> memref<80xi32, #tpu.memory_space<vmem>>
          %dma_start3A_363 = arith.constant 0 : i32
          %dma_start3A_364 = arith.constant 0 : i32
          %dma_start3A_365 = tpu.memref_slice %arg5[%dma_start3A_363, %dma_start3A_364] : memref<10000x64xf32, #tpu.memory_space<hbm>> -> memref<10000x64xf32, #tpu.memory_space<hbm>>
          tpu.enqueue_indirect_dma source(%dma_start3A_365 : memref<10000x64xf32, #tpu.memory_space<hbm>>) target(%arg16 : memref<80x64xf32, #tpu.memory_space<vmem>>) offsets(%dma_start3A_362 : memref<80xi32, #tpu.memory_space<vmem>>) semaphore(%arg26 : memref<!tpu.dma_semaphore, #tpu.memory_space<semaphore_mem>>)
        } else {
        }
        %dma_start3A_172 = arith.constant 0 : i32
        %dma_start3A_173 = tpu.memref_slice %arg8[%add3A_153, %dma_start3A_172] : memref<250x80xi32, #tpu.memory_space<vmem>> -> memref<1x80xi32, #tpu.memory_space<vmem>>
        %dma_start3A_174 = tpu.memref_squeeze %dma_start3A_173 : memref<1x80xi32, #tpu.memory_space<vmem>> -> memref<80xi32, #tpu.memory_space<vmem>>
        %dma_start3A_175 = arith.constant 0 : i32
        %dma_start3A_176 = arith.constant 0 : i32
        %dma_start3A_177 = tpu.memref_slice %arg18[%dma_start3A_175, %dma_start3A_176] : memref<10000x64xf32, #tpu.memory_space<vmem_shared>> -> memref<10000x64xf32, #tpu.memory_space<vmem_shared>>
        tpu.enqueue_indirect_dma source(%arg10 : memref<80x64xf32, #tpu.memory_space<vmem>>) target(%dma_start3A_177 : memref<10000x64xf32, #tpu.memory_space<vmem_shared>>) offsets(%dma_start3A_174 : memref<80xi32, #tpu.memory_space<vmem>>) semaphore(%arg28 : memref<!tpu.dma_semaphore, #tpu.memory_space<semaphore_mem>>) {add = true}
        %mul3A_178 = arith.constant 8 : i32
        %mul3A_179 = arith.muli %mul3A_178, %scan3A_124 : i32
        %add3A_180 = arith.constant 2 : i32
        %add3A_181 = arith.addi %mul3A_179, %add3A_180 : i32
        %dma_wait3A_182 = arith.constant 0 : i32
        %dma_wait3A_183 = tpu.memref_slice %arg7[%add3A_181, %dma_wait3A_182] : memref<250x80xi32, #tpu.memory_space<vmem>> -> memref<1x80xi32, #tpu.memory_space<vmem>>
        %dma_wait3A_184 = tpu.memref_squeeze %dma_wait3A_183 : memref<1x80xi32, #tpu.memory_space<vmem>> -> memref<80xi32, #tpu.memory_space<vmem>>
        %dma_wait3A_185 = arith.constant 0 : i32
        %dma_wait3A_186 = arith.constant 0 : i32
        %dma_wait3A_187 = tpu.memref_slice %arg5[%dma_wait3A_185, %dma_wait3A_186] : memref<10000x64xf32, #tpu.memory_space<hbm>> -> memref<10000x64xf32, #tpu.memory_space<hbm>>
        tpu.wait_indirect_dma semaphore(%arg21 : memref<!tpu.dma_semaphore, #tpu.memory_space<semaphore_mem>>) src(%dma_wait3A_187 : memref<10000x64xf32, #tpu.memory_space<hbm>>) dst(%arg11 : memref<80x64xf32, #tpu.memory_space<vmem>>)
        %dma_wait3A_188 = arith.constant 0 : i32
        %dma_wait3A_189 = arith.constant 0 : i32
        %dma_wait3A_190 = tpu.memref_slice %arg8[%dma_wait3A_188, %dma_wait3A_189] : memref<250x80xi32, #tpu.memory_space<vmem>> -> memref<1x80xi32, #tpu.memory_space<vmem>>
        %dma_wait3A_191 = tpu.memref_squeeze %dma_wait3A_190 : memref<1x80xi32, #tpu.memory_space<vmem>> -> memref<80xi32, #tpu.memory_space<vmem>>
        %dma_wait3A_192 = arith.constant 0 : i32
        %dma_wait3A_193 = arith.constant 0 : i32
        %dma_wait3A_194 = tpu.memref_slice %arg18[%dma_wait3A_192, %dma_wait3A_193] : memref<10000x64xf32, #tpu.memory_space<vmem_shared>> -> memref<10000x64xf32, #tpu.memory_space<vmem_shared>>
        tpu.wait_indirect_dma semaphore(%arg27 : memref<!tpu.dma_semaphore, #tpu.memory_space<semaphore_mem>>) src(%arg9 : memref<80x64xf32, #tpu.memory_space<vmem>>) dst(%dma_wait3A_194 : memref<10000x64xf32, #tpu.memory_space<vmem_shared>>)
        %add3A_195 = arith.constant 6 : i32
        %add3A_196 = arith.addi %add3A_181, %add3A_195 : i32
        %lt3A_197 = arith.constant 250 : i32
        %lt3A_198 = arith.cmpi slt, %add3A_196, %lt3A_197 : i32
        %convert_element_type3A_199 = arith.extui %lt3A_198 : i1 to i32
        %cond3A_200 = arith.constant 0 : i32
        %cond3A_201 = arith.cmpi ne, %convert_element_type3A_199, %cond3A_200 : i32
        scf.if %cond3A_201 {
          %add3A_358 = arith.constant 6 : i32
          %add3A_359 = arith.addi %add3A_181, %add3A_358 : i32
          %dma_start3A_360 = arith.constant 0 : i32
          %dma_start3A_361 = tpu.memref_slice %arg7[%add3A_359, %dma_start3A_360] : memref<250x80xi32, #tpu.memory_space<vmem>> -> memref<1x80xi32, #tpu.memory_space<vmem>>
          %dma_start3A_362 = tpu.memref_squeeze %dma_start3A_361 : memref<1x80xi32, #tpu.memory_space<vmem>> -> memref<80xi32, #tpu.memory_space<vmem>>
          %dma_start3A_363 = arith.constant 0 : i32
          %dma_start3A_364 = arith.constant 0 : i32
          %dma_start3A_365 = tpu.memref_slice %arg5[%dma_start3A_363, %dma_start3A_364] : memref<10000x64xf32, #tpu.memory_space<hbm>> -> memref<10000x64xf32, #tpu.memory_space<hbm>>
          tpu.enqueue_indirect_dma source(%dma_start3A_365 : memref<10000x64xf32, #tpu.memory_space<hbm>>) target(%arg9 : memref<80x64xf32, #tpu.memory_space<vmem>>) offsets(%dma_start3A_362 : memref<80xi32, #tpu.memory_space<vmem>>) semaphore(%arg19 : memref<!tpu.dma_semaphore, #tpu.memory_space<semaphore_mem>>)
        } else {
        }
        %dma_start3A_202 = arith.constant 0 : i32
        %dma_start3A_203 = tpu.memref_slice %arg8[%add3A_181, %dma_start3A_202] : memref<250x80xi32, #tpu.memory_space<vmem>> -> memref<1x80xi32, #tpu.memory_space<vmem>>
        %dma_start3A_204 = tpu.memref_squeeze %dma_start3A_203 : memref<1x80xi32, #tpu.memory_space<vmem>> -> memref<80xi32, #tpu.memory_space<vmem>>
        %dma_start3A_205 = arith.constant 0 : i32
        %dma_start3A_206 = arith.constant 0 : i32
        %dma_start3A_207 = tpu.memref_slice %arg18[%dma_start3A_205, %dma_start3A_206] : memref<10000x64xf32, #tpu.memory_space<vmem_shared>> -> memref<10000x64xf32, #tpu.memory_space<vmem_shared>>
        tpu.enqueue_indirect_dma source(%arg11 : memref<80x64xf32, #tpu.memory_space<vmem>>) target(%dma_start3A_207 : memref<10000x64xf32, #tpu.memory_space<vmem_shared>>) offsets(%dma_start3A_204 : memref<80xi32, #tpu.memory_space<vmem>>) semaphore(%arg29 : memref<!tpu.dma_semaphore, #tpu.memory_space<semaphore_mem>>) {add = true}
        %mul3A_208 = arith.constant 8 : i32
        %mul3A_209 = arith.muli %mul3A_208, %scan3A_124 : i32
        %add3A_210 = arith.constant 3 : i32
        %add3A_211 = arith.addi %mul3A_209, %add3A_210 : i32
        %dma_wait3A_212 = arith.constant 0 : i32
        %dma_wait3A_213 = tpu.memref_slice %arg7[%add3A_211, %dma_wait3A_212] : memref<250x80xi32, #tpu.memory_space<vmem>> -> memref<1x80xi32, #tpu.memory_space<vmem>>
        %dma_wait3A_214 = tpu.memref_squeeze %dma_wait3A_213 : memref<1x80xi32, #tpu.memory_space<vmem>> -> memref<80xi32, #tpu.memory_space<vmem>>
        %dma_wait3A_215 = arith.constant 0 : i32
        %dma_wait3A_216 = arith.constant 0 : i32
        %dma_wait3A_217 = tpu.memref_slice %arg5[%dma_wait3A_215, %dma_wait3A_216] : memref<10000x64xf32, #tpu.memory_space<hbm>> -> memref<10000x64xf32, #tpu.memory_space<hbm>>
        tpu.wait_indirect_dma semaphore(%arg22 : memref<!tpu.dma_semaphore, #tpu.memory_space<semaphore_mem>>) src(%dma_wait3A_217 : memref<10000x64xf32, #tpu.memory_space<hbm>>) dst(%arg12 : memref<80x64xf32, #tpu.memory_space<vmem>>)
        %dma_wait3A_218 = arith.constant 0 : i32
        %dma_wait3A_219 = arith.constant 0 : i32
        %dma_wait3A_220 = tpu.memref_slice %arg8[%dma_wait3A_218, %dma_wait3A_219] : memref<250x80xi32, #tpu.memory_space<vmem>> -> memref<1x80xi32, #tpu.memory_space<vmem>>
        %dma_wait3A_221 = tpu.memref_squeeze %dma_wait3A_220 : memref<1x80xi32, #tpu.memory_space<vmem>> -> memref<80xi32, #tpu.memory_space<vmem>>
        %dma_wait3A_222 = arith.constant 0 : i32
        %dma_wait3A_223 = arith.constant 0 : i32
        %dma_wait3A_224 = tpu.memref_slice %arg18[%dma_wait3A_222, %dma_wait3A_223] : memref<10000x64xf32, #tpu.memory_space<vmem_shared>> -> memref<10000x64xf32, #tpu.memory_space<vmem_shared>>
        tpu.wait_indirect_dma semaphore(%arg28 : memref<!tpu.dma_semaphore, #tpu.memory_space<semaphore_mem>>) src(%arg10 : memref<80x64xf32, #tpu.memory_space<vmem>>) dst(%dma_wait3A_224 : memref<10000x64xf32, #tpu.memory_space<vmem_shared>>)
        %add3A_225 = arith.constant 6 : i32
        %add3A_226 = arith.addi %add3A_211, %add3A_225 : i32
        %lt3A_227 = arith.constant 250 : i32
        %lt3A_228 = arith.cmpi slt, %add3A_226, %lt3A_227 : i32
        %convert_element_type3A_229 = arith.extui %lt3A_228 : i1 to i32
        %cond3A_230 = arith.constant 0 : i32
        %cond3A_231 = arith.cmpi ne, %convert_element_type3A_229, %cond3A_230 : i32
        scf.if %cond3A_231 {
          %add3A_358 = arith.constant 6 : i32
          %add3A_359 = arith.addi %add3A_211, %add3A_358 : i32
          %dma_start3A_360 = arith.constant 0 : i32
          %dma_start3A_361 = tpu.memref_slice %arg7[%add3A_359, %dma_start3A_360] : memref<250x80xi32, #tpu.memory_space<vmem>> -> memref<1x80xi32, #tpu.memory_space<vmem>>
          %dma_start3A_362 = tpu.memref_squeeze %dma_start3A_361 : memref<1x80xi32, #tpu.memory_space<vmem>> -> memref<80xi32, #tpu.memory_space<vmem>>
          %dma_start3A_363 = arith.constant 0 : i32
          %dma_start3A_364 = arith.constant 0 : i32
          %dma_start3A_365 = tpu.memref_slice %arg5[%dma_start3A_363, %dma_start3A_364] : memref<10000x64xf32, #tpu.memory_space<hbm>> -> memref<10000x64xf32, #tpu.memory_space<hbm>>
          tpu.enqueue_indirect_dma source(%dma_start3A_365 : memref<10000x64xf32, #tpu.memory_space<hbm>>) target(%arg10 : memref<80x64xf32, #tpu.memory_space<vmem>>) offsets(%dma_start3A_362 : memref<80xi32, #tpu.memory_space<vmem>>) semaphore(%arg20 : memref<!tpu.dma_semaphore, #tpu.memory_space<semaphore_mem>>)
        } else {
        }
        %dma_start3A_232 = arith.constant 0 : i32
        %dma_start3A_233 = tpu.memref_slice %arg8[%add3A_211, %dma_start3A_232] : memref<250x80xi32, #tpu.memory_space<vmem>> -> memref<1x80xi32, #tpu.memory_space<vmem>>
        %dma_start3A_234 = tpu.memref_squeeze %dma_start3A_233 : memref<1x80xi32, #tpu.memory_space<vmem>> -> memref<80xi32, #tpu.memory_space<vmem>>
        %dma_start3A_235 = arith.constant 0 : i32
        %dma_start3A_236 = arith.constant 0 : i32
        %dma_start3A_237 = tpu.memref_slice %arg18[%dma_start3A_235, %dma_start3A_236] : memref<10000x64xf32, #tpu.memory_space<vmem_shared>> -> memref<10000x64xf32, #tpu.memory_space<vmem_shared>>
        tpu.enqueue_indirect_dma source(%arg12 : memref<80x64xf32, #tpu.memory_space<vmem>>) target(%dma_start3A_237 : memref<10000x64xf32, #tpu.memory_space<vmem_shared>>) offsets(%dma_start3A_234 : memref<80xi32, #tpu.memory_space<vmem>>) semaphore(%arg30 : memref<!tpu.dma_semaphore, #tpu.memory_space<semaphore_mem>>) {add = true}
        %mul3A_238 = arith.constant 8 : i32
        %mul3A_239 = arith.muli %mul3A_238, %scan3A_124 : i32
        %add3A_240 = arith.constant 4 : i32
        %add3A_241 = arith.addi %mul3A_239, %add3A_240 : i32
        %dma_wait3A_242 = arith.constant 0 : i32
        %dma_wait3A_243 = tpu.memref_slice %arg7[%add3A_241, %dma_wait3A_242] : memref<250x80xi32, #tpu.memory_space<vmem>> -> memref<1x80xi32, #tpu.memory_space<vmem>>
        %dma_wait3A_244 = tpu.memref_squeeze %dma_wait3A_243 : memref<1x80xi32, #tpu.memory_space<vmem>> -> memref<80xi32, #tpu.memory_space<vmem>>
        %dma_wait3A_245 = arith.constant 0 : i32
        %dma_wait3A_246 = arith.constant 0 : i32
        %dma_wait3A_247 = tpu.memref_slice %arg5[%dma_wait3A_245, %dma_wait3A_246] : memref<10000x64xf32, #tpu.memory_space<hbm>> -> memref<10000x64xf32, #tpu.memory_space<hbm>>
        tpu.wait_indirect_dma semaphore(%arg23 : memref<!tpu.dma_semaphore, #tpu.memory_space<semaphore_mem>>) src(%dma_wait3A_247 : memref<10000x64xf32, #tpu.memory_space<hbm>>) dst(%arg13 : memref<80x64xf32, #tpu.memory_space<vmem>>)
        %dma_wait3A_248 = arith.constant 0 : i32
        %dma_wait3A_249 = arith.constant 0 : i32
        %dma_wait3A_250 = tpu.memref_slice %arg8[%dma_wait3A_248, %dma_wait3A_249] : memref<250x80xi32, #tpu.memory_space<vmem>> -> memref<1x80xi32, #tpu.memory_space<vmem>>
        %dma_wait3A_251 = tpu.memref_squeeze %dma_wait3A_250 : memref<1x80xi32, #tpu.memory_space<vmem>> -> memref<80xi32, #tpu.memory_space<vmem>>
        %dma_wait3A_252 = arith.constant 0 : i32
        %dma_wait3A_253 = arith.constant 0 : i32
        %dma_wait3A_254 = tpu.memref_slice %arg18[%dma_wait3A_252, %dma_wait3A_253] : memref<10000x64xf32, #tpu.memory_space<vmem_shared>> -> memref<10000x64xf32, #tpu.memory_space<vmem_shared>>
        tpu.wait_indirect_dma semaphore(%arg29 : memref<!tpu.dma_semaphore, #tpu.memory_space<semaphore_mem>>) src(%arg11 : memref<80x64xf32, #tpu.memory_space<vmem>>) dst(%dma_wait3A_254 : memref<10000x64xf32, #tpu.memory_space<vmem_shared>>)
        %add3A_255 = arith.constant 6 : i32
        %add3A_256 = arith.addi %add3A_241, %add3A_255 : i32
        %lt3A_257 = arith.constant 250 : i32
        %lt3A_258 = arith.cmpi slt, %add3A_256, %lt3A_257 : i32
        %convert_element_type3A_259 = arith.extui %lt3A_258 : i1 to i32
        %cond3A_260 = arith.constant 0 : i32
        %cond3A_261 = arith.cmpi ne, %convert_element_type3A_259, %cond3A_260 : i32
        scf.if %cond3A_261 {
          %add3A_358 = arith.constant 6 : i32
          %add3A_359 = arith.addi %add3A_241, %add3A_358 : i32
          %dma_start3A_360 = arith.constant 0 : i32
          %dma_start3A_361 = tpu.memref_slice %arg7[%add3A_359, %dma_start3A_360] : memref<250x80xi32, #tpu.memory_space<vmem>> -> memref<1x80xi32, #tpu.memory_space<vmem>>
          %dma_start3A_362 = tpu.memref_squeeze %dma_start3A_361 : memref<1x80xi32, #tpu.memory_space<vmem>> -> memref<80xi32, #tpu.memory_space<vmem>>
          %dma_start3A_363 = arith.constant 0 : i32
          %dma_start3A_364 = arith.constant 0 : i32
          %dma_start3A_365 = tpu.memref_slice %arg5[%dma_start3A_363, %dma_start3A_364] : memref<10000x64xf32, #tpu.memory_space<hbm>> -> memref<10000x64xf32, #tpu.memory_space<hbm>>
          tpu.enqueue_indirect_dma source(%dma_start3A_365 : memref<10000x64xf32, #tpu.memory_space<hbm>>) target(%arg11 : memref<80x64xf32, #tpu.memory_space<vmem>>) offsets(%dma_start3A_362 : memref<80xi32, #tpu.memory_space<vmem>>) semaphore(%arg21 : memref<!tpu.dma_semaphore, #tpu.memory_space<semaphore_mem>>)
        } else {
        }
        %dma_start3A_262 = arith.constant 0 : i32
        %dma_start3A_263 = tpu.memref_slice %arg8[%add3A_241, %dma_start3A_262] : memref<250x80xi32, #tpu.memory_space<vmem>> -> memref<1x80xi32, #tpu.memory_space<vmem>>
        %dma_start3A_264 = tpu.memref_squeeze %dma_start3A_263 : memref<1x80xi32, #tpu.memory_space<vmem>> -> memref<80xi32, #tpu.memory_space<vmem>>
        %dma_start3A_265 = arith.constant 0 : i32
        %dma_start3A_266 = arith.constant 0 : i32
        %dma_start3A_267 = tpu.memref_slice %arg18[%dma_start3A_265, %dma_start3A_266] : memref<10000x64xf32, #tpu.memory_space<vmem_shared>> -> memref<10000x64xf32, #tpu.memory_space<vmem_shared>>
        tpu.enqueue_indirect_dma source(%arg13 : memref<80x64xf32, #tpu.memory_space<vmem>>) target(%dma_start3A_267 : memref<10000x64xf32, #tpu.memory_space<vmem_shared>>) offsets(%dma_start3A_264 : memref<80xi32, #tpu.memory_space<vmem>>) semaphore(%arg31 : memref<!tpu.dma_semaphore, #tpu.memory_space<semaphore_mem>>) {add = true}
        %mul3A_268 = arith.constant 8 : i32
        %mul3A_269 = arith.muli %mul3A_268, %scan3A_124 : i32
        %add3A_270 = arith.constant 5 : i32
        %add3A_271 = arith.addi %mul3A_269, %add3A_270 : i32
        %dma_wait3A_272 = arith.constant 0 : i32
        %dma_wait3A_273 = tpu.memref_slice %arg7[%add3A_271, %dma_wait3A_272] : memref<250x80xi32, #tpu.memory_space<vmem>> -> memref<1x80xi32, #tpu.memory_space<vmem>>
        %dma_wait3A_274 = tpu.memref_squeeze %dma_wait3A_273 : memref<1x80xi32, #tpu.memory_space<vmem>> -> memref<80xi32, #tpu.memory_space<vmem>>
        %dma_wait3A_275 = arith.constant 0 : i32
        %dma_wait3A_276 = arith.constant 0 : i32
        %dma_wait3A_277 = tpu.memref_slice %arg5[%dma_wait3A_275, %dma_wait3A_276] : memref<10000x64xf32, #tpu.memory_space<hbm>> -> memref<10000x64xf32, #tpu.memory_space<hbm>>
        tpu.wait_indirect_dma semaphore(%arg24 : memref<!tpu.dma_semaphore, #tpu.memory_space<semaphore_mem>>) src(%dma_wait3A_277 : memref<10000x64xf32, #tpu.memory_space<hbm>>) dst(%arg14 : memref<80x64xf32, #tpu.memory_space<vmem>>)
        %dma_wait3A_278 = arith.constant 0 : i32
        %dma_wait3A_279 = arith.constant 0 : i32
        %dma_wait3A_280 = tpu.memref_slice %arg8[%dma_wait3A_278, %dma_wait3A_279] : memref<250x80xi32, #tpu.memory_space<vmem>> -> memref<1x80xi32, #tpu.memory_space<vmem>>
        %dma_wait3A_281 = tpu.memref_squeeze %dma_wait3A_280 : memref<1x80xi32, #tpu.memory_space<vmem>> -> memref<80xi32, #tpu.memory_space<vmem>>
        %dma_wait3A_282 = arith.constant 0 : i32
        %dma_wait3A_283 = arith.constant 0 : i32
        %dma_wait3A_284 = tpu.memref_slice %arg18[%dma_wait3A_282, %dma_wait3A_283] : memref<10000x64xf32, #tpu.memory_space<vmem_shared>> -> memref<10000x64xf32, #tpu.memory_space<vmem_shared>>
        tpu.wait_indirect_dma semaphore(%arg30 : memref<!tpu.dma_semaphore, #tpu.memory_space<semaphore_mem>>) src(%arg12 : memref<80x64xf32, #tpu.memory_space<vmem>>) dst(%dma_wait3A_284 : memref<10000x64xf32, #tpu.memory_space<vmem_shared>>)
        %add3A_285 = arith.constant 6 : i32
        %add3A_286 = arith.addi %add3A_271, %add3A_285 : i32
        %lt3A_287 = arith.constant 250 : i32
        %lt3A_288 = arith.cmpi slt, %add3A_286, %lt3A_287 : i32
        %convert_element_type3A_289 = arith.extui %lt3A_288 : i1 to i32
        %cond3A_290 = arith.constant 0 : i32
        %cond3A_291 = arith.cmpi ne, %convert_element_type3A_289, %cond3A_290 : i32
        scf.if %cond3A_291 {
          %add3A_358 = arith.constant 6 : i32
          %add3A_359 = arith.addi %add3A_271, %add3A_358 : i32
          %dma_start3A_360 = arith.constant 0 : i32
          %dma_start3A_361 = tpu.memref_slice %arg7[%add3A_359, %dma_start3A_360] : memref<250x80xi32, #tpu.memory_space<vmem>> -> memref<1x80xi32, #tpu.memory_space<vmem>>
          %dma_start3A_362 = tpu.memref_squeeze %dma_start3A_361 : memref<1x80xi32, #tpu.memory_space<vmem>> -> memref<80xi32, #tpu.memory_space<vmem>>
          %dma_start3A_363 = arith.constant 0 : i32
          %dma_start3A_364 = arith.constant 0 : i32
          %dma_start3A_365 = tpu.memref_slice %arg5[%dma_start3A_363, %dma_start3A_364] : memref<10000x64xf32, #tpu.memory_space<hbm>> -> memref<10000x64xf32, #tpu.memory_space<hbm>>
          tpu.enqueue_indirect_dma source(%dma_start3A_365 : memref<10000x64xf32, #tpu.memory_space<hbm>>) target(%arg12 : memref<80x64xf32, #tpu.memory_space<vmem>>) offsets(%dma_start3A_362 : memref<80xi32, #tpu.memory_space<vmem>>) semaphore(%arg22 : memref<!tpu.dma_semaphore, #tpu.memory_space<semaphore_mem>>)
        } else {
        }
        %dma_start3A_292 = arith.constant 0 : i32
        %dma_start3A_293 = tpu.memref_slice %arg8[%add3A_271, %dma_start3A_292] : memref<250x80xi32, #tpu.memory_space<vmem>> -> memref<1x80xi32, #tpu.memory_space<vmem>>
        %dma_start3A_294 = tpu.memref_squeeze %dma_start3A_293 : memref<1x80xi32, #tpu.memory_space<vmem>> -> memref<80xi32, #tpu.memory_space<vmem>>
        %dma_start3A_295 = arith.constant 0 : i32
        %dma_start3A_296 = arith.constant 0 : i32
        %dma_start3A_297 = tpu.memref_slice %arg18[%dma_start3A_295, %dma_start3A_296] : memref<10000x64xf32, #tpu.memory_space<vmem_shared>> -> memref<10000x64xf32, #tpu.memory_space<vmem_shared>>
        tpu.enqueue_indirect_dma source(%arg14 : memref<80x64xf32, #tpu.memory_space<vmem>>) target(%dma_start3A_297 : memref<10000x64xf32, #tpu.memory_space<vmem_shared>>) offsets(%dma_start3A_294 : memref<80xi32, #tpu.memory_space<vmem>>) semaphore(%arg32 : memref<!tpu.dma_semaphore, #tpu.memory_space<semaphore_mem>>) {add = true}
        %mul3A_298 = arith.constant 8 : i32
        %mul3A_299 = arith.muli %mul3A_298, %scan3A_124 : i32
        %add3A_300 = arith.constant 6 : i32
        %add3A_301 = arith.addi %mul3A_299, %add3A_300 : i32
        %dma_wait3A_302 = arith.constant 0 : i32
        %dma_wait3A_303 = tpu.memref_slice %arg7[%add3A_301, %dma_wait3A_302] : memref<250x80xi32, #tpu.memory_space<vmem>> -> memref<1x80xi32, #tpu.memory_space<vmem>>
        %dma_wait3A_304 = tpu.memref_squeeze %dma_wait3A_303 : memref<1x80xi32, #tpu.memory_space<vmem>> -> memref<80xi32, #tpu.memory_space<vmem>>
        %dma_wait3A_305 = arith.constant 0 : i32
        %dma_wait3A_306 = arith.constant 0 : i32
        %dma_wait3A_307 = tpu.memref_slice %arg5[%dma_wait3A_305, %dma_wait3A_306] : memref<10000x64xf32, #tpu.memory_space<hbm>> -> memref<10000x64xf32, #tpu.memory_space<hbm>>
        tpu.wait_indirect_dma semaphore(%arg25 : memref<!tpu.dma_semaphore, #tpu.memory_space<semaphore_mem>>) src(%dma_wait3A_307 : memref<10000x64xf32, #tpu.memory_space<hbm>>) dst(%arg15 : memref<80x64xf32, #tpu.memory_space<vmem>>)
        %dma_wait3A_308 = arith.constant 0 : i32
        %dma_wait3A_309 = arith.constant 0 : i32
        %dma_wait3A_310 = tpu.memref_slice %arg8[%dma_wait3A_308, %dma_wait3A_309] : memref<250x80xi32, #tpu.memory_space<vmem>> -> memref<1x80xi32, #tpu.memory_space<vmem>>
        %dma_wait3A_311 = tpu.memref_squeeze %dma_wait3A_310 : memref<1x80xi32, #tpu.memory_space<vmem>> -> memref<80xi32, #tpu.memory_space<vmem>>
        %dma_wait3A_312 = arith.constant 0 : i32
        %dma_wait3A_313 = arith.constant 0 : i32
        %dma_wait3A_314 = tpu.memref_slice %arg18[%dma_wait3A_312, %dma_wait3A_313] : memref<10000x64xf32, #tpu.memory_space<vmem_shared>> -> memref<10000x64xf32, #tpu.memory_space<vmem_shared>>
        tpu.wait_indirect_dma semaphore(%arg31 : memref<!tpu.dma_semaphore, #tpu.memory_space<semaphore_mem>>) src(%arg13 : memref<80x64xf32, #tpu.memory_space<vmem>>) dst(%dma_wait3A_314 : memref<10000x64xf32, #tpu.memory_space<vmem_shared>>)
        %add3A_315 = arith.constant 6 : i32
        %add3A_316 = arith.addi %add3A_301, %add3A_315 : i32
        %lt3A_317 = arith.constant 250 : i32
        %lt3A_318 = arith.cmpi slt, %add3A_316, %lt3A_317 : i32
        %convert_element_type3A_319 = arith.extui %lt3A_318 : i1 to i32
        %cond3A_320 = arith.constant 0 : i32
        %cond3A_321 = arith.cmpi ne, %convert_element_type3A_319, %cond3A_320 : i32
        scf.if %cond3A_321 {
          %add3A_358 = arith.constant 6 : i32
          %add3A_359 = arith.addi %add3A_301, %add3A_358 : i32
          %dma_start3A_360 = arith.constant 0 : i32
          %dma_start3A_361 = tpu.memref_slice %arg7[%add3A_359, %dma_start3A_360] : memref<250x80xi32, #tpu.memory_space<vmem>> -> memref<1x80xi32, #tpu.memory_space<vmem>>
          %dma_start3A_362 = tpu.memref_squeeze %dma_start3A_361 : memref<1x80xi32, #tpu.memory_space<vmem>> -> memref<80xi32, #tpu.memory_space<vmem>>
          %dma_start3A_363 = arith.constant 0 : i32
          %dma_start3A_364 = arith.constant 0 : i32
          %dma_start3A_365 = tpu.memref_slice %arg5[%dma_start3A_363, %dma_start3A_364] : memref<10000x64xf32, #tpu.memory_space<hbm>> -> memref<10000x64xf32, #tpu.memory_space<hbm>>
          tpu.enqueue_indirect_dma source(%dma_start3A_365 : memref<10000x64xf32, #tpu.memory_space<hbm>>) target(%arg13 : memref<80x64xf32, #tpu.memory_space<vmem>>) offsets(%dma_start3A_362 : memref<80xi32, #tpu.memory_space<vmem>>) semaphore(%arg23 : memref<!tpu.dma_semaphore, #tpu.memory_space<semaphore_mem>>)
        } else {
        }
        %dma_start3A_322 = arith.constant 0 : i32
        %dma_start3A_323 = tpu.memref_slice %arg8[%add3A_301, %dma_start3A_322] : memref<250x80xi32, #tpu.memory_space<vmem>> -> memref<1x80xi32, #tpu.memory_space<vmem>>
        %dma_start3A_324 = tpu.memref_squeeze %dma_start3A_323 : memref<1x80xi32, #tpu.memory_space<vmem>> -> memref<80xi32, #tpu.memory_space<vmem>>
        %dma_start3A_325 = arith.constant 0 : i32
        %dma_start3A_326 = arith.constant 0 : i32
        %dma_start3A_327 = tpu.memref_slice %arg18[%dma_start3A_325, %dma_start3A_326] : memref<10000x64xf32, #tpu.memory_space<vmem_shared>> -> memref<10000x64xf32, #tpu.memory_space<vmem_shared>>
        tpu.enqueue_indirect_dma source(%arg15 : memref<80x64xf32, #tpu.memory_space<vmem>>) target(%dma_start3A_327 : memref<10000x64xf32, #tpu.memory_space<vmem_shared>>) offsets(%dma_start3A_324 : memref<80xi32, #tpu.memory_space<vmem>>) semaphore(%arg33 : memref<!tpu.dma_semaphore, #tpu.memory_space<semaphore_mem>>) {add = true}
        %mul3A_328 = arith.constant 8 : i32
        %mul3A_329 = arith.muli %mul3A_328, %scan3A_124 : i32
        %add3A_330 = arith.constant 7 : i32
        %add3A_331 = arith.addi %mul3A_329, %add3A_330 : i32
        %dma_wait3A_332 = arith.constant 0 : i32
        %dma_wait3A_333 = tpu.memref_slice %arg7[%add3A_331, %dma_wait3A_332] : memref<250x80xi32, #tpu.memory_space<vmem>> -> memref<1x80xi32, #tpu.memory_space<vmem>>
        %dma_wait3A_334 = tpu.memref_squeeze %dma_wait3A_333 : memref<1x80xi32, #tpu.memory_space<vmem>> -> memref<80xi32, #tpu.memory_space<vmem>>
        %dma_wait3A_335 = arith.constant 0 : i32
        %dma_wait3A_336 = arith.constant 0 : i32
        %dma_wait3A_337 = tpu.memref_slice %arg5[%dma_wait3A_335, %dma_wait3A_336] : memref<10000x64xf32, #tpu.memory_space<hbm>> -> memref<10000x64xf32, #tpu.memory_space<hbm>>
        tpu.wait_indirect_dma semaphore(%arg26 : memref<!tpu.dma_semaphore, #tpu.memory_space<semaphore_mem>>) src(%dma_wait3A_337 : memref<10000x64xf32, #tpu.memory_space<hbm>>) dst(%arg16 : memref<80x64xf32, #tpu.memory_space<vmem>>)
        %dma_wait3A_338 = arith.constant 0 : i32
        %dma_wait3A_339 = arith.constant 0 : i32
        %dma_wait3A_340 = tpu.memref_slice %arg8[%dma_wait3A_338, %dma_wait3A_339] : memref<250x80xi32, #tpu.memory_space<vmem>> -> memref<1x80xi32, #tpu.memory_space<vmem>>
        %dma_wait3A_341 = tpu.memref_squeeze %dma_wait3A_340 : memref<1x80xi32, #tpu.memory_space<vmem>> -> memref<80xi32, #tpu.memory_space<vmem>>
        %dma_wait3A_342 = arith.constant 0 : i32
        %dma_wait3A_343 = arith.constant 0 : i32
        %dma_wait3A_344 = tpu.memref_slice %arg18[%dma_wait3A_342, %dma_wait3A_343] : memref<10000x64xf32, #tpu.memory_space<vmem_shared>> -> memref<10000x64xf32, #tpu.memory_space<vmem_shared>>
        tpu.wait_indirect_dma semaphore(%arg32 : memref<!tpu.dma_semaphore, #tpu.memory_space<semaphore_mem>>) src(%arg14 : memref<80x64xf32, #tpu.memory_space<vmem>>) dst(%dma_wait3A_344 : memref<10000x64xf32, #tpu.memory_space<vmem_shared>>)
        %add3A_345 = arith.constant 6 : i32
        %add3A_346 = arith.addi %add3A_331, %add3A_345 : i32
        %lt3A_347 = arith.constant 250 : i32
        %lt3A_348 = arith.cmpi slt, %add3A_346, %lt3A_347 : i32
        %convert_element_type3A_349 = arith.extui %lt3A_348 : i1 to i32
        %cond3A_350 = arith.constant 0 : i32
        %cond3A_351 = arith.cmpi ne, %convert_element_type3A_349, %cond3A_350 : i32
        scf.if %cond3A_351 {
          %add3A_358 = arith.constant 6 : i32
          %add3A_359 = arith.addi %add3A_331, %add3A_358 : i32
          %dma_start3A_360 = arith.constant 0 : i32
          %dma_start3A_361 = tpu.memref_slice %arg7[%add3A_359, %dma_start3A_360] : memref<250x80xi32, #tpu.memory_space<vmem>> -> memref<1x80xi32, #tpu.memory_space<vmem>>
          %dma_start3A_362 = tpu.memref_squeeze %dma_start3A_361 : memref<1x80xi32, #tpu.memory_space<vmem>> -> memref<80xi32, #tpu.memory_space<vmem>>
          %dma_start3A_363 = arith.constant 0 : i32
          %dma_start3A_364 = arith.constant 0 : i32
          %dma_start3A_365 = tpu.memref_slice %arg5[%dma_start3A_363, %dma_start3A_364] : memref<10000x64xf32, #tpu.memory_space<hbm>> -> memref<10000x64xf32, #tpu.memory_space<hbm>>
          tpu.enqueue_indirect_dma source(%dma_start3A_365 : memref<10000x64xf32, #tpu.memory_space<hbm>>) target(%arg14 : memref<80x64xf32, #tpu.memory_space<vmem>>) offsets(%dma_start3A_362 : memref<80xi32, #tpu.memory_space<vmem>>) semaphore(%arg24 : memref<!tpu.dma_semaphore, #tpu.memory_space<semaphore_mem>>)
        } else {
        }
        %dma_start3A_352 = arith.constant 0 : i32
        %dma_start3A_353 = tpu.memref_slice %arg8[%add3A_331, %dma_start3A_352] : memref<250x80xi32, #tpu.memory_space<vmem>> -> memref<1x80xi32, #tpu.memory_space<vmem>>
        %dma_start3A_354 = tpu.memref_squeeze %dma_start3A_353 : memref<1x80xi32, #tpu.memory_space<vmem>> -> memref<80xi32, #tpu.memory_space<vmem>>
        %dma_start3A_355 = arith.constant 0 : i32
        %dma_start3A_356 = arith.constant 0 : i32
        %dma_start3A_357 = tpu.memref_slice %arg18[%dma_start3A_355, %dma_start3A_356] : memref<10000x64xf32, #tpu.memory_space<vmem_shared>> -> memref<10000x64xf32, #tpu.memory_space<vmem_shared>>
        tpu.enqueue_indirect_dma source(%arg16 : memref<80x64xf32, #tpu.memory_space<vmem>>) target(%dma_start3A_357 : memref<10000x64xf32, #tpu.memory_space<vmem_shared>>) offsets(%dma_start3A_354 : memref<80xi32, #tpu.memory_space<vmem>>) semaphore(%arg34 : memref<!tpu.dma_semaphore, #tpu.memory_space<semaphore_mem>>) {add = true}
      }
      %scan3A_68 = arith.constant 31 : i32
      %dma_wait3A = arith.constant 248 : i32
      %dma_wait3A_69 = arith.constant 0 : i32
      %dma_wait3A_70 = tpu.memref_slice %arg7[%dma_wait3A, %dma_wait3A_69] : memref<250x80xi32, #tpu.memory_space<vmem>> -> memref<1x80xi32, #tpu.memory_space<vmem>>
      %dma_wait3A_71 = tpu.memref_squeeze %dma_wait3A_70 : memref<1x80xi32, #tpu.memory_space<vmem>> -> memref<80xi32, #tpu.memory_space<vmem>>
      %dma_wait3A_72 = arith.constant 0 : i32
      %dma_wait3A_73 = arith.constant 0 : i32
      %dma_wait3A_74 = tpu.memref_slice %arg5[%dma_wait3A_72, %dma_wait3A_73] : memref<10000x64xf32, #tpu.memory_space<hbm>> -> memref<10000x64xf32, #tpu.memory_space<hbm>>
      tpu.wait_indirect_dma semaphore(%arg19 : memref<!tpu.dma_semaphore, #tpu.memory_space<semaphore_mem>>) src(%dma_wait3A_74 : memref<10000x64xf32, #tpu.memory_space<hbm>>) dst(%arg9 : memref<80x64xf32, #tpu.memory_space<vmem>>)
      %dma_wait3A_75 = arith.constant 0 : i32
      %dma_wait3A_76 = arith.constant 0 : i32
      %dma_wait3A_77 = tpu.memref_slice %arg8[%dma_wait3A_75, %dma_wait3A_76] : memref<250x80xi32, #tpu.memory_space<vmem>> -> memref<1x80xi32, #tpu.memory_space<vmem>>
      %dma_wait3A_78 = tpu.memref_squeeze %dma_wait3A_77 : memref<1x80xi32, #tpu.memory_space<vmem>> -> memref<80xi32, #tpu.memory_space<vmem>>
      %dma_wait3A_79 = arith.constant 0 : i32
      %dma_wait3A_80 = arith.constant 0 : i32
      %dma_wait3A_81 = tpu.memref_slice %arg18[%dma_wait3A_79, %dma_wait3A_80] : memref<10000x64xf32, #tpu.memory_space<vmem_shared>> -> memref<10000x64xf32, #tpu.memory_space<vmem_shared>>
      tpu.wait_indirect_dma semaphore(%arg33 : memref<!tpu.dma_semaphore, #tpu.memory_space<semaphore_mem>>) src(%arg15 : memref<80x64xf32, #tpu.memory_space<vmem>>) dst(%dma_wait3A_81 : memref<10000x64xf32, #tpu.memory_space<vmem_shared>>)
      %dma_start3A_82 = arith.constant 248 : i32
      %dma_start3A_83 = arith.constant 0 : i32
      %dma_start3A_84 = tpu.memref_slice %arg8[%dma_start3A_82, %dma_start3A_83] : memref<250x80xi32, #tpu.memory_space<vmem>> -> memref<1x80xi32, #tpu.memory_space<vmem>>
      %dma_start3A_85 = tpu.memref_squeeze %dma_start3A_84 : memref<1x80xi32, #tpu.memory_space<vmem>> -> memref<80xi32, #tpu.memory_space<vmem>>
      %dma_start3A_86 = arith.constant 0 : i32
      %dma_start3A_87 = arith.constant 0 : i32
      %dma_start3A_88 = tpu.memref_slice %arg18[%dma_start3A_86, %dma_start3A_87] : memref<10000x64xf32, #tpu.memory_space<vmem_shared>> -> memref<10000x64xf32, #tpu.memory_space<vmem_shared>>
      tpu.enqueue_indirect_dma source(%arg9 : memref<80x64xf32, #tpu.memory_space<vmem>>) target(%dma_start3A_88 : memref<10000x64xf32, #tpu.memory_space<vmem_shared>>) offsets(%dma_start3A_85 : memref<80xi32, #tpu.memory_space<vmem>>) semaphore(%arg27 : memref<!tpu.dma_semaphore, #tpu.memory_space<semaphore_mem>>) {add = true}
      %dma_wait3A_89 = arith.constant 249 : i32
      %dma_wait3A_90 = arith.constant 0 : i32
      %dma_wait3A_91 = tpu.memref_slice %arg7[%dma_wait3A_89, %dma_wait3A_90] : memref<250x80xi32, #tpu.memory_space<vmem>> -> memref<1x80xi32, #tpu.memory_space<vmem>>
      %dma_wait3A_92 = tpu.memref_squeeze %dma_wait3A_91 : memref<1x80xi32, #tpu.memory_space<vmem>> -> memref<80xi32, #tpu.memory_space<vmem>>
      %dma_wait3A_93 = arith.constant 0 : i32
      %dma_wait3A_94 = arith.constant 0 : i32
      %dma_wait3A_95 = tpu.memref_slice %arg5[%dma_wait3A_93, %dma_wait3A_94] : memref<10000x64xf32, #tpu.memory_space<hbm>> -> memref<10000x64xf32, #tpu.memory_space<hbm>>
      tpu.wait_indirect_dma semaphore(%arg20 : memref<!tpu.dma_semaphore, #tpu.memory_space<semaphore_mem>>) src(%dma_wait3A_95 : memref<10000x64xf32, #tpu.memory_space<hbm>>) dst(%arg10 : memref<80x64xf32, #tpu.memory_space<vmem>>)
      %dma_wait3A_96 = arith.constant 0 : i32
      %dma_wait3A_97 = arith.constant 0 : i32
      %dma_wait3A_98 = tpu.memref_slice %arg8[%dma_wait3A_96, %dma_wait3A_97] : memref<250x80xi32, #tpu.memory_space<vmem>> -> memref<1x80xi32, #tpu.memory_space<vmem>>
      %dma_wait3A_99 = tpu.memref_squeeze %dma_wait3A_98 : memref<1x80xi32, #tpu.memory_space<vmem>> -> memref<80xi32, #tpu.memory_space<vmem>>
      %dma_wait3A_100 = arith.constant 0 : i32
      %dma_wait3A_101 = arith.constant 0 : i32
      %dma_wait3A_102 = tpu.memref_slice %arg18[%dma_wait3A_100, %dma_wait3A_101] : memref<10000x64xf32, #tpu.memory_space<vmem_shared>> -> memref<10000x64xf32, #tpu.memory_space<vmem_shared>>
      tpu.wait_indirect_dma semaphore(%arg34 : memref<!tpu.dma_semaphore, #tpu.memory_space<semaphore_mem>>) src(%arg16 : memref<80x64xf32, #tpu.memory_space<vmem>>) dst(%dma_wait3A_102 : memref<10000x64xf32, #tpu.memory_space<vmem_shared>>)
      %dma_start3A_103 = arith.constant 249 : i32
      %dma_start3A_104 = arith.constant 0 : i32
      %dma_start3A_105 = tpu.memref_slice %arg8[%dma_start3A_103, %dma_start3A_104] : memref<250x80xi32, #tpu.memory_space<vmem>> -> memref<1x80xi32, #tpu.memory_space<vmem>>
      %dma_start3A_106 = tpu.memref_squeeze %dma_start3A_105 : memref<1x80xi32, #tpu.memory_space<vmem>> -> memref<80xi32, #tpu.memory_space<vmem>>
      %dma_start3A_107 = arith.constant 0 : i32
      %dma_start3A_108 = arith.constant 0 : i32
      %dma_start3A_109 = tpu.memref_slice %arg18[%dma_start3A_107, %dma_start3A_108] : memref<10000x64xf32, #tpu.memory_space<vmem_shared>> -> memref<10000x64xf32, #tpu.memory_space<vmem_shared>>
      tpu.enqueue_indirect_dma source(%arg10 : memref<80x64xf32, #tpu.memory_space<vmem>>) target(%dma_start3A_109 : memref<10000x64xf32, #tpu.memory_space<vmem_shared>>) offsets(%dma_start3A_106 : memref<80xi32, #tpu.memory_space<vmem>>) semaphore(%arg28 : memref<!tpu.dma_semaphore, #tpu.memory_space<semaphore_mem>>) {add = true}
      %dma_wait3A_110 = arith.constant 0 : i32
      %dma_wait3A_111 = arith.constant 0 : i32
      %dma_wait3A_112 = tpu.memref_slice %arg8[%dma_wait3A_110, %dma_wait3A_111] : memref<250x80xi32, #tpu.memory_space<vmem>> -> memref<1x80xi32, #tpu.memory_space<vmem>>
      %dma_wait3A_113 = tpu.memref_squeeze %dma_wait3A_112 : memref<1x80xi32, #tpu.memory_space<vmem>> -> memref<80xi32, #tpu.memory_space<vmem>>
      %dma_wait3A_114 = arith.constant 0 : i32
      %dma_wait3A_115 = arith.constant 0 : i32
      %dma_wait3A_116 = tpu.memref_slice %arg18[%dma_wait3A_114, %dma_wait3A_115] : memref<10000x64xf32, #tpu.memory_space<vmem_shared>> -> memref<10000x64xf32, #tpu.memory_space<vmem_shared>>
      tpu.wait_indirect_dma semaphore(%arg27 : memref<!tpu.dma_semaphore, #tpu.memory_space<semaphore_mem>>) src(%arg9 : memref<80x64xf32, #tpu.memory_space<vmem>>) dst(%dma_wait3A_116 : memref<10000x64xf32, #tpu.memory_space<vmem_shared>>)
      %dma_wait3A_117 = arith.constant 0 : i32
      %dma_wait3A_118 = arith.constant 0 : i32
      %dma_wait3A_119 = tpu.memref_slice %arg8[%dma_wait3A_117, %dma_wait3A_118] : memref<250x80xi32, #tpu.memory_space<vmem>> -> memref<1x80xi32, #tpu.memory_space<vmem>>
      %dma_wait3A_120 = tpu.memref_squeeze %dma_wait3A_119 : memref<1x80xi32, #tpu.memory_space<vmem>> -> memref<80xi32, #tpu.memory_space<vmem>>
      %dma_wait3A_121 = arith.constant 0 : i32
      %dma_wait3A_122 = arith.constant 0 : i32
      %dma_wait3A_123 = tpu.memref_slice %arg18[%dma_wait3A_121, %dma_wait3A_122] : memref<10000x64xf32, #tpu.memory_space<vmem_shared>> -> memref<10000x64xf32, #tpu.memory_space<vmem_shared>>
      tpu.wait_indirect_dma semaphore(%arg28 : memref<!tpu.dma_semaphore, #tpu.memory_space<semaphore_mem>>) src(%arg10 : memref<80x64xf32, #tpu.memory_space<vmem>>) dst(%dma_wait3A_123 : memref<10000x64xf32, #tpu.memory_space<vmem_shared>>)
    } else {
    }
    %barrier3A_18 = arith.constant 0 : index
    tpu.barrier barrier_id(%barrier3A_18)
    %mul3A = arith.constant 624 : i32
    %mul3A_19 = arith.muli %arg1, %mul3A : i32
    %mul3A_20 = arith.constant 624 : i32
    %mul3A_21 = arith.muli %arg1, %mul3A_20 : i32
    "tpu.region"() ({
      %run_scoped3A = tpu.sem_alloc : memref<!tpu.dma_semaphore, #tpu.memory_space<semaphore_mem>>
      %dma_start3A = arith.constant 0 : i32
      %dma_start3A_22 = tpu.memref_slice %arg6[%arg0, %mul3A_21, %dma_start3A] : memref<2x10000x64xf32, #tpu.memory_space<hbm>> -> memref<1x640x64xf32, #tpu.memory_space<hbm>>
      %dma_start3A_23 = tpu.memref_squeeze %dma_start3A_22 : memref<1x640x64xf32, #tpu.memory_space<hbm>> -> memref<640x64xf32, #tpu.memory_space<hbm>>
      %dma_start3A_24 = arith.constant 0 : i32
      %dma_start3A_25 = tpu.memref_slice %arg18[%mul3A_19, %dma_start3A_24] : memref<10000x64xf32, #tpu.memory_space<vmem_shared>> -> memref<640x64xf32, #tpu.memory_space<vmem_shared>>
      tpu.enqueue_dma source(%dma_start3A_25 : memref<640x64xf32, #tpu.memory_space<vmem_shared>>) target(%dma_start3A_23 : memref<640x64xf32, #tpu.memory_space<hbm>>) target_semaphore(%run_scoped3A : memref<!tpu.dma_semaphore, #tpu.memory_space<semaphore_mem>>)
      %dma_wait3A = arith.constant 0 : i32
      %dma_wait3A_26 = tpu.memref_slice %arg6[%arg0, %mul3A_21, %dma_wait3A] : memref<2x10000x64xf32, #tpu.memory_space<hbm>> -> memref<1x640x64xf32, #tpu.memory_space<hbm>>
      %dma_wait3A_27 = tpu.memref_squeeze %dma_wait3A_26 : memref<1x640x64xf32, #tpu.memory_space<hbm>> -> memref<640x64xf32, #tpu.memory_space<hbm>>
      %dma_wait3A_28 = arith.constant 0 : i32
      %dma_wait3A_29 = tpu.memref_slice %arg18[%mul3A_19, %dma_wait3A_28] : memref<10000x64xf32, #tpu.memory_space<vmem_shared>> -> memref<640x64xf32, #tpu.memory_space<vmem_shared>>
      tpu.wait_dma2 semaphore(%run_scoped3A : memref<!tpu.dma_semaphore, #tpu.memory_space<semaphore_mem>>) src(%dma_wait3A_29 : memref<640x64xf32, #tpu.memory_space<vmem_shared>>) dst(%dma_wait3A_27 : memref<640x64xf32, #tpu.memory_space<hbm>>)
      tpu.yield
    }) : () -> ()
    return
  }
}

#map = affine_map<(d0, d1) -> (0, 0, 0)>
#map1 = affine_map<(d0, d1) -> (0, 0)>
module attributes {stable_mosaic.version = 14 : i64} {
  func.func @agg(%arg0: i32, %arg1: i32, %arg2: memref<16x250x80xi32, #tpu.memory_space<hbm>>, %arg3: memref<16x250x80xi32, #tpu.memory_space<hbm>>, %arg4: memref<10000x64xf32, #tpu.memory_space<hbm>>, %arg5: memref<10000x64xf32, #tpu.memory_space<hbm>>, %arg6: memref<2x10000x64xf32, #tpu.memory_space<hbm>>, %arg7: memref<250x80xi32, #tpu.memory_space<vmem>>, %arg8: memref<250x80xi32, #tpu.memory_space<vmem>>, %arg9: memref<80x64xf32, #tpu.memory_space<vmem>>, %arg10: memref<80x64xf32, #tpu.memory_space<vmem>>, %arg11: memref<80x64xf32, #tpu.memory_space<vmem>>, %arg12: memref<80x64xf32, #tpu.memory_space<vmem>>, %arg13: memref<80x64xf32, #tpu.memory_space<vmem>>, %arg14: memref<80x64xf32, #tpu.memory_space<vmem>>, %arg15: memref<80x64xf32, #tpu.memory_space<vmem>>, %arg16: memref<80x64xf32, #tpu.memory_space<vmem>>, %arg17: memref<128x64xf32, #tpu.memory_space<vmem>>, %arg18: memref<10000x64xf32, #tpu.memory_space<vmem_shared>>, %arg19: memref<!tpu.dma_semaphore, #tpu.memory_space<semaphore_mem>>, %arg20: memref<!tpu.dma_semaphore, #tpu.memory_space<semaphore_mem>>, %arg21: memref<!tpu.dma_semaphore, #tpu.memory_space<semaphore_mem>>, %arg22: memref<!tpu.dma_semaphore, #tpu.memory_space<semaphore_mem>>, %arg23: memref<!tpu.dma_semaphore, #tpu.memory_space<semaphore_mem>>, %arg24: memref<!tpu.dma_semaphore, #tpu.memory_space<semaphore_mem>>, %arg25: memref<!tpu.dma_semaphore, #tpu.memory_space<semaphore_mem>>, %arg26: memref<!tpu.dma_semaphore, #tpu.memory_space<semaphore_mem>>, %arg27: memref<!tpu.dma_semaphore, #tpu.memory_space<semaphore_mem>>, %arg28: memref<!tpu.dma_semaphore, #tpu.memory_space<semaphore_mem>>, %arg29: memref<!tpu.dma_semaphore, #tpu.memory_space<semaphore_mem>>, %arg30: memref<!tpu.dma_semaphore, #tpu.memory_space<semaphore_mem>>, %arg31: memref<!tpu.dma_semaphore, #tpu.memory_space<semaphore_mem>>, %arg32: memref<!tpu.dma_semaphore, #tpu.memory_space<semaphore_mem>>, %arg33: memref<!tpu.dma_semaphore, #tpu.memory_space<semaphore_mem>>, %arg34: memref<!tpu.dma_semaphore, #tpu.memory_space<semaphore_mem>>) attributes {dimension_semantics = [#tpu.dimension_semantics<core_parallel>, #tpu.dimension_semantics<subcore_parallel>], iteration_bounds = array<i64: 2, 16>, scalar_prefetch = 0 : i64, scratch_operands = 28 : i64, tpu.core_type = #tpu.core_type<sc_vector_subcore>, window_params = [{transform_indices = #map}, {transform_indices = #map}, {transform_indices = #map1}, {transform_indices = #map1}, {transform_indices = #map}]} {
    %scan3A = arith.constant 0 : i32
    %scan3A_0 = arith.constant 0 : i32
    %scan3A_1 = arith.constant 128 : i32
    %scan3A_2 = arith.addi %scan3A_0, %scan3A_1 : i32
    %scan3A_3 = arith.constant 1 : i32
    scf.for %scan3A_22 = %scan3A_0 to %scan3A_2 step %scan3A_3  : i32 {
      %broadcast_in_dim3A = arith.constant 0.000000e+00 : f32
      %broadcast_in_dim3A_23 = vector.broadcast %broadcast_in_dim3A : f32 to vector<16xf32>
      %swap3A = arith.index_cast %scan3A_22 : i32 to index
      %swap3A_24 = arith.constant 0 : index
      %swap3A_25 = tpu.vector_load %arg17[%swap3A, %swap3A_24] {strides = array<i32>} : memref<128x64xf32, #tpu.memory_space<vmem>>, vector<1x16xf32>,
      %swap3A_26 = vector.shape_cast %swap3A_25 : vector<1x16xf32> to vector<16xf32>
      %swap3A_27 = vector.shape_cast %broadcast_in_dim3A_23 : vector<16xf32> to vector<1x16xf32>
      tpu.vector_store %arg17[%swap3A, %swap3A_24], %swap3A_27 {strides = array<i32>} : memref<128x64xf32, #tpu.memory_space<vmem>>, vector<1x16xf32>,
      %broadcast_in_dim3A_28 = arith.constant 0.000000e+00 : f32
      %broadcast_in_dim3A_29 = vector.broadcast %broadcast_in_dim3A_28 : f32 to vector<16xf32>
      %swap3A_30 = arith.index_cast %scan3A_22 : i32 to index
      %swap3A_31 = arith.constant 16 : index
      %swap3A_32 = tpu.vector_load %arg17[%swap3A_30, %swap3A_31] {strides = array<i32>} : memref<128x64xf32, #tpu.memory_space<vmem>>, vector<1x16xf32>,
      %swap3A_33 = vector.shape_cast %swap3A_32 : vector<1x16xf32> to vector<16xf32>
      %swap3A_34 = vector.shape_cast %broadcast_in_dim3A_29 : vector<16xf32> to vector<1x16xf32>
      tpu.vector_store %arg17[%swap3A_30, %swap3A_31], %swap3A_34 {strides = array<i32>} : memref<128x64xf32, #tpu.memory_space<vmem>>, vector<1x16xf32>,
      %broadcast_in_dim3A_35 = arith.constant 0.000000e+00 : f32
      %broadcast_in_dim3A_36 = vector.broadcast %broadcast_in_dim3A_35 : f32 to vector<16xf32>
      %swap3A_37 = arith.index_cast %scan3A_22 : i32 to index
      %swap3A_38 = arith.constant 32 : index
      %swap3A_39 = tpu.vector_load %arg17[%swap3A_37, %swap3A_38] {strides = array<i32>} : memref<128x64xf32, #tpu.memory_space<vmem>>, vector<1x16xf32>,
      %swap3A_40 = vector.shape_cast %swap3A_39 : vector<1x16xf32> to vector<16xf32>
      %swap3A_41 = vector.shape_cast %broadcast_in_dim3A_36 : vector<16xf32> to vector<1x16xf32>
      tpu.vector_store %arg17[%swap3A_37, %swap3A_38], %swap3A_41 {strides = array<i32>} : memref<128x64xf32, #tpu.memory_space<vmem>>, vector<1x16xf32>,
      %broadcast_in_dim3A_42 = arith.constant 0.000000e+00 : f32
      %broadcast_in_dim3A_43 = vector.broadcast %broadcast_in_dim3A_42 : f32 to vector<16xf32>
      %swap3A_44 = arith.index_cast %scan3A_22 : i32 to index
      %swap3A_45 = arith.constant 48 : index
      %swap3A_46 = tpu.vector_load %arg17[%swap3A_44, %swap3A_45] {strides = array<i32>} : memref<128x64xf32, #tpu.memory_space<vmem>>, vector<1x16xf32>,
      %swap3A_47 = vector.shape_cast %swap3A_46 : vector<1x16xf32> to vector<16xf32>
      %swap3A_48 = vector.shape_cast %broadcast_in_dim3A_43 : vector<16xf32> to vector<1x16xf32>
      tpu.vector_store %arg17[%swap3A_44, %swap3A_45], %swap3A_48 {strides = array<i32>} : memref<128x64xf32, #tpu.memory_space<vmem>>, vector<1x16xf32>,
    }
    %scan3A_4 = arith.constant 128 : i32
    %scan3A_5 = arith.constant 0 : i32
    %scan3A_6 = arith.constant 0 : i32
    %scan3A_7 = arith.constant 5 : i32
    %scan3A_8 = arith.addi %scan3A_6, %scan3A_7 : i32
    %scan3A_9 = arith.constant 1 : i32
    scf.for %scan3A_22 = %scan3A_6 to %scan3A_8 step %scan3A_9  : i32 {
      %mul3A_23 = arith.constant 624 : i32
      %mul3A_24 = arith.muli %arg1, %mul3A_23 : i32
      %mul3A_25 = arith.constant 128 : i32
      %mul3A_26 = arith.muli %scan3A_22, %mul3A_25 : i32
      %add3A = arith.addi %mul3A_24, %mul3A_26 : i32
      "tpu.region"() ({
        %run_scoped3A = tpu.sem_alloc : memref<!tpu.dma_semaphore, #tpu.memory_space<semaphore_mem>>
        %dma_start3A = arith.constant 0 : i32
        %dma_start3A_27 = tpu.memref_slice %arg18[%add3A, %dma_start3A] : memref<10000x64xf32, #tpu.memory_space<vmem_shared>> -> memref<128x64xf32, #tpu.memory_space<vmem_shared>>
        %dma_start3A_28 = arith.constant 0 : i32
        %dma_start3A_29 = tpu.memref_slice %arg18[%add3A, %dma_start3A_28] : memref<10000x64xf32, #tpu.memory_space<vmem_shared>> -> memref<128x64xf32, #tpu.memory_space<vmem_shared>>
        tpu.enqueue_dma source(%arg17 : memref<128x64xf32, #tpu.memory_space<vmem>>) target(%dma_start3A_29 : memref<128x64xf32, #tpu.memory_space<vmem_shared>>) target_semaphore(%run_scoped3A : memref<!tpu.dma_semaphore, #tpu.memory_space<semaphore_mem>>)
        %dma_wait3A = arith.constant 0 : i32
        %dma_wait3A_30 = tpu.memref_slice %arg18[%add3A, %dma_wait3A] : memref<10000x64xf32, #tpu.memory_space<vmem_shared>> -> memref<128x64xf32, #tpu.memory_space<vmem_shared>>
        %dma_wait3A_31 = arith.constant 0 : i32
        %dma_wait3A_32 = tpu.memref_slice %arg18[%add3A, %dma_wait3A_31] : memref<10000x64xf32, #tpu.memory_space<vmem_shared>> -> memref<128x64xf32, #tpu.memory_space<vmem_shared>>
        tpu.wait_dma2 semaphore(%run_scoped3A : memref<!tpu.dma_semaphore, #tpu.memory_space<semaphore_mem>>) src(%arg17 : memref<128x64xf32, #tpu.memory_space<vmem>>) dst(%dma_wait3A_32 : memref<128x64xf32, #tpu.memory_space<vmem_shared>>)
        tpu.yield
      }) : () -> ()
    }
    %scan3A_10 = arith.constant 5 : i32
    %barrier3A = arith.constant 0 : index
    tpu.barrier barrier_id(%barrier3A)
    "tpu.region"() ({
      %run_scoped3A = tpu.sem_alloc : memref<!tpu.dma_semaphore, #tpu.memory_space<semaphore_mem>>
      %dma_start3A = arith.constant 0 : i32
      %dma_start3A_22 = arith.constant 0 : i32
      %dma_start3A_23 = tpu.memref_slice %arg2[%arg1, %dma_start3A, %dma_start3A_22] : memref<16x250x80xi32, #tpu.memory_space<hbm>> -> memref<1x250x80xi32, #tpu.memory_space<hbm>>
      %dma_start3A_24 = tpu.memref_squeeze %dma_start3A_23 : memref<1x250x80xi32, #tpu.memory_space<hbm>> -> memref<250x80xi32, #tpu.memory_space<hbm>>
      %dma_start3A_25 = arith.constant 0 : i32
      %dma_start3A_26 = arith.constant 0 : i32
      %dma_start3A_27 = tpu.memref_slice %arg2[%arg1, %dma_start3A_25, %dma_start3A_26] : memref<16x250x80xi32, #tpu.memory_space<hbm>> -> memref<1x250x80xi32, #tpu.memory_space<hbm>>
      %dma_start3A_28 = tpu.memref_squeeze %dma_start3A_27 : memref<1x250x80xi32, #tpu.memory_space<hbm>> -> memref<250x80xi32, #tpu.memory_space<hbm>>
      tpu.enqueue_dma source(%dma_start3A_28 : memref<250x80xi32, #tpu.memory_space<hbm>>) target(%arg7 : memref<250x80xi32, #tpu.memory_space<vmem>>) target_semaphore(%run_scoped3A : memref<!tpu.dma_semaphore, #tpu.memory_space<semaphore_mem>>)
      %dma_wait3A = arith.constant 0 : i32
      %dma_wait3A_29 = arith.constant 0 : i32
      %dma_wait3A_30 = tpu.memref_slice %arg2[%arg1, %dma_wait3A, %dma_wait3A_29] : memref<16x250x80xi32, #tpu.memory_space<hbm>> -> memref<1x250x80xi32, #tpu.memory_space<hbm>>
      %dma_wait3A_31 = tpu.memref_squeeze %dma_wait3A_30 : memref<1x250x80xi32, #tpu.memory_space<hbm>> -> memref<250x80xi32, #tpu.memory_space<hbm>>
      %dma_wait3A_32 = arith.constant 0 : i32
      %dma_wait3A_33 = arith.constant 0 : i32
      %dma_wait3A_34 = tpu.memref_slice %arg2[%arg1, %dma_wait3A_32, %dma_wait3A_33] : memref<16x250x80xi32, #tpu.memory_space<hbm>> -> memref<1x250x80xi32, #tpu.memory_space<hbm>>
      %dma_wait3A_35 = tpu.memref_squeeze %dma_wait3A_34 : memref<1x250x80xi32, #tpu.memory_space<hbm>> -> memref<250x80xi32, #tpu.memory_space<hbm>>
      tpu.wait_dma2 semaphore(%run_scoped3A : memref<!tpu.dma_semaphore, #tpu.memory_space<semaphore_mem>>) src(%dma_wait3A_35 : memref<250x80xi32, #tpu.memory_space<hbm>>) dst(%arg7 : memref<250x80xi32, #tpu.memory_space<vmem>>)
      tpu.yield
    }) : () -> ()
    "tpu.region"() ({
      %run_scoped3A = tpu.sem_alloc : memref<!tpu.dma_semaphore, #tpu.memory_space<semaphore_mem>>
      %dma_start3A = arith.constant 0 : i32
      %dma_start3A_22 = arith.constant 0 : i32
      %dma_start3A_23 = tpu.memref_slice %arg3[%arg1, %dma_start3A, %dma_start3A_22] : memref<16x250x80xi32, #tpu.memory_space<hbm>> -> memref<1x250x80xi32, #tpu.memory_space<hbm>>
      %dma_start3A_24 = tpu.memref_squeeze %dma_start3A_23 : memref<1x250x80xi32, #tpu.memory_space<hbm>> -> memref<250x80xi32, #tpu.memory_space<hbm>>
      %dma_start3A_25 = arith.constant 0 : i32
      %dma_start3A_26 = arith.constant 0 : i32
      %dma_start3A_27 = tpu.memref_slice %arg3[%arg1, %dma_start3A_25, %dma_start3A_26] : memref<16x250x80xi32, #tpu.memory_space<hbm>> -> memref<1x250x80xi32, #tpu.memory_space<hbm>>
      %dma_start3A_28 = tpu.memref_squeeze %dma_start3A_27 : memref<1x250x80xi32, #tpu.memory_space<hbm>> -> memref<250x80xi32, #tpu.memory_space<hbm>>
      tpu.enqueue_dma source(%dma_start3A_28 : memref<250x80xi32, #tpu.memory_space<hbm>>) target(%arg8 : memref<250x80xi32, #tpu.memory_space<vmem>>) target_semaphore(%run_scoped3A : memref<!tpu.dma_semaphore, #tpu.memory_space<semaphore_mem>>)
      %dma_wait3A = arith.constant 0 : i32
      %dma_wait3A_29 = arith.constant 0 : i32
      %dma_wait3A_30 = tpu.memref_slice %arg3[%arg1, %dma_wait3A, %dma_wait3A_29] : memref<16x250x80xi32, #tpu.memory_space<hbm>> -> memref<1x250x80xi32, #tpu.memory_space<hbm>>
      %dma_wait3A_31 = tpu.memref_squeeze %dma_wait3A_30 : memref<1x250x80xi32, #tpu.memory_space<hbm>> -> memref<250x80xi32, #tpu.memory_space<hbm>>
      %dma_wait3A_32 = arith.constant 0 : i32
      %dma_wait3A_33 = arith.constant 0 : i32
      %dma_wait3A_34 = tpu.memref_slice %arg3[%arg1, %dma_wait3A_32, %dma_wait3A_33] : memref<16x250x80xi32, #tpu.memory_space<hbm>> -> memref<1x250x80xi32, #tpu.memory_space<hbm>>
      %dma_wait3A_35 = tpu.memref_squeeze %dma_wait3A_34 : memref<1x250x80xi32, #tpu.memory_space<hbm>> -> memref<250x80xi32, #tpu.memory_space<hbm>>
      tpu.wait_dma2 semaphore(%run_scoped3A : memref<!tpu.dma_semaphore, #tpu.memory_space<semaphore_mem>>) src(%dma_wait3A_35 : memref<250x80xi32, #tpu.memory_space<hbm>>) dst(%arg8 : memref<250x80xi32, #tpu.memory_space<vmem>>)
      tpu.yield
    }) : () -> ()
    %eq3A = arith.constant 0 : i32
    %eq3A_11 = arith.cmpi eq, %arg0, %eq3A : i32
    %convert_element_type3A = arith.extui %eq3A_11 : i1 to i32
    %cond3A = arith.constant 0 : i32
    %cond3A_12 = arith.cmpi ne, %convert_element_type3A, %cond3A : i32
    scf.if %cond3A_12 {
      %dma_start3A = arith.constant 0 : i32
      %dma_start3A_22 = arith.constant 0 : i32
      %dma_start3A_23 = tpu.memref_slice %arg7[%dma_start3A, %dma_start3A_22] : memref<250x80xi32, #tpu.memory_space<vmem>> -> memref<1x80xi32, #tpu.memory_space<vmem>>
      %dma_start3A_24 = tpu.memref_squeeze %dma_start3A_23 : memref<1x80xi32, #tpu.memory_space<vmem>> -> memref<80xi32, #tpu.memory_space<vmem>>
      %dma_start3A_25 = arith.constant 0 : i32
      %dma_start3A_26 = arith.constant 0 : i32
      %dma_start3A_27 = tpu.memref_slice %arg4[%dma_start3A_25, %dma_start3A_26] : memref<10000x64xf32, #tpu.memory_space<hbm>> -> memref<10000x64xf32, #tpu.memory_space<hbm>>
      tpu.enqueue_indirect_dma source(%dma_start3A_27 : memref<10000x64xf32, #tpu.memory_space<hbm>>) target(%arg9 : memref<80x64xf32, #tpu.memory_space<vmem>>) offsets(%dma_start3A_24 : memref<80xi32, #tpu.memory_space<vmem>>) semaphore(%arg19 : memref<!tpu.dma_semaphore, #tpu.memory_space<semaphore_mem>>)
      %dma_start3A_28 = arith.constant 1 : i32
      %dma_start3A_29 = arith.constant 0 : i32
      %dma_start3A_30 = tpu.memref_slice %arg7[%dma_start3A_28, %dma_start3A_29] : memref<250x80xi32, #tpu.memory_space<vmem>> -> memref<1x80xi32, #tpu.memory_space<vmem>>
      %dma_start3A_31 = tpu.memref_squeeze %dma_start3A_30 : memref<1x80xi32, #tpu.memory_space<vmem>> -> memref<80xi32, #tpu.memory_space<vmem>>
      %dma_start3A_32 = arith.constant 0 : i32
      %dma_start3A_33 = arith.constant 0 : i32
      %dma_start3A_34 = tpu.memref_slice %arg4[%dma_start3A_32, %dma_start3A_33] : memref<10000x64xf32, #tpu.memory_space<hbm>> -> memref<10000x64xf32, #tpu.memory_space<hbm>>
      tpu.enqueue_indirect_dma source(%dma_start3A_34 : memref<10000x64xf32, #tpu.memory_space<hbm>>) target(%arg10 : memref<80x64xf32, #tpu.memory_space<vmem>>) offsets(%dma_start3A_31 : memref<80xi32, #tpu.memory_space<vmem>>) semaphore(%arg20 : memref<!tpu.dma_semaphore, #tpu.memory_space<semaphore_mem>>)
      %dma_start3A_35 = arith.constant 2 : i32
      %dma_start3A_36 = arith.constant 0 : i32
      %dma_start3A_37 = tpu.memref_slice %arg7[%dma_start3A_35, %dma_start3A_36] : memref<250x80xi32, #tpu.memory_space<vmem>> -> memref<1x80xi32, #tpu.memory_space<vmem>>
      %dma_start3A_38 = tpu.memref_squeeze %dma_start3A_37 : memref<1x80xi32, #tpu.memory_space<vmem>> -> memref<80xi32, #tpu.memory_space<vmem>>
      %dma_start3A_39 = arith.constant 0 : i32
      %dma_start3A_40 = arith.constant 0 : i32
      %dma_start3A_41 = tpu.memref_slice %arg4[%dma_start3A_39, %dma_start3A_40] : memref<10000x64xf32, #tpu.memory_space<hbm>> -> memref<10000x64xf32, #tpu.memory_space<hbm>>
      tpu.enqueue_indirect_dma source(%dma_start3A_41 : memref<10000x64xf32, #tpu.memory_space<hbm>>) target(%arg11 : memref<80x64xf32, #tpu.memory_space<vmem>>) offsets(%dma_start3A_38 : memref<80xi32, #tpu.memory_space<vmem>>) semaphore(%arg21 : memref<!tpu.dma_semaphore, #tpu.memory_space<semaphore_mem>>)
      %dma_start3A_42 = arith.constant 3 : i32
      %dma_start3A_43 = arith.constant 0 : i32
      %dma_start3A_44 = tpu.memref_slice %arg7[%dma_start3A_42, %dma_start3A_43] : memref<250x80xi32, #tpu.memory_space<vmem>> -> memref<1x80xi32, #tpu.memory_space<vmem>>
      %dma_start3A_45 = tpu.memref_squeeze %dma_start3A_44 : memref<1x80xi32, #tpu.memory_space<vmem>> -> memref<80xi32, #tpu.memory_space<vmem>>
      %dma_start3A_46 = arith.constant 0 : i32
      %dma_start3A_47 = arith.constant 0 : i32
      %dma_start3A_48 = tpu.memref_slice %arg4[%dma_start3A_46, %dma_start3A_47] : memref<10000x64xf32, #tpu.memory_space<hbm>> -> memref<10000x64xf32, #tpu.memory_space<hbm>>
      tpu.enqueue_indirect_dma source(%dma_start3A_48 : memref<10000x64xf32, #tpu.memory_space<hbm>>) target(%arg12 : memref<80x64xf32, #tpu.memory_space<vmem>>) offsets(%dma_start3A_45 : memref<80xi32, #tpu.memory_space<vmem>>) semaphore(%arg22 : memref<!tpu.dma_semaphore, #tpu.memory_space<semaphore_mem>>)
      %dma_start3A_49 = arith.constant 4 : i32
      %dma_start3A_50 = arith.constant 0 : i32
      %dma_start3A_51 = tpu.memref_slice %arg7[%dma_start3A_49, %dma_start3A_50] : memref<250x80xi32, #tpu.memory_space<vmem>> -> memref<1x80xi32, #tpu.memory_space<vmem>>
      %dma_start3A_52 = tpu.memref_squeeze %dma_start3A_51 : memref<1x80xi32, #tpu.memory_space<vmem>> -> memref<80xi32, #tpu.memory_space<vmem>>
      %dma_start3A_53 = arith.constant 0 : i32
      %dma_start3A_54 = arith.constant 0 : i32
      %dma_start3A_55 = tpu.memref_slice %arg4[%dma_start3A_53, %dma_start3A_54] : memref<10000x64xf32, #tpu.memory_space<hbm>> -> memref<10000x64xf32, #tpu.memory_space<hbm>>
      tpu.enqueue_indirect_dma source(%dma_start3A_55 : memref<10000x64xf32, #tpu.memory_space<hbm>>) target(%arg13 : memref<80x64xf32, #tpu.memory_space<vmem>>) offsets(%dma_start3A_52 : memref<80xi32, #tpu.memory_space<vmem>>) semaphore(%arg23 : memref<!tpu.dma_semaphore, #tpu.memory_space<semaphore_mem>>)
      %dma_start3A_56 = arith.constant 5 : i32
      %dma_start3A_57 = arith.constant 0 : i32
      %dma_start3A_58 = tpu.memref_slice %arg7[%dma_start3A_56, %dma_start3A_57] : memref<250x80xi32, #tpu.memory_space<vmem>> -> memref<1x80xi32, #tpu.memory_space<vmem>>
      %dma_start3A_59 = tpu.memref_squeeze %dma_start3A_58 : memref<1x80xi32, #tpu.memory_space<vmem>> -> memref<80xi32, #tpu.memory_space<vmem>>
      %dma_start3A_60 = arith.constant 0 : i32
      %dma_start3A_61 = arith.constant 0 : i32
      %dma_start3A_62 = tpu.memref_slice %arg4[%dma_start3A_60, %dma_start3A_61] : memref<10000x64xf32, #tpu.memory_space<hbm>> -> memref<10000x64xf32, #tpu.memory_space<hbm>>
      tpu.enqueue_indirect_dma source(%dma_start3A_62 : memref<10000x64xf32, #tpu.memory_space<hbm>>) target(%arg14 : memref<80x64xf32, #tpu.memory_space<vmem>>) offsets(%dma_start3A_59 : memref<80xi32, #tpu.memory_space<vmem>>) semaphore(%arg24 : memref<!tpu.dma_semaphore, #tpu.memory_space<semaphore_mem>>)
      %scan3A_63 = arith.constant 0 : i32
      %scan3A_64 = arith.constant 0 : i32
      %scan3A_65 = arith.constant 31 : i32
      %scan3A_66 = arith.addi %scan3A_64, %scan3A_65 : i32
      %scan3A_67 = arith.constant 1 : i32
      scf.for %scan3A_124 = %scan3A_64 to %scan3A_66 step %scan3A_67  : i32 {
        %mul3A_125 = arith.constant 8 : i32
        %mul3A_126 = arith.muli %mul3A_125, %scan3A_124 : i32
        %add3A = arith.constant 0 : i32
        %add3A_127 = arith.addi %mul3A_126, %add3A : i32
        %dma_wait3A_128 = arith.constant 0 : i32
        %dma_wait3A_129 = tpu.memref_slice %arg7[%add3A_127, %dma_wait3A_128] : memref<250x80xi32, #tpu.memory_space<vmem>> -> memref<1x80xi32, #tpu.memory_space<vmem>>
        %dma_wait3A_130 = tpu.memref_squeeze %dma_wait3A_129 : memref<1x80xi32, #tpu.memory_space<vmem>> -> memref<80xi32, #tpu.memory_space<vmem>>
        %dma_wait3A_131 = arith.constant 0 : i32
        %dma_wait3A_132 = arith.constant 0 : i32
        %dma_wait3A_133 = tpu.memref_slice %arg4[%dma_wait3A_131, %dma_wait3A_132] : memref<10000x64xf32, #tpu.memory_space<hbm>> -> memref<10000x64xf32, #tpu.memory_space<hbm>>
        tpu.wait_indirect_dma semaphore(%arg19 : memref<!tpu.dma_semaphore, #tpu.memory_space<semaphore_mem>>) src(%dma_wait3A_133 : memref<10000x64xf32, #tpu.memory_space<hbm>>) dst(%arg9 : memref<80x64xf32, #tpu.memory_space<vmem>>)
        %ge3A = arith.constant 2 : i32
        %ge3A_134 = arith.cmpi sge, %add3A_127, %ge3A : i32
        %convert_element_type3A_135 = arith.extui %ge3A_134 : i1 to i32
        %cond3A_136 = arith.constant 0 : i32
        %cond3A_137 = arith.cmpi ne, %convert_element_type3A_135, %cond3A_136 : i32
        scf.if %cond3A_137 {
          %dma_wait3A_358 = arith.constant 0 : i32
          %dma_wait3A_359 = arith.constant 0 : i32
          %dma_wait3A_360 = tpu.memref_slice %arg8[%dma_wait3A_358, %dma_wait3A_359] : memref<250x80xi32, #tpu.memory_space<vmem>> -> memref<1x80xi32, #tpu.memory_space<vmem>>
          %dma_wait3A_361 = tpu.memref_squeeze %dma_wait3A_360 : memref<1x80xi32, #tpu.memory_space<vmem>> -> memref<80xi32, #tpu.memory_space<vmem>>
          %dma_wait3A_362 = arith.constant 0 : i32
          %dma_wait3A_363 = arith.constant 0 : i32
          %dma_wait3A_364 = tpu.memref_slice %arg18[%dma_wait3A_362, %dma_wait3A_363] : memref<10000x64xf32, #tpu.memory_space<vmem_shared>> -> memref<10000x64xf32, #tpu.memory_space<vmem_shared>>
          tpu.wait_indirect_dma semaphore(%arg33 : memref<!tpu.dma_semaphore, #tpu.memory_space<semaphore_mem>>) src(%arg15 : memref<80x64xf32, #tpu.memory_space<vmem>>) dst(%dma_wait3A_364 : memref<10000x64xf32, #tpu.memory_space<vmem_shared>>)
        } else {
        }
        %add3A_138 = arith.constant 6 : i32
        %add3A_139 = arith.addi %add3A_127, %add3A_138 : i32
        %lt3A = arith.constant 250 : i32
        %lt3A_140 = arith.cmpi slt, %add3A_139, %lt3A : i32
        %convert_element_type3A_141 = arith.extui %lt3A_140 : i1 to i32
        %cond3A_142 = arith.constant 0 : i32
        %cond3A_143 = arith.cmpi ne, %convert_element_type3A_141, %cond3A_142 : i32
        scf.if %cond3A_143 {
          %add3A_358 = arith.constant 6 : i32
          %add3A_359 = arith.addi %add3A_127, %add3A_358 : i32
          %dma_start3A_360 = arith.constant 0 : i32
          %dma_start3A_361 = tpu.memref_slice %arg7[%add3A_359, %dma_start3A_360] : memref<250x80xi32, #tpu.memory_space<vmem>> -> memref<1x80xi32, #tpu.memory_space<vmem>>
          %dma_start3A_362 = tpu.memref_squeeze %dma_start3A_361 : memref<1x80xi32, #tpu.memory_space<vmem>> -> memref<80xi32, #tpu.memory_space<vmem>>
          %dma_start3A_363 = arith.constant 0 : i32
          %dma_start3A_364 = arith.constant 0 : i32
          %dma_start3A_365 = tpu.memref_slice %arg4[%dma_start3A_363, %dma_start3A_364] : memref<10000x64xf32, #tpu.memory_space<hbm>> -> memref<10000x64xf32, #tpu.memory_space<hbm>>
          tpu.enqueue_indirect_dma source(%dma_start3A_365 : memref<10000x64xf32, #tpu.memory_space<hbm>>) target(%arg15 : memref<80x64xf32, #tpu.memory_space<vmem>>) offsets(%dma_start3A_362 : memref<80xi32, #tpu.memory_space<vmem>>) semaphore(%arg25 : memref<!tpu.dma_semaphore, #tpu.memory_space<semaphore_mem>>)
        } else {
        }
        %dma_start3A_144 = arith.constant 0 : i32
        %dma_start3A_145 = tpu.memref_slice %arg8[%add3A_127, %dma_start3A_144] : memref<250x80xi32, #tpu.memory_space<vmem>> -> memref<1x80xi32, #tpu.memory_space<vmem>>
        %dma_start3A_146 = tpu.memref_squeeze %dma_start3A_145 : memref<1x80xi32, #tpu.memory_space<vmem>> -> memref<80xi32, #tpu.memory_space<vmem>>
        %dma_start3A_147 = arith.constant 0 : i32
        %dma_start3A_148 = arith.constant 0 : i32
        %dma_start3A_149 = tpu.memref_slice %arg18[%dma_start3A_147, %dma_start3A_148] : memref<10000x64xf32, #tpu.memory_space<vmem_shared>> -> memref<10000x64xf32, #tpu.memory_space<vmem_shared>>
        tpu.enqueue_indirect_dma source(%arg9 : memref<80x64xf32, #tpu.memory_space<vmem>>) target(%dma_start3A_149 : memref<10000x64xf32, #tpu.memory_space<vmem_shared>>) offsets(%dma_start3A_146 : memref<80xi32, #tpu.memory_space<vmem>>) semaphore(%arg27 : memref<!tpu.dma_semaphore, #tpu.memory_space<semaphore_mem>>) {add = true}
        %mul3A_150 = arith.constant 8 : i32
        %mul3A_151 = arith.muli %mul3A_150, %scan3A_124 : i32
        %add3A_152 = arith.constant 1 : i32
        %add3A_153 = arith.addi %mul3A_151, %add3A_152 : i32
        %dma_wait3A_154 = arith.constant 0 : i32
        %dma_wait3A_155 = tpu.memref_slice %arg7[%add3A_153, %dma_wait3A_154] : memref<250x80xi32, #tpu.memory_space<vmem>> -> memref<1x80xi32, #tpu.memory_space<vmem>>
        %dma_wait3A_156 = tpu.memref_squeeze %dma_wait3A_155 : memref<1x80xi32, #tpu.memory_space<vmem>> -> memref<80xi32, #tpu.memory_space<vmem>>
        %dma_wait3A_157 = arith.constant 0 : i32
        %dma_wait3A_158 = arith.constant 0 : i32
        %dma_wait3A_159 = tpu.memref_slice %arg4[%dma_wait3A_157, %dma_wait3A_158] : memref<10000x64xf32, #tpu.memory_space<hbm>> -> memref<10000x64xf32, #tpu.memory_space<hbm>>
        tpu.wait_indirect_dma semaphore(%arg20 : memref<!tpu.dma_semaphore, #tpu.memory_space<semaphore_mem>>) src(%dma_wait3A_159 : memref<10000x64xf32, #tpu.memory_space<hbm>>) dst(%arg10 : memref<80x64xf32, #tpu.memory_space<vmem>>)
        %ge3A_160 = arith.constant 2 : i32
        %ge3A_161 = arith.cmpi sge, %add3A_153, %ge3A_160 : i32
        %convert_element_type3A_162 = arith.extui %ge3A_161 : i1 to i32
        %cond3A_163 = arith.constant 0 : i32
        %cond3A_164 = arith.cmpi ne, %convert_element_type3A_162, %cond3A_163 : i32
        scf.if %cond3A_164 {
          %dma_wait3A_358 = arith.constant 0 : i32
          %dma_wait3A_359 = arith.constant 0 : i32
          %dma_wait3A_360 = tpu.memref_slice %arg8[%dma_wait3A_358, %dma_wait3A_359] : memref<250x80xi32, #tpu.memory_space<vmem>> -> memref<1x80xi32, #tpu.memory_space<vmem>>
          %dma_wait3A_361 = tpu.memref_squeeze %dma_wait3A_360 : memref<1x80xi32, #tpu.memory_space<vmem>> -> memref<80xi32, #tpu.memory_space<vmem>>
          %dma_wait3A_362 = arith.constant 0 : i32
          %dma_wait3A_363 = arith.constant 0 : i32
          %dma_wait3A_364 = tpu.memref_slice %arg18[%dma_wait3A_362, %dma_wait3A_363] : memref<10000x64xf32, #tpu.memory_space<vmem_shared>> -> memref<10000x64xf32, #tpu.memory_space<vmem_shared>>
          tpu.wait_indirect_dma semaphore(%arg34 : memref<!tpu.dma_semaphore, #tpu.memory_space<semaphore_mem>>) src(%arg16 : memref<80x64xf32, #tpu.memory_space<vmem>>) dst(%dma_wait3A_364 : memref<10000x64xf32, #tpu.memory_space<vmem_shared>>)
        } else {
        }
        %add3A_165 = arith.constant 6 : i32
        %add3A_166 = arith.addi %add3A_153, %add3A_165 : i32
        %lt3A_167 = arith.constant 250 : i32
        %lt3A_168 = arith.cmpi slt, %add3A_166, %lt3A_167 : i32
        %convert_element_type3A_169 = arith.extui %lt3A_168 : i1 to i32
        %cond3A_170 = arith.constant 0 : i32
        %cond3A_171 = arith.cmpi ne, %convert_element_type3A_169, %cond3A_170 : i32
        scf.if %cond3A_171 {
          %add3A_358 = arith.constant 6 : i32
          %add3A_359 = arith.addi %add3A_153, %add3A_358 : i32
          %dma_start3A_360 = arith.constant 0 : i32
          %dma_start3A_361 = tpu.memref_slice %arg7[%add3A_359, %dma_start3A_360] : memref<250x80xi32, #tpu.memory_space<vmem>> -> memref<1x80xi32, #tpu.memory_space<vmem>>
          %dma_start3A_362 = tpu.memref_squeeze %dma_start3A_361 : memref<1x80xi32, #tpu.memory_space<vmem>> -> memref<80xi32, #tpu.memory_space<vmem>>
          %dma_start3A_363 = arith.constant 0 : i32
          %dma_start3A_364 = arith.constant 0 : i32
          %dma_start3A_365 = tpu.memref_slice %arg4[%dma_start3A_363, %dma_start3A_364] : memref<10000x64xf32, #tpu.memory_space<hbm>> -> memref<10000x64xf32, #tpu.memory_space<hbm>>
          tpu.enqueue_indirect_dma source(%dma_start3A_365 : memref<10000x64xf32, #tpu.memory_space<hbm>>) target(%arg16 : memref<80x64xf32, #tpu.memory_space<vmem>>) offsets(%dma_start3A_362 : memref<80xi32, #tpu.memory_space<vmem>>) semaphore(%arg26 : memref<!tpu.dma_semaphore, #tpu.memory_space<semaphore_mem>>)
        } else {
        }
        %dma_start3A_172 = arith.constant 0 : i32
        %dma_start3A_173 = tpu.memref_slice %arg8[%add3A_153, %dma_start3A_172] : memref<250x80xi32, #tpu.memory_space<vmem>> -> memref<1x80xi32, #tpu.memory_space<vmem>>
        %dma_start3A_174 = tpu.memref_squeeze %dma_start3A_173 : memref<1x80xi32, #tpu.memory_space<vmem>> -> memref<80xi32, #tpu.memory_space<vmem>>
        %dma_start3A_175 = arith.constant 0 : i32
        %dma_start3A_176 = arith.constant 0 : i32
        %dma_start3A_177 = tpu.memref_slice %arg18[%dma_start3A_175, %dma_start3A_176] : memref<10000x64xf32, #tpu.memory_space<vmem_shared>> -> memref<10000x64xf32, #tpu.memory_space<vmem_shared>>
        tpu.enqueue_indirect_dma source(%arg10 : memref<80x64xf32, #tpu.memory_space<vmem>>) target(%dma_start3A_177 : memref<10000x64xf32, #tpu.memory_space<vmem_shared>>) offsets(%dma_start3A_174 : memref<80xi32, #tpu.memory_space<vmem>>) semaphore(%arg28 : memref<!tpu.dma_semaphore, #tpu.memory_space<semaphore_mem>>) {add = true}
        %mul3A_178 = arith.constant 8 : i32
        %mul3A_179 = arith.muli %mul3A_178, %scan3A_124 : i32
        %add3A_180 = arith.constant 2 : i32
        %add3A_181 = arith.addi %mul3A_179, %add3A_180 : i32
        %dma_wait3A_182 = arith.constant 0 : i32
        %dma_wait3A_183 = tpu.memref_slice %arg7[%add3A_181, %dma_wait3A_182] : memref<250x80xi32, #tpu.memory_space<vmem>> -> memref<1x80xi32, #tpu.memory_space<vmem>>
        %dma_wait3A_184 = tpu.memref_squeeze %dma_wait3A_183 : memref<1x80xi32, #tpu.memory_space<vmem>> -> memref<80xi32, #tpu.memory_space<vmem>>
        %dma_wait3A_185 = arith.constant 0 : i32
        %dma_wait3A_186 = arith.constant 0 : i32
        %dma_wait3A_187 = tpu.memref_slice %arg4[%dma_wait3A_185, %dma_wait3A_186] : memref<10000x64xf32, #tpu.memory_space<hbm>> -> memref<10000x64xf32, #tpu.memory_space<hbm>>
        tpu.wait_indirect_dma semaphore(%arg21 : memref<!tpu.dma_semaphore, #tpu.memory_space<semaphore_mem>>) src(%dma_wait3A_187 : memref<10000x64xf32, #tpu.memory_space<hbm>>) dst(%arg11 : memref<80x64xf32, #tpu.memory_space<vmem>>)
        %dma_wait3A_188 = arith.constant 0 : i32
        %dma_wait3A_189 = arith.constant 0 : i32
        %dma_wait3A_190 = tpu.memref_slice %arg8[%dma_wait3A_188, %dma_wait3A_189] : memref<250x80xi32, #tpu.memory_space<vmem>> -> memref<1x80xi32, #tpu.memory_space<vmem>>
        %dma_wait3A_191 = tpu.memref_squeeze %dma_wait3A_190 : memref<1x80xi32, #tpu.memory_space<vmem>> -> memref<80xi32, #tpu.memory_space<vmem>>
        %dma_wait3A_192 = arith.constant 0 : i32
        %dma_wait3A_193 = arith.constant 0 : i32
        %dma_wait3A_194 = tpu.memref_slice %arg18[%dma_wait3A_192, %dma_wait3A_193] : memref<10000x64xf32, #tpu.memory_space<vmem_shared>> -> memref<10000x64xf32, #tpu.memory_space<vmem_shared>>
        tpu.wait_indirect_dma semaphore(%arg27 : memref<!tpu.dma_semaphore, #tpu.memory_space<semaphore_mem>>) src(%arg9 : memref<80x64xf32, #tpu.memory_space<vmem>>) dst(%dma_wait3A_194 : memref<10000x64xf32, #tpu.memory_space<vmem_shared>>)
        %add3A_195 = arith.constant 6 : i32
        %add3A_196 = arith.addi %add3A_181, %add3A_195 : i32
        %lt3A_197 = arith.constant 250 : i32
        %lt3A_198 = arith.cmpi slt, %add3A_196, %lt3A_197 : i32
        %convert_element_type3A_199 = arith.extui %lt3A_198 : i1 to i32
        %cond3A_200 = arith.constant 0 : i32
        %cond3A_201 = arith.cmpi ne, %convert_element_type3A_199, %cond3A_200 : i32
        scf.if %cond3A_201 {
          %add3A_358 = arith.constant 6 : i32
          %add3A_359 = arith.addi %add3A_181, %add3A_358 : i32
          %dma_start3A_360 = arith.constant 0 : i32
          %dma_start3A_361 = tpu.memref_slice %arg7[%add3A_359, %dma_start3A_360] : memref<250x80xi32, #tpu.memory_space<vmem>> -> memref<1x80xi32, #tpu.memory_space<vmem>>
          %dma_start3A_362 = tpu.memref_squeeze %dma_start3A_361 : memref<1x80xi32, #tpu.memory_space<vmem>> -> memref<80xi32, #tpu.memory_space<vmem>>
          %dma_start3A_363 = arith.constant 0 : i32
          %dma_start3A_364 = arith.constant 0 : i32
          %dma_start3A_365 = tpu.memref_slice %arg4[%dma_start3A_363, %dma_start3A_364] : memref<10000x64xf32, #tpu.memory_space<hbm>> -> memref<10000x64xf32, #tpu.memory_space<hbm>>
          tpu.enqueue_indirect_dma source(%dma_start3A_365 : memref<10000x64xf32, #tpu.memory_space<hbm>>) target(%arg9 : memref<80x64xf32, #tpu.memory_space<vmem>>) offsets(%dma_start3A_362 : memref<80xi32, #tpu.memory_space<vmem>>) semaphore(%arg19 : memref<!tpu.dma_semaphore, #tpu.memory_space<semaphore_mem>>)
        } else {
        }
        %dma_start3A_202 = arith.constant 0 : i32
        %dma_start3A_203 = tpu.memref_slice %arg8[%add3A_181, %dma_start3A_202] : memref<250x80xi32, #tpu.memory_space<vmem>> -> memref<1x80xi32, #tpu.memory_space<vmem>>
        %dma_start3A_204 = tpu.memref_squeeze %dma_start3A_203 : memref<1x80xi32, #tpu.memory_space<vmem>> -> memref<80xi32, #tpu.memory_space<vmem>>
        %dma_start3A_205 = arith.constant 0 : i32
        %dma_start3A_206 = arith.constant 0 : i32
        %dma_start3A_207 = tpu.memref_slice %arg18[%dma_start3A_205, %dma_start3A_206] : memref<10000x64xf32, #tpu.memory_space<vmem_shared>> -> memref<10000x64xf32, #tpu.memory_space<vmem_shared>>
        tpu.enqueue_indirect_dma source(%arg11 : memref<80x64xf32, #tpu.memory_space<vmem>>) target(%dma_start3A_207 : memref<10000x64xf32, #tpu.memory_space<vmem_shared>>) offsets(%dma_start3A_204 : memref<80xi32, #tpu.memory_space<vmem>>) semaphore(%arg29 : memref<!tpu.dma_semaphore, #tpu.memory_space<semaphore_mem>>) {add = true}
        %mul3A_208 = arith.constant 8 : i32
        %mul3A_209 = arith.muli %mul3A_208, %scan3A_124 : i32
        %add3A_210 = arith.constant 3 : i32
        %add3A_211 = arith.addi %mul3A_209, %add3A_210 : i32
        %dma_wait3A_212 = arith.constant 0 : i32
        %dma_wait3A_213 = tpu.memref_slice %arg7[%add3A_211, %dma_wait3A_212] : memref<250x80xi32, #tpu.memory_space<vmem>> -> memref<1x80xi32, #tpu.memory_space<vmem>>
        %dma_wait3A_214 = tpu.memref_squeeze %dma_wait3A_213 : memref<1x80xi32, #tpu.memory_space<vmem>> -> memref<80xi32, #tpu.memory_space<vmem>>
        %dma_wait3A_215 = arith.constant 0 : i32
        %dma_wait3A_216 = arith.constant 0 : i32
        %dma_wait3A_217 = tpu.memref_slice %arg4[%dma_wait3A_215, %dma_wait3A_216] : memref<10000x64xf32, #tpu.memory_space<hbm>> -> memref<10000x64xf32, #tpu.memory_space<hbm>>
        tpu.wait_indirect_dma semaphore(%arg22 : memref<!tpu.dma_semaphore, #tpu.memory_space<semaphore_mem>>) src(%dma_wait3A_217 : memref<10000x64xf32, #tpu.memory_space<hbm>>) dst(%arg12 : memref<80x64xf32, #tpu.memory_space<vmem>>)
        %dma_wait3A_218 = arith.constant 0 : i32
        %dma_wait3A_219 = arith.constant 0 : i32
        %dma_wait3A_220 = tpu.memref_slice %arg8[%dma_wait3A_218, %dma_wait3A_219] : memref<250x80xi32, #tpu.memory_space<vmem>> -> memref<1x80xi32, #tpu.memory_space<vmem>>
        %dma_wait3A_221 = tpu.memref_squeeze %dma_wait3A_220 : memref<1x80xi32, #tpu.memory_space<vmem>> -> memref<80xi32, #tpu.memory_space<vmem>>
        %dma_wait3A_222 = arith.constant 0 : i32
        %dma_wait3A_223 = arith.constant 0 : i32
        %dma_wait3A_224 = tpu.memref_slice %arg18[%dma_wait3A_222, %dma_wait3A_223] : memref<10000x64xf32, #tpu.memory_space<vmem_shared>> -> memref<10000x64xf32, #tpu.memory_space<vmem_shared>>
        tpu.wait_indirect_dma semaphore(%arg28 : memref<!tpu.dma_semaphore, #tpu.memory_space<semaphore_mem>>) src(%arg10 : memref<80x64xf32, #tpu.memory_space<vmem>>) dst(%dma_wait3A_224 : memref<10000x64xf32, #tpu.memory_space<vmem_shared>>)
        %add3A_225 = arith.constant 6 : i32
        %add3A_226 = arith.addi %add3A_211, %add3A_225 : i32
        %lt3A_227 = arith.constant 250 : i32
        %lt3A_228 = arith.cmpi slt, %add3A_226, %lt3A_227 : i32
        %convert_element_type3A_229 = arith.extui %lt3A_228 : i1 to i32
        %cond3A_230 = arith.constant 0 : i32
        %cond3A_231 = arith.cmpi ne, %convert_element_type3A_229, %cond3A_230 : i32
        scf.if %cond3A_231 {
          %add3A_358 = arith.constant 6 : i32
          %add3A_359 = arith.addi %add3A_211, %add3A_358 : i32
          %dma_start3A_360 = arith.constant 0 : i32
          %dma_start3A_361 = tpu.memref_slice %arg7[%add3A_359, %dma_start3A_360] : memref<250x80xi32, #tpu.memory_space<vmem>> -> memref<1x80xi32, #tpu.memory_space<vmem>>
          %dma_start3A_362 = tpu.memref_squeeze %dma_start3A_361 : memref<1x80xi32, #tpu.memory_space<vmem>> -> memref<80xi32, #tpu.memory_space<vmem>>
          %dma_start3A_363 = arith.constant 0 : i32
          %dma_start3A_364 = arith.constant 0 : i32
          %dma_start3A_365 = tpu.memref_slice %arg4[%dma_start3A_363, %dma_start3A_364] : memref<10000x64xf32, #tpu.memory_space<hbm>> -> memref<10000x64xf32, #tpu.memory_space<hbm>>
          tpu.enqueue_indirect_dma source(%dma_start3A_365 : memref<10000x64xf32, #tpu.memory_space<hbm>>) target(%arg10 : memref<80x64xf32, #tpu.memory_space<vmem>>) offsets(%dma_start3A_362 : memref<80xi32, #tpu.memory_space<vmem>>) semaphore(%arg20 : memref<!tpu.dma_semaphore, #tpu.memory_space<semaphore_mem>>)
        } else {
        }
        %dma_start3A_232 = arith.constant 0 : i32
        %dma_start3A_233 = tpu.memref_slice %arg8[%add3A_211, %dma_start3A_232] : memref<250x80xi32, #tpu.memory_space<vmem>> -> memref<1x80xi32, #tpu.memory_space<vmem>>
        %dma_start3A_234 = tpu.memref_squeeze %dma_start3A_233 : memref<1x80xi32, #tpu.memory_space<vmem>> -> memref<80xi32, #tpu.memory_space<vmem>>
        %dma_start3A_235 = arith.constant 0 : i32
        %dma_start3A_236 = arith.constant 0 : i32
        %dma_start3A_237 = tpu.memref_slice %arg18[%dma_start3A_235, %dma_start3A_236] : memref<10000x64xf32, #tpu.memory_space<vmem_shared>> -> memref<10000x64xf32, #tpu.memory_space<vmem_shared>>
        tpu.enqueue_indirect_dma source(%arg12 : memref<80x64xf32, #tpu.memory_space<vmem>>) target(%dma_start3A_237 : memref<10000x64xf32, #tpu.memory_space<vmem_shared>>) offsets(%dma_start3A_234 : memref<80xi32, #tpu.memory_space<vmem>>) semaphore(%arg30 : memref<!tpu.dma_semaphore, #tpu.memory_space<semaphore_mem>>) {add = true}
        %mul3A_238 = arith.constant 8 : i32
        %mul3A_239 = arith.muli %mul3A_238, %scan3A_124 : i32
        %add3A_240 = arith.constant 4 : i32
        %add3A_241 = arith.addi %mul3A_239, %add3A_240 : i32
        %dma_wait3A_242 = arith.constant 0 : i32
        %dma_wait3A_243 = tpu.memref_slice %arg7[%add3A_241, %dma_wait3A_242] : memref<250x80xi32, #tpu.memory_space<vmem>> -> memref<1x80xi32, #tpu.memory_space<vmem>>
        %dma_wait3A_244 = tpu.memref_squeeze %dma_wait3A_243 : memref<1x80xi32, #tpu.memory_space<vmem>> -> memref<80xi32, #tpu.memory_space<vmem>>
        %dma_wait3A_245 = arith.constant 0 : i32
        %dma_wait3A_246 = arith.constant 0 : i32
        %dma_wait3A_247 = tpu.memref_slice %arg4[%dma_wait3A_245, %dma_wait3A_246] : memref<10000x64xf32, #tpu.memory_space<hbm>> -> memref<10000x64xf32, #tpu.memory_space<hbm>>
        tpu.wait_indirect_dma semaphore(%arg23 : memref<!tpu.dma_semaphore, #tpu.memory_space<semaphore_mem>>) src(%dma_wait3A_247 : memref<10000x64xf32, #tpu.memory_space<hbm>>) dst(%arg13 : memref<80x64xf32, #tpu.memory_space<vmem>>)
        %dma_wait3A_248 = arith.constant 0 : i32
        %dma_wait3A_249 = arith.constant 0 : i32
        %dma_wait3A_250 = tpu.memref_slice %arg8[%dma_wait3A_248, %dma_wait3A_249] : memref<250x80xi32, #tpu.memory_space<vmem>> -> memref<1x80xi32, #tpu.memory_space<vmem>>
        %dma_wait3A_251 = tpu.memref_squeeze %dma_wait3A_250 : memref<1x80xi32, #tpu.memory_space<vmem>> -> memref<80xi32, #tpu.memory_space<vmem>>
        %dma_wait3A_252 = arith.constant 0 : i32
        %dma_wait3A_253 = arith.constant 0 : i32
        %dma_wait3A_254 = tpu.memref_slice %arg18[%dma_wait3A_252, %dma_wait3A_253] : memref<10000x64xf32, #tpu.memory_space<vmem_shared>> -> memref<10000x64xf32, #tpu.memory_space<vmem_shared>>
        tpu.wait_indirect_dma semaphore(%arg29 : memref<!tpu.dma_semaphore, #tpu.memory_space<semaphore_mem>>) src(%arg11 : memref<80x64xf32, #tpu.memory_space<vmem>>) dst(%dma_wait3A_254 : memref<10000x64xf32, #tpu.memory_space<vmem_shared>>)
        %add3A_255 = arith.constant 6 : i32
        %add3A_256 = arith.addi %add3A_241, %add3A_255 : i32
        %lt3A_257 = arith.constant 250 : i32
        %lt3A_258 = arith.cmpi slt, %add3A_256, %lt3A_257 : i32
        %convert_element_type3A_259 = arith.extui %lt3A_258 : i1 to i32
        %cond3A_260 = arith.constant 0 : i32
        %cond3A_261 = arith.cmpi ne, %convert_element_type3A_259, %cond3A_260 : i32
        scf.if %cond3A_261 {
          %add3A_358 = arith.constant 6 : i32
          %add3A_359 = arith.addi %add3A_241, %add3A_358 : i32
          %dma_start3A_360 = arith.constant 0 : i32
          %dma_start3A_361 = tpu.memref_slice %arg7[%add3A_359, %dma_start3A_360] : memref<250x80xi32, #tpu.memory_space<vmem>> -> memref<1x80xi32, #tpu.memory_space<vmem>>
          %dma_start3A_362 = tpu.memref_squeeze %dma_start3A_361 : memref<1x80xi32, #tpu.memory_space<vmem>> -> memref<80xi32, #tpu.memory_space<vmem>>
          %dma_start3A_363 = arith.constant 0 : i32
          %dma_start3A_364 = arith.constant 0 : i32
          %dma_start3A_365 = tpu.memref_slice %arg4[%dma_start3A_363, %dma_start3A_364] : memref<10000x64xf32, #tpu.memory_space<hbm>> -> memref<10000x64xf32, #tpu.memory_space<hbm>>
          tpu.enqueue_indirect_dma source(%dma_start3A_365 : memref<10000x64xf32, #tpu.memory_space<hbm>>) target(%arg11 : memref<80x64xf32, #tpu.memory_space<vmem>>) offsets(%dma_start3A_362 : memref<80xi32, #tpu.memory_space<vmem>>) semaphore(%arg21 : memref<!tpu.dma_semaphore, #tpu.memory_space<semaphore_mem>>)
        } else {
        }
        %dma_start3A_262 = arith.constant 0 : i32
        %dma_start3A_263 = tpu.memref_slice %arg8[%add3A_241, %dma_start3A_262] : memref<250x80xi32, #tpu.memory_space<vmem>> -> memref<1x80xi32, #tpu.memory_space<vmem>>
        %dma_start3A_264 = tpu.memref_squeeze %dma_start3A_263 : memref<1x80xi32, #tpu.memory_space<vmem>> -> memref<80xi32, #tpu.memory_space<vmem>>
        %dma_start3A_265 = arith.constant 0 : i32
        %dma_start3A_266 = arith.constant 0 : i32
        %dma_start3A_267 = tpu.memref_slice %arg18[%dma_start3A_265, %dma_start3A_266] : memref<10000x64xf32, #tpu.memory_space<vmem_shared>> -> memref<10000x64xf32, #tpu.memory_space<vmem_shared>>
        tpu.enqueue_indirect_dma source(%arg13 : memref<80x64xf32, #tpu.memory_space<vmem>>) target(%dma_start3A_267 : memref<10000x64xf32, #tpu.memory_space<vmem_shared>>) offsets(%dma_start3A_264 : memref<80xi32, #tpu.memory_space<vmem>>) semaphore(%arg31 : memref<!tpu.dma_semaphore, #tpu.memory_space<semaphore_mem>>) {add = true}
        %mul3A_268 = arith.constant 8 : i32
        %mul3A_269 = arith.muli %mul3A_268, %scan3A_124 : i32
        %add3A_270 = arith.constant 5 : i32
        %add3A_271 = arith.addi %mul3A_269, %add3A_270 : i32
        %dma_wait3A_272 = arith.constant 0 : i32
        %dma_wait3A_273 = tpu.memref_slice %arg7[%add3A_271, %dma_wait3A_272] : memref<250x80xi32, #tpu.memory_space<vmem>> -> memref<1x80xi32, #tpu.memory_space<vmem>>
        %dma_wait3A_274 = tpu.memref_squeeze %dma_wait3A_273 : memref<1x80xi32, #tpu.memory_space<vmem>> -> memref<80xi32, #tpu.memory_space<vmem>>
        %dma_wait3A_275 = arith.constant 0 : i32
        %dma_wait3A_276 = arith.constant 0 : i32
        %dma_wait3A_277 = tpu.memref_slice %arg4[%dma_wait3A_275, %dma_wait3A_276] : memref<10000x64xf32, #tpu.memory_space<hbm>> -> memref<10000x64xf32, #tpu.memory_space<hbm>>
        tpu.wait_indirect_dma semaphore(%arg24 : memref<!tpu.dma_semaphore, #tpu.memory_space<semaphore_mem>>) src(%dma_wait3A_277 : memref<10000x64xf32, #tpu.memory_space<hbm>>) dst(%arg14 : memref<80x64xf32, #tpu.memory_space<vmem>>)
        %dma_wait3A_278 = arith.constant 0 : i32
        %dma_wait3A_279 = arith.constant 0 : i32
        %dma_wait3A_280 = tpu.memref_slice %arg8[%dma_wait3A_278, %dma_wait3A_279] : memref<250x80xi32, #tpu.memory_space<vmem>> -> memref<1x80xi32, #tpu.memory_space<vmem>>
        %dma_wait3A_281 = tpu.memref_squeeze %dma_wait3A_280 : memref<1x80xi32, #tpu.memory_space<vmem>> -> memref<80xi32, #tpu.memory_space<vmem>>
        %dma_wait3A_282 = arith.constant 0 : i32
        %dma_wait3A_283 = arith.constant 0 : i32
        %dma_wait3A_284 = tpu.memref_slice %arg18[%dma_wait3A_282, %dma_wait3A_283] : memref<10000x64xf32, #tpu.memory_space<vmem_shared>> -> memref<10000x64xf32, #tpu.memory_space<vmem_shared>>
        tpu.wait_indirect_dma semaphore(%arg30 : memref<!tpu.dma_semaphore, #tpu.memory_space<semaphore_mem>>) src(%arg12 : memref<80x64xf32, #tpu.memory_space<vmem>>) dst(%dma_wait3A_284 : memref<10000x64xf32, #tpu.memory_space<vmem_shared>>)
        %add3A_285 = arith.constant 6 : i32
        %add3A_286 = arith.addi %add3A_271, %add3A_285 : i32
        %lt3A_287 = arith.constant 250 : i32
        %lt3A_288 = arith.cmpi slt, %add3A_286, %lt3A_287 : i32
        %convert_element_type3A_289 = arith.extui %lt3A_288 : i1 to i32
        %cond3A_290 = arith.constant 0 : i32
        %cond3A_291 = arith.cmpi ne, %convert_element_type3A_289, %cond3A_290 : i32
        scf.if %cond3A_291 {
          %add3A_358 = arith.constant 6 : i32
          %add3A_359 = arith.addi %add3A_271, %add3A_358 : i32
          %dma_start3A_360 = arith.constant 0 : i32
          %dma_start3A_361 = tpu.memref_slice %arg7[%add3A_359, %dma_start3A_360] : memref<250x80xi32, #tpu.memory_space<vmem>> -> memref<1x80xi32, #tpu.memory_space<vmem>>
          %dma_start3A_362 = tpu.memref_squeeze %dma_start3A_361 : memref<1x80xi32, #tpu.memory_space<vmem>> -> memref<80xi32, #tpu.memory_space<vmem>>
          %dma_start3A_363 = arith.constant 0 : i32
          %dma_start3A_364 = arith.constant 0 : i32
          %dma_start3A_365 = tpu.memref_slice %arg4[%dma_start3A_363, %dma_start3A_364] : memref<10000x64xf32, #tpu.memory_space<hbm>> -> memref<10000x64xf32, #tpu.memory_space<hbm>>
          tpu.enqueue_indirect_dma source(%dma_start3A_365 : memref<10000x64xf32, #tpu.memory_space<hbm>>) target(%arg12 : memref<80x64xf32, #tpu.memory_space<vmem>>) offsets(%dma_start3A_362 : memref<80xi32, #tpu.memory_space<vmem>>) semaphore(%arg22 : memref<!tpu.dma_semaphore, #tpu.memory_space<semaphore_mem>>)
        } else {
        }
        %dma_start3A_292 = arith.constant 0 : i32
        %dma_start3A_293 = tpu.memref_slice %arg8[%add3A_271, %dma_start3A_292] : memref<250x80xi32, #tpu.memory_space<vmem>> -> memref<1x80xi32, #tpu.memory_space<vmem>>
        %dma_start3A_294 = tpu.memref_squeeze %dma_start3A_293 : memref<1x80xi32, #tpu.memory_space<vmem>> -> memref<80xi32, #tpu.memory_space<vmem>>
        %dma_start3A_295 = arith.constant 0 : i32
        %dma_start3A_296 = arith.constant 0 : i32
        %dma_start3A_297 = tpu.memref_slice %arg18[%dma_start3A_295, %dma_start3A_296] : memref<10000x64xf32, #tpu.memory_space<vmem_shared>> -> memref<10000x64xf32, #tpu.memory_space<vmem_shared>>
        tpu.enqueue_indirect_dma source(%arg14 : memref<80x64xf32, #tpu.memory_space<vmem>>) target(%dma_start3A_297 : memref<10000x64xf32, #tpu.memory_space<vmem_shared>>) offsets(%dma_start3A_294 : memref<80xi32, #tpu.memory_space<vmem>>) semaphore(%arg32 : memref<!tpu.dma_semaphore, #tpu.memory_space<semaphore_mem>>) {add = true}
        %mul3A_298 = arith.constant 8 : i32
        %mul3A_299 = arith.muli %mul3A_298, %scan3A_124 : i32
        %add3A_300 = arith.constant 6 : i32
        %add3A_301 = arith.addi %mul3A_299, %add3A_300 : i32
        %dma_wait3A_302 = arith.constant 0 : i32
        %dma_wait3A_303 = tpu.memref_slice %arg7[%add3A_301, %dma_wait3A_302] : memref<250x80xi32, #tpu.memory_space<vmem>> -> memref<1x80xi32, #tpu.memory_space<vmem>>
        %dma_wait3A_304 = tpu.memref_squeeze %dma_wait3A_303 : memref<1x80xi32, #tpu.memory_space<vmem>> -> memref<80xi32, #tpu.memory_space<vmem>>
        %dma_wait3A_305 = arith.constant 0 : i32
        %dma_wait3A_306 = arith.constant 0 : i32
        %dma_wait3A_307 = tpu.memref_slice %arg4[%dma_wait3A_305, %dma_wait3A_306] : memref<10000x64xf32, #tpu.memory_space<hbm>> -> memref<10000x64xf32, #tpu.memory_space<hbm>>
        tpu.wait_indirect_dma semaphore(%arg25 : memref<!tpu.dma_semaphore, #tpu.memory_space<semaphore_mem>>) src(%dma_wait3A_307 : memref<10000x64xf32, #tpu.memory_space<hbm>>) dst(%arg15 : memref<80x64xf32, #tpu.memory_space<vmem>>)
        %dma_wait3A_308 = arith.constant 0 : i32
        %dma_wait3A_309 = arith.constant 0 : i32
        %dma_wait3A_310 = tpu.memref_slice %arg8[%dma_wait3A_308, %dma_wait3A_309] : memref<250x80xi32, #tpu.memory_space<vmem>> -> memref<1x80xi32, #tpu.memory_space<vmem>>
        %dma_wait3A_311 = tpu.memref_squeeze %dma_wait3A_310 : memref<1x80xi32, #tpu.memory_space<vmem>> -> memref<80xi32, #tpu.memory_space<vmem>>
        %dma_wait3A_312 = arith.constant 0 : i32
        %dma_wait3A_313 = arith.constant 0 : i32
        %dma_wait3A_314 = tpu.memref_slice %arg18[%dma_wait3A_312, %dma_wait3A_313] : memref<10000x64xf32, #tpu.memory_space<vmem_shared>> -> memref<10000x64xf32, #tpu.memory_space<vmem_shared>>
        tpu.wait_indirect_dma semaphore(%arg31 : memref<!tpu.dma_semaphore, #tpu.memory_space<semaphore_mem>>) src(%arg13 : memref<80x64xf32, #tpu.memory_space<vmem>>) dst(%dma_wait3A_314 : memref<10000x64xf32, #tpu.memory_space<vmem_shared>>)
        %add3A_315 = arith.constant 6 : i32
        %add3A_316 = arith.addi %add3A_301, %add3A_315 : i32
        %lt3A_317 = arith.constant 250 : i32
        %lt3A_318 = arith.cmpi slt, %add3A_316, %lt3A_317 : i32
        %convert_element_type3A_319 = arith.extui %lt3A_318 : i1 to i32
        %cond3A_320 = arith.constant 0 : i32
        %cond3A_321 = arith.cmpi ne, %convert_element_type3A_319, %cond3A_320 : i32
        scf.if %cond3A_321 {
          %add3A_358 = arith.constant 6 : i32
          %add3A_359 = arith.addi %add3A_301, %add3A_358 : i32
          %dma_start3A_360 = arith.constant 0 : i32
          %dma_start3A_361 = tpu.memref_slice %arg7[%add3A_359, %dma_start3A_360] : memref<250x80xi32, #tpu.memory_space<vmem>> -> memref<1x80xi32, #tpu.memory_space<vmem>>
          %dma_start3A_362 = tpu.memref_squeeze %dma_start3A_361 : memref<1x80xi32, #tpu.memory_space<vmem>> -> memref<80xi32, #tpu.memory_space<vmem>>
          %dma_start3A_363 = arith.constant 0 : i32
          %dma_start3A_364 = arith.constant 0 : i32
          %dma_start3A_365 = tpu.memref_slice %arg4[%dma_start3A_363, %dma_start3A_364] : memref<10000x64xf32, #tpu.memory_space<hbm>> -> memref<10000x64xf32, #tpu.memory_space<hbm>>
          tpu.enqueue_indirect_dma source(%dma_start3A_365 : memref<10000x64xf32, #tpu.memory_space<hbm>>) target(%arg13 : memref<80x64xf32, #tpu.memory_space<vmem>>) offsets(%dma_start3A_362 : memref<80xi32, #tpu.memory_space<vmem>>) semaphore(%arg23 : memref<!tpu.dma_semaphore, #tpu.memory_space<semaphore_mem>>)
        } else {
        }
        %dma_start3A_322 = arith.constant 0 : i32
        %dma_start3A_323 = tpu.memref_slice %arg8[%add3A_301, %dma_start3A_322] : memref<250x80xi32, #tpu.memory_space<vmem>> -> memref<1x80xi32, #tpu.memory_space<vmem>>
        %dma_start3A_324 = tpu.memref_squeeze %dma_start3A_323 : memref<1x80xi32, #tpu.memory_space<vmem>> -> memref<80xi32, #tpu.memory_space<vmem>>
        %dma_start3A_325 = arith.constant 0 : i32
        %dma_start3A_326 = arith.constant 0 : i32
        %dma_start3A_327 = tpu.memref_slice %arg18[%dma_start3A_325, %dma_start3A_326] : memref<10000x64xf32, #tpu.memory_space<vmem_shared>> -> memref<10000x64xf32, #tpu.memory_space<vmem_shared>>
        tpu.enqueue_indirect_dma source(%arg15 : memref<80x64xf32, #tpu.memory_space<vmem>>) target(%dma_start3A_327 : memref<10000x64xf32, #tpu.memory_space<vmem_shared>>) offsets(%dma_start3A_324 : memref<80xi32, #tpu.memory_space<vmem>>) semaphore(%arg33 : memref<!tpu.dma_semaphore, #tpu.memory_space<semaphore_mem>>) {add = true}
        %mul3A_328 = arith.constant 8 : i32
        %mul3A_329 = arith.muli %mul3A_328, %scan3A_124 : i32
        %add3A_330 = arith.constant 7 : i32
        %add3A_331 = arith.addi %mul3A_329, %add3A_330 : i32
        %dma_wait3A_332 = arith.constant 0 : i32
        %dma_wait3A_333 = tpu.memref_slice %arg7[%add3A_331, %dma_wait3A_332] : memref<250x80xi32, #tpu.memory_space<vmem>> -> memref<1x80xi32, #tpu.memory_space<vmem>>
        %dma_wait3A_334 = tpu.memref_squeeze %dma_wait3A_333 : memref<1x80xi32, #tpu.memory_space<vmem>> -> memref<80xi32, #tpu.memory_space<vmem>>
        %dma_wait3A_335 = arith.constant 0 : i32
        %dma_wait3A_336 = arith.constant 0 : i32
        %dma_wait3A_337 = tpu.memref_slice %arg4[%dma_wait3A_335, %dma_wait3A_336] : memref<10000x64xf32, #tpu.memory_space<hbm>> -> memref<10000x64xf32, #tpu.memory_space<hbm>>
        tpu.wait_indirect_dma semaphore(%arg26 : memref<!tpu.dma_semaphore, #tpu.memory_space<semaphore_mem>>) src(%dma_wait3A_337 : memref<10000x64xf32, #tpu.memory_space<hbm>>) dst(%arg16 : memref<80x64xf32, #tpu.memory_space<vmem>>)
        %dma_wait3A_338 = arith.constant 0 : i32
        %dma_wait3A_339 = arith.constant 0 : i32
        %dma_wait3A_340 = tpu.memref_slice %arg8[%dma_wait3A_338, %dma_wait3A_339] : memref<250x80xi32, #tpu.memory_space<vmem>> -> memref<1x80xi32, #tpu.memory_space<vmem>>
        %dma_wait3A_341 = tpu.memref_squeeze %dma_wait3A_340 : memref<1x80xi32, #tpu.memory_space<vmem>> -> memref<80xi32, #tpu.memory_space<vmem>>
        %dma_wait3A_342 = arith.constant 0 : i32
        %dma_wait3A_343 = arith.constant 0 : i32
        %dma_wait3A_344 = tpu.memref_slice %arg18[%dma_wait3A_342, %dma_wait3A_343] : memref<10000x64xf32, #tpu.memory_space<vmem_shared>> -> memref<10000x64xf32, #tpu.memory_space<vmem_shared>>
        tpu.wait_indirect_dma semaphore(%arg32 : memref<!tpu.dma_semaphore, #tpu.memory_space<semaphore_mem>>) src(%arg14 : memref<80x64xf32, #tpu.memory_space<vmem>>) dst(%dma_wait3A_344 : memref<10000x64xf32, #tpu.memory_space<vmem_shared>>)
        %add3A_345 = arith.constant 6 : i32
        %add3A_346 = arith.addi %add3A_331, %add3A_345 : i32
        %lt3A_347 = arith.constant 250 : i32
        %lt3A_348 = arith.cmpi slt, %add3A_346, %lt3A_347 : i32
        %convert_element_type3A_349 = arith.extui %lt3A_348 : i1 to i32
        %cond3A_350 = arith.constant 0 : i32
        %cond3A_351 = arith.cmpi ne, %convert_element_type3A_349, %cond3A_350 : i32
        scf.if %cond3A_351 {
          %add3A_358 = arith.constant 6 : i32
          %add3A_359 = arith.addi %add3A_331, %add3A_358 : i32
          %dma_start3A_360 = arith.constant 0 : i32
          %dma_start3A_361 = tpu.memref_slice %arg7[%add3A_359, %dma_start3A_360] : memref<250x80xi32, #tpu.memory_space<vmem>> -> memref<1x80xi32, #tpu.memory_space<vmem>>
          %dma_start3A_362 = tpu.memref_squeeze %dma_start3A_361 : memref<1x80xi32, #tpu.memory_space<vmem>> -> memref<80xi32, #tpu.memory_space<vmem>>
          %dma_start3A_363 = arith.constant 0 : i32
          %dma_start3A_364 = arith.constant 0 : i32
          %dma_start3A_365 = tpu.memref_slice %arg4[%dma_start3A_363, %dma_start3A_364] : memref<10000x64xf32, #tpu.memory_space<hbm>> -> memref<10000x64xf32, #tpu.memory_space<hbm>>
          tpu.enqueue_indirect_dma source(%dma_start3A_365 : memref<10000x64xf32, #tpu.memory_space<hbm>>) target(%arg14 : memref<80x64xf32, #tpu.memory_space<vmem>>) offsets(%dma_start3A_362 : memref<80xi32, #tpu.memory_space<vmem>>) semaphore(%arg24 : memref<!tpu.dma_semaphore, #tpu.memory_space<semaphore_mem>>)
        } else {
        }
        %dma_start3A_352 = arith.constant 0 : i32
        %dma_start3A_353 = tpu.memref_slice %arg8[%add3A_331, %dma_start3A_352] : memref<250x80xi32, #tpu.memory_space<vmem>> -> memref<1x80xi32, #tpu.memory_space<vmem>>
        %dma_start3A_354 = tpu.memref_squeeze %dma_start3A_353 : memref<1x80xi32, #tpu.memory_space<vmem>> -> memref<80xi32, #tpu.memory_space<vmem>>
        %dma_start3A_355 = arith.constant 0 : i32
        %dma_start3A_356 = arith.constant 0 : i32
        %dma_start3A_357 = tpu.memref_slice %arg18[%dma_start3A_355, %dma_start3A_356] : memref<10000x64xf32, #tpu.memory_space<vmem_shared>> -> memref<10000x64xf32, #tpu.memory_space<vmem_shared>>
        tpu.enqueue_indirect_dma source(%arg16 : memref<80x64xf32, #tpu.memory_space<vmem>>) target(%dma_start3A_357 : memref<10000x64xf32, #tpu.memory_space<vmem_shared>>) offsets(%dma_start3A_354 : memref<80xi32, #tpu.memory_space<vmem>>) semaphore(%arg34 : memref<!tpu.dma_semaphore, #tpu.memory_space<semaphore_mem>>) {add = true}
      }
      %scan3A_68 = arith.constant 31 : i32
      %dma_wait3A = arith.constant 248 : i32
      %dma_wait3A_69 = arith.constant 0 : i32
      %dma_wait3A_70 = tpu.memref_slice %arg7[%dma_wait3A, %dma_wait3A_69] : memref<250x80xi32, #tpu.memory_space<vmem>> -> memref<1x80xi32, #tpu.memory_space<vmem>>
      %dma_wait3A_71 = tpu.memref_squeeze %dma_wait3A_70 : memref<1x80xi32, #tpu.memory_space<vmem>> -> memref<80xi32, #tpu.memory_space<vmem>>
      %dma_wait3A_72 = arith.constant 0 : i32
      %dma_wait3A_73 = arith.constant 0 : i32
      %dma_wait3A_74 = tpu.memref_slice %arg4[%dma_wait3A_72, %dma_wait3A_73] : memref<10000x64xf32, #tpu.memory_space<hbm>> -> memref<10000x64xf32, #tpu.memory_space<hbm>>
      tpu.wait_indirect_dma semaphore(%arg19 : memref<!tpu.dma_semaphore, #tpu.memory_space<semaphore_mem>>) src(%dma_wait3A_74 : memref<10000x64xf32, #tpu.memory_space<hbm>>) dst(%arg9 : memref<80x64xf32, #tpu.memory_space<vmem>>)
      %dma_wait3A_75 = arith.constant 0 : i32
      %dma_wait3A_76 = arith.constant 0 : i32
      %dma_wait3A_77 = tpu.memref_slice %arg8[%dma_wait3A_75, %dma_wait3A_76] : memref<250x80xi32, #tpu.memory_space<vmem>> -> memref<1x80xi32, #tpu.memory_space<vmem>>
      %dma_wait3A_78 = tpu.memref_squeeze %dma_wait3A_77 : memref<1x80xi32, #tpu.memory_space<vmem>> -> memref<80xi32, #tpu.memory_space<vmem>>
      %dma_wait3A_79 = arith.constant 0 : i32
      %dma_wait3A_80 = arith.constant 0 : i32
      %dma_wait3A_81 = tpu.memref_slice %arg18[%dma_wait3A_79, %dma_wait3A_80] : memref<10000x64xf32, #tpu.memory_space<vmem_shared>> -> memref<10000x64xf32, #tpu.memory_space<vmem_shared>>
      tpu.wait_indirect_dma semaphore(%arg33 : memref<!tpu.dma_semaphore, #tpu.memory_space<semaphore_mem>>) src(%arg15 : memref<80x64xf32, #tpu.memory_space<vmem>>) dst(%dma_wait3A_81 : memref<10000x64xf32, #tpu.memory_space<vmem_shared>>)
      %dma_start3A_82 = arith.constant 248 : i32
      %dma_start3A_83 = arith.constant 0 : i32
      %dma_start3A_84 = tpu.memref_slice %arg8[%dma_start3A_82, %dma_start3A_83] : memref<250x80xi32, #tpu.memory_space<vmem>> -> memref<1x80xi32, #tpu.memory_space<vmem>>
      %dma_start3A_85 = tpu.memref_squeeze %dma_start3A_84 : memref<1x80xi32, #tpu.memory_space<vmem>> -> memref<80xi32, #tpu.memory_space<vmem>>
      %dma_start3A_86 = arith.constant 0 : i32
      %dma_start3A_87 = arith.constant 0 : i32
      %dma_start3A_88 = tpu.memref_slice %arg18[%dma_start3A_86, %dma_start3A_87] : memref<10000x64xf32, #tpu.memory_space<vmem_shared>> -> memref<10000x64xf32, #tpu.memory_space<vmem_shared>>
      tpu.enqueue_indirect_dma source(%arg9 : memref<80x64xf32, #tpu.memory_space<vmem>>) target(%dma_start3A_88 : memref<10000x64xf32, #tpu.memory_space<vmem_shared>>) offsets(%dma_start3A_85 : memref<80xi32, #tpu.memory_space<vmem>>) semaphore(%arg27 : memref<!tpu.dma_semaphore, #tpu.memory_space<semaphore_mem>>) {add = true}
      %dma_wait3A_89 = arith.constant 249 : i32
      %dma_wait3A_90 = arith.constant 0 : i32
      %dma_wait3A_91 = tpu.memref_slice %arg7[%dma_wait3A_89, %dma_wait3A_90] : memref<250x80xi32, #tpu.memory_space<vmem>> -> memref<1x80xi32, #tpu.memory_space<vmem>>
      %dma_wait3A_92 = tpu.memref_squeeze %dma_wait3A_91 : memref<1x80xi32, #tpu.memory_space<vmem>> -> memref<80xi32, #tpu.memory_space<vmem>>
      %dma_wait3A_93 = arith.constant 0 : i32
      %dma_wait3A_94 = arith.constant 0 : i32
      %dma_wait3A_95 = tpu.memref_slice %arg4[%dma_wait3A_93, %dma_wait3A_94] : memref<10000x64xf32, #tpu.memory_space<hbm>> -> memref<10000x64xf32, #tpu.memory_space<hbm>>
      tpu.wait_indirect_dma semaphore(%arg20 : memref<!tpu.dma_semaphore, #tpu.memory_space<semaphore_mem>>) src(%dma_wait3A_95 : memref<10000x64xf32, #tpu.memory_space<hbm>>) dst(%arg10 : memref<80x64xf32, #tpu.memory_space<vmem>>)
      %dma_wait3A_96 = arith.constant 0 : i32
      %dma_wait3A_97 = arith.constant 0 : i32
      %dma_wait3A_98 = tpu.memref_slice %arg8[%dma_wait3A_96, %dma_wait3A_97] : memref<250x80xi32, #tpu.memory_space<vmem>> -> memref<1x80xi32, #tpu.memory_space<vmem>>
      %dma_wait3A_99 = tpu.memref_squeeze %dma_wait3A_98 : memref<1x80xi32, #tpu.memory_space<vmem>> -> memref<80xi32, #tpu.memory_space<vmem>>
      %dma_wait3A_100 = arith.constant 0 : i32
      %dma_wait3A_101 = arith.constant 0 : i32
      %dma_wait3A_102 = tpu.memref_slice %arg18[%dma_wait3A_100, %dma_wait3A_101] : memref<10000x64xf32, #tpu.memory_space<vmem_shared>> -> memref<10000x64xf32, #tpu.memory_space<vmem_shared>>
      tpu.wait_indirect_dma semaphore(%arg34 : memref<!tpu.dma_semaphore, #tpu.memory_space<semaphore_mem>>) src(%arg16 : memref<80x64xf32, #tpu.memory_space<vmem>>) dst(%dma_wait3A_102 : memref<10000x64xf32, #tpu.memory_space<vmem_shared>>)
      %dma_start3A_103 = arith.constant 249 : i32
      %dma_start3A_104 = arith.constant 0 : i32
      %dma_start3A_105 = tpu.memref_slice %arg8[%dma_start3A_103, %dma_start3A_104] : memref<250x80xi32, #tpu.memory_space<vmem>> -> memref<1x80xi32, #tpu.memory_space<vmem>>
      %dma_start3A_106 = tpu.memref_squeeze %dma_start3A_105 : memref<1x80xi32, #tpu.memory_space<vmem>> -> memref<80xi32, #tpu.memory_space<vmem>>
      %dma_start3A_107 = arith.constant 0 : i32
      %dma_start3A_108 = arith.constant 0 : i32
      %dma_start3A_109 = tpu.memref_slice %arg18[%dma_start3A_107, %dma_start3A_108] : memref<10000x64xf32, #tpu.memory_space<vmem_shared>> -> memref<10000x64xf32, #tpu.memory_space<vmem_shared>>
      tpu.enqueue_indirect_dma source(%arg10 : memref<80x64xf32, #tpu.memory_space<vmem>>) target(%dma_start3A_109 : memref<10000x64xf32, #tpu.memory_space<vmem_shared>>) offsets(%dma_start3A_106 : memref<80xi32, #tpu.memory_space<vmem>>) semaphore(%arg28 : memref<!tpu.dma_semaphore, #tpu.memory_space<semaphore_mem>>) {add = true}
      %dma_wait3A_110 = arith.constant 0 : i32
      %dma_wait3A_111 = arith.constant 0 : i32
      %dma_wait3A_112 = tpu.memref_slice %arg8[%dma_wait3A_110, %dma_wait3A_111] : memref<250x80xi32, #tpu.memory_space<vmem>> -> memref<1x80xi32, #tpu.memory_space<vmem>>
      %dma_wait3A_113 = tpu.memref_squeeze %dma_wait3A_112 : memref<1x80xi32, #tpu.memory_space<vmem>> -> memref<80xi32, #tpu.memory_space<vmem>>
      %dma_wait3A_114 = arith.constant 0 : i32
      %dma_wait3A_115 = arith.constant 0 : i32
      %dma_wait3A_116 = tpu.memref_slice %arg18[%dma_wait3A_114, %dma_wait3A_115] : memref<10000x64xf32, #tpu.memory_space<vmem_shared>> -> memref<10000x64xf32, #tpu.memory_space<vmem_shared>>
      tpu.wait_indirect_dma semaphore(%arg27 : memref<!tpu.dma_semaphore, #tpu.memory_space<semaphore_mem>>) src(%arg9 : memref<80x64xf32, #tpu.memory_space<vmem>>) dst(%dma_wait3A_116 : memref<10000x64xf32, #tpu.memory_space<vmem_shared>>)
      %dma_wait3A_117 = arith.constant 0 : i32
      %dma_wait3A_118 = arith.constant 0 : i32
      %dma_wait3A_119 = tpu.memref_slice %arg8[%dma_wait3A_117, %dma_wait3A_118] : memref<250x80xi32, #tpu.memory_space<vmem>> -> memref<1x80xi32, #tpu.memory_space<vmem>>
      %dma_wait3A_120 = tpu.memref_squeeze %dma_wait3A_119 : memref<1x80xi32, #tpu.memory_space<vmem>> -> memref<80xi32, #tpu.memory_space<vmem>>
      %dma_wait3A_121 = arith.constant 0 : i32
      %dma_wait3A_122 = arith.constant 0 : i32
      %dma_wait3A_123 = tpu.memref_slice %arg18[%dma_wait3A_121, %dma_wait3A_122] : memref<10000x64xf32, #tpu.memory_space<vmem_shared>> -> memref<10000x64xf32, #tpu.memory_space<vmem_shared>>
      tpu.wait_indirect_dma semaphore(%arg28 : memref<!tpu.dma_semaphore, #tpu.memory_space<semaphore_mem>>) src(%arg10 : memref<80x64xf32, #tpu.memory_space<vmem>>) dst(%dma_wait3A_123 : memref<10000x64xf32, #tpu.memory_space<vmem_shared>>)
    } else {
    }
    %eq3A_13 = arith.constant 1 : i32
    %eq3A_14 = arith.cmpi eq, %arg0, %eq3A_13 : i32
    %convert_element_type3A_15 = arith.extui %eq3A_14 : i1 to i32
    %cond3A_16 = arith.constant 0 : i32
    %cond3A_17 = arith.cmpi ne, %convert_element_type3A_15, %cond3A_16 : i32
    scf.if %cond3A_17 {
      %dma_start3A = arith.constant 0 : i32
      %dma_start3A_22 = arith.constant 0 : i32
      %dma_start3A_23 = tpu.memref_slice %arg7[%dma_start3A, %dma_start3A_22] : memref<250x80xi32, #tpu.memory_space<vmem>> -> memref<1x80xi32, #tpu.memory_space<vmem>>
      %dma_start3A_24 = tpu.memref_squeeze %dma_start3A_23 : memref<1x80xi32, #tpu.memory_space<vmem>> -> memref<80xi32, #tpu.memory_space<vmem>>
      %dma_start3A_25 = arith.constant 0 : i32
      %dma_start3A_26 = arith.constant 0 : i32
      %dma_start3A_27 = tpu.memref_slice %arg5[%dma_start3A_25, %dma_start3A_26] : memref<10000x64xf32, #tpu.memory_space<hbm>> -> memref<10000x64xf32, #tpu.memory_space<hbm>>
      tpu.enqueue_indirect_dma source(%dma_start3A_27 : memref<10000x64xf32, #tpu.memory_space<hbm>>) target(%arg9 : memref<80x64xf32, #tpu.memory_space<vmem>>) offsets(%dma_start3A_24 : memref<80xi32, #tpu.memory_space<vmem>>) semaphore(%arg19 : memref<!tpu.dma_semaphore, #tpu.memory_space<semaphore_mem>>)
      %dma_start3A_28 = arith.constant 1 : i32
      %dma_start3A_29 = arith.constant 0 : i32
      %dma_start3A_30 = tpu.memref_slice %arg7[%dma_start3A_28, %dma_start3A_29] : memref<250x80xi32, #tpu.memory_space<vmem>> -> memref<1x80xi32, #tpu.memory_space<vmem>>
      %dma_start3A_31 = tpu.memref_squeeze %dma_start3A_30 : memref<1x80xi32, #tpu.memory_space<vmem>> -> memref<80xi32, #tpu.memory_space<vmem>>
      %dma_start3A_32 = arith.constant 0 : i32
      %dma_start3A_33 = arith.constant 0 : i32
      %dma_start3A_34 = tpu.memref_slice %arg5[%dma_start3A_32, %dma_start3A_33] : memref<10000x64xf32, #tpu.memory_space<hbm>> -> memref<10000x64xf32, #tpu.memory_space<hbm>>
      tpu.enqueue_indirect_dma source(%dma_start3A_34 : memref<10000x64xf32, #tpu.memory_space<hbm>>) target(%arg10 : memref<80x64xf32, #tpu.memory_space<vmem>>) offsets(%dma_start3A_31 : memref<80xi32, #tpu.memory_space<vmem>>) semaphore(%arg20 : memref<!tpu.dma_semaphore, #tpu.memory_space<semaphore_mem>>)
      %dma_start3A_35 = arith.constant 2 : i32
      %dma_start3A_36 = arith.constant 0 : i32
      %dma_start3A_37 = tpu.memref_slice %arg7[%dma_start3A_35, %dma_start3A_36] : memref<250x80xi32, #tpu.memory_space<vmem>> -> memref<1x80xi32, #tpu.memory_space<vmem>>
      %dma_start3A_38 = tpu.memref_squeeze %dma_start3A_37 : memref<1x80xi32, #tpu.memory_space<vmem>> -> memref<80xi32, #tpu.memory_space<vmem>>
      %dma_start3A_39 = arith.constant 0 : i32
      %dma_start3A_40 = arith.constant 0 : i32
      %dma_start3A_41 = tpu.memref_slice %arg5[%dma_start3A_39, %dma_start3A_40] : memref<10000x64xf32, #tpu.memory_space<hbm>> -> memref<10000x64xf32, #tpu.memory_space<hbm>>
      tpu.enqueue_indirect_dma source(%dma_start3A_41 : memref<10000x64xf32, #tpu.memory_space<hbm>>) target(%arg11 : memref<80x64xf32, #tpu.memory_space<vmem>>) offsets(%dma_start3A_38 : memref<80xi32, #tpu.memory_space<vmem>>) semaphore(%arg21 : memref<!tpu.dma_semaphore, #tpu.memory_space<semaphore_mem>>)
      %dma_start3A_42 = arith.constant 3 : i32
      %dma_start3A_43 = arith.constant 0 : i32
      %dma_start3A_44 = tpu.memref_slice %arg7[%dma_start3A_42, %dma_start3A_43] : memref<250x80xi32, #tpu.memory_space<vmem>> -> memref<1x80xi32, #tpu.memory_space<vmem>>
      %dma_start3A_45 = tpu.memref_squeeze %dma_start3A_44 : memref<1x80xi32, #tpu.memory_space<vmem>> -> memref<80xi32, #tpu.memory_space<vmem>>
      %dma_start3A_46 = arith.constant 0 : i32
      %dma_start3A_47 = arith.constant 0 : i32
      %dma_start3A_48 = tpu.memref_slice %arg5[%dma_start3A_46, %dma_start3A_47] : memref<10000x64xf32, #tpu.memory_space<hbm>> -> memref<10000x64xf32, #tpu.memory_space<hbm>>
      tpu.enqueue_indirect_dma source(%dma_start3A_48 : memref<10000x64xf32, #tpu.memory_space<hbm>>) target(%arg12 : memref<80x64xf32, #tpu.memory_space<vmem>>) offsets(%dma_start3A_45 : memref<80xi32, #tpu.memory_space<vmem>>) semaphore(%arg22 : memref<!tpu.dma_semaphore, #tpu.memory_space<semaphore_mem>>)
      %dma_start3A_49 = arith.constant 4 : i32
      %dma_start3A_50 = arith.constant 0 : i32
      %dma_start3A_51 = tpu.memref_slice %arg7[%dma_start3A_49, %dma_start3A_50] : memref<250x80xi32, #tpu.memory_space<vmem>> -> memref<1x80xi32, #tpu.memory_space<vmem>>
      %dma_start3A_52 = tpu.memref_squeeze %dma_start3A_51 : memref<1x80xi32, #tpu.memory_space<vmem>> -> memref<80xi32, #tpu.memory_space<vmem>>
      %dma_start3A_53 = arith.constant 0 : i32
      %dma_start3A_54 = arith.constant 0 : i32
      %dma_start3A_55 = tpu.memref_slice %arg5[%dma_start3A_53, %dma_start3A_54] : memref<10000x64xf32, #tpu.memory_space<hbm>> -> memref<10000x64xf32, #tpu.memory_space<hbm>>
      tpu.enqueue_indirect_dma source(%dma_start3A_55 : memref<10000x64xf32, #tpu.memory_space<hbm>>) target(%arg13 : memref<80x64xf32, #tpu.memory_space<vmem>>) offsets(%dma_start3A_52 : memref<80xi32, #tpu.memory_space<vmem>>) semaphore(%arg23 : memref<!tpu.dma_semaphore, #tpu.memory_space<semaphore_mem>>)
      %dma_start3A_56 = arith.constant 5 : i32
      %dma_start3A_57 = arith.constant 0 : i32
      %dma_start3A_58 = tpu.memref_slice %arg7[%dma_start3A_56, %dma_start3A_57] : memref<250x80xi32, #tpu.memory_space<vmem>> -> memref<1x80xi32, #tpu.memory_space<vmem>>
      %dma_start3A_59 = tpu.memref_squeeze %dma_start3A_58 : memref<1x80xi32, #tpu.memory_space<vmem>> -> memref<80xi32, #tpu.memory_space<vmem>>
      %dma_start3A_60 = arith.constant 0 : i32
      %dma_start3A_61 = arith.constant 0 : i32
      %dma_start3A_62 = tpu.memref_slice %arg5[%dma_start3A_60, %dma_start3A_61] : memref<10000x64xf32, #tpu.memory_space<hbm>> -> memref<10000x64xf32, #tpu.memory_space<hbm>>
      tpu.enqueue_indirect_dma source(%dma_start3A_62 : memref<10000x64xf32, #tpu.memory_space<hbm>>) target(%arg14 : memref<80x64xf32, #tpu.memory_space<vmem>>) offsets(%dma_start3A_59 : memref<80xi32, #tpu.memory_space<vmem>>) semaphore(%arg24 : memref<!tpu.dma_semaphore, #tpu.memory_space<semaphore_mem>>)
      %scan3A_63 = arith.constant 0 : i32
      %scan3A_64 = arith.constant 0 : i32
      %scan3A_65 = arith.constant 31 : i32
      %scan3A_66 = arith.addi %scan3A_64, %scan3A_65 : i32
      %scan3A_67 = arith.constant 1 : i32
      scf.for %scan3A_124 = %scan3A_64 to %scan3A_66 step %scan3A_67  : i32 {
        %mul3A_125 = arith.constant 8 : i32
        %mul3A_126 = arith.muli %mul3A_125, %scan3A_124 : i32
        %add3A = arith.constant 0 : i32
        %add3A_127 = arith.addi %mul3A_126, %add3A : i32
        %dma_wait3A_128 = arith.constant 0 : i32
        %dma_wait3A_129 = tpu.memref_slice %arg7[%add3A_127, %dma_wait3A_128] : memref<250x80xi32, #tpu.memory_space<vmem>> -> memref<1x80xi32, #tpu.memory_space<vmem>>
        %dma_wait3A_130 = tpu.memref_squeeze %dma_wait3A_129 : memref<1x80xi32, #tpu.memory_space<vmem>> -> memref<80xi32, #tpu.memory_space<vmem>>
        %dma_wait3A_131 = arith.constant 0 : i32
        %dma_wait3A_132 = arith.constant 0 : i32
        %dma_wait3A_133 = tpu.memref_slice %arg5[%dma_wait3A_131, %dma_wait3A_132] : memref<10000x64xf32, #tpu.memory_space<hbm>> -> memref<10000x64xf32, #tpu.memory_space<hbm>>
        tpu.wait_indirect_dma semaphore(%arg19 : memref<!tpu.dma_semaphore, #tpu.memory_space<semaphore_mem>>) src(%dma_wait3A_133 : memref<10000x64xf32, #tpu.memory_space<hbm>>) dst(%arg9 : memref<80x64xf32, #tpu.memory_space<vmem>>)
        %ge3A = arith.constant 2 : i32
        %ge3A_134 = arith.cmpi sge, %add3A_127, %ge3A : i32
        %convert_element_type3A_135 = arith.extui %ge3A_134 : i1 to i32
        %cond3A_136 = arith.constant 0 : i32
        %cond3A_137 = arith.cmpi ne, %convert_element_type3A_135, %cond3A_136 : i32
        scf.if %cond3A_137 {
          %dma_wait3A_358 = arith.constant 0 : i32
          %dma_wait3A_359 = arith.constant 0 : i32
          %dma_wait3A_360 = tpu.memref_slice %arg8[%dma_wait3A_358, %dma_wait3A_359] : memref<250x80xi32, #tpu.memory_space<vmem>> -> memref<1x80xi32, #tpu.memory_space<vmem>>
          %dma_wait3A_361 = tpu.memref_squeeze %dma_wait3A_360 : memref<1x80xi32, #tpu.memory_space<vmem>> -> memref<80xi32, #tpu.memory_space<vmem>>
          %dma_wait3A_362 = arith.constant 0 : i32
          %dma_wait3A_363 = arith.constant 0 : i32
          %dma_wait3A_364 = tpu.memref_slice %arg18[%dma_wait3A_362, %dma_wait3A_363] : memref<10000x64xf32, #tpu.memory_space<vmem_shared>> -> memref<10000x64xf32, #tpu.memory_space<vmem_shared>>
          tpu.wait_indirect_dma semaphore(%arg33 : memref<!tpu.dma_semaphore, #tpu.memory_space<semaphore_mem>>) src(%arg15 : memref<80x64xf32, #tpu.memory_space<vmem>>) dst(%dma_wait3A_364 : memref<10000x64xf32, #tpu.memory_space<vmem_shared>>)
        } else {
        }
        %add3A_138 = arith.constant 6 : i32
        %add3A_139 = arith.addi %add3A_127, %add3A_138 : i32
        %lt3A = arith.constant 250 : i32
        %lt3A_140 = arith.cmpi slt, %add3A_139, %lt3A : i32
        %convert_element_type3A_141 = arith.extui %lt3A_140 : i1 to i32
        %cond3A_142 = arith.constant 0 : i32
        %cond3A_143 = arith.cmpi ne, %convert_element_type3A_141, %cond3A_142 : i32
        scf.if %cond3A_143 {
          %add3A_358 = arith.constant 6 : i32
          %add3A_359 = arith.addi %add3A_127, %add3A_358 : i32
          %dma_start3A_360 = arith.constant 0 : i32
          %dma_start3A_361 = tpu.memref_slice %arg7[%add3A_359, %dma_start3A_360] : memref<250x80xi32, #tpu.memory_space<vmem>> -> memref<1x80xi32, #tpu.memory_space<vmem>>
          %dma_start3A_362 = tpu.memref_squeeze %dma_start3A_361 : memref<1x80xi32, #tpu.memory_space<vmem>> -> memref<80xi32, #tpu.memory_space<vmem>>
          %dma_start3A_363 = arith.constant 0 : i32
          %dma_start3A_364 = arith.constant 0 : i32
          %dma_start3A_365 = tpu.memref_slice %arg5[%dma_start3A_363, %dma_start3A_364] : memref<10000x64xf32, #tpu.memory_space<hbm>> -> memref<10000x64xf32, #tpu.memory_space<hbm>>
          tpu.enqueue_indirect_dma source(%dma_start3A_365 : memref<10000x64xf32, #tpu.memory_space<hbm>>) target(%arg15 : memref<80x64xf32, #tpu.memory_space<vmem>>) offsets(%dma_start3A_362 : memref<80xi32, #tpu.memory_space<vmem>>) semaphore(%arg25 : memref<!tpu.dma_semaphore, #tpu.memory_space<semaphore_mem>>)
        } else {
        }
        %dma_start3A_144 = arith.constant 0 : i32
        %dma_start3A_145 = tpu.memref_slice %arg8[%add3A_127, %dma_start3A_144] : memref<250x80xi32, #tpu.memory_space<vmem>> -> memref<1x80xi32, #tpu.memory_space<vmem>>
        %dma_start3A_146 = tpu.memref_squeeze %dma_start3A_145 : memref<1x80xi32, #tpu.memory_space<vmem>> -> memref<80xi32, #tpu.memory_space<vmem>>
        %dma_start3A_147 = arith.constant 0 : i32
        %dma_start3A_148 = arith.constant 0 : i32
        %dma_start3A_149 = tpu.memref_slice %arg18[%dma_start3A_147, %dma_start3A_148] : memref<10000x64xf32, #tpu.memory_space<vmem_shared>> -> memref<10000x64xf32, #tpu.memory_space<vmem_shared>>
        tpu.enqueue_indirect_dma source(%arg9 : memref<80x64xf32, #tpu.memory_space<vmem>>) target(%dma_start3A_149 : memref<10000x64xf32, #tpu.memory_space<vmem_shared>>) offsets(%dma_start3A_146 : memref<80xi32, #tpu.memory_space<vmem>>) semaphore(%arg27 : memref<!tpu.dma_semaphore, #tpu.memory_space<semaphore_mem>>) {add = true}
        %mul3A_150 = arith.constant 8 : i32
        %mul3A_151 = arith.muli %mul3A_150, %scan3A_124 : i32
        %add3A_152 = arith.constant 1 : i32
        %add3A_153 = arith.addi %mul3A_151, %add3A_152 : i32
        %dma_wait3A_154 = arith.constant 0 : i32
        %dma_wait3A_155 = tpu.memref_slice %arg7[%add3A_153, %dma_wait3A_154] : memref<250x80xi32, #tpu.memory_space<vmem>> -> memref<1x80xi32, #tpu.memory_space<vmem>>
        %dma_wait3A_156 = tpu.memref_squeeze %dma_wait3A_155 : memref<1x80xi32, #tpu.memory_space<vmem>> -> memref<80xi32, #tpu.memory_space<vmem>>
        %dma_wait3A_157 = arith.constant 0 : i32
        %dma_wait3A_158 = arith.constant 0 : i32
        %dma_wait3A_159 = tpu.memref_slice %arg5[%dma_wait3A_157, %dma_wait3A_158] : memref<10000x64xf32, #tpu.memory_space<hbm>> -> memref<10000x64xf32, #tpu.memory_space<hbm>>
        tpu.wait_indirect_dma semaphore(%arg20 : memref<!tpu.dma_semaphore, #tpu.memory_space<semaphore_mem>>) src(%dma_wait3A_159 : memref<10000x64xf32, #tpu.memory_space<hbm>>) dst(%arg10 : memref<80x64xf32, #tpu.memory_space<vmem>>)
        %ge3A_160 = arith.constant 2 : i32
        %ge3A_161 = arith.cmpi sge, %add3A_153, %ge3A_160 : i32
        %convert_element_type3A_162 = arith.extui %ge3A_161 : i1 to i32
        %cond3A_163 = arith.constant 0 : i32
        %cond3A_164 = arith.cmpi ne, %convert_element_type3A_162, %cond3A_163 : i32
        scf.if %cond3A_164 {
          %dma_wait3A_358 = arith.constant 0 : i32
          %dma_wait3A_359 = arith.constant 0 : i32
          %dma_wait3A_360 = tpu.memref_slice %arg8[%dma_wait3A_358, %dma_wait3A_359] : memref<250x80xi32, #tpu.memory_space<vmem>> -> memref<1x80xi32, #tpu.memory_space<vmem>>
          %dma_wait3A_361 = tpu.memref_squeeze %dma_wait3A_360 : memref<1x80xi32, #tpu.memory_space<vmem>> -> memref<80xi32, #tpu.memory_space<vmem>>
          %dma_wait3A_362 = arith.constant 0 : i32
          %dma_wait3A_363 = arith.constant 0 : i32
          %dma_wait3A_364 = tpu.memref_slice %arg18[%dma_wait3A_362, %dma_wait3A_363] : memref<10000x64xf32, #tpu.memory_space<vmem_shared>> -> memref<10000x64xf32, #tpu.memory_space<vmem_shared>>
          tpu.wait_indirect_dma semaphore(%arg34 : memref<!tpu.dma_semaphore, #tpu.memory_space<semaphore_mem>>) src(%arg16 : memref<80x64xf32, #tpu.memory_space<vmem>>) dst(%dma_wait3A_364 : memref<10000x64xf32, #tpu.memory_space<vmem_shared>>)
        } else {
        }
        %add3A_165 = arith.constant 6 : i32
        %add3A_166 = arith.addi %add3A_153, %add3A_165 : i32
        %lt3A_167 = arith.constant 250 : i32
        %lt3A_168 = arith.cmpi slt, %add3A_166, %lt3A_167 : i32
        %convert_element_type3A_169 = arith.extui %lt3A_168 : i1 to i32
        %cond3A_170 = arith.constant 0 : i32
        %cond3A_171 = arith.cmpi ne, %convert_element_type3A_169, %cond3A_170 : i32
        scf.if %cond3A_171 {
          %add3A_358 = arith.constant 6 : i32
          %add3A_359 = arith.addi %add3A_153, %add3A_358 : i32
          %dma_start3A_360 = arith.constant 0 : i32
          %dma_start3A_361 = tpu.memref_slice %arg7[%add3A_359, %dma_start3A_360] : memref<250x80xi32, #tpu.memory_space<vmem>> -> memref<1x80xi32, #tpu.memory_space<vmem>>
          %dma_start3A_362 = tpu.memref_squeeze %dma_start3A_361 : memref<1x80xi32, #tpu.memory_space<vmem>> -> memref<80xi32, #tpu.memory_space<vmem>>
          %dma_start3A_363 = arith.constant 0 : i32
          %dma_start3A_364 = arith.constant 0 : i32
          %dma_start3A_365 = tpu.memref_slice %arg5[%dma_start3A_363, %dma_start3A_364] : memref<10000x64xf32, #tpu.memory_space<hbm>> -> memref<10000x64xf32, #tpu.memory_space<hbm>>
          tpu.enqueue_indirect_dma source(%dma_start3A_365 : memref<10000x64xf32, #tpu.memory_space<hbm>>) target(%arg16 : memref<80x64xf32, #tpu.memory_space<vmem>>) offsets(%dma_start3A_362 : memref<80xi32, #tpu.memory_space<vmem>>) semaphore(%arg26 : memref<!tpu.dma_semaphore, #tpu.memory_space<semaphore_mem>>)
        } else {
        }
        %dma_start3A_172 = arith.constant 0 : i32
        %dma_start3A_173 = tpu.memref_slice %arg8[%add3A_153, %dma_start3A_172] : memref<250x80xi32, #tpu.memory_space<vmem>> -> memref<1x80xi32, #tpu.memory_space<vmem>>
        %dma_start3A_174 = tpu.memref_squeeze %dma_start3A_173 : memref<1x80xi32, #tpu.memory_space<vmem>> -> memref<80xi32, #tpu.memory_space<vmem>>
        %dma_start3A_175 = arith.constant 0 : i32
        %dma_start3A_176 = arith.constant 0 : i32
        %dma_start3A_177 = tpu.memref_slice %arg18[%dma_start3A_175, %dma_start3A_176] : memref<10000x64xf32, #tpu.memory_space<vmem_shared>> -> memref<10000x64xf32, #tpu.memory_space<vmem_shared>>
        tpu.enqueue_indirect_dma source(%arg10 : memref<80x64xf32, #tpu.memory_space<vmem>>) target(%dma_start3A_177 : memref<10000x64xf32, #tpu.memory_space<vmem_shared>>) offsets(%dma_start3A_174 : memref<80xi32, #tpu.memory_space<vmem>>) semaphore(%arg28 : memref<!tpu.dma_semaphore, #tpu.memory_space<semaphore_mem>>) {add = true}
        %mul3A_178 = arith.constant 8 : i32
        %mul3A_179 = arith.muli %mul3A_178, %scan3A_124 : i32
        %add3A_180 = arith.constant 2 : i32
        %add3A_181 = arith.addi %mul3A_179, %add3A_180 : i32
        %dma_wait3A_182 = arith.constant 0 : i32
        %dma_wait3A_183 = tpu.memref_slice %arg7[%add3A_181, %dma_wait3A_182] : memref<250x80xi32, #tpu.memory_space<vmem>> -> memref<1x80xi32, #tpu.memory_space<vmem>>
        %dma_wait3A_184 = tpu.memref_squeeze %dma_wait3A_183 : memref<1x80xi32, #tpu.memory_space<vmem>> -> memref<80xi32, #tpu.memory_space<vmem>>
        %dma_wait3A_185 = arith.constant 0 : i32
        %dma_wait3A_186 = arith.constant 0 : i32
        %dma_wait3A_187 = tpu.memref_slice %arg5[%dma_wait3A_185, %dma_wait3A_186] : memref<10000x64xf32, #tpu.memory_space<hbm>> -> memref<10000x64xf32, #tpu.memory_space<hbm>>
        tpu.wait_indirect_dma semaphore(%arg21 : memref<!tpu.dma_semaphore, #tpu.memory_space<semaphore_mem>>) src(%dma_wait3A_187 : memref<10000x64xf32, #tpu.memory_space<hbm>>) dst(%arg11 : memref<80x64xf32, #tpu.memory_space<vmem>>)
        %dma_wait3A_188 = arith.constant 0 : i32
        %dma_wait3A_189 = arith.constant 0 : i32
        %dma_wait3A_190 = tpu.memref_slice %arg8[%dma_wait3A_188, %dma_wait3A_189] : memref<250x80xi32, #tpu.memory_space<vmem>> -> memref<1x80xi32, #tpu.memory_space<vmem>>
        %dma_wait3A_191 = tpu.memref_squeeze %dma_wait3A_190 : memref<1x80xi32, #tpu.memory_space<vmem>> -> memref<80xi32, #tpu.memory_space<vmem>>
        %dma_wait3A_192 = arith.constant 0 : i32
        %dma_wait3A_193 = arith.constant 0 : i32
        %dma_wait3A_194 = tpu.memref_slice %arg18[%dma_wait3A_192, %dma_wait3A_193] : memref<10000x64xf32, #tpu.memory_space<vmem_shared>> -> memref<10000x64xf32, #tpu.memory_space<vmem_shared>>
        tpu.wait_indirect_dma semaphore(%arg27 : memref<!tpu.dma_semaphore, #tpu.memory_space<semaphore_mem>>) src(%arg9 : memref<80x64xf32, #tpu.memory_space<vmem>>) dst(%dma_wait3A_194 : memref<10000x64xf32, #tpu.memory_space<vmem_shared>>)
        %add3A_195 = arith.constant 6 : i32
        %add3A_196 = arith.addi %add3A_181, %add3A_195 : i32
        %lt3A_197 = arith.constant 250 : i32
        %lt3A_198 = arith.cmpi slt, %add3A_196, %lt3A_197 : i32
        %convert_element_type3A_199 = arith.extui %lt3A_198 : i1 to i32
        %cond3A_200 = arith.constant 0 : i32
        %cond3A_201 = arith.cmpi ne, %convert_element_type3A_199, %cond3A_200 : i32
        scf.if %cond3A_201 {
          %add3A_358 = arith.constant 6 : i32
          %add3A_359 = arith.addi %add3A_181, %add3A_358 : i32
          %dma_start3A_360 = arith.constant 0 : i32
          %dma_start3A_361 = tpu.memref_slice %arg7[%add3A_359, %dma_start3A_360] : memref<250x80xi32, #tpu.memory_space<vmem>> -> memref<1x80xi32, #tpu.memory_space<vmem>>
          %dma_start3A_362 = tpu.memref_squeeze %dma_start3A_361 : memref<1x80xi32, #tpu.memory_space<vmem>> -> memref<80xi32, #tpu.memory_space<vmem>>
          %dma_start3A_363 = arith.constant 0 : i32
          %dma_start3A_364 = arith.constant 0 : i32
          %dma_start3A_365 = tpu.memref_slice %arg5[%dma_start3A_363, %dma_start3A_364] : memref<10000x64xf32, #tpu.memory_space<hbm>> -> memref<10000x64xf32, #tpu.memory_space<hbm>>
          tpu.enqueue_indirect_dma source(%dma_start3A_365 : memref<10000x64xf32, #tpu.memory_space<hbm>>) target(%arg9 : memref<80x64xf32, #tpu.memory_space<vmem>>) offsets(%dma_start3A_362 : memref<80xi32, #tpu.memory_space<vmem>>) semaphore(%arg19 : memref<!tpu.dma_semaphore, #tpu.memory_space<semaphore_mem>>)
        } else {
        }
        %dma_start3A_202 = arith.constant 0 : i32
        %dma_start3A_203 = tpu.memref_slice %arg8[%add3A_181, %dma_start3A_202] : memref<250x80xi32, #tpu.memory_space<vmem>> -> memref<1x80xi32, #tpu.memory_space<vmem>>
        %dma_start3A_204 = tpu.memref_squeeze %dma_start3A_203 : memref<1x80xi32, #tpu.memory_space<vmem>> -> memref<80xi32, #tpu.memory_space<vmem>>
        %dma_start3A_205 = arith.constant 0 : i32
        %dma_start3A_206 = arith.constant 0 : i32
        %dma_start3A_207 = tpu.memref_slice %arg18[%dma_start3A_205, %dma_start3A_206] : memref<10000x64xf32, #tpu.memory_space<vmem_shared>> -> memref<10000x64xf32, #tpu.memory_space<vmem_shared>>
        tpu.enqueue_indirect_dma source(%arg11 : memref<80x64xf32, #tpu.memory_space<vmem>>) target(%dma_start3A_207 : memref<10000x64xf32, #tpu.memory_space<vmem_shared>>) offsets(%dma_start3A_204 : memref<80xi32, #tpu.memory_space<vmem>>) semaphore(%arg29 : memref<!tpu.dma_semaphore, #tpu.memory_space<semaphore_mem>>) {add = true}
        %mul3A_208 = arith.constant 8 : i32
        %mul3A_209 = arith.muli %mul3A_208, %scan3A_124 : i32
        %add3A_210 = arith.constant 3 : i32
        %add3A_211 = arith.addi %mul3A_209, %add3A_210 : i32
        %dma_wait3A_212 = arith.constant 0 : i32
        %dma_wait3A_213 = tpu.memref_slice %arg7[%add3A_211, %dma_wait3A_212] : memref<250x80xi32, #tpu.memory_space<vmem>> -> memref<1x80xi32, #tpu.memory_space<vmem>>
        %dma_wait3A_214 = tpu.memref_squeeze %dma_wait3A_213 : memref<1x80xi32, #tpu.memory_space<vmem>> -> memref<80xi32, #tpu.memory_space<vmem>>
        %dma_wait3A_215 = arith.constant 0 : i32
        %dma_wait3A_216 = arith.constant 0 : i32
        %dma_wait3A_217 = tpu.memref_slice %arg5[%dma_wait3A_215, %dma_wait3A_216] : memref<10000x64xf32, #tpu.memory_space<hbm>> -> memref<10000x64xf32, #tpu.memory_space<hbm>>
        tpu.wait_indirect_dma semaphore(%arg22 : memref<!tpu.dma_semaphore, #tpu.memory_space<semaphore_mem>>) src(%dma_wait3A_217 : memref<10000x64xf32, #tpu.memory_space<hbm>>) dst(%arg12 : memref<80x64xf32, #tpu.memory_space<vmem>>)
        %dma_wait3A_218 = arith.constant 0 : i32
        %dma_wait3A_219 = arith.constant 0 : i32
        %dma_wait3A_220 = tpu.memref_slice %arg8[%dma_wait3A_218, %dma_wait3A_219] : memref<250x80xi32, #tpu.memory_space<vmem>> -> memref<1x80xi32, #tpu.memory_space<vmem>>
        %dma_wait3A_221 = tpu.memref_squeeze %dma_wait3A_220 : memref<1x80xi32, #tpu.memory_space<vmem>> -> memref<80xi32, #tpu.memory_space<vmem>>
        %dma_wait3A_222 = arith.constant 0 : i32
        %dma_wait3A_223 = arith.constant 0 : i32
        %dma_wait3A_224 = tpu.memref_slice %arg18[%dma_wait3A_222, %dma_wait3A_223] : memref<10000x64xf32, #tpu.memory_space<vmem_shared>> -> memref<10000x64xf32, #tpu.memory_space<vmem_shared>>
        tpu.wait_indirect_dma semaphore(%arg28 : memref<!tpu.dma_semaphore, #tpu.memory_space<semaphore_mem>>) src(%arg10 : memref<80x64xf32, #tpu.memory_space<vmem>>) dst(%dma_wait3A_224 : memref<10000x64xf32, #tpu.memory_space<vmem_shared>>)
        %add3A_225 = arith.constant 6 : i32
        %add3A_226 = arith.addi %add3A_211, %add3A_225 : i32
        %lt3A_227 = arith.constant 250 : i32
        %lt3A_228 = arith.cmpi slt, %add3A_226, %lt3A_227 : i32
        %convert_element_type3A_229 = arith.extui %lt3A_228 : i1 to i32
        %cond3A_230 = arith.constant 0 : i32
        %cond3A_231 = arith.cmpi ne, %convert_element_type3A_229, %cond3A_230 : i32
        scf.if %cond3A_231 {
          %add3A_358 = arith.constant 6 : i32
          %add3A_359 = arith.addi %add3A_211, %add3A_358 : i32
          %dma_start3A_360 = arith.constant 0 : i32
          %dma_start3A_361 = tpu.memref_slice %arg7[%add3A_359, %dma_start3A_360] : memref<250x80xi32, #tpu.memory_space<vmem>> -> memref<1x80xi32, #tpu.memory_space<vmem>>
          %dma_start3A_362 = tpu.memref_squeeze %dma_start3A_361 : memref<1x80xi32, #tpu.memory_space<vmem>> -> memref<80xi32, #tpu.memory_space<vmem>>
          %dma_start3A_363 = arith.constant 0 : i32
          %dma_start3A_364 = arith.constant 0 : i32
          %dma_start3A_365 = tpu.memref_slice %arg5[%dma_start3A_363, %dma_start3A_364] : memref<10000x64xf32, #tpu.memory_space<hbm>> -> memref<10000x64xf32, #tpu.memory_space<hbm>>
          tpu.enqueue_indirect_dma source(%dma_start3A_365 : memref<10000x64xf32, #tpu.memory_space<hbm>>) target(%arg10 : memref<80x64xf32, #tpu.memory_space<vmem>>) offsets(%dma_start3A_362 : memref<80xi32, #tpu.memory_space<vmem>>) semaphore(%arg20 : memref<!tpu.dma_semaphore, #tpu.memory_space<semaphore_mem>>)
        } else {
        }
        %dma_start3A_232 = arith.constant 0 : i32
        %dma_start3A_233 = tpu.memref_slice %arg8[%add3A_211, %dma_start3A_232] : memref<250x80xi32, #tpu.memory_space<vmem>> -> memref<1x80xi32, #tpu.memory_space<vmem>>
        %dma_start3A_234 = tpu.memref_squeeze %dma_start3A_233 : memref<1x80xi32, #tpu.memory_space<vmem>> -> memref<80xi32, #tpu.memory_space<vmem>>
        %dma_start3A_235 = arith.constant 0 : i32
        %dma_start3A_236 = arith.constant 0 : i32
        %dma_start3A_237 = tpu.memref_slice %arg18[%dma_start3A_235, %dma_start3A_236] : memref<10000x64xf32, #tpu.memory_space<vmem_shared>> -> memref<10000x64xf32, #tpu.memory_space<vmem_shared>>
        tpu.enqueue_indirect_dma source(%arg12 : memref<80x64xf32, #tpu.memory_space<vmem>>) target(%dma_start3A_237 : memref<10000x64xf32, #tpu.memory_space<vmem_shared>>) offsets(%dma_start3A_234 : memref<80xi32, #tpu.memory_space<vmem>>) semaphore(%arg30 : memref<!tpu.dma_semaphore, #tpu.memory_space<semaphore_mem>>) {add = true}
        %mul3A_238 = arith.constant 8 : i32
        %mul3A_239 = arith.muli %mul3A_238, %scan3A_124 : i32
        %add3A_240 = arith.constant 4 : i32
        %add3A_241 = arith.addi %mul3A_239, %add3A_240 : i32
        %dma_wait3A_242 = arith.constant 0 : i32
        %dma_wait3A_243 = tpu.memref_slice %arg7[%add3A_241, %dma_wait3A_242] : memref<250x80xi32, #tpu.memory_space<vmem>> -> memref<1x80xi32, #tpu.memory_space<vmem>>
        %dma_wait3A_244 = tpu.memref_squeeze %dma_wait3A_243 : memref<1x80xi32, #tpu.memory_space<vmem>> -> memref<80xi32, #tpu.memory_space<vmem>>
        %dma_wait3A_245 = arith.constant 0 : i32
        %dma_wait3A_246 = arith.constant 0 : i32
        %dma_wait3A_247 = tpu.memref_slice %arg5[%dma_wait3A_245, %dma_wait3A_246] : memref<10000x64xf32, #tpu.memory_space<hbm>> -> memref<10000x64xf32, #tpu.memory_space<hbm>>
        tpu.wait_indirect_dma semaphore(%arg23 : memref<!tpu.dma_semaphore, #tpu.memory_space<semaphore_mem>>) src(%dma_wait3A_247 : memref<10000x64xf32, #tpu.memory_space<hbm>>) dst(%arg13 : memref<80x64xf32, #tpu.memory_space<vmem>>)
        %dma_wait3A_248 = arith.constant 0 : i32
        %dma_wait3A_249 = arith.constant 0 : i32
        %dma_wait3A_250 = tpu.memref_slice %arg8[%dma_wait3A_248, %dma_wait3A_249] : memref<250x80xi32, #tpu.memory_space<vmem>> -> memref<1x80xi32, #tpu.memory_space<vmem>>
        %dma_wait3A_251 = tpu.memref_squeeze %dma_wait3A_250 : memref<1x80xi32, #tpu.memory_space<vmem>> -> memref<80xi32, #tpu.memory_space<vmem>>
        %dma_wait3A_252 = arith.constant 0 : i32
        %dma_wait3A_253 = arith.constant 0 : i32
        %dma_wait3A_254 = tpu.memref_slice %arg18[%dma_wait3A_252, %dma_wait3A_253] : memref<10000x64xf32, #tpu.memory_space<vmem_shared>> -> memref<10000x64xf32, #tpu.memory_space<vmem_shared>>
        tpu.wait_indirect_dma semaphore(%arg29 : memref<!tpu.dma_semaphore, #tpu.memory_space<semaphore_mem>>) src(%arg11 : memref<80x64xf32, #tpu.memory_space<vmem>>) dst(%dma_wait3A_254 : memref<10000x64xf32, #tpu.memory_space<vmem_shared>>)
        %add3A_255 = arith.constant 6 : i32
        %add3A_256 = arith.addi %add3A_241, %add3A_255 : i32
        %lt3A_257 = arith.constant 250 : i32
        %lt3A_258 = arith.cmpi slt, %add3A_256, %lt3A_257 : i32
        %convert_element_type3A_259 = arith.extui %lt3A_258 : i1 to i32
        %cond3A_260 = arith.constant 0 : i32
        %cond3A_261 = arith.cmpi ne, %convert_element_type3A_259, %cond3A_260 : i32
        scf.if %cond3A_261 {
          %add3A_358 = arith.constant 6 : i32
          %add3A_359 = arith.addi %add3A_241, %add3A_358 : i32
          %dma_start3A_360 = arith.constant 0 : i32
          %dma_start3A_361 = tpu.memref_slice %arg7[%add3A_359, %dma_start3A_360] : memref<250x80xi32, #tpu.memory_space<vmem>> -> memref<1x80xi32, #tpu.memory_space<vmem>>
          %dma_start3A_362 = tpu.memref_squeeze %dma_start3A_361 : memref<1x80xi32, #tpu.memory_space<vmem>> -> memref<80xi32, #tpu.memory_space<vmem>>
          %dma_start3A_363 = arith.constant 0 : i32
          %dma_start3A_364 = arith.constant 0 : i32
          %dma_start3A_365 = tpu.memref_slice %arg5[%dma_start3A_363, %dma_start3A_364] : memref<10000x64xf32, #tpu.memory_space<hbm>> -> memref<10000x64xf32, #tpu.memory_space<hbm>>
          tpu.enqueue_indirect_dma source(%dma_start3A_365 : memref<10000x64xf32, #tpu.memory_space<hbm>>) target(%arg11 : memref<80x64xf32, #tpu.memory_space<vmem>>) offsets(%dma_start3A_362 : memref<80xi32, #tpu.memory_space<vmem>>) semaphore(%arg21 : memref<!tpu.dma_semaphore, #tpu.memory_space<semaphore_mem>>)
        } else {
        }
        %dma_start3A_262 = arith.constant 0 : i32
        %dma_start3A_263 = tpu.memref_slice %arg8[%add3A_241, %dma_start3A_262] : memref<250x80xi32, #tpu.memory_space<vmem>> -> memref<1x80xi32, #tpu.memory_space<vmem>>
        %dma_start3A_264 = tpu.memref_squeeze %dma_start3A_263 : memref<1x80xi32, #tpu.memory_space<vmem>> -> memref<80xi32, #tpu.memory_space<vmem>>
        %dma_start3A_265 = arith.constant 0 : i32
        %dma_start3A_266 = arith.constant 0 : i32
        %dma_start3A_267 = tpu.memref_slice %arg18[%dma_start3A_265, %dma_start3A_266] : memref<10000x64xf32, #tpu.memory_space<vmem_shared>> -> memref<10000x64xf32, #tpu.memory_space<vmem_shared>>
        tpu.enqueue_indirect_dma source(%arg13 : memref<80x64xf32, #tpu.memory_space<vmem>>) target(%dma_start3A_267 : memref<10000x64xf32, #tpu.memory_space<vmem_shared>>) offsets(%dma_start3A_264 : memref<80xi32, #tpu.memory_space<vmem>>) semaphore(%arg31 : memref<!tpu.dma_semaphore, #tpu.memory_space<semaphore_mem>>) {add = true}
        %mul3A_268 = arith.constant 8 : i32
        %mul3A_269 = arith.muli %mul3A_268, %scan3A_124 : i32
        %add3A_270 = arith.constant 5 : i32
        %add3A_271 = arith.addi %mul3A_269, %add3A_270 : i32
        %dma_wait3A_272 = arith.constant 0 : i32
        %dma_wait3A_273 = tpu.memref_slice %arg7[%add3A_271, %dma_wait3A_272] : memref<250x80xi32, #tpu.memory_space<vmem>> -> memref<1x80xi32, #tpu.memory_space<vmem>>
        %dma_wait3A_274 = tpu.memref_squeeze %dma_wait3A_273 : memref<1x80xi32, #tpu.memory_space<vmem>> -> memref<80xi32, #tpu.memory_space<vmem>>
        %dma_wait3A_275 = arith.constant 0 : i32
        %dma_wait3A_276 = arith.constant 0 : i32
        %dma_wait3A_277 = tpu.memref_slice %arg5[%dma_wait3A_275, %dma_wait3A_276] : memref<10000x64xf32, #tpu.memory_space<hbm>> -> memref<10000x64xf32, #tpu.memory_space<hbm>>
        tpu.wait_indirect_dma semaphore(%arg24 : memref<!tpu.dma_semaphore, #tpu.memory_space<semaphore_mem>>) src(%dma_wait3A_277 : memref<10000x64xf32, #tpu.memory_space<hbm>>) dst(%arg14 : memref<80x64xf32, #tpu.memory_space<vmem>>)
        %dma_wait3A_278 = arith.constant 0 : i32
        %dma_wait3A_279 = arith.constant 0 : i32
        %dma_wait3A_280 = tpu.memref_slice %arg8[%dma_wait3A_278, %dma_wait3A_279] : memref<250x80xi32, #tpu.memory_space<vmem>> -> memref<1x80xi32, #tpu.memory_space<vmem>>
        %dma_wait3A_281 = tpu.memref_squeeze %dma_wait3A_280 : memref<1x80xi32, #tpu.memory_space<vmem>> -> memref<80xi32, #tpu.memory_space<vmem>>
        %dma_wait3A_282 = arith.constant 0 : i32
        %dma_wait3A_283 = arith.constant 0 : i32
        %dma_wait3A_284 = tpu.memref_slice %arg18[%dma_wait3A_282, %dma_wait3A_283] : memref<10000x64xf32, #tpu.memory_space<vmem_shared>> -> memref<10000x64xf32, #tpu.memory_space<vmem_shared>>
        tpu.wait_indirect_dma semaphore(%arg30 : memref<!tpu.dma_semaphore, #tpu.memory_space<semaphore_mem>>) src(%arg12 : memref<80x64xf32, #tpu.memory_space<vmem>>) dst(%dma_wait3A_284 : memref<10000x64xf32, #tpu.memory_space<vmem_shared>>)
        %add3A_285 = arith.constant 6 : i32
        %add3A_286 = arith.addi %add3A_271, %add3A_285 : i32
        %lt3A_287 = arith.constant 250 : i32
        %lt3A_288 = arith.cmpi slt, %add3A_286, %lt3A_287 : i32
        %convert_element_type3A_289 = arith.extui %lt3A_288 : i1 to i32
        %cond3A_290 = arith.constant 0 : i32
        %cond3A_291 = arith.cmpi ne, %convert_element_type3A_289, %cond3A_290 : i32
        scf.if %cond3A_291 {
          %add3A_358 = arith.constant 6 : i32
          %add3A_359 = arith.addi %add3A_271, %add3A_358 : i32
          %dma_start3A_360 = arith.constant 0 : i32
          %dma_start3A_361 = tpu.memref_slice %arg7[%add3A_359, %dma_start3A_360] : memref<250x80xi32, #tpu.memory_space<vmem>> -> memref<1x80xi32, #tpu.memory_space<vmem>>
          %dma_start3A_362 = tpu.memref_squeeze %dma_start3A_361 : memref<1x80xi32, #tpu.memory_space<vmem>> -> memref<80xi32, #tpu.memory_space<vmem>>
          %dma_start3A_363 = arith.constant 0 : i32
          %dma_start3A_364 = arith.constant 0 : i32
          %dma_start3A_365 = tpu.memref_slice %arg5[%dma_start3A_363, %dma_start3A_364] : memref<10000x64xf32, #tpu.memory_space<hbm>> -> memref<10000x64xf32, #tpu.memory_space<hbm>>
          tpu.enqueue_indirect_dma source(%dma_start3A_365 : memref<10000x64xf32, #tpu.memory_space<hbm>>) target(%arg12 : memref<80x64xf32, #tpu.memory_space<vmem>>) offsets(%dma_start3A_362 : memref<80xi32, #tpu.memory_space<vmem>>) semaphore(%arg22 : memref<!tpu.dma_semaphore, #tpu.memory_space<semaphore_mem>>)
        } else {
        }
        %dma_start3A_292 = arith.constant 0 : i32
        %dma_start3A_293 = tpu.memref_slice %arg8[%add3A_271, %dma_start3A_292] : memref<250x80xi32, #tpu.memory_space<vmem>> -> memref<1x80xi32, #tpu.memory_space<vmem>>
        %dma_start3A_294 = tpu.memref_squeeze %dma_start3A_293 : memref<1x80xi32, #tpu.memory_space<vmem>> -> memref<80xi32, #tpu.memory_space<vmem>>
        %dma_start3A_295 = arith.constant 0 : i32
        %dma_start3A_296 = arith.constant 0 : i32
        %dma_start3A_297 = tpu.memref_slice %arg18[%dma_start3A_295, %dma_start3A_296] : memref<10000x64xf32, #tpu.memory_space<vmem_shared>> -> memref<10000x64xf32, #tpu.memory_space<vmem_shared>>
        tpu.enqueue_indirect_dma source(%arg14 : memref<80x64xf32, #tpu.memory_space<vmem>>) target(%dma_start3A_297 : memref<10000x64xf32, #tpu.memory_space<vmem_shared>>) offsets(%dma_start3A_294 : memref<80xi32, #tpu.memory_space<vmem>>) semaphore(%arg32 : memref<!tpu.dma_semaphore, #tpu.memory_space<semaphore_mem>>) {add = true}
        %mul3A_298 = arith.constant 8 : i32
        %mul3A_299 = arith.muli %mul3A_298, %scan3A_124 : i32
        %add3A_300 = arith.constant 6 : i32
        %add3A_301 = arith.addi %mul3A_299, %add3A_300 : i32
        %dma_wait3A_302 = arith.constant 0 : i32
        %dma_wait3A_303 = tpu.memref_slice %arg7[%add3A_301, %dma_wait3A_302] : memref<250x80xi32, #tpu.memory_space<vmem>> -> memref<1x80xi32, #tpu.memory_space<vmem>>
        %dma_wait3A_304 = tpu.memref_squeeze %dma_wait3A_303 : memref<1x80xi32, #tpu.memory_space<vmem>> -> memref<80xi32, #tpu.memory_space<vmem>>
        %dma_wait3A_305 = arith.constant 0 : i32
        %dma_wait3A_306 = arith.constant 0 : i32
        %dma_wait3A_307 = tpu.memref_slice %arg5[%dma_wait3A_305, %dma_wait3A_306] : memref<10000x64xf32, #tpu.memory_space<hbm>> -> memref<10000x64xf32, #tpu.memory_space<hbm>>
        tpu.wait_indirect_dma semaphore(%arg25 : memref<!tpu.dma_semaphore, #tpu.memory_space<semaphore_mem>>) src(%dma_wait3A_307 : memref<10000x64xf32, #tpu.memory_space<hbm>>) dst(%arg15 : memref<80x64xf32, #tpu.memory_space<vmem>>)
        %dma_wait3A_308 = arith.constant 0 : i32
        %dma_wait3A_309 = arith.constant 0 : i32
        %dma_wait3A_310 = tpu.memref_slice %arg8[%dma_wait3A_308, %dma_wait3A_309] : memref<250x80xi32, #tpu.memory_space<vmem>> -> memref<1x80xi32, #tpu.memory_space<vmem>>
        %dma_wait3A_311 = tpu.memref_squeeze %dma_wait3A_310 : memref<1x80xi32, #tpu.memory_space<vmem>> -> memref<80xi32, #tpu.memory_space<vmem>>
        %dma_wait3A_312 = arith.constant 0 : i32
        %dma_wait3A_313 = arith.constant 0 : i32
        %dma_wait3A_314 = tpu.memref_slice %arg18[%dma_wait3A_312, %dma_wait3A_313] : memref<10000x64xf32, #tpu.memory_space<vmem_shared>> -> memref<10000x64xf32, #tpu.memory_space<vmem_shared>>
        tpu.wait_indirect_dma semaphore(%arg31 : memref<!tpu.dma_semaphore, #tpu.memory_space<semaphore_mem>>) src(%arg13 : memref<80x64xf32, #tpu.memory_space<vmem>>) dst(%dma_wait3A_314 : memref<10000x64xf32, #tpu.memory_space<vmem_shared>>)
        %add3A_315 = arith.constant 6 : i32
        %add3A_316 = arith.addi %add3A_301, %add3A_315 : i32
        %lt3A_317 = arith.constant 250 : i32
        %lt3A_318 = arith.cmpi slt, %add3A_316, %lt3A_317 : i32
        %convert_element_type3A_319 = arith.extui %lt3A_318 : i1 to i32
        %cond3A_320 = arith.constant 0 : i32
        %cond3A_321 = arith.cmpi ne, %convert_element_type3A_319, %cond3A_320 : i32
        scf.if %cond3A_321 {
          %add3A_358 = arith.constant 6 : i32
          %add3A_359 = arith.addi %add3A_301, %add3A_358 : i32
          %dma_start3A_360 = arith.constant 0 : i32
          %dma_start3A_361 = tpu.memref_slice %arg7[%add3A_359, %dma_start3A_360] : memref<250x80xi32, #tpu.memory_space<vmem>> -> memref<1x80xi32, #tpu.memory_space<vmem>>
          %dma_start3A_362 = tpu.memref_squeeze %dma_start3A_361 : memref<1x80xi32, #tpu.memory_space<vmem>> -> memref<80xi32, #tpu.memory_space<vmem>>
          %dma_start3A_363 = arith.constant 0 : i32
          %dma_start3A_364 = arith.constant 0 : i32
          %dma_start3A_365 = tpu.memref_slice %arg5[%dma_start3A_363, %dma_start3A_364] : memref<10000x64xf32, #tpu.memory_space<hbm>> -> memref<10000x64xf32, #tpu.memory_space<hbm>>
          tpu.enqueue_indirect_dma source(%dma_start3A_365 : memref<10000x64xf32, #tpu.memory_space<hbm>>) target(%arg13 : memref<80x64xf32, #tpu.memory_space<vmem>>) offsets(%dma_start3A_362 : memref<80xi32, #tpu.memory_space<vmem>>) semaphore(%arg23 : memref<!tpu.dma_semaphore, #tpu.memory_space<semaphore_mem>>)
        } else {
        }
        %dma_start3A_322 = arith.constant 0 : i32
        %dma_start3A_323 = tpu.memref_slice %arg8[%add3A_301, %dma_start3A_322] : memref<250x80xi32, #tpu.memory_space<vmem>> -> memref<1x80xi32, #tpu.memory_space<vmem>>
        %dma_start3A_324 = tpu.memref_squeeze %dma_start3A_323 : memref<1x80xi32, #tpu.memory_space<vmem>> -> memref<80xi32, #tpu.memory_space<vmem>>
        %dma_start3A_325 = arith.constant 0 : i32
        %dma_start3A_326 = arith.constant 0 : i32
        %dma_start3A_327 = tpu.memref_slice %arg18[%dma_start3A_325, %dma_start3A_326] : memref<10000x64xf32, #tpu.memory_space<vmem_shared>> -> memref<10000x64xf32, #tpu.memory_space<vmem_shared>>
        tpu.enqueue_indirect_dma source(%arg15 : memref<80x64xf32, #tpu.memory_space<vmem>>) target(%dma_start3A_327 : memref<10000x64xf32, #tpu.memory_space<vmem_shared>>) offsets(%dma_start3A_324 : memref<80xi32, #tpu.memory_space<vmem>>) semaphore(%arg33 : memref<!tpu.dma_semaphore, #tpu.memory_space<semaphore_mem>>) {add = true}
        %mul3A_328 = arith.constant 8 : i32
        %mul3A_329 = arith.muli %mul3A_328, %scan3A_124 : i32
        %add3A_330 = arith.constant 7 : i32
        %add3A_331 = arith.addi %mul3A_329, %add3A_330 : i32
        %dma_wait3A_332 = arith.constant 0 : i32
        %dma_wait3A_333 = tpu.memref_slice %arg7[%add3A_331, %dma_wait3A_332] : memref<250x80xi32, #tpu.memory_space<vmem>> -> memref<1x80xi32, #tpu.memory_space<vmem>>
        %dma_wait3A_334 = tpu.memref_squeeze %dma_wait3A_333 : memref<1x80xi32, #tpu.memory_space<vmem>> -> memref<80xi32, #tpu.memory_space<vmem>>
        %dma_wait3A_335 = arith.constant 0 : i32
        %dma_wait3A_336 = arith.constant 0 : i32
        %dma_wait3A_337 = tpu.memref_slice %arg5[%dma_wait3A_335, %dma_wait3A_336] : memref<10000x64xf32, #tpu.memory_space<hbm>> -> memref<10000x64xf32, #tpu.memory_space<hbm>>
        tpu.wait_indirect_dma semaphore(%arg26 : memref<!tpu.dma_semaphore, #tpu.memory_space<semaphore_mem>>) src(%dma_wait3A_337 : memref<10000x64xf32, #tpu.memory_space<hbm>>) dst(%arg16 : memref<80x64xf32, #tpu.memory_space<vmem>>)
        %dma_wait3A_338 = arith.constant 0 : i32
        %dma_wait3A_339 = arith.constant 0 : i32
        %dma_wait3A_340 = tpu.memref_slice %arg8[%dma_wait3A_338, %dma_wait3A_339] : memref<250x80xi32, #tpu.memory_space<vmem>> -> memref<1x80xi32, #tpu.memory_space<vmem>>
        %dma_wait3A_341 = tpu.memref_squeeze %dma_wait3A_340 : memref<1x80xi32, #tpu.memory_space<vmem>> -> memref<80xi32, #tpu.memory_space<vmem>>
        %dma_wait3A_342 = arith.constant 0 : i32
        %dma_wait3A_343 = arith.constant 0 : i32
        %dma_wait3A_344 = tpu.memref_slice %arg18[%dma_wait3A_342, %dma_wait3A_343] : memref<10000x64xf32, #tpu.memory_space<vmem_shared>> -> memref<10000x64xf32, #tpu.memory_space<vmem_shared>>
        tpu.wait_indirect_dma semaphore(%arg32 : memref<!tpu.dma_semaphore, #tpu.memory_space<semaphore_mem>>) src(%arg14 : memref<80x64xf32, #tpu.memory_space<vmem>>) dst(%dma_wait3A_344 : memref<10000x64xf32, #tpu.memory_space<vmem_shared>>)
        %add3A_345 = arith.constant 6 : i32
        %add3A_346 = arith.addi %add3A_331, %add3A_345 : i32
        %lt3A_347 = arith.constant 250 : i32
        %lt3A_348 = arith.cmpi slt, %add3A_346, %lt3A_347 : i32
        %convert_element_type3A_349 = arith.extui %lt3A_348 : i1 to i32
        %cond3A_350 = arith.constant 0 : i32
        %cond3A_351 = arith.cmpi ne, %convert_element_type3A_349, %cond3A_350 : i32
        scf.if %cond3A_351 {
          %add3A_358 = arith.constant 6 : i32
          %add3A_359 = arith.addi %add3A_331, %add3A_358 : i32
          %dma_start3A_360 = arith.constant 0 : i32
          %dma_start3A_361 = tpu.memref_slice %arg7[%add3A_359, %dma_start3A_360] : memref<250x80xi32, #tpu.memory_space<vmem>> -> memref<1x80xi32, #tpu.memory_space<vmem>>
          %dma_start3A_362 = tpu.memref_squeeze %dma_start3A_361 : memref<1x80xi32, #tpu.memory_space<vmem>> -> memref<80xi32, #tpu.memory_space<vmem>>
          %dma_start3A_363 = arith.constant 0 : i32
          %dma_start3A_364 = arith.constant 0 : i32
          %dma_start3A_365 = tpu.memref_slice %arg5[%dma_start3A_363, %dma_start3A_364] : memref<10000x64xf32, #tpu.memory_space<hbm>> -> memref<10000x64xf32, #tpu.memory_space<hbm>>
          tpu.enqueue_indirect_dma source(%dma_start3A_365 : memref<10000x64xf32, #tpu.memory_space<hbm>>) target(%arg14 : memref<80x64xf32, #tpu.memory_space<vmem>>) offsets(%dma_start3A_362 : memref<80xi32, #tpu.memory_space<vmem>>) semaphore(%arg24 : memref<!tpu.dma_semaphore, #tpu.memory_space<semaphore_mem>>)
        } else {
        }
        %dma_start3A_352 = arith.constant 0 : i32
        %dma_start3A_353 = tpu.memref_slice %arg8[%add3A_331, %dma_start3A_352] : memref<250x80xi32, #tpu.memory_space<vmem>> -> memref<1x80xi32, #tpu.memory_space<vmem>>
        %dma_start3A_354 = tpu.memref_squeeze %dma_start3A_353 : memref<1x80xi32, #tpu.memory_space<vmem>> -> memref<80xi32, #tpu.memory_space<vmem>>
        %dma_start3A_355 = arith.constant 0 : i32
        %dma_start3A_356 = arith.constant 0 : i32
        %dma_start3A_357 = tpu.memref_slice %arg18[%dma_start3A_355, %dma_start3A_356] : memref<10000x64xf32, #tpu.memory_space<vmem_shared>> -> memref<10000x64xf32, #tpu.memory_space<vmem_shared>>
        tpu.enqueue_indirect_dma source(%arg16 : memref<80x64xf32, #tpu.memory_space<vmem>>) target(%dma_start3A_357 : memref<10000x64xf32, #tpu.memory_space<vmem_shared>>) offsets(%dma_start3A_354 : memref<80xi32, #tpu.memory_space<vmem>>) semaphore(%arg34 : memref<!tpu.dma_semaphore, #tpu.memory_space<semaphore_mem>>) {add = true}
      }
      %scan3A_68 = arith.constant 31 : i32
      %dma_wait3A = arith.constant 248 : i32
      %dma_wait3A_69 = arith.constant 0 : i32
      %dma_wait3A_70 = tpu.memref_slice %arg7[%dma_wait3A, %dma_wait3A_69] : memref<250x80xi32, #tpu.memory_space<vmem>> -> memref<1x80xi32, #tpu.memory_space<vmem>>
      %dma_wait3A_71 = tpu.memref_squeeze %dma_wait3A_70 : memref<1x80xi32, #tpu.memory_space<vmem>> -> memref<80xi32, #tpu.memory_space<vmem>>
      %dma_wait3A_72 = arith.constant 0 : i32
      %dma_wait3A_73 = arith.constant 0 : i32
      %dma_wait3A_74 = tpu.memref_slice %arg5[%dma_wait3A_72, %dma_wait3A_73] : memref<10000x64xf32, #tpu.memory_space<hbm>> -> memref<10000x64xf32, #tpu.memory_space<hbm>>
      tpu.wait_indirect_dma semaphore(%arg19 : memref<!tpu.dma_semaphore, #tpu.memory_space<semaphore_mem>>) src(%dma_wait3A_74 : memref<10000x64xf32, #tpu.memory_space<hbm>>) dst(%arg9 : memref<80x64xf32, #tpu.memory_space<vmem>>)
      %dma_wait3A_75 = arith.constant 0 : i32
      %dma_wait3A_76 = arith.constant 0 : i32
      %dma_wait3A_77 = tpu.memref_slice %arg8[%dma_wait3A_75, %dma_wait3A_76] : memref<250x80xi32, #tpu.memory_space<vmem>> -> memref<1x80xi32, #tpu.memory_space<vmem>>
      %dma_wait3A_78 = tpu.memref_squeeze %dma_wait3A_77 : memref<1x80xi32, #tpu.memory_space<vmem>> -> memref<80xi32, #tpu.memory_space<vmem>>
      %dma_wait3A_79 = arith.constant 0 : i32
      %dma_wait3A_80 = arith.constant 0 : i32
      %dma_wait3A_81 = tpu.memref_slice %arg18[%dma_wait3A_79, %dma_wait3A_80] : memref<10000x64xf32, #tpu.memory_space<vmem_shared>> -> memref<10000x64xf32, #tpu.memory_space<vmem_shared>>
      tpu.wait_indirect_dma semaphore(%arg33 : memref<!tpu.dma_semaphore, #tpu.memory_space<semaphore_mem>>) src(%arg15 : memref<80x64xf32, #tpu.memory_space<vmem>>) dst(%dma_wait3A_81 : memref<10000x64xf32, #tpu.memory_space<vmem_shared>>)
      %dma_start3A_82 = arith.constant 248 : i32
      %dma_start3A_83 = arith.constant 0 : i32
      %dma_start3A_84 = tpu.memref_slice %arg8[%dma_start3A_82, %dma_start3A_83] : memref<250x80xi32, #tpu.memory_space<vmem>> -> memref<1x80xi32, #tpu.memory_space<vmem>>
      %dma_start3A_85 = tpu.memref_squeeze %dma_start3A_84 : memref<1x80xi32, #tpu.memory_space<vmem>> -> memref<80xi32, #tpu.memory_space<vmem>>
      %dma_start3A_86 = arith.constant 0 : i32
      %dma_start3A_87 = arith.constant 0 : i32
      %dma_start3A_88 = tpu.memref_slice %arg18[%dma_start3A_86, %dma_start3A_87] : memref<10000x64xf32, #tpu.memory_space<vmem_shared>> -> memref<10000x64xf32, #tpu.memory_space<vmem_shared>>
      tpu.enqueue_indirect_dma source(%arg9 : memref<80x64xf32, #tpu.memory_space<vmem>>) target(%dma_start3A_88 : memref<10000x64xf32, #tpu.memory_space<vmem_shared>>) offsets(%dma_start3A_85 : memref<80xi32, #tpu.memory_space<vmem>>) semaphore(%arg27 : memref<!tpu.dma_semaphore, #tpu.memory_space<semaphore_mem>>) {add = true}
      %dma_wait3A_89 = arith.constant 249 : i32
      %dma_wait3A_90 = arith.constant 0 : i32
      %dma_wait3A_91 = tpu.memref_slice %arg7[%dma_wait3A_89, %dma_wait3A_90] : memref<250x80xi32, #tpu.memory_space<vmem>> -> memref<1x80xi32, #tpu.memory_space<vmem>>
      %dma_wait3A_92 = tpu.memref_squeeze %dma_wait3A_91 : memref<1x80xi32, #tpu.memory_space<vmem>> -> memref<80xi32, #tpu.memory_space<vmem>>
      %dma_wait3A_93 = arith.constant 0 : i32
      %dma_wait3A_94 = arith.constant 0 : i32
      %dma_wait3A_95 = tpu.memref_slice %arg5[%dma_wait3A_93, %dma_wait3A_94] : memref<10000x64xf32, #tpu.memory_space<hbm>> -> memref<10000x64xf32, #tpu.memory_space<hbm>>
      tpu.wait_indirect_dma semaphore(%arg20 : memref<!tpu.dma_semaphore, #tpu.memory_space<semaphore_mem>>) src(%dma_wait3A_95 : memref<10000x64xf32, #tpu.memory_space<hbm>>) dst(%arg10 : memref<80x64xf32, #tpu.memory_space<vmem>>)
      %dma_wait3A_96 = arith.constant 0 : i32
      %dma_wait3A_97 = arith.constant 0 : i32
      %dma_wait3A_98 = tpu.memref_slice %arg8[%dma_wait3A_96, %dma_wait3A_97] : memref<250x80xi32, #tpu.memory_space<vmem>> -> memref<1x80xi32, #tpu.memory_space<vmem>>
      %dma_wait3A_99 = tpu.memref_squeeze %dma_wait3A_98 : memref<1x80xi32, #tpu.memory_space<vmem>> -> memref<80xi32, #tpu.memory_space<vmem>>
      %dma_wait3A_100 = arith.constant 0 : i32
      %dma_wait3A_101 = arith.constant 0 : i32
      %dma_wait3A_102 = tpu.memref_slice %arg18[%dma_wait3A_100, %dma_wait3A_101] : memref<10000x64xf32, #tpu.memory_space<vmem_shared>> -> memref<10000x64xf32, #tpu.memory_space<vmem_shared>>
      tpu.wait_indirect_dma semaphore(%arg34 : memref<!tpu.dma_semaphore, #tpu.memory_space<semaphore_mem>>) src(%arg16 : memref<80x64xf32, #tpu.memory_space<vmem>>) dst(%dma_wait3A_102 : memref<10000x64xf32, #tpu.memory_space<vmem_shared>>)
      %dma_start3A_103 = arith.constant 249 : i32
      %dma_start3A_104 = arith.constant 0 : i32
      %dma_start3A_105 = tpu.memref_slice %arg8[%dma_start3A_103, %dma_start3A_104] : memref<250x80xi32, #tpu.memory_space<vmem>> -> memref<1x80xi32, #tpu.memory_space<vmem>>
      %dma_start3A_106 = tpu.memref_squeeze %dma_start3A_105 : memref<1x80xi32, #tpu.memory_space<vmem>> -> memref<80xi32, #tpu.memory_space<vmem>>
      %dma_start3A_107 = arith.constant 0 : i32
      %dma_start3A_108 = arith.constant 0 : i32
      %dma_start3A_109 = tpu.memref_slice %arg18[%dma_start3A_107, %dma_start3A_108] : memref<10000x64xf32, #tpu.memory_space<vmem_shared>> -> memref<10000x64xf32, #tpu.memory_space<vmem_shared>>
      tpu.enqueue_indirect_dma source(%arg10 : memref<80x64xf32, #tpu.memory_space<vmem>>) target(%dma_start3A_109 : memref<10000x64xf32, #tpu.memory_space<vmem_shared>>) offsets(%dma_start3A_106 : memref<80xi32, #tpu.memory_space<vmem>>) semaphore(%arg28 : memref<!tpu.dma_semaphore, #tpu.memory_space<semaphore_mem>>) {add = true}
      %dma_wait3A_110 = arith.constant 0 : i32
      %dma_wait3A_111 = arith.constant 0 : i32
      %dma_wait3A_112 = tpu.memref_slice %arg8[%dma_wait3A_110, %dma_wait3A_111] : memref<250x80xi32, #tpu.memory_space<vmem>> -> memref<1x80xi32, #tpu.memory_space<vmem>>
      %dma_wait3A_113 = tpu.memref_squeeze %dma_wait3A_112 : memref<1x80xi32, #tpu.memory_space<vmem>> -> memref<80xi32, #tpu.memory_space<vmem>>
      %dma_wait3A_114 = arith.constant 0 : i32
      %dma_wait3A_115 = arith.constant 0 : i32
      %dma_wait3A_116 = tpu.memref_slice %arg18[%dma_wait3A_114, %dma_wait3A_115] : memref<10000x64xf32, #tpu.memory_space<vmem_shared>> -> memref<10000x64xf32, #tpu.memory_space<vmem_shared>>
      tpu.wait_indirect_dma semaphore(%arg27 : memref<!tpu.dma_semaphore, #tpu.memory_space<semaphore_mem>>) src(%arg9 : memref<80x64xf32, #tpu.memory_space<vmem>>) dst(%dma_wait3A_116 : memref<10000x64xf32, #tpu.memory_space<vmem_shared>>)
      %dma_wait3A_117 = arith.constant 0 : i32
      %dma_wait3A_118 = arith.constant 0 : i32
      %dma_wait3A_119 = tpu.memref_slice %arg8[%dma_wait3A_117, %dma_wait3A_118] : memref<250x80xi32, #tpu.memory_space<vmem>> -> memref<1x80xi32, #tpu.memory_space<vmem>>
      %dma_wait3A_120 = tpu.memref_squeeze %dma_wait3A_119 : memref<1x80xi32, #tpu.memory_space<vmem>> -> memref<80xi32, #tpu.memory_space<vmem>>
      %dma_wait3A_121 = arith.constant 0 : i32
      %dma_wait3A_122 = arith.constant 0 : i32
      %dma_wait3A_123 = tpu.memref_slice %arg18[%dma_wait3A_121, %dma_wait3A_122] : memref<10000x64xf32, #tpu.memory_space<vmem_shared>> -> memref<10000x64xf32, #tpu.memory_space<vmem_shared>>
      tpu.wait_indirect_dma semaphore(%arg28 : memref<!tpu.dma_semaphore, #tpu.memory_space<semaphore_mem>>) src(%arg10 : memref<80x64xf32, #tpu.memory_space<vmem>>) dst(%dma_wait3A_123 : memref<10000x64xf32, #tpu.memory_space<vmem_shared>>)
    } else {
    }
    %barrier3A_18 = arith.constant 0 : index
    tpu.barrier barrier_id(%barrier3A_18)
    %mul3A = arith.constant 624 : i32
    %mul3A_19 = arith.muli %arg1, %mul3A : i32
    %mul3A_20 = arith.constant 624 : i32
    %mul3A_21 = arith.muli %arg1, %mul3A_20 : i32
    "tpu.region"() ({
      %run_scoped3A = tpu.sem_alloc : memref<!tpu.dma_semaphore, #tpu.memory_space<semaphore_mem>>
      %dma_start3A = arith.constant 0 : i32
      %dma_start3A_22 = tpu.memref_slice %arg6[%arg0, %mul3A_21, %dma_start3A] : memref<2x10000x64xf32, #tpu.memory_space<hbm>> -> memref<1x640x64xf32, #tpu.memory_space<hbm>>
      %dma_start3A_23 = tpu.memref_squeeze %dma_start3A_22 : memref<1x640x64xf32, #tpu.memory_space<hbm>> -> memref<640x64xf32, #tpu.memory_space<hbm>>
      %dma_start3A_24 = arith.constant 0 : i32
      %dma_start3A_25 = tpu.memref_slice %arg18[%mul3A_19, %dma_start3A_24] : memref<10000x64xf32, #tpu.memory_space<vmem_shared>> -> memref<640x64xf32, #tpu.memory_space<vmem_shared>>
      tpu.enqueue_dma source(%dma_start3A_25 : memref<640x64xf32, #tpu.memory_space<vmem_shared>>) target(%dma_start3A_23 : memref<640x64xf32, #tpu.memory_space<hbm>>) target_semaphore(%run_scoped3A : memref<!tpu.dma_semaphore, #tpu.memory_space<semaphore_mem>>)
      %dma_wait3A = arith.constant 0 : i32
      %dma_wait3A_26 = tpu.memref_slice %arg6[%arg0, %mul3A_21, %dma_wait3A] : memref<2x10000x64xf32, #tpu.memory_space<hbm>> -> memref<1x640x64xf32, #tpu.memory_space<hbm>>
      %dma_wait3A_27 = tpu.memref_squeeze %dma_wait3A_26 : memref<1x640x64xf32, #tpu.memory_space<hbm>> -> memref<640x64xf32, #tpu.memory_space<hbm>>
      %dma_wait3A_28 = arith.constant 0 : i32
      %dma_wait3A_29 = tpu.memref_slice %arg18[%mul3A_19, %dma_wait3A_28] : memref<10000x64xf32, #tpu.memory_space<vmem_shared>> -> memref<640x64xf32, #tpu.memory_space<vmem_shared>>
      tpu.wait_dma2 semaphore(%run_scoped3A : memref<!tpu.dma_semaphore, #tpu.memory_space<semaphore_mem>>) src(%dma_wait3A_29 : memref<640x64xf32, #tpu.memory_space<vmem_shared>>) dst(%dma_wait3A_27 : memref<640x64xf32, #tpu.memory_space<hbm>>)
      tpu.yield
    }) : () -> ()
    return
  }
}

module attributes {stable_mosaic.version = 14 : i64} {
  func.func @_prescale_body(%arg0: i32, %arg1: memref<2x2000x16xf32, #tpu.memory_space<vmem>>, %arg2: memref<2000x128xf32, #tpu.memory_space<vmem>>, %arg3: memref<2000x64xf32, #tpu.memory_space<vmem>>, %arg4: memref<2000x64xf32, #tpu.memory_space<vmem>>, %arg5: memref<2000x1xf32, #tpu.memory_space<vmem>>) attributes {dimension_semantics = [#tpu.dimension_semantics<arbitrary>], iteration_bounds = array<i64: 5>, scalar_prefetch = 0 : i64, scratch_operands = 0 : i64, tpu.core_type = #tpu.core_type<tc>, window_params = [{transform_indices = @transform_0, window_bounds = array<i64: 2, 2000, 16>}, {transform_indices = @transform_1, window_bounds = array<i64: 2000, 128>}, {transform_indices = @transform_2, window_bounds = array<i64: 2000, 64>}, {transform_indices = @transform_3, window_bounds = array<i64: 2000, 64>}, {transform_indices = @transform_4, window_bounds = array<i64: 2000, 1>}]} {
    %get3A = arith.constant 0 : index
    %get3A_0 = arith.constant 0 : index
    %get3A_1 = arith.constant 0 : index
    %get3A_2 = vector.load %arg1[%get3A, %get3A_0, %get3A_1] : memref<2x2000x16xf32, #tpu.memory_space<vmem>>, vector<1x2000x1xf32>
    %get3A_3 = vector.shape_cast %get3A_2 : vector<1x2000x1xf32> to vector<2000x1xf32>
    %get3A_4 = arith.constant 1 : index
    %get3A_5 = arith.constant 0 : index
    %get3A_6 = arith.constant 0 : index
    %get3A_7 = vector.load %arg1[%get3A_4, %get3A_5, %get3A_6] : memref<2x2000x16xf32, #tpu.memory_space<vmem>>, vector<1x2000x1xf32>
    %get3A_8 = vector.shape_cast %get3A_7 : vector<1x2000x1xf32> to vector<2000x1xf32>
    %add3A = arith.addf %get3A_3, %get3A_8 : vector<2000x1xf32>
    %add3A_9 = arith.constant 1.000000e+00 : f32
    %add3A_10 = vector.broadcast %add3A_9 : f32 to vector<2000x1xf32>
    %add3A_11 = arith.addf %add3A, %add3A_10 : vector<2000x1xf32>
    %rsqrt3A = math.rsqrt %add3A_11 : vector<2000x1xf32>
    %swap3A = arith.constant 0 : index
    %swap3A_12 = arith.constant 0 : index
    %swap3A_13 = vector.load %arg5[%swap3A, %swap3A_12] : memref<2000x1xf32, #tpu.memory_space<vmem>>, vector<2000x1xf32>
    tpu.vector_store %arg5[%swap3A, %swap3A_12], %rsqrt3A {strides = array<i32>} : memref<2000x1xf32, #tpu.memory_space<vmem>>, vector<2000x1xf32>,
    %get3A_14 = arith.constant 0 : index
    %get3A_15 = arith.constant 0 : index
    %get3A_16 = vector.load %arg2[%get3A_14, %get3A_15] : memref<2000x128xf32, #tpu.memory_space<vmem>>, vector<2000x128xf32>
    %mul3A = vector.broadcast %rsqrt3A : vector<2000x1xf32> to vector<2000x128xf32>
    %mul3A_17 = arith.mulf %get3A_16, %mul3A : vector<2000x128xf32>
    %slice3A = vector.extract_strided_slice %mul3A_17 {offsets = [0, 0], sizes = [2000, 64], strides = [1, 1]} : vector<2000x128xf32> to vector<2000x64xf32>
    %swap3A_18 = arith.constant 0 : index
    %swap3A_19 = arith.constant 0 : index
    %swap3A_20 = vector.load %arg3[%swap3A_18, %swap3A_19] : memref<2000x64xf32, #tpu.memory_space<vmem>>, vector<2000x64xf32>
    tpu.vector_store %arg3[%swap3A_18, %swap3A_19], %slice3A {strides = array<i32>} : memref<2000x64xf32, #tpu.memory_space<vmem>>, vector<2000x64xf32>,
    %slice3A_21 = vector.extract_strided_slice %mul3A_17 {offsets = [0, 64], sizes = [2000, 64], strides = [1, 1]} : vector<2000x128xf32> to vector<2000x64xf32>
    %swap3A_22 = arith.constant 0 : index
    %swap3A_23 = arith.constant 0 : index
    %swap3A_24 = vector.load %arg4[%swap3A_22, %swap3A_23] : memref<2000x64xf32, #tpu.memory_space<vmem>>, vector<2000x64xf32>
    tpu.vector_store %arg4[%swap3A_22, %swap3A_23], %slice3A_21 {strides = array<i32>} : memref<2000x64xf32, #tpu.memory_space<vmem>>, vector<2000x64xf32>,
    return
  }
  func.func @transform_0(%arg0: i32) -> (i32, i32, i32) {
    %c0_i32 = arith.constant 0 : i32
    %c0_i32_0 = arith.constant 0 : i32
    %c0_i32_1 = arith.constant 0 : i32
    return %c0_i32, %arg0, %c0_i32_0 : i32, i32, i32
  }
  func.func @transform_1(%arg0: i32) -> (i32, i32) {
    %c0_i32 = arith.constant 0 : i32
    %c0_i32_0 = arith.constant 0 : i32
    return %arg0, %c0_i32 : i32, i32
  }
  func.func @transform_2(%arg0: i32) -> (i32, i32) {
    %c0_i32 = arith.constant 0 : i32
    %c0_i32_0 = arith.constant 0 : i32
    return %arg0, %c0_i32 : i32, i32
  }
  func.func @transform_3(%arg0: i32) -> (i32, i32) {
    %c0_i32 = arith.constant 0 : i32
    %c0_i32_0 = arith.constant 0 : i32
    return %arg0, %c0_i32 : i32, i32
  }
  func.func @transform_4(%arg0: i32) -> (i32, i32) {
    %c0_i32 = arith.constant 0 : i32
    %c0_i32_0 = arith.constant 0 : i32
    return %arg0, %c0_i32 : i32, i32
  }
}

module attributes {stable_mosaic.version = 14 : i64} {
  func.func @_mix1_body(%arg0: i32, %arg1: memref<2x2000x64xf32, #tpu.memory_space<vmem>>, %arg2: memref<2000x1xf32, #tpu.memory_space<vmem>>, %arg3: memref<2000x128xf32, #tpu.memory_space<vmem>>, %arg4: memref<2000x4xf32, #tpu.memory_space<vmem>>, %arg5: memref<3x128x128xf32, #tpu.memory_space<vmem>>, %arg6: memref<3x128xf32, #tpu.memory_space<vmem>>, %arg7: memref<3x4xf32, #tpu.memory_space<vmem>>, %arg8: memref<2000x128xf32, #tpu.memory_space<vmem>>, %arg9: memref<2000x64xf32, #tpu.memory_space<vmem>>, %arg10: memref<2000x64xf32, #tpu.memory_space<vmem>>) attributes {dimension_semantics = [#tpu.dimension_semantics<arbitrary>], iteration_bounds = array<i64: 5>, scalar_prefetch = 0 : i64, scratch_operands = 0 : i64, tpu.core_type = #tpu.core_type<tc>, window_params = [{transform_indices = @transform_0, window_bounds = array<i64: 2, 2000, 64>}, {transform_indices = @transform_1, window_bounds = array<i64: 2000, 1>}, {transform_indices = @transform_2, window_bounds = array<i64: 2000, 128>}, {transform_indices = @transform_3, window_bounds = array<i64: 2000, 4>}, {pipeline_mode = #tpu.pipeline_mode<synchronous>, transform_indices = @transform_4, window_bounds = array<i64: 3, 128, 128>}, {pipeline_mode = #tpu.pipeline_mode<synchronous>, transform_indices = @transform_5, window_bounds = array<i64: 3, 128>}, {pipeline_mode = #tpu.pipeline_mode<synchronous>, transform_indices = @transform_6, window_bounds = array<i64: 3, 4>}, {transform_indices = @transform_7, window_bounds = array<i64: 2000, 128>}, {transform_indices = @transform_8, window_bounds = array<i64: 2000, 64>}, {transform_indices = @transform_9, window_bounds = array<i64: 2000, 64>}]} {
    %get3A = arith.constant 0 : index
    %get3A_0 = arith.constant 0 : index
    %get3A_1 = vector.load %arg2[%get3A, %get3A_0] : memref<2000x1xf32, #tpu.memory_space<vmem>>, vector<2000x1xf32>
    %get3A_2 = arith.constant 0 : index
    %get3A_3 = arith.constant 0 : index
    %get3A_4 = vector.load %arg3[%get3A_2, %get3A_3] : memref<2000x128xf32, #tpu.memory_space<vmem>>, vector<2000x128xf32>
    %get3A_5 = arith.constant 0 : index
    %get3A_6 = arith.constant 0 : index
    %get3A_7 = arith.constant 0 : index
    %get3A_8 = vector.load %arg1[%get3A_5, %get3A_6, %get3A_7] : memref<2x2000x64xf32, #tpu.memory_space<vmem>>, vector<1x2000x64xf32>
    %get3A_9 = vector.shape_cast %get3A_8 : vector<1x2000x64xf32> to vector<2000x64xf32>
    %get3A_10 = arith.constant 1 : index
    %get3A_11 = arith.constant 0 : index
    %get3A_12 = arith.constant 0 : index
    %get3A_13 = vector.load %arg1[%get3A_10, %get3A_11, %get3A_12] : memref<2x2000x64xf32, #tpu.memory_space<vmem>>, vector<1x2000x64xf32>
    %get3A_14 = vector.shape_cast %get3A_13 : vector<1x2000x64xf32> to vector<2000x64xf32>
    %concatenate3A = tpu.concatenate %get3A_9, %get3A_14 in 1 : vector<2000x64xf32>, vector<2000x64xf32> -> vector<2000x128xf32>
    %mul3A = vector.broadcast %get3A_1 : vector<2000x1xf32> to vector<2000x128xf32>
    %mul3A_15 = arith.mulf %mul3A, %concatenate3A : vector<2000x128xf32>
    %mul3A_16 = arith.mulf %get3A_1, %get3A_1 : vector<2000x1xf32>
    %mul3A_17 = vector.broadcast %mul3A_16 : vector<2000x1xf32> to vector<2000x128xf32>
    %mul3A_18 = arith.mulf %mul3A_17, %get3A_4 : vector<2000x128xf32>
    %add3A = arith.addf %mul3A_15, %mul3A_18 : vector<2000x128xf32>
    %get3A_19 = arith.constant 0 : index
    %get3A_20 = arith.constant 0 : index
    %get3A_21 = vector.load %arg4[%get3A_19, %get3A_20] : memref<2000x4xf32, #tpu.memory_space<vmem>>, vector<2000x4xf32>
    %get3A_22 = arith.constant 0 : index
    %get3A_23 = arith.constant 0 : index
    %get3A_24 = vector.load %arg7[%get3A_22, %get3A_23] : memref<3x4xf32, #tpu.memory_space<vmem>>, vector<3x4xf32>
    %dot_general3A = arith.constant dense<0.000000e+00> : vector<2000x3xf32>
    %dot_general3A_25 = tpu.matmul %get3A_21, %get3A_24, %dot_general3A {dimension_numbers = #tpu.dot_dimension_numbers<[1], [1], [0], [0], [0, 0, 1, 0], [], []>, transpose_lhs_hint = false} : vector<2000x4xf32>, vector<3x4xf32>, vector<2000x3xf32> -> vector<2000x3xf32>
    %div3A = arith.constant 1.010000e+02 : f32
    %div3A_26 = vector.broadcast %div3A : f32 to vector<2000x3xf32>
    %div3A_27 = arith.divf %dot_general3A_25, %div3A_26 : vector<2000x3xf32>
    %reduce_max3A = arith.constant dense<0xFF800000> : vector<2000xf32>
    %reduce_max3A_28 = vector.multi_reduction <maximumf>, %div3A_27, %reduce_max3A [1] : vector<2000x3xf32> to vector<2000xf32>
    %broadcast_in_dim3A = vector.shape_cast %reduce_max3A_28 : vector<2000xf32> to vector<2000x1xf32>
    %sub3A = vector.broadcast %broadcast_in_dim3A : vector<2000x1xf32> to vector<2000x3xf32>
    %sub3A_29 = arith.subf %div3A_27, %sub3A : vector<2000x3xf32>
    %exp3A = math.exp %sub3A_29 : vector<2000x3xf32>
    %reduce_sum3A = arith.constant dense<0.000000e+00> : vector<2000xf32>
    %reduce_sum3A_30 = vector.multi_reduction <add>, %exp3A, %reduce_sum3A [1] : vector<2000x3xf32> to vector<2000xf32>
    %broadcast_in_dim3A_31 = vector.shape_cast %reduce_sum3A_30 : vector<2000xf32> to vector<2000x1xf32>
    %div3A_32 = vector.broadcast %broadcast_in_dim3A_31 : vector<2000x1xf32> to vector<2000x3xf32>
    %div3A_33 = arith.divf %exp3A, %div3A_32 : vector<2000x3xf32>
    %broadcast_in_dim3A_34 = arith.constant 0.000000e+00 : f32
    %broadcast_in_dim3A_35 = vector.broadcast %broadcast_in_dim3A_34 : f32 to vector<2000x128xf32>
    %get3A_36 = arith.constant 0 : index
    %get3A_37 = arith.constant 0 : index
    %get3A_38 = arith.constant 0 : index
    %get3A_39 = vector.load %arg5[%get3A_36, %get3A_37, %get3A_38] : memref<3x128x128xf32, #tpu.memory_space<vmem>>, vector<1x128x128xf32>
    %get3A_40 = vector.shape_cast %get3A_39 : vector<1x128x128xf32> to vector<128x128xf32>
    %dot_general3A_41 = arith.constant dense<0.000000e+00> : vector<2000x128xf32>
    %dot_general3A_42 = tpu.matmul %add3A, %get3A_40, %dot_general3A_41 {dimension_numbers = #tpu.dot_dimension_numbers<[1], [1], [0], [0], [0, 0, 1, 0], [], []>, transpose_lhs_hint = false} : vector<2000x128xf32>, vector<128x128xf32>, vector<2000x128xf32> -> vector<2000x128xf32>
    %get3A_43 = arith.constant 0 : index
    %get3A_44 = arith.constant 0 : index
    %get3A_45 = vector.load %arg6[%get3A_43, %get3A_44] : memref<3x128xf32, #tpu.memory_space<vmem>>, vector<1x128xf32>
    %get3A_46 = vector.shape_cast %get3A_45 : vector<1x128xf32> to vector<128xf32>
    %broadcast_in_dim3A_47 = vector.shape_cast %get3A_46 : vector<128xf32> to vector<1x128xf32>
    %add3A_48 = vector.broadcast %broadcast_in_dim3A_47 : vector<1x128xf32> to vector<2000x128xf32>
    %add3A_49 = arith.addf %dot_general3A_42, %add3A_48 : vector<2000x128xf32>
    %slice3A = vector.extract_strided_slice %div3A_33 {offsets = [0, 0], sizes = [2000, 1], strides = [1, 1]} : vector<2000x3xf32> to vector<2000x1xf32>
    %max3A = arith.constant 0.000000e+00 : f32
    %max3A_50 = vector.broadcast %max3A : f32 to vector<2000x128xf32>
    %max3A_51 = arith.maximumf %add3A_49, %max3A_50 : vector<2000x128xf32>
    %mul3A_52 = vector.broadcast %slice3A : vector<2000x1xf32> to vector<2000x128xf32>
    %mul3A_53 = arith.mulf %mul3A_52, %max3A_51 : vector<2000x128xf32>
    %add3A_54 = arith.addf %broadcast_in_dim3A_35, %mul3A_53 : vector<2000x128xf32>
    %get3A_55 = arith.constant 1 : index
    %get3A_56 = arith.constant 0 : index
    %get3A_57 = arith.constant 0 : index
    %get3A_58 = vector.load %arg5[%get3A_55, %get3A_56, %get3A_57] : memref<3x128x128xf32, #tpu.memory_space<vmem>>, vector<1x128x128xf32>
    %get3A_59 = vector.shape_cast %get3A_58 : vector<1x128x128xf32> to vector<128x128xf32>
    %dot_general3A_60 = arith.constant dense<0.000000e+00> : vector<2000x128xf32>
    %dot_general3A_61 = tpu.matmul %add3A, %get3A_59, %dot_general3A_60 {dimension_numbers = #tpu.dot_dimension_numbers<[1], [1], [0], [0], [0, 0, 1, 0], [], []>, transpose_lhs_hint = false} : vector<2000x128xf32>, vector<128x128xf32>, vector<2000x128xf32> -> vector<2000x128xf32>
    %get3A_62 = arith.constant 1 : index
    %get3A_63 = arith.constant 0 : index
    %get3A_64 = vector.load %arg6[%get3A_62, %get3A_63] : memref<3x128xf32, #tpu.memory_space<vmem>>, vector<1x128xf32>
    %get3A_65 = vector.shape_cast %get3A_64 : vector<1x128xf32> to vector<128xf32>
    %broadcast_in_dim3A_66 = vector.shape_cast %get3A_65 : vector<128xf32> to vector<1x128xf32>
    %add3A_67 = vector.broadcast %broadcast_in_dim3A_66 : vector<1x128xf32> to vector<2000x128xf32>
    %add3A_68 = arith.addf %dot_general3A_61, %add3A_67 : vector<2000x128xf32>
    %slice3A_69 = vector.extract_strided_slice %div3A_33 {offsets = [0, 1], sizes = [2000, 1], strides = [1, 1]} : vector<2000x3xf32> to vector<2000x1xf32>
    %max3A_70 = arith.constant 0.000000e+00 : f32
    %max3A_71 = vector.broadcast %max3A_70 : f32 to vector<2000x128xf32>
    %max3A_72 = arith.maximumf %add3A_68, %max3A_71 : vector<2000x128xf32>
    %mul3A_73 = vector.broadcast %slice3A_69 : vector<2000x1xf32> to vector<2000x128xf32>
    %mul3A_74 = arith.mulf %mul3A_73, %max3A_72 : vector<2000x128xf32>
    %add3A_75 = arith.addf %add3A_54, %mul3A_74 : vector<2000x128xf32>
    %get3A_76 = arith.constant 2 : index
    %get3A_77 = arith.constant 0 : index
    %get3A_78 = arith.constant 0 : index
    %get3A_79 = vector.load %arg5[%get3A_76, %get3A_77, %get3A_78] : memref<3x128x128xf32, #tpu.memory_space<vmem>>, vector<1x128x128xf32>
    %get3A_80 = vector.shape_cast %get3A_79 : vector<1x128x128xf32> to vector<128x128xf32>
    %dot_general3A_81 = arith.constant dense<0.000000e+00> : vector<2000x128xf32>
    %dot_general3A_82 = tpu.matmul %add3A, %get3A_80, %dot_general3A_81 {dimension_numbers = #tpu.dot_dimension_numbers<[1], [1], [0], [0], [0, 0, 1, 0], [], []>, transpose_lhs_hint = false} : vector<2000x128xf32>, vector<128x128xf32>, vector<2000x128xf32> -> vector<2000x128xf32>
    %get3A_83 = arith.constant 2 : index
    %get3A_84 = arith.constant 0 : index
    %get3A_85 = vector.load %arg6[%get3A_83, %get3A_84] : memref<3x128xf32, #tpu.memory_space<vmem>>, vector<1x128xf32>
    %get3A_86 = vector.shape_cast %get3A_85 : vector<1x128xf32> to vector<128xf32>
    %broadcast_in_dim3A_87 = vector.shape_cast %get3A_86 : vector<128xf32> to vector<1x128xf32>
    %add3A_88 = vector.broadcast %broadcast_in_dim3A_87 : vector<1x128xf32> to vector<2000x128xf32>
    %add3A_89 = arith.addf %dot_general3A_82, %add3A_88 : vector<2000x128xf32>
    %slice3A_90 = vector.extract_strided_slice %div3A_33 {offsets = [0, 2], sizes = [2000, 1], strides = [1, 1]} : vector<2000x3xf32> to vector<2000x1xf32>
    %max3A_91 = arith.constant 0.000000e+00 : f32
    %max3A_92 = vector.broadcast %max3A_91 : f32 to vector<2000x128xf32>
    %max3A_93 = arith.maximumf %add3A_89, %max3A_92 : vector<2000x128xf32>
    %mul3A_94 = vector.broadcast %slice3A_90 : vector<2000x1xf32> to vector<2000x128xf32>
    %mul3A_95 = arith.mulf %mul3A_94, %max3A_93 : vector<2000x128xf32>
    %add3A_96 = arith.addf %add3A_75, %mul3A_95 : vector<2000x128xf32>
    %swap3A = arith.constant 0 : index
    %swap3A_97 = arith.constant 0 : index
    %swap3A_98 = vector.load %arg8[%swap3A, %swap3A_97] : memref<2000x128xf32, #tpu.memory_space<vmem>>, vector<2000x128xf32>
    tpu.vector_store %arg8[%swap3A, %swap3A_97], %add3A_96 {strides = array<i32>} : memref<2000x128xf32, #tpu.memory_space<vmem>>, vector<2000x128xf32>,
    %mul3A_99 = vector.broadcast %get3A_1 : vector<2000x1xf32> to vector<2000x128xf32>
    %mul3A_100 = arith.mulf %add3A_96, %mul3A_99 : vector<2000x128xf32>
    %slice3A_101 = vector.extract_strided_slice %mul3A_100 {offsets = [0, 0], sizes = [2000, 64], strides = [1, 1]} : vector<2000x128xf32> to vector<2000x64xf32>
    %swap3A_102 = arith.constant 0 : index
    %swap3A_103 = arith.constant 0 : index
    %swap3A_104 = vector.load %arg9[%swap3A_102, %swap3A_103] : memref<2000x64xf32, #tpu.memory_space<vmem>>, vector<2000x64xf32>
    tpu.vector_store %arg9[%swap3A_102, %swap3A_103], %slice3A_101 {strides = array<i32>} : memref<2000x64xf32, #tpu.memory_space<vmem>>, vector<2000x64xf32>,
    %slice3A_105 = vector.extract_strided_slice %mul3A_100 {offsets = [0, 64], sizes = [2000, 64], strides = [1, 1]} : vector<2000x128xf32> to vector<2000x64xf32>
    %swap3A_106 = arith.constant 0 : index
    %swap3A_107 = arith.constant 0 : index
    %swap3A_108 = vector.load %arg10[%swap3A_106, %swap3A_107] : memref<2000x64xf32, #tpu.memory_space<vmem>>, vector<2000x64xf32>
    tpu.vector_store %arg10[%swap3A_106, %swap3A_107], %slice3A_105 {strides = array<i32>} : memref<2000x64xf32, #tpu.memory_space<vmem>>, vector<2000x64xf32>,
    return
  }
  func.func @transform_0(%arg0: i32) -> (i32, i32, i32) {
    %c0_i32 = arith.constant 0 : i32
    %c0_i32_0 = arith.constant 0 : i32
    %c0_i32_1 = arith.constant 0 : i32
    return %c0_i32, %arg0, %c0_i32_0 : i32, i32, i32
  }
  func.func @transform_1(%arg0: i32) -> (i32, i32) {
    %c0_i32 = arith.constant 0 : i32
    %c0_i32_0 = arith.constant 0 : i32
    return %arg0, %c0_i32 : i32, i32
  }
  func.func @transform_2(%arg0: i32) -> (i32, i32) {
    %c0_i32 = arith.constant 0 : i32
    %c0_i32_0 = arith.constant 0 : i32
    return %arg0, %c0_i32 : i32, i32
  }
  func.func @transform_3(%arg0: i32) -> (i32, i32) {
    %c0_i32 = arith.constant 0 : i32
    %c0_i32_0 = arith.constant 0 : i32
    return %arg0, %c0_i32 : i32, i32
  }
  func.func @transform_4(%arg0: i32) -> (i32, i32, i32) {
    %c0_i32 = arith.constant 0 : i32
    %c0_i32_0 = arith.constant 0 : i32
    %c0_i32_1 = arith.constant 0 : i32
    %c0_i32_2 = arith.constant 0 : i32
    return %c0_i32, %c0_i32_0, %c0_i32_1 : i32, i32, i32
  }
  func.func @transform_5(%arg0: i32) -> (i32, i32) {
    %c0_i32 = arith.constant 0 : i32
    %c0_i32_0 = arith.constant 0 : i32
    %c0_i32_1 = arith.constant 0 : i32
    return %c0_i32, %c0_i32_0 : i32, i32
  }
  func.func @transform_6(%arg0: i32) -> (i32, i32) {
    %c0_i32 = arith.constant 0 : i32
    %c0_i32_0 = arith.constant 0 : i32
    %c0_i32_1 = arith.constant 0 : i32
    return %c0_i32, %c0_i32_0 : i32, i32
  }
  func.func @transform_7(%arg0: i32) -> (i32, i32) {
    %c0_i32 = arith.constant 0 : i32
    %c0_i32_0 = arith.constant 0 : i32
    return %arg0, %c0_i32 : i32, i32
  }
  func.func @transform_8(%arg0: i32) -> (i32, i32) {
    %c0_i32 = arith.constant 0 : i32
    %c0_i32_0 = arith.constant 0 : i32
    return %arg0, %c0_i32 : i32, i32
  }
  func.func @transform_9(%arg0: i32) -> (i32, i32) {
    %c0_i32 = arith.constant 0 : i32
    %c0_i32_0 = arith.constant 0 : i32
    return %arg0, %c0_i32 : i32, i32
  }
}

module attributes {stable_mosaic.version = 14 : i64} {
  func.func @_mix2_body(%arg0: i32, %arg1: memref<2x2000x64xf32, #tpu.memory_space<vmem>>, %arg2: memref<2000x1xf32, #tpu.memory_space<vmem>>, %arg3: memref<2000x128xf32, #tpu.memory_space<vmem>>, %arg4: memref<2000x4xf32, #tpu.memory_space<vmem>>, %arg5: memref<3x128x128xf32, #tpu.memory_space<vmem>>, %arg6: memref<3x128xf32, #tpu.memory_space<vmem>>, %arg7: memref<3x4xf32, #tpu.memory_space<vmem>>, %arg8: memref<128x128xf32, #tpu.memory_space<vmem>>, %arg9: memref<128xf32, #tpu.memory_space<vmem>>, %arg10: memref<2000x128xf32, #tpu.memory_space<vmem>>) attributes {dimension_semantics = [#tpu.dimension_semantics<arbitrary>], iteration_bounds = array<i64: 5>, scalar_prefetch = 0 : i64, scratch_operands = 0 : i64, tpu.core_type = #tpu.core_type<tc>, window_params = [{transform_indices = @transform_0, window_bounds = array<i64: 2, 2000, 64>}, {transform_indices = @transform_1, window_bounds = array<i64: 2000, 1>}, {transform_indices = @transform_2, window_bounds = array<i64: 2000, 128>}, {transform_indices = @transform_3, window_bounds = array<i64: 2000, 4>}, {pipeline_mode = #tpu.pipeline_mode<synchronous>, transform_indices = @transform_4, window_bounds = array<i64: 3, 128, 128>}, {pipeline_mode = #tpu.pipeline_mode<synchronous>, transform_indices = @transform_5, window_bounds = array<i64: 3, 128>}, {pipeline_mode = #tpu.pipeline_mode<synchronous>, transform_indices = @transform_6, window_bounds = array<i64: 3, 4>}, {pipeline_mode = #tpu.pipeline_mode<synchronous>, transform_indices = @transform_7, window_bounds = array<i64: 128, 128>}, {pipeline_mode = #tpu.pipeline_mode<synchronous>, transform_indices = @transform_8, window_bounds = array<i64: 128>}, {transform_indices = @transform_9, window_bounds = array<i64: 2000, 128>}]} {
    %get3A = arith.constant 0 : index
    %get3A_0 = arith.constant 0 : index
    %get3A_1 = vector.load %arg2[%get3A, %get3A_0] : memref<2000x1xf32, #tpu.memory_space<vmem>>, vector<2000x1xf32>
    %get3A_2 = arith.constant 0 : index
    %get3A_3 = arith.constant 0 : index
    %get3A_4 = vector.load %arg3[%get3A_2, %get3A_3] : memref<2000x128xf32, #tpu.memory_space<vmem>>, vector<2000x128xf32>
    %get3A_5 = arith.constant 0 : index
    %get3A_6 = arith.constant 0 : index
    %get3A_7 = arith.constant 0 : index
    %get3A_8 = vector.load %arg1[%get3A_5, %get3A_6, %get3A_7] : memref<2x2000x64xf32, #tpu.memory_space<vmem>>, vector<1x2000x64xf32>
    %get3A_9 = vector.shape_cast %get3A_8 : vector<1x2000x64xf32> to vector<2000x64xf32>
    %get3A_10 = arith.constant 1 : index
    %get3A_11 = arith.constant 0 : index
    %get3A_12 = arith.constant 0 : index
    %get3A_13 = vector.load %arg1[%get3A_10, %get3A_11, %get3A_12] : memref<2x2000x64xf32, #tpu.memory_space<vmem>>, vector<1x2000x64xf32>
    %get3A_14 = vector.shape_cast %get3A_13 : vector<1x2000x64xf32> to vector<2000x64xf32>
    %concatenate3A = tpu.concatenate %get3A_9, %get3A_14 in 1 : vector<2000x64xf32>, vector<2000x64xf32> -> vector<2000x128xf32>
    %mul3A = vector.broadcast %get3A_1 : vector<2000x1xf32> to vector<2000x128xf32>
    %mul3A_15 = arith.mulf %mul3A, %concatenate3A : vector<2000x128xf32>
    %mul3A_16 = arith.mulf %get3A_1, %get3A_1 : vector<2000x1xf32>
    %mul3A_17 = vector.broadcast %mul3A_16 : vector<2000x1xf32> to vector<2000x128xf32>
    %mul3A_18 = arith.mulf %mul3A_17, %get3A_4 : vector<2000x128xf32>
    %add3A = arith.addf %mul3A_15, %mul3A_18 : vector<2000x128xf32>
    %get3A_19 = arith.constant 0 : index
    %get3A_20 = arith.constant 0 : index
    %get3A_21 = vector.load %arg4[%get3A_19, %get3A_20] : memref<2000x4xf32, #tpu.memory_space<vmem>>, vector<2000x4xf32>
    %get3A_22 = arith.constant 0 : index
    %get3A_23 = arith.constant 0 : index
    %get3A_24 = vector.load %arg7[%get3A_22, %get3A_23] : memref<3x4xf32, #tpu.memory_space<vmem>>, vector<3x4xf32>
    %dot_general3A = arith.constant dense<0.000000e+00> : vector<2000x3xf32>
    %dot_general3A_25 = tpu.matmul %get3A_21, %get3A_24, %dot_general3A {dimension_numbers = #tpu.dot_dimension_numbers<[1], [1], [0], [0], [0, 0, 1, 0], [], []>, transpose_lhs_hint = false} : vector<2000x4xf32>, vector<3x4xf32>, vector<2000x3xf32> -> vector<2000x3xf32>
    %div3A = arith.constant 1.010000e+02 : f32
    %div3A_26 = vector.broadcast %div3A : f32 to vector<2000x3xf32>
    %div3A_27 = arith.divf %dot_general3A_25, %div3A_26 : vector<2000x3xf32>
    %reduce_max3A = arith.constant dense<0xFF800000> : vector<2000xf32>
    %reduce_max3A_28 = vector.multi_reduction <maximumf>, %div3A_27, %reduce_max3A [1] : vector<2000x3xf32> to vector<2000xf32>
    %broadcast_in_dim3A = vector.shape_cast %reduce_max3A_28 : vector<2000xf32> to vector<2000x1xf32>
    %sub3A = vector.broadcast %broadcast_in_dim3A : vector<2000x1xf32> to vector<2000x3xf32>
    %sub3A_29 = arith.subf %div3A_27, %sub3A : vector<2000x3xf32>
    %exp3A = math.exp %sub3A_29 : vector<2000x3xf32>
    %reduce_sum3A = arith.constant dense<0.000000e+00> : vector<2000xf32>
    %reduce_sum3A_30 = vector.multi_reduction <add>, %exp3A, %reduce_sum3A [1] : vector<2000x3xf32> to vector<2000xf32>
    %broadcast_in_dim3A_31 = vector.shape_cast %reduce_sum3A_30 : vector<2000xf32> to vector<2000x1xf32>
    %div3A_32 = vector.broadcast %broadcast_in_dim3A_31 : vector<2000x1xf32> to vector<2000x3xf32>
    %div3A_33 = arith.divf %exp3A, %div3A_32 : vector<2000x3xf32>
    %broadcast_in_dim3A_34 = arith.constant 0.000000e+00 : f32
    %broadcast_in_dim3A_35 = vector.broadcast %broadcast_in_dim3A_34 : f32 to vector<2000x128xf32>
    %get3A_36 = arith.constant 0 : index
    %get3A_37 = arith.constant 0 : index
    %get3A_38 = arith.constant 0 : index
    %get3A_39 = vector.load %arg5[%get3A_36, %get3A_37, %get3A_38] : memref<3x128x128xf32, #tpu.memory_space<vmem>>, vector<1x128x128xf32>
    %get3A_40 = vector.shape_cast %get3A_39 : vector<1x128x128xf32> to vector<128x128xf32>
    %dot_general3A_41 = arith.constant dense<0.000000e+00> : vector<2000x128xf32>
    %dot_general3A_42 = tpu.matmul %add3A, %get3A_40, %dot_general3A_41 {dimension_numbers = #tpu.dot_dimension_numbers<[1], [1], [0], [0], [0, 0, 1, 0], [], []>, transpose_lhs_hint = false} : vector<2000x128xf32>, vector<128x128xf32>, vector<2000x128xf32> -> vector<2000x128xf32>
    %get3A_43 = arith.constant 0 : index
    %get3A_44 = arith.constant 0 : index
    %get3A_45 = vector.load %arg6[%get3A_43, %get3A_44] : memref<3x128xf32, #tpu.memory_space<vmem>>, vector<1x128xf32>
    %get3A_46 = vector.shape_cast %get3A_45 : vector<1x128xf32> to vector<128xf32>
    %broadcast_in_dim3A_47 = vector.shape_cast %get3A_46 : vector<128xf32> to vector<1x128xf32>
    %add3A_48 = vector.broadcast %broadcast_in_dim3A_47 : vector<1x128xf32> to vector<2000x128xf32>
    %add3A_49 = arith.addf %dot_general3A_42, %add3A_48 : vector<2000x128xf32>
    %slice3A = vector.extract_strided_slice %div3A_33 {offsets = [0, 0], sizes = [2000, 1], strides = [1, 1]} : vector<2000x3xf32> to vector<2000x1xf32>
    %max3A = arith.constant 0.000000e+00 : f32
    %max3A_50 = vector.broadcast %max3A : f32 to vector<2000x128xf32>
    %max3A_51 = arith.maximumf %add3A_49, %max3A_50 : vector<2000x128xf32>
    %mul3A_52 = vector.broadcast %slice3A : vector<2000x1xf32> to vector<2000x128xf32>
    %mul3A_53 = arith.mulf %mul3A_52, %max3A_51 : vector<2000x128xf32>
    %add3A_54 = arith.addf %broadcast_in_dim3A_35, %mul3A_53 : vector<2000x128xf32>
    %get3A_55 = arith.constant 1 : index
    %get3A_56 = arith.constant 0 : index
    %get3A_57 = arith.constant 0 : index
    %get3A_58 = vector.load %arg5[%get3A_55, %get3A_56, %get3A_57] : memref<3x128x128xf32, #tpu.memory_space<vmem>>, vector<1x128x128xf32>
    %get3A_59 = vector.shape_cast %get3A_58 : vector<1x128x128xf32> to vector<128x128xf32>
    %dot_general3A_60 = arith.constant dense<0.000000e+00> : vector<2000x128xf32>
    %dot_general3A_61 = tpu.matmul %add3A, %get3A_59, %dot_general3A_60 {dimension_numbers = #tpu.dot_dimension_numbers<[1], [1], [0], [0], [0, 0, 1, 0], [], []>, transpose_lhs_hint = false} : vector<2000x128xf32>, vector<128x128xf32>, vector<2000x128xf32> -> vector<2000x128xf32>
    %get3A_62 = arith.constant 1 : index
    %get3A_63 = arith.constant 0 : index
    %get3A_64 = vector.load %arg6[%get3A_62, %get3A_63] : memref<3x128xf32, #tpu.memory_space<vmem>>, vector<1x128xf32>
    %get3A_65 = vector.shape_cast %get3A_64 : vector<1x128xf32> to vector<128xf32>
    %broadcast_in_dim3A_66 = vector.shape_cast %get3A_65 : vector<128xf32> to vector<1x128xf32>
    %add3A_67 = vector.broadcast %broadcast_in_dim3A_66 : vector<1x128xf32> to vector<2000x128xf32>
    %add3A_68 = arith.addf %dot_general3A_61, %add3A_67 : vector<2000x128xf32>
    %slice3A_69 = vector.extract_strided_slice %div3A_33 {offsets = [0, 1], sizes = [2000, 1], strides = [1, 1]} : vector<2000x3xf32> to vector<2000x1xf32>
    %max3A_70 = arith.constant 0.000000e+00 : f32
    %max3A_71 = vector.broadcast %max3A_70 : f32 to vector<2000x128xf32>
    %max3A_72 = arith.maximumf %add3A_68, %max3A_71 : vector<2000x128xf32>
    %mul3A_73 = vector.broadcast %slice3A_69 : vector<2000x1xf32> to vector<2000x128xf32>
    %mul3A_74 = arith.mulf %mul3A_73, %max3A_72 : vector<2000x128xf32>
    %add3A_75 = arith.addf %add3A_54, %mul3A_74 : vector<2000x128xf32>
    %get3A_76 = arith.constant 2 : index
    %get3A_77 = arith.constant 0 : index
    %get3A_78 = arith.constant 0 : index
    %get3A_79 = vector.load %arg5[%get3A_76, %get3A_77, %get3A_78] : memref<3x128x128xf32, #tpu.memory_space<vmem>>, vector<1x128x128xf32>
    %get3A_80 = vector.shape_cast %get3A_79 : vector<1x128x128xf32> to vector<128x128xf32>
    %dot_general3A_81 = arith.constant dense<0.000000e+00> : vector<2000x128xf32>
    %dot_general3A_82 = tpu.matmul %add3A, %get3A_80, %dot_general3A_81 {dimension_numbers = #tpu.dot_dimension_numbers<[1], [1], [0], [0], [0, 0, 1, 0], [], []>, transpose_lhs_hint = false} : vector<2000x128xf32>, vector<128x128xf32>, vector<2000x128xf32> -> vector<2000x128xf32>
    %get3A_83 = arith.constant 2 : index
    %get3A_84 = arith.constant 0 : index
    %get3A_85 = vector.load %arg6[%get3A_83, %get3A_84] : memref<3x128xf32, #tpu.memory_space<vmem>>, vector<1x128xf32>
    %get3A_86 = vector.shape_cast %get3A_85 : vector<1x128xf32> to vector<128xf32>
    %broadcast_in_dim3A_87 = vector.shape_cast %get3A_86 : vector<128xf32> to vector<1x128xf32>
    %add3A_88 = vector.broadcast %broadcast_in_dim3A_87 : vector<1x128xf32> to vector<2000x128xf32>
    %add3A_89 = arith.addf %dot_general3A_82, %add3A_88 : vector<2000x128xf32>
    %slice3A_90 = vector.extract_strided_slice %div3A_33 {offsets = [0, 2], sizes = [2000, 1], strides = [1, 1]} : vector<2000x3xf32> to vector<2000x1xf32>
    %max3A_91 = arith.constant 0.000000e+00 : f32
    %max3A_92 = vector.broadcast %max3A_91 : f32 to vector<2000x128xf32>
    %max3A_93 = arith.maximumf %add3A_89, %max3A_92 : vector<2000x128xf32>
    %mul3A_94 = vector.broadcast %slice3A_90 : vector<2000x1xf32> to vector<2000x128xf32>
    %mul3A_95 = arith.mulf %mul3A_94, %max3A_93 : vector<2000x128xf32>
    %add3A_96 = arith.addf %add3A_75, %mul3A_95 : vector<2000x128xf32>
    %get3A_97 = arith.constant 0 : index
    %get3A_98 = arith.constant 0 : index
    %get3A_99 = vector.load %arg8[%get3A_97, %get3A_98] : memref<128x128xf32, #tpu.memory_space<vmem>>, vector<128x128xf32>
    %dot_general3A_100 = arith.constant dense<0.000000e+00> : vector<2000x128xf32>
    %dot_general3A_101 = tpu.matmul %add3A_96, %get3A_99, %dot_general3A_100 {dimension_numbers = #tpu.dot_dimension_numbers<[1], [1], [0], [0], [0, 0, 1, 0], [], []>, transpose_lhs_hint = false} : vector<2000x128xf32>, vector<128x128xf32>, vector<2000x128xf32> -> vector<2000x128xf32>
    %get3A_102 = arith.constant 0 : index
    %get3A_103 = vector.load %arg9[%get3A_102] : memref<128xf32, #tpu.memory_space<vmem>>, vector<128xf32>
    %broadcast_in_dim3A_104 = vector.shape_cast %get3A_103 : vector<128xf32> to vector<1x128xf32>
    %add3A_105 = vector.broadcast %broadcast_in_dim3A_104 : vector<1x128xf32> to vector<2000x128xf32>
    %add3A_106 = arith.addf %dot_general3A_101, %add3A_105 : vector<2000x128xf32>
    %swap3A = arith.constant 0 : index
    %swap3A_107 = arith.constant 0 : index
    %swap3A_108 = vector.load %arg10[%swap3A, %swap3A_107] : memref<2000x128xf32, #tpu.memory_space<vmem>>, vector<2000x128xf32>
    tpu.vector_store %arg10[%swap3A, %swap3A_107], %add3A_106 {strides = array<i32>} : memref<2000x128xf32, #tpu.memory_space<vmem>>, vector<2000x128xf32>,
    return
  }
  func.func @transform_0(%arg0: i32) -> (i32, i32, i32) {
    %c0_i32 = arith.constant 0 : i32
    %c0_i32_0 = arith.constant 0 : i32
    %c0_i32_1 = arith.constant 0 : i32
    return %c0_i32, %arg0, %c0_i32_0 : i32, i32, i32
  }
  func.func @transform_1(%arg0: i32) -> (i32, i32) {
    %c0_i32 = arith.constant 0 : i32
    %c0_i32_0 = arith.constant 0 : i32
    return %arg0, %c0_i32 : i32, i32
  }
  func.func @transform_2(%arg0: i32) -> (i32, i32) {
    %c0_i32 = arith.constant 0 : i32
    %c0_i32_0 = arith.constant 0 : i32
    return %arg0, %c0_i32 : i32, i32
  }
  func.func @transform_3(%arg0: i32) -> (i32, i32) {
    %c0_i32 = arith.constant 0 : i32
    %c0_i32_0 = arith.constant 0 : i32
    return %arg0, %c0_i32 : i32, i32
  }
  func.func @transform_4(%arg0: i32) -> (i32, i32, i32) {
    %c0_i32 = arith.constant 0 : i32
    %c0_i32_0 = arith.constant 0 : i32
    %c0_i32_1 = arith.constant 0 : i32
    %c0_i32_2 = arith.constant 0 : i32
    return %c0_i32, %c0_i32_0, %c0_i32_1 : i32, i32, i32
  }
  func.func @transform_5(%arg0: i32) -> (i32, i32) {
    %c0_i32 = arith.constant 0 : i32
    %c0_i32_0 = arith.constant 0 : i32
    %c0_i32_1 = arith.constant 0 : i32
    return %c0_i32, %c0_i32_0 : i32, i32
  }
  func.func @transform_6(%arg0: i32) -> (i32, i32) {
    %c0_i32 = arith.constant 0 : i32
    %c0_i32_0 = arith.constant 0 : i32
    %c0_i32_1 = arith.constant 0 : i32
    return %c0_i32, %c0_i32_0 : i32, i32
  }
  func.func @transform_7(%arg0: i32) -> (i32, i32) {
    %c0_i32 = arith.constant 0 : i32
    %c0_i32_0 = arith.constant 0 : i32
    %c0_i32_1 = arith.constant 0 : i32
    return %c0_i32, %c0_i32_0 : i32, i32
  }
  func.func @transform_8(%arg0: i32) -> i32 {
    %c0_i32 = arith.constant 0 : i32
    %c0_i32_0 = arith.constant 0 : i32
    return %c0_i32 : i32
  }
  func.func @transform_9(%arg0: i32) -> (i32, i32) {
    %c0_i32 = arith.constant 0 : i32
    %c0_i32_0 = arith.constant 0 : i32
    return %arg0, %c0_i32 : i32, i32
  }
}

</mosaic_0001>

<sc_bundles>
// kernel: kernel.11.cloned.1.call-start
scs
__scs_entry_jumppad:
0x0: {  	(pc) =	sbr.rel $0x88, $3  }
0x1: {  	(tag) =	ssettag $0x0;
	lr =	simm.s32 $0x1  }
0x2: {  	[smem:$0x3F96] =	sst lr;
	_ =	strace $0xD0000000  }
0x3: {  	_ = 	snop  }
0x4: {  	_ = 	snop  }
0x5: {  	_ = 	snop  }
0x6: {  	_ = 	snop  }
0x7: {  	_ = 	snop  }
__scs_overlays_trampoline_lowered:
0x8: {  	[smem:$0x3FA5] =	sst s0  }
0x9: {  	[smem:$0x3FA6] =	sst s1  }
0xa: {  	[smem:$0x3FA7] =	sst s2  }
0xb: {  	[smem:$0x3FA8] =	sst s3  }
0xc: {  	[smem:$0x3FA9] =	sst s4  }
0xd: {  	[smem:$0x3FAA] =	sst s5  }
0xe: {  	[smem:$0x3FAB] =	sst s6  }
0xf: {  	[smem:$0x3FAC] =	sst s7  }
0x10: {  	[smem:$0x3FAD] =	sst s8  }
0x11: {  	[smem:$0x3FAE] =	sst s9;
	s0 =	simm.s32 @!p0 $0x0  }
0x12: {  	s1 =	sld [smem:$0x3F94];
	s0 =	simm.s32 @p0 $0x1  }
0x13: {  	[smem:$0x3FAF] =	sst s0;
	s0 =	simm.s32 @!p1 $0x0  }
0x14: {  	s2 =	sld [smem:$0x3F93];
	s0 =	simm.s32 @p1 $0x1  }
0x15: {  	[smem:$0x3FB0] =	sst s0;
	s0 =	simm.s32 @!p2 $0x0  }
0x16: {  	s3 =	sld [smem:$0x3FDB];
	s0 =	simm.s32 @p2 $0x1  }
0x17: {  	s4 =	simm.s32 $0x1BF5;
	[smem:$0x3FB2] =	sst s0  }
0x18: {  	s0 =	sld [smem:$0x3F95];
	_ =	swait.ge [sflag:s4], $0x0  }
0x19: {  	s7 =	sld [smem:$0x3F96]  }
0x1a: {  	s8 =	sadd.s32 $0xFFFFE003, lr  }
0x1b: {  	s9 =	sadd.s32 $0xFFFFFEF7, lr;
	s5 =	simm.s32 $0xFFFFFFFF;
	p2 =	slt.u32 s8, $0xFFFFF086  }
0x1c: {  	p1 =	slt.u32 s9, $0xF7A;
	s5 =	simm.s32 @!p2 $0x0  }
0x1d: {  	s5 =	simm.s32 @p1 $0x1;
	p0 =	seq.s32 s7, s2  }
0x1e: {  	s7 =	smul.u32 @!p0 $0xF7A, s2;
	p2 =	seq.s32 @!p0 s5, $0x0  }
0x1f: {  	s9 =	smul.u32 $0xF7A, s1;
	s8 =	simm.s32 @!p0 $0x1BF5;
	p2 =	por !p2, p0  }
0x20: {  	[sflag:s8] =	ssyncset.s32 @!p0 $0xFFFFF086;
	s6 =	sadd.s32 @!p0 s3, s7;
	s7 =	simm.s32 @!p0 $0x108  }
0x21: {  	s3 =	sadd.s32 s3, s9;
	s6 =	sadd.s32 @!p0 $0x88, s6;
	s7 =	simm.s32 @p2 $0x1082  }
0x22: {  	[simem:s7], [sflag:s8] =	dma.local @!p0 [hbm:s6], $0xF7A  }
0x23: {  	s9 =	sor.u32 $0xD0000000, s2;
	s6 =	simm.s32 $0x108;
	_ =	swait.ge @!p0 [sflag:s8], $0x0  }
0x24: {  	s3 =	sadd.s32 $0x88, s3;
	s6 =	simm.s32 @!p1 $0x1082;
	[sflag:s4] =	ssyncset.s32 $0xFFFFF086  }
0x25: {  	[simem:s6], [sflag:s4] =	dma.local [hbm:s3], $0xF7A  }
0x26: {  	[smem:$0x3F96] =	sst s1;
	(tag) =	ssettag s2;
	_ =	strace s9  }
0x27: {  	s1 =	sld [smem:$0x3FA6]  }
0x28: {  	s2 =	sld [smem:$0x3FA7]  }
0x29: {  	s4 =	sld [smem:$0x3FA9]  }
0x2a: {  	p0 =	seq.s32 s5, $0x0;
	s5 =	sld [smem:$0x3FAA]  }
0x2b: {  	s6 =	sld [smem:$0x3FAB]  }
0x2c: {  	s7 =	sld [smem:$0x3FAC]  }
0x2d: {  	s3 =	simm.s32 $0x108;
	s8 =	sld [smem:$0x3FAD]  }
0x2e: {  	s3 =	simm.s32 @!p0 $0x1082;
	s9 =	sld [smem:$0x3FAE]  }
0x2f: {  	lr =	sadd.s32 s0, s3;
	s0 =	sld [smem:$0x3FA5]  }
0x30: {  	s3 =	sld [smem:$0x3FA8]  }
0x31: {  	[smem:$0x3FB1] =	sst s10  }
0x32: {  	s10 =	sld [smem:$0x3FAF];
	_ =	sdelay $0x3  }
0x33: {  	p0 =	seq.s32 s10, $0x1;
	s10 =	sld [smem:$0x3FB1];
	_ =	sdelay $0x3  }
0x34: {  	[smem:$0x3FB1] =	sst s10  }
0x35: {  	s10 =	sld [smem:$0x3FB0];
	_ =	sdelay $0x3  }
0x36: {  	p1 =	seq.s32 s10, $0x1;
	s10 =	sld [smem:$0x3FB1];
	_ =	sdelay $0x3  }
0x37: {  	[smem:$0x3FB1] =	sst s10  }
0x38: {  	s10 =	sld [smem:$0x3FB2]  }
0x39: {  	_ = 	snop;
	(pc) =	sbr.ind lr, $3  }
0x3a: {  	_ = 	snop  }
0x3b: {  	_ = 	snop  }
0x3c: {  	p2 =	seq.s32 s10, $0x1;
	s10 =	sld [smem:$0x3FB1]  }
0x3d: {  	_ =	shalt  }
0x3e: {  	_ =	shalt  }
0x3f: {  	_ =	shalt  }
0x40: {  	_ =	shalt  }
0x41: {  	_ =	shalt  }
0x42: {  	_ =	shalt  }
0x43: {  	_ =	shalt  }
0x44: {  	_ =	shalt  }
0x45: {  	_ =	shalt  }
0x46: {  	_ =	shalt  }
0x47: {  	_ =	shalt  }
0x48: {  	_ =	shalt  }
0x49: {  	_ =	shalt  }
0x4a: {  	_ =	shalt  }
0x4b: {  	_ =	shalt  }
0x4c: {  	_ =	shalt  }
0x4d: {  	_ =	shalt  }
0x4e: {  	_ =	shalt  }
0x4f: {  	_ =	shalt  }
0x50: {  	_ =	shalt  }
0x51: {  	_ =	shalt  }
0x52: {  	_ =	shalt  }
0x53: {  	_ =	shalt  }
0x54: {  	_ =	shalt  }
0x55: {  	_ =	shalt  }
0x56: {  	_ =	shalt  }
0x57: {  	_ =	shalt  }
0x58: {  	_ =	shalt  }
0x59: {  	_ =	shalt  }
0x5a: {  	_ =	shalt  }
0x5b: {  	_ =	shalt  }
0x5c: {  	_ =	shalt  }
0x5d: {  	_ =	shalt  }
0x5e: {  	_ =	shalt  }
0x5f: {  	_ =	shalt  }
0x60: {  	_ =	shalt  }
0x61: {  	_ =	shalt  }
0x62: {  	_ =	shalt  }
0x63: {  	_ =	shalt  }
0x64: {  	_ =	shalt  }
0x65: {  	_ =	shalt  }
0x66: {  	_ =	shalt  }
0x67: {  	_ =	shalt  }
0x68: {  	_ =	shalt  }
0x69: {  	_ =	shalt  }
0x6a: {  	_ =	shalt  }
0x6b: {  	_ =	shalt  }
0x6c: {  	_ =	shalt  }
0x6d: {  	_ =	shalt  }
0x6e: {  	_ =	shalt  }
0x6f: {  	_ =	shalt  }
0x70: {  	_ =	shalt  }
0x71: {  	_ =	shalt  }
0x72: {  	_ =	shalt  }
0x73: {  	_ =	shalt  }
0x74: {  	_ =	shalt  }
0x75: {  	_ =	shalt  }
0x76: {  	_ =	shalt  }
0x77: {  	_ =	shalt  }
0x78: {  	_ =	shalt  }
0x79: {  	_ =	shalt  }
0x7a: {  	_ =	shalt  }
0x7b: {  	_ =	shalt  }
0x7c: {  	_ =	shalt  }
0x7d: {  	_ =	shalt  }
0x7e: {  	_ =	shalt  }
0x7f: {  	_ =	shalt  }
0x80: {  	_ =	shalt  }
0x81: {  	_ =	shalt  }
0x82: {  	_ =	shalt  }
0x83: {  	_ =	shalt  }
0x84: {  	_ =	shalt  }
0x85: {  	_ =	shalt  }
0x86: {  	_ =	shalt  }
0x87: {  	_ =	shalt  }
.Lfunc_end0:
.L_simem_size_0:
called_computation.1_lowered:
.L_overlay_start_0:
0x88: {  	s2 =	sld [smem:$0x3FD9]  }
0x89: {  	s3 =	sld [smem:$0x3FFE];
	_ =	sdelay $0x1  }
0x8a: {  	s1 =	srdreg.scid  }
0x8b: {  	s0 =	sand.u32 $0x1, s1  }
0x8c: {  	s16 =	sshll.u32 s0, $0xA;
	s2 =	sadd.s32 s3, s2  }
0x8d: {  	s2 =	sadd.s32 s2, s16  }
0x8e: {  	[smem:$0x3FBD] =	sst s2  }
0x8f: {  	_ = 	snop  }
0x90: {  	(tm) =	ssettm $0x1  }
0x91: {  	s17 =	sld [smem:$0x3FFB];
	_ =	sdelay $0x3  }
0x92: {  	_ =	strace s17  }
0x93: {  	s2 =	sld [smem:$0x3FFC];
	_ =	sdelay $0x3  }
0x94: {  	_ =	strace s2  }
0x95: {  	s2 =	sld [smem:$0x3FFD];
	_ =	sdelay $0x3  }
0x96: {  	_ =	strace s2  }
0x97: {  	_ =	strace $0x8FFFFFFF  }
0x98: {  	s18 =	sld [smem:$0x3FDB];
	_ =	sdelay $0x1  }
0x99: {  	s19 =	simm.s32 $_scs_section_size  }
0x9a: {  	s4 =	simm.s32 $_size__tile_overlayer_lowered;
	s5 =	simm.s32 $_tile_overlayer_lowered  }
0x9b: {  	s22 =	simm.s32 $0x1BFF;
	s21 =	sshll.u32 s5, $0x1;
	s2 =	sadd.s32 s19, s18  }
0x9c: {  	s6 =	simm.s32 $0x0;
	s20 =	sshll.u32 s4, $0x1;
	s4 =	sadd.s32 s21, s2  }
0x9d: {  	[timem:s6], [sflag:s22] =	dma.local [hbm:s4], s20  }
0x9e: {  	_ =	swait.ge [sflag:s22], s20  }
0x9f: {  	s3 =	ssub.s32 $0x0, s20;
	[sflag:s22] =	ssyncset.done $0x0  }
0xa0: {  	[sflag:s22] =	ssyncadd.s32 s3;
	_ =	sdelay $0x1  }
0xa1: {  	s23 =	simm.s32 $0x1B8B  }
0xa2: {  	_ =	swait.ge [sflag:s23], $0x1  }
0xa3: {  	[sflag:s23] =	ssyncset.done $0x0  }
0xa4: {  	s25 =	simm.s32 $0x1B8E;
	s24 =	sld [smem:$0x3FFE];
	[sflag:s23] =	ssyncadd.s32 $0xFFFFFFFF  }
0xa5: {  	s26 =	simm.s32 $execute0_lowered;
	[smem:$0x3FD2] =	sst s25  }
0xa6: {  	s4 =	sshll.u32 s26, $0x1;
	_ =	strace $0x80000049;
	[dreg:$0x1] =	wrdreg $0xFFFFFFFF  }
0xa7: {  	s28 =	simm.s32 $_size_execute0_lowered;
	s2 =	sadd.s32 s2, s4;
	[dreg:$0x0] =	wrdreg $0x0  }
0xa8: {  	s4 =	sshll.u32 s28, $0x1;
	[dreg:$0x2] =	wrdreg s2  }
0xa9: {  	[dreg:$0x3] =	wrdreg s4  }
0xaa: {  	[dreg:$0x4] =	wrdreg $0xC0  }
0xab: {  	_ =	task [dreg:s6], $0x5FFFF  }
0xac: {  	[dreg:$0x1] =	wrdreg $0xFFFFFFFF  }
0xad: {  	[dreg:$0x0] =	wrdreg $0x60  }
0xae: {  	[dreg:$0x2] =	wrdreg s24  }
0xaf: {  	[dreg:$0x3] =	wrdreg $0x15C400  }
0xb0: {  	[dreg:$0x4] =	wrdreg $0x9  }
0xb1: {  	_ =	task.clear_ibuf [dreg:s6], $0x5FFFF;
	_ =	strace $0x90000049  }
0xb2: {  	s29 =	simm.s32 $0x9;
	_ =	strace $0x8000004B  }
0xb3: {  	_ =	swait.ge [sflag:s29], $0x1  }
0xb4: {  	[sflag:s29] =	ssyncadd.s32 $0xFFFFFFFF  }
0xb5: {  	_ =	strace $0x9000004B  }
0xb6: {  	_ =	sfence  }
0xb7: {  	s30 =	sld [smem:$0x0];
	_ =	sdelay $0x2  }
0xb8: {  	s31 =	sshll.u32 s1, $0xD;
	s1 =	sshrl.u32 s1, $0x2  }
0xb9: {  	s3 =	sand.u32 $0x4000, s31;
	s1 =	sadd.s32 s1, s30  }
0xba: {  	s0 =	sor.u32 s3, s0;
	s1 =	sshll.u32 s1, $0x11  }
0xbb: {  	s0 =	sor.u32 s1, s0  }
0xbc: {  	s0 =	sadd.s32 $0x8F2B, s0  }
0xbd: {  	[sflag:s0] =	ssyncadd.remote.s32 $0x1  }
0xbe: {  	_ =	sfence.sel $0xFFFF  }
0xbf: {  	[dreg:$0x0] =	wrdreg $0xFFFFFFFF;
	(pc) =	sbr.abs _section_cstart, $3  }
0xc0: {  	[dreg:$0x1] =	wrdreg $0xFFFFFFFF  }
0xc1: {  	_ =	task.clear_ibuf [dreg:s6], $0x2FFFF;
	_ =	strace $0x9FFFFFFF  }
0xc2: {  	(tm) =	ssettm $0x7FFFFFFF  }
0xc3: {  	_ =	shalt  }
tec
execute0_lowered:
.L_overlay_start_1:
0x0: {  	(tag) =	ssettag $0x1  }
0x1: {  	s0 =	rddreg [dreg:$0x0]  }
0x2: {  	s9 =	stileid.u32;
	s1 =	srdreg.scid  }
0x3: {  	s2 =	rddreg [dreg:$0x1];
	s4 =	simm.s32 $0x0;
	s14 =	simm.s32 $0x11  }
0x4: {  	s18 =	simm.s32 $0x50;
	s30 =	simm.s32 $0x10040;
	s31 =	simm.s32 $0x1  }
0x5: {  	s17 =	simm.s32 $0x2;
	s29 =	simm.s32 $0xA;
	s3 =	smul.u32 $0x9C4, s9  }
0x6: {  	s11 =	simm.s32 $0xE;
	s12 =	simm.s32 $0x0;
	s6 =	smul.u32 $0x9C00, s9  }
0x7: {  	s1 =	sand.u32 $0x1, s1;
	[smem:$0x7FF] =	sst s4;
	s9 =	smul.u32 $0x27000, s9  }
0x8: {  	s4 =	sadd.s32 $0x16600, s0;
	s5 =	smul.u32 $0x9C400, s1;
	_ =	strace $0x8000004A  }
0x9: {  	s8 =	ssub.s32 $0x2, s1;
	p0 =	seq.s32 s1, $0x1;
	s1 =	simm.s32 $0x11440  }
0xa: {  	s3 =	sadd.s32 s3, s0;
	s10 =	sshrl.u32 s8, $0x1;
	s20 =	sshrl.u32 s9, $0x2  }
0xb: {  	s22 =	sadd.s32 s6, s2;
	s9 =	simm.s32 $0xD;
	s7 =	sadd.s32 s6, s5  }
0xc: {  	s5 =	sadd.s32 $0x2A000, s0;
	s19 =	ssub.s32 s8, s10;
	s21 =	sadd.s32 $0xC800, s3  }
0xd: {  	s8 =	sadd.s32 s20, s2;
	s3 =	sadd.s32 $0x2A00, s3;
	[dreg:$0x4] =	wrdreg s21  }
0xe: {  	s20 =	simm.s32 $0xB040;
	s10 =	simm.s32 $0x8;
	[dreg:$0x5] =	wrdreg s3  }
0xf: {  	s7 =	sshrl.u32 s7, $0x3;
	s23 =	smax.u32 s19, $0x1;
	[dreg:$0x3] =	wrdreg s8  }
0x10: {  	s24 =	sadd.s32 $0x2000, s8;
	s25 =	sadd.s32 $0x4000, s8;
	[dreg:$0x7] =	wrdreg s23  }
0x11: {  	s26 =	sadd.s32 $0x6000, s8;
	s28 =	sadd.s32 $0x8000, s8;
	[dreg:$0x8] =	wrdreg s24  }
0x12: {  	s19 =	simm.s32 $0x9C40;
	s21 =	simm.s32 $0x12840;
	[dreg:$0x9] =	wrdreg s25  }
.Ltmp0:
0x13: {  	s3 =	simm.s32 $0x5;
	[dreg:$0xa] =	wrdreg s26;
	(pc) =	sbr.rel .LBB2_1-.Ltmp0, $4  }
0x14: {  	s8 =	simm.s32 $0x7;
	s0 =	sadd.s32 s7, s0;
	[dreg:$0xb] =	wrdreg s28  }
0x15: {  	s24 =	simm.s32 $0xD840;
	s23 =	simm.s32 $0x3;
	s0 =	sadd.s32 $0x3DA00, s0  }
0x16: {  	s26 =	simm.s32 $0x4;
	[dreg:$0x6] =	wrdreg s0;
	s0 =	sshrl.u32 s22, $0x3  }
0x17: {  	v0 =	vimm.f32 $0.0e+00;
	s7 =	simm.s32 $0xB;
	[dreg:$0xc] =	wrdreg s0;
	s0 =	simm.s32 $0x9  }
.LBB2_10:
0x18: {  	s12 =	sshra.s32 s25, $0x2  }
0x19: {  	s12 =	sadd.s32 $0x4E20, s12  }
0x1a: {  	[spmem:s2] =	stream.indirect.scatter.add.f32 [tilespmem:s1], [sflag:$0xF], $0x40, s12, s18, $0xb8;
	[tilespmem:$0x1F880] =	vst v63  }
0x1b: {  	_ =	swait.ge [sflag:s10], $0x1400  }
0x1c: {  	[sflag:s10] =	ssyncset.done $0x0  }
0x1d: {  	[sflag:s10] =	ssyncadd.s32 $0xFFFFEC00  }
0x1e: {  	_ =	swait.ge [sflag:s11], $0x1400  }
0x1f: {  	s6 =	sshra.s32 s6, $0x2;
	[sflag:s11] =	ssyncset.done $0x0  }
0x20: {  	s6 =	sadd.s32 $0x4E20, s6;
	[sflag:s11] =	ssyncadd.s32 $0xFFFFEC00  }
0x21: {  	[spmem:s2] =	stream.indirect.scatter.add.f32 [tilespmem:s21], [sflag:$0x10], $0x40, s6, s18, $0xb8;
	[tilespmem:$0x1F880] =	vst v63  }
0x22: {  	_ =	swait.ge [sflag:s31], $0x1400  }
0x23: {  	[sflag:s31] =	ssyncset.done $0x0  }
0x24: {  	s12 =	simm.s32 $0xF;
	[sflag:s31] =	ssyncadd.s32 $0xFFFFEC00  }
0x25: {  	_ =	swait.ge [sflag:s12], $0x1400  }
0x26: {  	[sflag:s12] =	ssyncset.done $0x0  }
0x27: {  	s13 =	simm.s32 $0x9BA0;
	[sflag:s12] =	ssyncadd.s32 $0xFFFFEC00  }
0x28: {  	[spmem:s2] =	stream.indirect.scatter.add.f32 [tilespmem:s19], [sflag:$0x9], $0x40, s13, s18, $0xb8;
	[tilespmem:$0x1F880] =	vst v63  }
0x29: {  	_ =	swait.ge [sflag:s17], $0x1400  }
0x2a: {  	[sflag:s17] =	ssyncset.done $0x0  }
0x2b: {  	s14 =	simm.s32 $0x10;
	[sflag:s17] =	ssyncadd.s32 $0xFFFFEC00  }
0x2c: {  	_ =	swait.ge [sflag:s14], $0x1400  }
0x2d: {  	[sflag:s14] =	ssyncset.done $0x0  }
0x2e: {  	s15 =	simm.s32 $0x9BF0;
	[sflag:s14] =	ssyncadd.s32 $0xFFFFEC00  }
0x2f: {  	[spmem:s2] =	stream.indirect.scatter.add.f32 [tilespmem:s20], [sflag:$0xA], $0x40, s15, s18, $0xb8;
	[tilespmem:$0x1F880] =	vst v63  }
0x30: {  	_ =	swait.ge [sflag:s0], $0x1400  }
0x31: {  	[sflag:s0] =	ssyncset.done $0x0  }
0x32: {  	[sflag:s0] =	ssyncadd.s32 $0xFFFFEC00  }
0x33: {  	_ =	swait.ge [sflag:s29], $0x1400  }
0x34: {  	[sflag:s29] =	ssyncset.done $0x0  }
0x35: {  	[sflag:s29] =	ssyncadd.s32 $0xFFFFEC00  }
0x36: {  	s16 =	stileid.u32;
	[bflag:$0x0] =	sbarrier.arrive $0xFFFF  }
0x37: {  	s6 =	sshll.u32 s16, $0x6;
	s22 =	rddreg [dreg:$0x6]  }
0x38: {  	s6 =	sor.u32 $0x1C11, s6;
	s14 =	simm.s32 $0x11;
	s13 =	rddreg [dreg:$0xc]  }
0x39: {  	[hbm:s22], [sflag:s6] =	dma.local [spmem:s13], $0x1400  }
0x3a: {  	_ =	swait.ge [sflag:s14], $0x1400  }
0x3b: {  	s25 =	rddreg [dreg:$0xd]  }
0x3c: {  	s28 =	rddreg [dreg:$0x7];
	s12 =	sadd.s32 $0x1, s25  }
0x3d: {  	p1 =	sne.s32 s12, s28  }
.Ltmp1:
0x3e: {  	_ = 	snop;
	(pc) =	sbr.rel @!p1 .LBB2_11-.Ltmp1, $3  }
0x3f: {  	_ =	sdelay $0x1  }
0x40: {  	[sflag:s14] =	ssyncset.done $0x0  }
0x41: {  	[sflag:s14] =	ssyncadd.s32 $0xFFFFEC00  }
.LBB2_1:
0x42: {  	[dreg:$0xd] =	wrdreg s12;
	s12 =	simm.s32 $0x100;
	s6 =	simm.s32 $0x0  }
.LBB2_2:
0x43: {  	p1 =	sne.s32 s12, $0x7F00;
	[tilespmem:s6+$0x13C70] =	vst v0;
	s13 =	smov.u32 s12;
	s12 =	sadd.s32 $0x100, s12  }
.Ltmp2:
0x44: {  	[tilespmem:s6+$0x13C60] =	vst v0;
	(pc) =	sbr.rel @p1 .LBB2_2-.Ltmp2, $3  }
0x45: {  	[tilespmem:s6+$0x13C40] =	vst v0  }
0x46: {  	[tilespmem:s6+$0x13C50] =	vst v0;
	_ =	sdelay $0x1  }
0x47: {  	s6 =	sshra.s32 s13, $0x2  }
0x48: {  	[tilespmem:s6+$0x13C70] =	vst v0  }
0x49: {  	[tilespmem:s6+$0x13C60] =	vst v0  }
0x4a: {  	[tilespmem:s6+$0x13C40] =	vst v0  }
0x4b: {  	[tilespmem:s6+$0x13C50] =	vst v0;
	s25 =	rddreg [dreg:$0x3];
	s12 =	simm.s32 $0x13C40  }
0x4c: {  	[spmem:s25] =	stream.linear.scatter [tilespmem:s12], [sflag:$0x11], $0x2000, $0x38;
	[tilespmem:$0x1F880] =	vst v63  }
0x4d: {  	_ =	swait.ge [sflag:s14], $0x2000  }
0x4e: {  	[sflag:s14] =	ssyncset.done $0x0  }
0x4f: {  	s28 =	rddreg [dreg:$0x8];
	[sflag:s14] =	ssyncadd.s32 $0xFFFFE000  }
0x50: {  	[spmem:s28] =	stream.linear.scatter [tilespmem:s12], [sflag:$0x11], $0x2000, $0x38;
	[tilespmem:$0x1F880] =	vst v63  }
0x51: {  	_ =	swait.ge [sflag:s14], $0x2000  }
0x52: {  	[sflag:s14] =	ssyncset.done $0x0  }
0x53: {  	s13 =	rddreg [dreg:$0x9];
	[sflag:s14] =	ssyncadd.s32 $0xFFFFE000  }
0x54: {  	[spmem:s13] =	stream.linear.scatter [tilespmem:s12], [sflag:$0x11], $0x2000, $0x38;
	[tilespmem:$0x1F880] =	vst v63  }
0x55: {  	_ =	swait.ge [sflag:s14], $0x2000  }
0x56: {  	[sflag:s14] =	ssyncset.done $0x0  }
0x57: {  	s15 =	rddreg [dreg:$0xa];
	[sflag:s14] =	ssyncadd.s32 $0xFFFFE000  }
0x58: {  	[spmem:s15] =	stream.linear.scatter [tilespmem:s12], [sflag:$0x11], $0x2000, $0x38;
	[tilespmem:$0x1F880] =	vst v63  }
0x59: {  	_ =	swait.ge [sflag:s14], $0x2000  }
0x5a: {  	[sflag:s14] =	ssyncset.done $0x0  }
0x5b: {  	s16 =	rddreg [dreg:$0xb];
	[sflag:s14] =	ssyncadd.s32 $0xFFFFE000  }
0x5c: {  	[spmem:s16] =	stream.linear.scatter [tilespmem:s12], [sflag:$0x11], $0x2000, $0x38;
	[tilespmem:$0x1F880] =	vst v63  }
0x5d: {  	_ =	swait.ge [sflag:s14], $0x2000  }
0x5e: {  	[sflag:s14] =	ssyncset.done $0x0  }
0x5f: {  	[sflag:s14] =	ssyncadd.s32 $0xFFFFE000  }
0x60: {  	[bflag:$0x0] =	sbarrier.arrive $0xFFFF  }
0x61: {  	s22 =	simm.s32 $0x0;
	s25 =	rddreg [dreg:$0x4]  }
0x62: {  	[tilespmem:s22], [sflag:$0x11] =	stream.linear.gather [hbm4b:s25+s22], $0x4E20, $0x38;
	[tilespmem:$0x1F880] =	vst v63  }
0x63: {  	_ =	swait.ge [sflag:s14], $0x4E20  }
0x64: {  	s13 =	simm.s32 $0x4E20;
	[sflag:s14] =	ssyncset.done $0x0  }
.Ltmp3:
0x65: {  	s28 =	rddreg [dreg:$0x5];
	[sflag:s14] =	ssyncadd.s32 $0xFFFFB1E0;
	(pc) =	sbr.rel @!p0 .LBB2_4-.Ltmp3, $4  }
0x66: {  	[tilespmem:s13], [sflag:$0x11] =	stream.linear.gather [hbm4b:s28+s22], $0x4E20, $0x38;
	[tilespmem:$0x1F880] =	vst v63  }
0x67: {  	_ =	swait.ge [sflag:s14], $0x4E20  }
0x68: {  	[sflag:s14] =	ssyncset.done $0x0  }
0x69: {  	s12 =	simm.s32 $0x0;
	[sflag:s14] =	ssyncadd.s32 $0xFFFFB1E0  }
0x6a: {  	[tilespmem:s19], [sflag:$0x1] =	stream.indirect.gather [hbm4b:s5+s18], $0x40, s12, s18, $0xb8;
	[tilespmem:$0x1F880] =	vst v63  }
0x6b: {  	_ = 	snop  }
0x6c: {  	[tilespmem:s20], [sflag:$0x2] =	stream.indirect.gather [hbm4b:s5+s18], $0x40, s18, s18, $0xb8;
	[tilespmem:$0x1F880] =	vst v63  }
0x6d: {  	s6 =	simm.s32 $0xA0;
	s13 =	simm.s32 $0xC440  }
0x6e: {  	[tilespmem:s13], [sflag:$0x3] =	stream.indirect.gather [hbm4b:s5+s18], $0x40, s6, s18, $0xb8;
	[tilespmem:$0x1F880] =	vst v63  }
0x6f: {  	s16 =	simm.s32 $0xF0  }
0x70: {  	[tilespmem:s24], [sflag:$0x4] =	stream.indirect.gather [hbm4b:s5+s18], $0x40, s16, s18, $0xb8;
	[tilespmem:$0x1F880] =	vst v63  }
0x71: {  	s22 =	simm.s32 $0x140;
	s25 =	simm.s32 $0xEC40  }
0x72: {  	[tilespmem:s25], [sflag:$0x5] =	stream.indirect.gather [hbm4b:s5+s18], $0x40, s22, s18, $0xb8;
	[tilespmem:$0x1F880] =	vst v63  }
0x73: {  	s28 =	simm.s32 $0x190  }
0x74: {  	[tilespmem:s30], [sflag:$0x6] =	stream.indirect.gather [hbm4b:s5+s18], $0x40, s28, s18, $0xb8;
	[tilespmem:$0x1F880] =	vst v63  }
.LBB2_8:
0x75: {  	_ =	swait.ge [sflag:s31], $0x1400  }
0x76: {  	p1 =	seq.s32 s12, $0x0;
	[sflag:s31] =	ssyncset.done $0x0  }
0x77: {  	s6 =	simm.s32 @!p1 $0xF;
	[sflag:s31] =	ssyncadd.s32 $0xFFFFEC00  }
0x78: {  	s14 =	smov.u32 s12;
	s25 =	sadd.s32 @!p1 $0x780, s12;
	_ =	swait.ge @!p1 [sflag:s6], $0x1400  }
0x79: {  	s14 =	simm.s32 @p1 $0x0;
	s25 =	simm.s32 @p1 $0x780;
	[sflag:s6] =	ssyncset.done @!p1 $0x0  }
0x7a: {  	s13 =	sshra.s32 s14, $0x2;
	s15 =	sshra.s32 s25, $0x2;
	[sflag:s6] =	ssyncadd.s32 @!p1 $0xFFFFEC00  }
0x7b: {  	[tilespmem:s1], [sflag:$0x7] =	stream.indirect.gather [hbm4b:s5+s18], $0x40, s15, s18, $0xb8;
	[tilespmem:$0x1F880] =	vst v63  }
0x7c: {  	s22 =	sadd.s32 $0x4E20, s13  }
0x7d: {  	[spmem:s2] =	stream.indirect.scatter.add.f32 [tilespmem:s19], [sflag:$0x9], $0x40, s22, s18, $0xb8;
	[tilespmem:$0x1F880] =	vst v63  }
0x7e: {  	_ =	swait.ge [sflag:s17], $0x1400  }
0x7f: {  	[sflag:s17] =	ssyncset.done $0x0  }
0x80: {  	s16 =	simm.s32 @!p1 $0x10;
	[sflag:s17] =	ssyncadd.s32 $0xFFFFEC00  }
0x81: {  	s6 =	sadd.s32 @!p1 $0x8C0, s14;
	_ =	swait.ge @!p1 [sflag:s16], $0x1400  }
0x82: {  	s6 =	simm.s32 @p1 $0x8C0;
	[sflag:s16] =	ssyncset.done @!p1 $0x0  }
0x83: {  	s14 =	sshra.s32 s6, $0x2;
	[sflag:s16] =	ssyncadd.s32 @!p1 $0xFFFFEC00  }
0x84: {  	[tilespmem:s21], [sflag:$0x8] =	stream.indirect.gather [hbm4b:s5+s18], $0x40, s14, s18, $0xb8;
	[tilespmem:$0x1F880] =	vst v63  }
0x85: {  	s28 =	sadd.s32 $0x4E70, s13  }
0x86: {  	[spmem:s2] =	stream.indirect.scatter.add.f32 [tilespmem:s20], [sflag:$0xA], $0x40, s28, s18, $0xb8;
	[tilespmem:$0x1F880] =	vst v63  }
0x87: {  	_ =	swait.ge [sflag:s23], $0x1400  }
0x88: {  	[sflag:s23] =	ssyncset.done $0x0  }
0x89: {  	[sflag:s23] =	ssyncadd.s32 $0xFFFFEC00  }
0x8a: {  	_ =	swait.ge [sflag:s0], $0x1400  }
0x8b: {  	[sflag:s0] =	ssyncset.done $0x0  }
0x8c: {  	s22 =	sadd.s32 $0x280, s13;
	[sflag:s0] =	ssyncadd.s32 $0xFFFFEC00  }
0x8d: {  	[tilespmem:s19], [sflag:$0x1] =	stream.indirect.gather [hbm4b:s5+s18], $0x40, s22, s18, $0xb8;
	[tilespmem:$0x1F880] =	vst v63  }
0x8e: {  	s28 =	sadd.s32 $0x4EC0, s13;
	s22 =	simm.s32 $0xC440  }
0x8f: {  	[spmem:s2] =	stream.indirect.scatter.add.f32 [tilespmem:s22], [sflag:$0xB], $0x40, s28, s18, $0xb8;
	[tilespmem:$0x1F880] =	vst v63  }
0x90: {  	_ =	swait.ge [sflag:s26], $0x1400  }
0x91: {  	[sflag:s26] =	ssyncset.done $0x0  }
0x92: {  	[sflag:s26] =	ssyncadd.s32 $0xFFFFEC00  }
0x93: {  	_ =	swait.ge [sflag:s29], $0x1400  }
0x94: {  	[sflag:s29] =	ssyncset.done $0x0  }
0x95: {  	s28 =	sadd.s32 $0x2D0, s13;
	[sflag:s29] =	ssyncadd.s32 $0xFFFFEC00  }
0x96: {  	[tilespmem:s20], [sflag:$0x2] =	stream.indirect.gather [hbm4b:s5+s18], $0x40, s28, s18, $0xb8;
	[tilespmem:$0x1F880] =	vst v63  }
0x97: {  	s22 =	sadd.s32 $0x4F10, s13  }
0x98: {  	[spmem:s2] =	stream.indirect.scatter.add.f32 [tilespmem:s24], [sflag:$0xC], $0x40, s22, s18, $0xb8;
	[tilespmem:$0x1F880] =	vst v63  }
0x99: {  	_ =	swait.ge [sflag:s3], $0x1400  }
0x9a: {  	[sflag:s3] =	ssyncset.done $0x0  }
0x9b: {  	[sflag:s3] =	ssyncadd.s32 $0xFFFFEC00  }
0x9c: {  	p1 =	seq.s32 s12, $0x12C00;
	_ =	swait.ge [sflag:s7], $0x1400  }
0x9d: {  	s16 =	sadd.s32 @p1 $0x4F60, s13;
	[sflag:s7] =	ssyncset.done $0x0  }
0x9e: {  	s28 =	simm.s32 @p1 $0xEC40;
	s22 =	simm.s32 @p1 $0x50;
	[sflag:s7] =	ssyncadd.s32 $0xFFFFEC00  }
0x9f: {  	[spmem:s2] =	stream.indirect.scatter.add.f32 @p1 [tilespmem:s28], [sflag:$0xD], $0x40, s16, s22, $0xb8;
	[tilespmem:$0x1F880] =	vst v63  }
0xa0: {  	s16 =	simm.s32 @p1 $0x6  }
0xa1: {  	_ =	swait.ge @p1 [sflag:s16], $0x1400  }
0xa2: {  	[sflag:s16] =	ssyncset.done @p1 $0x0  }
0xa3: {  	[sflag:s16] =	ssyncadd.s32 @p1 $0xFFFFEC00;
	s16 =	simm.s32 @p1 $0xC  }
0xa4: {  	_ =	swait.ge @p1 [sflag:s16], $0x1400  }
0xa5: {  	s22 =	simm.s32 @!p1 $0x50;
	[sflag:s16] =	ssyncset.done @p1 $0x0  }
0xa6: {  	s28 =	simm.s32 @!p1 $0xC440;
	[sflag:s16] =	ssyncadd.s32 @p1 $0xFFFFEC00;
	s16 =	sadd.s32 @!p1 $0x320, s13  }
0xa7: {  	[tilespmem:s28], [sflag:$0x3] =	stream.indirect.gather @!p1 [hbm4b:s5+s22], $0x40, s16, s22, $0xb8;
	[tilespmem:$0x1F880] =	vst v63  }
0xa8: {  	s16 =	sadd.s32 @!p1 $0x4F60, s13;
	s28 =	simm.s32 @!p1 $0xEC40  }
0xa9: {  	[spmem:s2] =	stream.indirect.scatter.add.f32 @!p1 [tilespmem:s28], [sflag:$0xD], $0x40, s16, s22, $0xb8;
	[tilespmem:$0x1F880] =	vst v63  }
0xaa: {  	s16 =	simm.s32 @!p1 $0x6  }
0xab: {  	_ =	swait.ge @!p1 [sflag:s16], $0x1400  }
0xac: {  	[sflag:s16] =	ssyncset.done @!p1 $0x0  }
0xad: {  	[sflag:s16] =	ssyncadd.s32 @!p1 $0xFFFFEC00;
	s16 =	simm.s32 @!p1 $0xC  }
0xae: {  	_ =	swait.ge @!p1 [sflag:s16], $0x1400  }
0xaf: {  	[sflag:s16] =	ssyncset.done @!p1 $0x0  }
0xb0: {  	s28 =	simm.s32 @!p1 $0xD840;
	[sflag:s16] =	ssyncadd.s32 @!p1 $0xFFFFEC00;
	s16 =	sadd.s32 @!p1 $0x370, s13  }
0xb1: {  	[tilespmem:s28], [sflag:$0x4] =	stream.indirect.gather @!p1 [hbm4b:s5+s22], $0x40, s16, s22, $0xb8;
	[tilespmem:$0x1F880] =	vst v63  }
0xb2: {  	s28 =	sadd.s32 $0x4FB0, s13  }
0xb3: {  	[spmem:s2] =	stream.indirect.scatter.add.f32 [tilespmem:s30], [sflag:$0xE], $0x40, s28, s18, $0xb8;
	[tilespmem:$0x1F880] =	vst v63  }
0xb4: {  	_ =	swait.ge [sflag:s8], $0x1400  }
.Ltmp4:
0xb5: {  	[sflag:s8] =	ssyncset.done $0x0;
	(pc) =	sbr.rel @p1 .LBB2_10-.Ltmp4, $4  }
0xb6: {  	[sflag:s8] =	ssyncadd.s32 $0xFFFFEC00  }
0xb7: {  	_ =	swait.ge [sflag:s9], $0x1400  }
0xb8: {  	[sflag:s9] =	ssyncset.done $0x0  }
0xb9: {  	[sflag:s9] =	ssyncadd.s32 $0xFFFFEC00  }
0xba: {  	s6 =	sadd.s32 $0x3C0, s13;
	s16 =	simm.s32 $0xEC40  }
0xbb: {  	[tilespmem:s16], [sflag:$0x5] =	stream.indirect.gather [hbm4b:s5+s18], $0x40, s6, s18, $0xb8;
	[tilespmem:$0x1F880] =	vst v63  }
0xbc: {  	s22 =	sadd.s32 $0x4E20, s15  }
0xbd: {  	[spmem:s2] =	stream.indirect.scatter.add.f32 [tilespmem:s1], [sflag:$0xF], $0x40, s22, s18, $0xb8;
	[tilespmem:$0x1F880] =	vst v63  }
0xbe: {  	_ =	swait.ge [sflag:s10], $0x1400  }
0xbf: {  	[sflag:s10] =	ssyncset.done $0x0  }
0xc0: {  	[sflag:s10] =	ssyncadd.s32 $0xFFFFEC00  }
0xc1: {  	_ =	swait.ge [sflag:s11], $0x1400  }
.Ltmp5:
0xc2: {  	[sflag:s11] =	ssyncset.done $0x0;
	(pc) =	sbr.rel .LBB2_8-.Ltmp5, $4  }
0xc3: {  	s25 =	sadd.s32 $0x410, s13;
	[sflag:s11] =	ssyncadd.s32 $0xFFFFEC00  }
0xc4: {  	[tilespmem:s30], [sflag:$0x6] =	stream.indirect.gather [hbm4b:s5+s18], $0x40, s25, s18, $0xb8;
	[tilespmem:$0x1F880] =	vst v63  }
0xc5: {  	s28 =	sadd.s32 $0x4E20, s14;
	s12 =	sadd.s32 $0xA00, s12  }
0xc6: {  	[spmem:s2] =	stream.indirect.scatter.add.f32 [tilespmem:s21], [sflag:$0x10], $0x40, s28, s18, $0xb8;
	[tilespmem:$0x1F880] =	vst v63  }
.LBB2_4:
0xc7: {  	[tilespmem:s19], [sflag:$0x1] =	stream.indirect.gather [hbm4b:s4+s18], $0x40, s12, s18, $0xb8;
	[tilespmem:$0x1F880] =	vst v63  }
0xc8: {  	_ = 	snop  }
0xc9: {  	[tilespmem:s20], [sflag:$0x2] =	stream.indirect.gather [hbm4b:s4+s18], $0x40, s18, s18, $0xb8;
	[tilespmem:$0x1F880] =	vst v63  }
0xca: {  	s6 =	simm.s32 $0xA0;
	s13 =	simm.s32 $0xC440  }
0xcb: {  	[tilespmem:s13], [sflag:$0x3] =	stream.indirect.gather [hbm4b:s4+s18], $0x40, s6, s18, $0xb8;
	[tilespmem:$0x1F880] =	vst v63  }
0xcc: {  	s16 =	simm.s32 $0xF0  }
0xcd: {  	[tilespmem:s24], [sflag:$0x4] =	stream.indirect.gather [hbm4b:s4+s18], $0x40, s16, s18, $0xb8;
	[tilespmem:$0x1F880] =	vst v63  }
0xce: {  	s22 =	simm.s32 $0x140;
	s25 =	simm.s32 $0xEC40  }
0xcf: {  	[tilespmem:s25], [sflag:$0x5] =	stream.indirect.gather [hbm4b:s4+s18], $0x40, s22, s18, $0xb8;
	[tilespmem:$0x1F880] =	vst v63  }
0xd0: {  	s28 =	simm.s32 $0x190  }
0xd1: {  	[tilespmem:s30], [sflag:$0x6] =	stream.indirect.gather [hbm4b:s4+s18], $0x40, s28, s18, $0xb8;
	[tilespmem:$0x1F880] =	vst v63  }
.LBB2_5:
0xd2: {  	_ =	swait.ge [sflag:s31], $0x1400  }
0xd3: {  	p1 =	seq.s32 s12, $0x0;
	[sflag:s31] =	ssyncset.done $0x0  }
0xd4: {  	s6 =	simm.s32 @!p1 $0xF;
	[sflag:s31] =	ssyncadd.s32 $0xFFFFEC00  }
0xd5: {  	s14 =	smov.u32 s12;
	s25 =	sadd.s32 @!p1 $0x780, s12;
	_ =	swait.ge @!p1 [sflag:s6], $0x1400  }
0xd6: {  	s14 =	simm.s32 @p1 $0x0;
	s25 =	simm.s32 @p1 $0x780;
	[sflag:s6] =	ssyncset.done @!p1 $0x0  }
0xd7: {  	s13 =	sshra.s32 s14, $0x2;
	s15 =	sshra.s32 s25, $0x2;
	[sflag:s6] =	ssyncadd.s32 @!p1 $0xFFFFEC00  }
0xd8: {  	[tilespmem:s1], [sflag:$0x7] =	stream.indirect.gather [hbm4b:s4+s18], $0x40, s15, s18, $0xb8;
	[tilespmem:$0x1F880] =	vst v63  }
0xd9: {  	s22 =	sadd.s32 $0x4E20, s13  }
0xda: {  	[spmem:s2] =	stream.indirect.scatter.add.f32 [tilespmem:s19], [sflag:$0x9], $0x40, s22, s18, $0xb8;
	[tilespmem:$0x1F880] =	vst v63  }
0xdb: {  	_ =	swait.ge [sflag:s17], $0x1400  }
0xdc: {  	[sflag:s17] =	ssyncset.done $0x0  }
0xdd: {  	s16 =	simm.s32 @!p1 $0x10;
	[sflag:s17] =	ssyncadd.s32 $0xFFFFEC00  }
0xde: {  	s6 =	sadd.s32 @!p1 $0x8C0, s14;
	_ =	swait.ge @!p1 [sflag:s16], $0x1400  }
0xdf: {  	s6 =	simm.s32 @p1 $0x8C0;
	[sflag:s16] =	ssyncset.done @!p1 $0x0  }
0xe0: {  	s14 =	sshra.s32 s6, $0x2;
	[sflag:s16] =	ssyncadd.s32 @!p1 $0xFFFFEC00  }
0xe1: {  	[tilespmem:s21], [sflag:$0x8] =	stream.indirect.gather [hbm4b:s4+s18], $0x40, s14, s18, $0xb8;
	[tilespmem:$0x1F880] =	vst v63  }
0xe2: {  	s28 =	sadd.s32 $0x4E70, s13  }
0xe3: {  	[spmem:s2] =	stream.indirect.scatter.add.f32 [tilespmem:s20], [sflag:$0xA], $0x40, s28, s18, $0xb8;
	[tilespmem:$0x1F880] =	vst v63  }
0xe4: {  	_ =	swait.ge [sflag:s23], $0x1400  }
0xe5: {  	[sflag:s23] =	ssyncset.done $0x0  }
0xe6: {  	[sflag:s23] =	ssyncadd.s32 $0xFFFFEC00  }
0xe7: {  	_ =	swait.ge [sflag:s0], $0x1400  }
0xe8: {  	[sflag:s0] =	ssyncset.done $0x0  }
0xe9: {  	s22 =	sadd.s32 $0x280, s13;
	[sflag:s0] =	ssyncadd.s32 $0xFFFFEC00  }
0xea: {  	[tilespmem:s19], [sflag:$0x1] =	stream.indirect.gather [hbm4b:s4+s18], $0x40, s22, s18, $0xb8;
	[tilespmem:$0x1F880] =	vst v63  }
0xeb: {  	s28 =	sadd.s32 $0x4EC0, s13;
	s22 =	simm.s32 $0xC440  }
0xec: {  	[spmem:s2] =	stream.indirect.scatter.add.f32 [tilespmem:s22], [sflag:$0xB], $0x40, s28, s18, $0xb8;
	[tilespmem:$0x1F880] =	vst v63  }
0xed: {  	_ =	swait.ge [sflag:s26], $0x1400  }
0xee: {  	[sflag:s26] =	ssyncset.done $0x0  }
0xef: {  	[sflag:s26] =	ssyncadd.s32 $0xFFFFEC00  }
0xf0: {  	_ =	swait.ge [sflag:s29], $0x1400  }
0xf1: {  	[sflag:s29] =	ssyncset.done $0x0  }
0xf2: {  	s28 =	sadd.s32 $0x2D0, s13;
	[sflag:s29] =	ssyncadd.s32 $0xFFFFEC00  }
0xf3: {  	[tilespmem:s20], [sflag:$0x2] =	stream.indirect.gather [hbm4b:s4+s18], $0x40, s28, s18, $0xb8;
	[tilespmem:$0x1F880] =	vst v63  }
0xf4: {  	s22 =	sadd.s32 $0x4F10, s13  }
0xf5: {  	[spmem:s2] =	stream.indirect.scatter.add.f32 [tilespmem:s24], [sflag:$0xC], $0x40, s22, s18, $0xb8;
	[tilespmem:$0x1F880] =	vst v63  }
0xf6: {  	_ =	swait.ge [sflag:s3], $0x1400  }
0xf7: {  	[sflag:s3] =	ssyncset.done $0x0  }
0xf8: {  	[sflag:s3] =	ssyncadd.s32 $0xFFFFEC00  }
0xf9: {  	p1 =	seq.s32 s12, $0x12C00;
	_ =	swait.ge [sflag:s7], $0x1400  }
0xfa: {  	s16 =	sadd.s32 @p1 $0x4F60, s13;
	[sflag:s7] =	ssyncset.done $0x0  }
0xfb: {  	s28 =	simm.s32 @p1 $0x50;
	s22 =	simm.s32 @p1 $0xEC40;
	[sflag:s7] =	ssyncadd.s32 $0xFFFFEC00  }
0xfc: {  	[spmem:s2] =	stream.indirect.scatter.add.f32 @p1 [tilespmem:s22], [sflag:$0xD], $0x40, s16, s28, $0xb8;
	[tilespmem:$0x1F880] =	vst v63  }
0xfd: {  	s16 =	simm.s32 @p1 $0x6  }
0xfe: {  	_ =	swait.ge @p1 [sflag:s16], $0x1400  }
0xff: {  	[sflag:s16] =	ssyncset.done @p1 $0x0  }
0x100: {  	[sflag:s16] =	ssyncadd.s32 @p1 $0xFFFFEC00;
	s16 =	simm.s32 @p1 $0xC  }
0x101: {  	_ =	swait.ge @p1 [sflag:s16], $0x1400  }
0x102: {  	s22 =	simm.s32 @!p1 $0x50;
	[sflag:s16] =	ssyncset.done @p1 $0x0  }
0x103: {  	s28 =	simm.s32 @!p1 $0xC440;
	[sflag:s16] =	ssyncadd.s32 @p1 $0xFFFFEC00;
	s16 =	sadd.s32 @!p1 $0x320, s13  }
0x104: {  	[tilespmem:s28], [sflag:$0x3] =	stream.indirect.gather @!p1 [hbm4b:s4+s22], $0x40, s16, s22, $0xb8;
	[tilespmem:$0x1F880] =	vst v63  }
0x105: {  	s16 =	sadd.s32 @!p1 $0x4F60, s13;
	s28 =	simm.s32 @!p1 $0xEC40  }
0x106: {  	[spmem:s2] =	stream.indirect.scatter.add.f32 @!p1 [tilespmem:s28], [sflag:$0xD], $0x40, s16, s22, $0xb8;
	[tilespmem:$0x1F880] =	vst v63  }
0x107: {  	s16 =	simm.s32 @!p1 $0x6  }
0x108: {  	_ =	swait.ge @!p1 [sflag:s16], $0x1400  }
0x109: {  	[sflag:s16] =	ssyncset.done @!p1 $0x0  }
0x10a: {  	[sflag:s16] =	ssyncadd.s32 @!p1 $0xFFFFEC00;
	s16 =	simm.s32 @!p1 $0xC  }
0x10b: {  	_ =	swait.ge @!p1 [sflag:s16], $0x1400  }
0x10c: {  	[sflag:s16] =	ssyncset.done @!p1 $0x0  }
0x10d: {  	s28 =	simm.s32 @!p1 $0xD840;
	[sflag:s16] =	ssyncadd.s32 @!p1 $0xFFFFEC00;
	s16 =	sadd.s32 @!p1 $0x370, s13  }
0x10e: {  	[tilespmem:s28], [sflag:$0x4] =	stream.indirect.gather @!p1 [hbm4b:s4+s22], $0x40, s16, s22, $0xb8;
	[tilespmem:$0x1F880] =	vst v63  }
0x10f: {  	s28 =	sadd.s32 $0x4FB0, s13  }
0x110: {  	[spmem:s2] =	stream.indirect.scatter.add.f32 [tilespmem:s30], [sflag:$0xE], $0x40, s28, s18, $0xb8;
	[tilespmem:$0x1F880] =	vst v63  }
0x111: {  	_ =	swait.ge [sflag:s8], $0x1400  }
.Ltmp6:
0x112: {  	[sflag:s8] =	ssyncset.done $0x0;
	(pc) =	sbr.rel @p1 .LBB2_10-.Ltmp6, $4  }
0x113: {  	[sflag:s8] =	ssyncadd.s32 $0xFFFFEC00  }
0x114: {  	_ =	swait.ge [sflag:s9], $0x1400  }
0x115: {  	[sflag:s9] =	ssyncset.done $0x0  }
0x116: {  	[sflag:s9] =	ssyncadd.s32 $0xFFFFEC00  }
0x117: {  	s6 =	sadd.s32 $0x3C0, s13;
	s16 =	simm.s32 $0xEC40  }
0x118: {  	[tilespmem:s16], [sflag:$0x5] =	stream.indirect.gather [hbm4b:s4+s18], $0x40, s6, s18, $0xb8;
	[tilespmem:$0x1F880] =	vst v63  }
0x119: {  	s22 =	sadd.s32 $0x4E20, s15  }
0x11a: {  	[spmem:s2] =	stream.indirect.scatter.add.f32 [tilespmem:s1], [sflag:$0xF], $0x40, s22, s18, $0xb8;
	[tilespmem:$0x1F880] =	vst v63  }
0x11b: {  	_ =	swait.ge [sflag:s10], $0x1400  }
0x11c: {  	[sflag:s10] =	ssyncset.done $0x0  }
0x11d: {  	[sflag:s10] =	ssyncadd.s32 $0xFFFFEC00  }
0x11e: {  	_ =	swait.ge [sflag:s11], $0x1400  }
.Ltmp7:
0x11f: {  	[sflag:s11] =	ssyncset.done $0x0;
	(pc) =	sbr.rel .LBB2_5-.Ltmp7, $4  }
0x120: {  	s25 =	sadd.s32 $0x410, s13;
	[sflag:s11] =	ssyncadd.s32 $0xFFFFEC00  }
0x121: {  	[tilespmem:s30], [sflag:$0x6] =	stream.indirect.gather [hbm4b:s4+s18], $0x40, s25, s18, $0xb8;
	[tilespmem:$0x1F880] =	vst v63  }
0x122: {  	s28 =	sadd.s32 $0x4E20, s14;
	s12 =	sadd.s32 $0xA00, s12  }
0x123: {  	[spmem:s2] =	stream.indirect.scatter.add.f32 [tilespmem:s21], [sflag:$0x10], $0x40, s28, s18, $0xb8;
	[tilespmem:$0x1F880] =	vst v63  }
.LBB2_11:
0x124: {  	_ =	sfence.sel $0x180000  }
0x125: {  	[bflag:$0x0] =	sbarrier.arrive $0xFFFF  }
0x126: {  	_ =	strace $0x9000004A  }
0x127: {  	s0 =	stileid.u32;
	[bflag:$0x2] =	sbarrier.arrive $0xFFFF  }
0x128: {  	p0 =	sne.s32 s0, $0x0;
	s0 =	rddreg [dreg:$0x2]  }
0x129: {  	s0 =	sadd.s32 @!p0 $0x100000, s0  }
0x12a: {  	[sflag:s0] =	ssyncadd.tile.s32 @!p0 $0x1;
	_ =	shalt  }
.Lfunc_end2:
_tile_overlayer_lowered:
.L_overlay_start_2:
0x12b: {  	(tag) =	ssettag $0x2  }
0x12c: {  	s0 =	rddreg [dreg:$0x0];
	s2 =	stileid.u32  }
0x12d: {  	s1 =	rddreg [dreg:$0x1];
	p0 =	sne.s32 s2, $0x0  }
0x12e: {  	s3 =	rddreg [dreg:$0x2];
	[bflag:$0x3] =	sbarrier.arrive $0xFFFF;
	s2 =	simm.s32 @!p0 $0x1C11  }
0x12f: {  	[timem:s3], [sflag:s2] =	dma.local @!p0 [hbm:s0], s1  }
0x130: {  	s0 =	simm.s32 @!p0 $0x11  }
0x131: {  	_ =	swait.ge @!p0 [sflag:s0], s1  }
0x132: {  	s1 =	ssub.s32 @!p0 $0x0, s1;
	[sflag:s0] =	ssyncset.done @!p0 $0x0  }
0x133: {  	[sflag:s0] =	ssyncadd.s32 @!p0 s1  }
0x134: {  	[bflag:$0x3] =	sbarrier.arrive $0xFFFF  }
0x135: {  	_ =	shalt  }

// kernel: kernel.14.cloned.1.call-start
scs
__scs_entry_jumppad:
0x0: {  	(pc) =	sbr.rel $0x88, $3  }
0x1: {  	(tag) =	ssettag $0x0;
	lr =	simm.s32 $0x1  }
0x2: {  	[smem:$0x3F96] =	sst lr;
	_ =	strace $0xD0000000  }
0x3: {  	_ = 	snop  }
0x4: {  	_ = 	snop  }
0x5: {  	_ = 	snop  }
0x6: {  	_ = 	snop  }
0x7: {  	_ = 	snop  }
__scs_overlays_trampoline_lowered:
0x8: {  	[smem:$0x3FA5] =	sst s0  }
0x9: {  	[smem:$0x3FA6] =	sst s1  }
0xa: {  	[smem:$0x3FA7] =	sst s2  }
0xb: {  	[smem:$0x3FA8] =	sst s3  }
0xc: {  	[smem:$0x3FA9] =	sst s4  }
0xd: {  	[smem:$0x3FAA] =	sst s5  }
0xe: {  	[smem:$0x3FAB] =	sst s6  }
0xf: {  	[smem:$0x3FAC] =	sst s7  }
0x10: {  	[smem:$0x3FAD] =	sst s8  }
0x11: {  	[smem:$0x3FAE] =	sst s9;
	s0 =	simm.s32 @!p0 $0x0  }
0x12: {  	s1 =	sld [smem:$0x3F94];
	s0 =	simm.s32 @p0 $0x1  }
0x13: {  	[smem:$0x3FAF] =	sst s0;
	s0 =	simm.s32 @!p1 $0x0  }
0x14: {  	s2 =	sld [smem:$0x3F93];
	s0 =	simm.s32 @p1 $0x1  }
0x15: {  	[smem:$0x3FB0] =	sst s0;
	s0 =	simm.s32 @!p2 $0x0  }
0x16: {  	s3 =	sld [smem:$0x3FDB];
	s0 =	simm.s32 @p2 $0x1  }
0x17: {  	s4 =	simm.s32 $0x1BF5;
	[smem:$0x3FB2] =	sst s0  }
0x18: {  	s0 =	sld [smem:$0x3F95];
	_ =	swait.ge [sflag:s4], $0x0  }
0x19: {  	s7 =	sld [smem:$0x3F96]  }
0x1a: {  	s8 =	sadd.s32 $0xFFFFE003, lr  }
0x1b: {  	s9 =	sadd.s32 $0xFFFFFEF7, lr;
	s5 =	simm.s32 $0xFFFFFFFF;
	p2 =	slt.u32 s8, $0xFFFFF086  }
0x1c: {  	p1 =	slt.u32 s9, $0xF7A;
	s5 =	simm.s32 @!p2 $0x0  }
0x1d: {  	s5 =	simm.s32 @p1 $0x1;
	p0 =	seq.s32 s7, s2  }
0x1e: {  	s7 =	smul.u32 @!p0 $0xF7A, s2;
	p2 =	seq.s32 @!p0 s5, $0x0  }
0x1f: {  	s9 =	smul.u32 $0xF7A, s1;
	s8 =	simm.s32 @!p0 $0x1BF5;
	p2 =	por !p2, p0  }
0x20: {  	[sflag:s8] =	ssyncset.s32 @!p0 $0xFFFFF086;
	s6 =	sadd.s32 @!p0 s3, s7;
	s7 =	simm.s32 @!p0 $0x108  }
0x21: {  	s3 =	sadd.s32 s3, s9;
	s6 =	sadd.s32 @!p0 $0x88, s6;
	s7 =	simm.s32 @p2 $0x1082  }
0x22: {  	[simem:s7], [sflag:s8] =	dma.local @!p0 [hbm:s6], $0xF7A  }
0x23: {  	s9 =	sor.u32 $0xD0000000, s2;
	s6 =	simm.s32 $0x108;
	_ =	swait.ge @!p0 [sflag:s8], $0x0  }
0x24: {  	s3 =	sadd.s32 $0x88, s3;
	s6 =	simm.s32 @!p1 $0x1082;
	[sflag:s4] =	ssyncset.s32 $0xFFFFF086  }
0x25: {  	[simem:s6], [sflag:s4] =	dma.local [hbm:s3], $0xF7A  }
0x26: {  	[smem:$0x3F96] =	sst s1;
	(tag) =	ssettag s2;
	_ =	strace s9  }
0x27: {  	s1 =	sld [smem:$0x3FA6]  }
0x28: {  	s2 =	sld [smem:$0x3FA7]  }
0x29: {  	s4 =	sld [smem:$0x3FA9]  }
0x2a: {  	p0 =	seq.s32 s5, $0x0;
	s5 =	sld [smem:$0x3FAA]  }
0x2b: {  	s6 =	sld [smem:$0x3FAB]  }
0x2c: {  	s7 =	sld [smem:$0x3FAC]  }
0x2d: {  	s3 =	simm.s32 $0x108;
	s8 =	sld [smem:$0x3FAD]  }
0x2e: {  	s3 =	simm.s32 @!p0 $0x1082;
	s9 =	sld [smem:$0x3FAE]  }
0x2f: {  	lr =	sadd.s32 s0, s3;
	s0 =	sld [smem:$0x3FA5]  }
0x30: {  	s3 =	sld [smem:$0x3FA8]  }
0x31: {  	[smem:$0x3FB1] =	sst s10  }
0x32: {  	s10 =	sld [smem:$0x3FAF];
	_ =	sdelay $0x3  }
0x33: {  	p0 =	seq.s32 s10, $0x1;
	s10 =	sld [smem:$0x3FB1];
	_ =	sdelay $0x3  }
0x34: {  	[smem:$0x3FB1] =	sst s10  }
0x35: {  	s10 =	sld [smem:$0x3FB0];
	_ =	sdelay $0x3  }
0x36: {  	p1 =	seq.s32 s10, $0x1;
	s10 =	sld [smem:$0x3FB1];
	_ =	sdelay $0x3  }
0x37: {  	[smem:$0x3FB1] =	sst s10  }
0x38: {  	s10 =	sld [smem:$0x3FB2]  }
0x39: {  	_ = 	snop;
	(pc) =	sbr.ind lr, $3  }
0x3a: {  	_ = 	snop  }
0x3b: {  	_ = 	snop  }
0x3c: {  	p2 =	seq.s32 s10, $0x1;
	s10 =	sld [smem:$0x3FB1]  }
0x3d: {  	_ =	shalt  }
0x3e: {  	_ =	shalt  }
0x3f: {  	_ =	shalt  }
0x40: {  	_ =	shalt  }
0x41: {  	_ =	shalt  }
0x42: {  	_ =	shalt  }
0x43: {  	_ =	shalt  }
0x44: {  	_ =	shalt  }
0x45: {  	_ =	shalt  }
0x46: {  	_ =	shalt  }
0x47: {  	_ =	shalt  }
0x48: {  	_ =	shalt  }
0x49: {  	_ =	shalt  }
0x4a: {  	_ =	shalt  }
0x4b: {  	_ =	shalt  }
0x4c: {  	_ =	shalt  }
0x4d: {  	_ =	shalt  }
0x4e: {  	_ =	shalt  }
0x4f: {  	_ =	shalt  }
0x50: {  	_ =	shalt  }
0x51: {  	_ =	shalt  }
0x52: {  	_ =	shalt  }
0x53: {  	_ =	shalt  }
0x54: {  	_ =	shalt  }
0x55: {  	_ =	shalt  }
0x56: {  	_ =	shalt  }
0x57: {  	_ =	shalt  }
0x58: {  	_ =	shalt  }
0x59: {  	_ =	shalt  }
0x5a: {  	_ =	shalt  }
0x5b: {  	_ =	shalt  }
0x5c: {  	_ =	shalt  }
0x5d: {  	_ =	shalt  }
0x5e: {  	_ =	shalt  }
0x5f: {  	_ =	shalt  }
0x60: {  	_ =	shalt  }
0x61: {  	_ =	shalt  }
0x62: {  	_ =	shalt  }
0x63: {  	_ =	shalt  }
0x64: {  	_ =	shalt  }
0x65: {  	_ =	shalt  }
0x66: {  	_ =	shalt  }
0x67: {  	_ =	shalt  }
0x68: {  	_ =	shalt  }
0x69: {  	_ =	shalt  }
0x6a: {  	_ =	shalt  }
0x6b: {  	_ =	shalt  }
0x6c: {  	_ =	shalt  }
0x6d: {  	_ =	shalt  }
0x6e: {  	_ =	shalt  }
0x6f: {  	_ =	shalt  }
0x70: {  	_ =	shalt  }
0x71: {  	_ =	shalt  }
0x72: {  	_ =	shalt  }
0x73: {  	_ =	shalt  }
0x74: {  	_ =	shalt  }
0x75: {  	_ =	shalt  }
0x76: {  	_ =	shalt  }
0x77: {  	_ =	shalt  }
0x78: {  	_ =	shalt  }
0x79: {  	_ =	shalt  }
0x7a: {  	_ =	shalt  }
0x7b: {  	_ =	shalt  }
0x7c: {  	_ =	shalt  }
0x7d: {  	_ =	shalt  }
0x7e: {  	_ =	shalt  }
0x7f: {  	_ =	shalt  }
0x80: {  	_ =	shalt  }
0x81: {  	_ =	shalt  }
0x82: {  	_ =	shalt  }
0x83: {  	_ =	shalt  }
0x84: {  	_ =	shalt  }
0x85: {  	_ =	shalt  }
0x86: {  	_ =	shalt  }
0x87: {  	_ =	shalt  }
.Lfunc_end0:
.L_simem_size_0:
called_computation.2_lowered:
.L_overlay_start_0:
0x88: {  	s2 =	sld [smem:$0x3FD9]  }
0x89: {  	s3 =	sld [smem:$0x3FFE];
	_ =	sdelay $0x1  }
0x8a: {  	s1 =	srdreg.scid  }
0x8b: {  	s0 =	sand.u32 $0x1, s1  }
0x8c: {  	s16 =	sshll.u32 s0, $0xA;
	s2 =	sadd.s32 s3, s2  }
0x8d: {  	s2 =	sadd.s32 s2, s16  }
0x8e: {  	[smem:$0x3FBD] =	sst s2  }
0x8f: {  	_ = 	snop  }
0x90: {  	(tm) =	ssettm $0x1  }
0x91: {  	s17 =	sld [smem:$0x3FFB];
	_ =	sdelay $0x3  }
0x92: {  	_ =	strace s17  }
0x93: {  	s2 =	sld [smem:$0x3FFC];
	_ =	sdelay $0x3  }
0x94: {  	_ =	strace s2  }
0x95: {  	s2 =	sld [smem:$0x3FFD];
	_ =	sdelay $0x3  }
0x96: {  	_ =	strace s2  }
0x97: {  	_ =	strace $0x8FFFFFFF  }
0x98: {  	s18 =	sld [smem:$0x3FDB];
	_ =	sdelay $0x1  }
0x99: {  	s19 =	simm.s32 $_scs_section_size  }
0x9a: {  	s4 =	simm.s32 $_size__tile_overlayer_lowered;
	s5 =	simm.s32 $_tile_overlayer_lowered  }
0x9b: {  	s22 =	simm.s32 $0x1BFF;
	s21 =	sshll.u32 s5, $0x1;
	s2 =	sadd.s32 s19, s18  }
0x9c: {  	s6 =	simm.s32 $0x0;
	s20 =	sshll.u32 s4, $0x1;
	s4 =	sadd.s32 s21, s2  }
0x9d: {  	[timem:s6], [sflag:s22] =	dma.local [hbm:s4], s20  }
0x9e: {  	_ =	swait.ge [sflag:s22], s20  }
0x9f: {  	s3 =	ssub.s32 $0x0, s20;
	[sflag:s22] =	ssyncset.done $0x0  }
0xa0: {  	[sflag:s22] =	ssyncadd.s32 s3;
	_ =	sdelay $0x1  }
0xa1: {  	s23 =	simm.s32 $0x1B8B  }
0xa2: {  	_ =	swait.ge [sflag:s23], $0x1  }
0xa3: {  	[sflag:s23] =	ssyncset.done $0x0  }
0xa4: {  	s25 =	simm.s32 $0x1B8E;
	s24 =	sld [smem:$0x3FFE];
	[sflag:s23] =	ssyncadd.s32 $0xFFFFFFFF  }
0xa5: {  	s26 =	simm.s32 $execute0_lowered;
	[smem:$0x3FD2] =	sst s25  }
0xa6: {  	s4 =	sshll.u32 s26, $0x1;
	_ =	strace $0x8000004C;
	[dreg:$0x1] =	wrdreg $0xFFFFFFFF  }
0xa7: {  	s28 =	simm.s32 $_size_execute0_lowered;
	s2 =	sadd.s32 s2, s4;
	[dreg:$0x0] =	wrdreg $0x0  }
0xa8: {  	s4 =	sshll.u32 s28, $0x1;
	[dreg:$0x2] =	wrdreg s2  }
0xa9: {  	[dreg:$0x3] =	wrdreg s4  }
0xaa: {  	[dreg:$0x4] =	wrdreg $0xC0  }
0xab: {  	_ =	task [dreg:s6], $0x5FFFF  }
0xac: {  	[dreg:$0x1] =	wrdreg $0xFFFFFFFF  }
0xad: {  	[dreg:$0x0] =	wrdreg $0x60  }
0xae: {  	[dreg:$0x2] =	wrdreg s24  }
0xaf: {  	[dreg:$0x3] =	wrdreg $0x15C400  }
0xb0: {  	[dreg:$0x4] =	wrdreg $0x9  }
0xb1: {  	_ =	task.clear_ibuf [dreg:s6], $0x5FFFF;
	_ =	strace $0x9000004C  }
0xb2: {  	s29 =	simm.s32 $0x9;
	_ =	strace $0x8000004E  }
0xb3: {  	_ =	swait.ge [sflag:s29], $0x1  }
0xb4: {  	[sflag:s29] =	ssyncadd.s32 $0xFFFFFFFF  }
0xb5: {  	_ =	strace $0x9000004E  }
0xb6: {  	_ =	sfence  }
0xb7: {  	s30 =	sld [smem:$0x0];
	_ =	sdelay $0x2  }
0xb8: {  	s31 =	sshll.u32 s1, $0xD;
	s1 =	sshrl.u32 s1, $0x2  }
0xb9: {  	s3 =	sand.u32 $0x4000, s31;
	s1 =	sadd.s32 s1, s30  }
0xba: {  	s0 =	sor.u32 s3, s0;
	s1 =	sshll.u32 s1, $0x11  }
0xbb: {  	s0 =	sor.u32 s1, s0  }
0xbc: {  	s0 =	sadd.s32 $0x8F2B, s0  }
0xbd: {  	[sflag:s0] =	ssyncadd.remote.s32 $0x1  }
0xbe: {  	_ =	sfence.sel $0xFFFF  }
0xbf: {  	[dreg:$0x0] =	wrdreg $0xFFFFFFFF;
	(pc) =	sbr.abs _section_cstart, $3  }
0xc0: {  	[dreg:$0x1] =	wrdreg $0xFFFFFFFF  }
0xc1: {  	_ =	task.clear_ibuf [dreg:s6], $0x2FFFF;
	_ =	strace $0x9FFFFFFF  }
0xc2: {  	(tm) =	ssettm $0x7FFFFFFF  }
0xc3: {  	_ =	shalt  }
tec
execute0_lowered:
.L_overlay_start_1:
0x0: {  	(tag) =	ssettag $0x1  }
0x1: {  	s0 =	rddreg [dreg:$0x0]  }
0x2: {  	s9 =	stileid.u32;
	s1 =	srdreg.scid  }
0x3: {  	s2 =	rddreg [dreg:$0x1];
	s4 =	simm.s32 $0x0;
	s14 =	simm.s32 $0x11  }
0x4: {  	s18 =	simm.s32 $0x50;
	s30 =	simm.s32 $0x10040;
	s31 =	simm.s32 $0x1  }
0x5: {  	s17 =	simm.s32 $0x2;
	s29 =	simm.s32 $0xA;
	s3 =	smul.u32 $0x9C4, s9  }
0x6: {  	s11 =	simm.s32 $0xE;
	s12 =	simm.s32 $0x0;
	s6 =	smul.u32 $0x9C00, s9  }
0x7: {  	s1 =	sand.u32 $0x1, s1;
	[smem:$0x7FF] =	sst s4;
	s9 =	smul.u32 $0x27000, s9  }
0x8: {  	s4 =	sadd.s32 $0x16600, s0;
	s5 =	smul.u32 $0x9C400, s1;
	_ =	strace $0x8000004D  }
0x9: {  	s8 =	ssub.s32 $0x2, s1;
	p0 =	seq.s32 s1, $0x1;
	s1 =	simm.s32 $0x11440  }
0xa: {  	s3 =	sadd.s32 s3, s0;
	s10 =	sshrl.u32 s8, $0x1;
	s20 =	sshrl.u32 s9, $0x2  }
0xb: {  	s22 =	sadd.s32 s6, s2;
	s9 =	simm.s32 $0xD;
	s7 =	sadd.s32 s6, s5  }
0xc: {  	s5 =	sadd.s32 $0x2A000, s0;
	s19 =	ssub.s32 s8, s10;
	s21 =	sadd.s32 $0xC800, s3  }
0xd: {  	s8 =	sadd.s32 s20, s2;
	s3 =	sadd.s32 $0x2A00, s3;
	[dreg:$0x4] =	wrdreg s21  }
0xe: {  	s20 =	simm.s32 $0xB040;
	s10 =	simm.s32 $0x8;
	[dreg:$0x5] =	wrdreg s3  }
0xf: {  	s7 =	sshrl.u32 s7, $0x3;
	s23 =	smax.u32 s19, $0x1;
	[dreg:$0x3] =	wrdreg s8  }
0x10: {  	s24 =	sadd.s32 $0x2000, s8;
	s25 =	sadd.s32 $0x4000, s8;
	[dreg:$0x7] =	wrdreg s23  }
0x11: {  	s26 =	sadd.s32 $0x6000, s8;
	s28 =	sadd.s32 $0x8000, s8;
	[dreg:$0x8] =	wrdreg s24  }
0x12: {  	s19 =	simm.s32 $0x9C40;
	s21 =	simm.s32 $0x12840;
	[dreg:$0x9] =	wrdreg s25  }
.Ltmp0:
0x13: {  	s3 =	simm.s32 $0x5;
	[dreg:$0xa] =	wrdreg s26;
	(pc) =	sbr.rel .LBB2_1-.Ltmp0, $4  }
0x14: {  	s8 =	simm.s32 $0x7;
	s0 =	sadd.s32 s7, s0;
	[dreg:$0xb] =	wrdreg s28  }
0x15: {  	s24 =	simm.s32 $0xD840;
	s23 =	simm.s32 $0x3;
	s0 =	sadd.s32 $0x3DA00, s0  }
0x16: {  	s26 =	simm.s32 $0x4;
	[dreg:$0x6] =	wrdreg s0;
	s0 =	sshrl.u32 s22, $0x3  }
0x17: {  	v0 =	vimm.f32 $0.0e+00;
	s7 =	simm.s32 $0xB;
	[dreg:$0xc] =	wrdreg s0;
	s0 =	simm.s32 $0x9  }
.LBB2_10:
0x18: {  	s12 =	sshra.s32 s25, $0x2  }
0x19: {  	s12 =	sadd.s32 $0x4E20, s12  }
0x1a: {  	[spmem:s2] =	stream.indirect.scatter.add.f32 [tilespmem:s1], [sflag:$0xF], $0x40, s12, s18, $0xb8;
	[tilespmem:$0x1F880] =	vst v63  }
0x1b: {  	_ =	swait.ge [sflag:s10], $0x1400  }
0x1c: {  	[sflag:s10] =	ssyncset.done $0x0  }
0x1d: {  	[sflag:s10] =	ssyncadd.s32 $0xFFFFEC00  }
0x1e: {  	_ =	swait.ge [sflag:s11], $0x1400  }
0x1f: {  	s6 =	sshra.s32 s6, $0x2;
	[sflag:s11] =	ssyncset.done $0x0  }
0x20: {  	s6 =	sadd.s32 $0x4E20, s6;
	[sflag:s11] =	ssyncadd.s32 $0xFFFFEC00  }
0x21: {  	[spmem:s2] =	stream.indirect.scatter.add.f32 [tilespmem:s21], [sflag:$0x10], $0x40, s6, s18, $0xb8;
	[tilespmem:$0x1F880] =	vst v63  }
0x22: {  	_ =	swait.ge [sflag:s31], $0x1400  }
0x23: {  	[sflag:s31] =	ssyncset.done $0x0  }
0x24: {  	s12 =	simm.s32 $0xF;
	[sflag:s31] =	ssyncadd.s32 $0xFFFFEC00  }
0x25: {  	_ =	swait.ge [sflag:s12], $0x1400  }
0x26: {  	[sflag:s12] =	ssyncset.done $0x0  }
0x27: {  	s13 =	simm.s32 $0x9BA0;
	[sflag:s12] =	ssyncadd.s32 $0xFFFFEC00  }
0x28: {  	[spmem:s2] =	stream.indirect.scatter.add.f32 [tilespmem:s19], [sflag:$0x9], $0x40, s13, s18, $0xb8;
	[tilespmem:$0x1F880] =	vst v63  }
0x29: {  	_ =	swait.ge [sflag:s17], $0x1400  }
0x2a: {  	[sflag:s17] =	ssyncset.done $0x0  }
0x2b: {  	s14 =	simm.s32 $0x10;
	[sflag:s17] =	ssyncadd.s32 $0xFFFFEC00  }
0x2c: {  	_ =	swait.ge [sflag:s14], $0x1400  }
0x2d: {  	[sflag:s14] =	ssyncset.done $0x0  }
0x2e: {  	s15 =	simm.s32 $0x9BF0;
	[sflag:s14] =	ssyncadd.s32 $0xFFFFEC00  }
0x2f: {  	[spmem:s2] =	stream.indirect.scatter.add.f32 [tilespmem:s20], [sflag:$0xA], $0x40, s15, s18, $0xb8;
	[tilespmem:$0x1F880] =	vst v63  }
0x30: {  	_ =	swait.ge [sflag:s0], $0x1400  }
0x31: {  	[sflag:s0] =	ssyncset.done $0x0  }
0x32: {  	[sflag:s0] =	ssyncadd.s32 $0xFFFFEC00  }
0x33: {  	_ =	swait.ge [sflag:s29], $0x1400  }
0x34: {  	[sflag:s29] =	ssyncset.done $0x0  }
0x35: {  	[sflag:s29] =	ssyncadd.s32 $0xFFFFEC00  }
0x36: {  	s16 =	stileid.u32;
	[bflag:$0x0] =	sbarrier.arrive $0xFFFF  }
0x37: {  	s6 =	sshll.u32 s16, $0x6;
	s22 =	rddreg [dreg:$0x6]  }
0x38: {  	s6 =	sor.u32 $0x1C11, s6;
	s14 =	simm.s32 $0x11;
	s13 =	rddreg [dreg:$0xc]  }
0x39: {  	[hbm:s22], [sflag:s6] =	dma.local [spmem:s13], $0x1400  }
0x3a: {  	_ =	swait.ge [sflag:s14], $0x1400  }
0x3b: {  	s25 =	rddreg [dreg:$0xd]  }
0x3c: {  	s28 =	rddreg [dreg:$0x7];
	s12 =	sadd.s32 $0x1, s25  }
0x3d: {  	p1 =	sne.s32 s12, s28  }
.Ltmp1:
0x3e: {  	_ = 	snop;
	(pc) =	sbr.rel @!p1 .LBB2_11-.Ltmp1, $3  }
0x3f: {  	_ =	sdelay $0x1  }
0x40: {  	[sflag:s14] =	ssyncset.done $0x0  }
0x41: {  	[sflag:s14] =	ssyncadd.s32 $0xFFFFEC00  }
.LBB2_1:
0x42: {  	[dreg:$0xd] =	wrdreg s12;
	s12 =	simm.s32 $0x100;
	s6 =	simm.s32 $0x0  }
.LBB2_2:
0x43: {  	p1 =	sne.s32 s12, $0x7F00;
	[tilespmem:s6+$0x13C70] =	vst v0;
	s13 =	smov.u32 s12;
	s12 =	sadd.s32 $0x100, s12  }
.Ltmp2:
0x44: {  	[tilespmem:s6+$0x13C60] =	vst v0;
	(pc) =	sbr.rel @p1 .LBB2_2-.Ltmp2, $3  }
0x45: {  	[tilespmem:s6+$0x13C40] =	vst v0  }
0x46: {  	[tilespmem:s6+$0x13C50] =	vst v0;
	_ =	sdelay $0x1  }
0x47: {  	s6 =	sshra.s32 s13, $0x2  }
0x48: {  	[tilespmem:s6+$0x13C70] =	vst v0  }
0x49: {  	[tilespmem:s6+$0x13C60] =	vst v0  }
0x4a: {  	[tilespmem:s6+$0x13C40] =	vst v0  }
0x4b: {  	[tilespmem:s6+$0x13C50] =	vst v0;
	s25 =	rddreg [dreg:$0x3];
	s12 =	simm.s32 $0x13C40  }
0x4c: {  	[spmem:s25] =	stream.linear.scatter [tilespmem:s12], [sflag:$0x11], $0x2000, $0x38;
	[tilespmem:$0x1F880] =	vst v63  }
0x4d: {  	_ =	swait.ge [sflag:s14], $0x2000  }
0x4e: {  	[sflag:s14] =	ssyncset.done $0x0  }
0x4f: {  	s28 =	rddreg [dreg:$0x8];
	[sflag:s14] =	ssyncadd.s32 $0xFFFFE000  }
0x50: {  	[spmem:s28] =	stream.linear.scatter [tilespmem:s12], [sflag:$0x11], $0x2000, $0x38;
	[tilespmem:$0x1F880] =	vst v63  }
0x51: {  	_ =	swait.ge [sflag:s14], $0x2000  }
0x52: {  	[sflag:s14] =	ssyncset.done $0x0  }
0x53: {  	s13 =	rddreg [dreg:$0x9];
	[sflag:s14] =	ssyncadd.s32 $0xFFFFE000  }
0x54: {  	[spmem:s13] =	stream.linear.scatter [tilespmem:s12], [sflag:$0x11], $0x2000, $0x38;
	[tilespmem:$0x1F880] =	vst v63  }
0x55: {  	_ =	swait.ge [sflag:s14], $0x2000  }
0x56: {  	[sflag:s14] =	ssyncset.done $0x0  }
0x57: {  	s15 =	rddreg [dreg:$0xa];
	[sflag:s14] =	ssyncadd.s32 $0xFFFFE000  }
0x58: {  	[spmem:s15] =	stream.linear.scatter [tilespmem:s12], [sflag:$0x11], $0x2000, $0x38;
	[tilespmem:$0x1F880] =	vst v63  }
0x59: {  	_ =	swait.ge [sflag:s14], $0x2000  }
0x5a: {  	[sflag:s14] =	ssyncset.done $0x0  }
0x5b: {  	s16 =	rddreg [dreg:$0xb];
	[sflag:s14] =	ssyncadd.s32 $0xFFFFE000  }
0x5c: {  	[spmem:s16] =	stream.linear.scatter [tilespmem:s12], [sflag:$0x11], $0x2000, $0x38;
	[tilespmem:$0x1F880] =	vst v63  }
0x5d: {  	_ =	swait.ge [sflag:s14], $0x2000  }
0x5e: {  	[sflag:s14] =	ssyncset.done $0x0  }
0x5f: {  	[sflag:s14] =	ssyncadd.s32 $0xFFFFE000  }
0x60: {  	[bflag:$0x0] =	sbarrier.arrive $0xFFFF  }
0x61: {  	s22 =	simm.s32 $0x0;
	s25 =	rddreg [dreg:$0x4]  }
0x62: {  	[tilespmem:s22], [sflag:$0x11] =	stream.linear.gather [hbm4b:s25+s22], $0x4E20, $0x38;
	[tilespmem:$0x1F880] =	vst v63  }
0x63: {  	_ =	swait.ge [sflag:s14], $0x4E20  }
0x64: {  	s13 =	simm.s32 $0x4E20;
	[sflag:s14] =	ssyncset.done $0x0  }
.Ltmp3:
0x65: {  	s28 =	rddreg [dreg:$0x5];
	[sflag:s14] =	ssyncadd.s32 $0xFFFFB1E0;
	(pc) =	sbr.rel @!p0 .LBB2_4-.Ltmp3, $4  }
0x66: {  	[tilespmem:s13], [sflag:$0x11] =	stream.linear.gather [hbm4b:s28+s22], $0x4E20, $0x38;
	[tilespmem:$0x1F880] =	vst v63  }
0x67: {  	_ =	swait.ge [sflag:s14], $0x4E20  }
0x68: {  	[sflag:s14] =	ssyncset.done $0x0  }
0x69: {  	s12 =	simm.s32 $0x0;
	[sflag:s14] =	ssyncadd.s32 $0xFFFFB1E0  }
0x6a: {  	[tilespmem:s19], [sflag:$0x1] =	stream.indirect.gather [hbm4b:s5+s18], $0x40, s12, s18, $0xb8;
	[tilespmem:$0x1F880] =	vst v63  }
0x6b: {  	_ = 	snop  }
0x6c: {  	[tilespmem:s20], [sflag:$0x2] =	stream.indirect.gather [hbm4b:s5+s18], $0x40, s18, s18, $0xb8;
	[tilespmem:$0x1F880] =	vst v63  }
0x6d: {  	s6 =	simm.s32 $0xA0;
	s13 =	simm.s32 $0xC440  }
0x6e: {  	[tilespmem:s13], [sflag:$0x3] =	stream.indirect.gather [hbm4b:s5+s18], $0x40, s6, s18, $0xb8;
	[tilespmem:$0x1F880] =	vst v63  }
0x6f: {  	s16 =	simm.s32 $0xF0  }
0x70: {  	[tilespmem:s24], [sflag:$0x4] =	stream.indirect.gather [hbm4b:s5+s18], $0x40, s16, s18, $0xb8;
	[tilespmem:$0x1F880] =	vst v63  }
0x71: {  	s22 =	simm.s32 $0x140;
	s25 =	simm.s32 $0xEC40  }
0x72: {  	[tilespmem:s25], [sflag:$0x5] =	stream.indirect.gather [hbm4b:s5+s18], $0x40, s22, s18, $0xb8;
	[tilespmem:$0x1F880] =	vst v63  }
0x73: {  	s28 =	simm.s32 $0x190  }
0x74: {  	[tilespmem:s30], [sflag:$0x6] =	stream.indirect.gather [hbm4b:s5+s18], $0x40, s28, s18, $0xb8;
	[tilespmem:$0x1F880] =	vst v63  }
.LBB2_8:
0x75: {  	_ =	swait.ge [sflag:s31], $0x1400  }
0x76: {  	p1 =	seq.s32 s12, $0x0;
	[sflag:s31] =	ssyncset.done $0x0  }
0x77: {  	s6 =	simm.s32 @!p1 $0xF;
	[sflag:s31] =	ssyncadd.s32 $0xFFFFEC00  }
0x78: {  	s14 =	smov.u32 s12;
	s25 =	sadd.s32 @!p1 $0x780, s12;
	_ =	swait.ge @!p1 [sflag:s6], $0x1400  }
0x79: {  	s14 =	simm.s32 @p1 $0x0;
	s25 =	simm.s32 @p1 $0x780;
	[sflag:s6] =	ssyncset.done @!p1 $0x0  }
0x7a: {  	s13 =	sshra.s32 s14, $0x2;
	s15 =	sshra.s32 s25, $0x2;
	[sflag:s6] =	ssyncadd.s32 @!p1 $0xFFFFEC00  }
0x7b: {  	[tilespmem:s1], [sflag:$0x7] =	stream.indirect.gather [hbm4b:s5+s18], $0x40, s15, s18, $0xb8;
	[tilespmem:$0x1F880] =	vst v63  }
0x7c: {  	s22 =	sadd.s32 $0x4E20, s13  }
0x7d: {  	[spmem:s2] =	stream.indirect.scatter.add.f32 [tilespmem:s19], [sflag:$0x9], $0x40, s22, s18, $0xb8;
	[tilespmem:$0x1F880] =	vst v63  }
0x7e: {  	_ =	swait.ge [sflag:s17], $0x1400  }
0x7f: {  	[sflag:s17] =	ssyncset.done $0x0  }
0x80: {  	s16 =	simm.s32 @!p1 $0x10;
	[sflag:s17] =	ssyncadd.s32 $0xFFFFEC00  }
0x81: {  	s6 =	sadd.s32 @!p1 $0x8C0, s14;
	_ =	swait.ge @!p1 [sflag:s16], $0x1400  }
0x82: {  	s6 =	simm.s32 @p1 $0x8C0;
	[sflag:s16] =	ssyncset.done @!p1 $0x0  }
0x83: {  	s14 =	sshra.s32 s6, $0x2;
	[sflag:s16] =	ssyncadd.s32 @!p1 $0xFFFFEC00  }
0x84: {  	[tilespmem:s21], [sflag:$0x8] =	stream.indirect.gather [hbm4b:s5+s18], $0x40, s14, s18, $0xb8;
	[tilespmem:$0x1F880] =	vst v63  }
0x85: {  	s28 =	sadd.s32 $0x4E70, s13  }
0x86: {  	[spmem:s2] =	stream.indirect.scatter.add.f32 [tilespmem:s20], [sflag:$0xA], $0x40, s28, s18, $0xb8;
	[tilespmem:$0x1F880] =	vst v63  }
0x87: {  	_ =	swait.ge [sflag:s23], $0x1400  }
0x88: {  	[sflag:s23] =	ssyncset.done $0x0  }
0x89: {  	[sflag:s23] =	ssyncadd.s32 $0xFFFFEC00  }
0x8a: {  	_ =	swait.ge [sflag:s0], $0x1400  }
0x8b: {  	[sflag:s0] =	ssyncset.done $0x0  }
0x8c: {  	s22 =	sadd.s32 $0x280, s13;
	[sflag:s0] =	ssyncadd.s32 $0xFFFFEC00  }
0x8d: {  	[tilespmem:s19], [sflag:$0x1] =	stream.indirect.gather [hbm4b:s5+s18], $0x40, s22, s18, $0xb8;
	[tilespmem:$0x1F880] =	vst v63  }
0x8e: {  	s28 =	sadd.s32 $0x4EC0, s13;
	s22 =	simm.s32 $0xC440  }
0x8f: {  	[spmem:s2] =	stream.indirect.scatter.add.f32 [tilespmem:s22], [sflag:$0xB], $0x40, s28, s18, $0xb8;
	[tilespmem:$0x1F880] =	vst v63  }
0x90: {  	_ =	swait.ge [sflag:s26], $0x1400  }
0x91: {  	[sflag:s26] =	ssyncset.done $0x0  }
0x92: {  	[sflag:s26] =	ssyncadd.s32 $0xFFFFEC00  }
0x93: {  	_ =	swait.ge [sflag:s29], $0x1400  }
0x94: {  	[sflag:s29] =	ssyncset.done $0x0  }
0x95: {  	s28 =	sadd.s32 $0x2D0, s13;
	[sflag:s29] =	ssyncadd.s32 $0xFFFFEC00  }
0x96: {  	[tilespmem:s20], [sflag:$0x2] =	stream.indirect.gather [hbm4b:s5+s18], $0x40, s28, s18, $0xb8;
	[tilespmem:$0x1F880] =	vst v63  }
0x97: {  	s22 =	sadd.s32 $0x4F10, s13  }
0x98: {  	[spmem:s2] =	stream.indirect.scatter.add.f32 [tilespmem:s24], [sflag:$0xC], $0x40, s22, s18, $0xb8;
	[tilespmem:$0x1F880] =	vst v63  }
0x99: {  	_ =	swait.ge [sflag:s3], $0x1400  }
0x9a: {  	[sflag:s3] =	ssyncset.done $0x0  }
0x9b: {  	[sflag:s3] =	ssyncadd.s32 $0xFFFFEC00  }
0x9c: {  	p1 =	seq.s32 s12, $0x12C00;
	_ =	swait.ge [sflag:s7], $0x1400  }
0x9d: {  	s16 =	sadd.s32 @p1 $0x4F60, s13;
	[sflag:s7] =	ssyncset.done $0x0  }
0x9e: {  	s28 =	simm.s32 @p1 $0xEC40;
	s22 =	simm.s32 @p1 $0x50;
	[sflag:s7] =	ssyncadd.s32 $0xFFFFEC00  }
0x9f: {  	[spmem:s2] =	stream.indirect.scatter.add.f32 @p1 [tilespmem:s28], [sflag:$0xD], $0x40, s16, s22, $0xb8;
	[tilespmem:$0x1F880] =	vst v63  }
0xa0: {  	s16 =	simm.s32 @p1 $0x6  }
0xa1: {  	_ =	swait.ge @p1 [sflag:s16], $0x1400  }
0xa2: {  	[sflag:s16] =	ssyncset.done @p1 $0x0  }
0xa3: {  	[sflag:s16] =	ssyncadd.s32 @p1 $0xFFFFEC00;
	s16 =	simm.s32 @p1 $0xC  }
0xa4: {  	_ =	swait.ge @p1 [sflag:s16], $0x1400  }
0xa5: {  	s22 =	simm.s32 @!p1 $0x50;
	[sflag:s16] =	ssyncset.done @p1 $0x0  }
0xa6: {  	s28 =	simm.s32 @!p1 $0xC440;
	[sflag:s16] =	ssyncadd.s32 @p1 $0xFFFFEC00;
	s16 =	sadd.s32 @!p1 $0x320, s13  }
0xa7: {  	[tilespmem:s28], [sflag:$0x3] =	stream.indirect.gather @!p1 [hbm4b:s5+s22], $0x40, s16, s22, $0xb8;
	[tilespmem:$0x1F880] =	vst v63  }
0xa8: {  	s16 =	sadd.s32 @!p1 $0x4F60, s13;
	s28 =	simm.s32 @!p1 $0xEC40  }
0xa9: {  	[spmem:s2] =	stream.indirect.scatter.add.f32 @!p1 [tilespmem:s28], [sflag:$0xD], $0x40, s16, s22, $0xb8;
	[tilespmem:$0x1F880] =	vst v63  }
0xaa: {  	s16 =	simm.s32 @!p1 $0x6  }
0xab: {  	_ =	swait.ge @!p1 [sflag:s16], $0x1400  }
0xac: {  	[sflag:s16] =	ssyncset.done @!p1 $0x0  }
0xad: {  	[sflag:s16] =	ssyncadd.s32 @!p1 $0xFFFFEC00;
	s16 =	simm.s32 @!p1 $0xC  }
0xae: {  	_ =	swait.ge @!p1 [sflag:s16], $0x1400  }
0xaf: {  	[sflag:s16] =	ssyncset.done @!p1 $0x0  }
0xb0: {  	s28 =	simm.s32 @!p1 $0xD840;
	[sflag:s16] =	ssyncadd.s32 @!p1 $0xFFFFEC00;
	s16 =	sadd.s32 @!p1 $0x370, s13  }
0xb1: {  	[tilespmem:s28], [sflag:$0x4] =	stream.indirect.gather @!p1 [hbm4b:s5+s22], $0x40, s16, s22, $0xb8;
	[tilespmem:$0x1F880] =	vst v63  }
0xb2: {  	s28 =	sadd.s32 $0x4FB0, s13  }
0xb3: {  	[spmem:s2] =	stream.indirect.scatter.add.f32 [tilespmem:s30], [sflag:$0xE], $0x40, s28, s18, $0xb8;
	[tilespmem:$0x1F880] =	vst v63  }
0xb4: {  	_ =	swait.ge [sflag:s8], $0x1400  }
.Ltmp4:
0xb5: {  	[sflag:s8] =	ssyncset.done $0x0;
	(pc) =	sbr.rel @p1 .LBB2_10-.Ltmp4, $4  }
0xb6: {  	[sflag:s8] =	ssyncadd.s32 $0xFFFFEC00  }
0xb7: {  	_ =	swait.ge [sflag:s9], $0x1400  }
0xb8: {  	[sflag:s9] =	ssyncset.done $0x0  }
0xb9: {  	[sflag:s9] =	ssyncadd.s32 $0xFFFFEC00  }
0xba: {  	s6 =	sadd.s32 $0x3C0, s13;
	s16 =	simm.s32 $0xEC40  }
0xbb: {  	[tilespmem:s16], [sflag:$0x5] =	stream.indirect.gather [hbm4b:s5+s18], $0x40, s6, s18, $0xb8;
	[tilespmem:$0x1F880] =	vst v63  }
0xbc: {  	s22 =	sadd.s32 $0x4E20, s15  }
0xbd: {  	[spmem:s2] =	stream.indirect.scatter.add.f32 [tilespmem:s1], [sflag:$0xF], $0x40, s22, s18, $0xb8;
	[tilespmem:$0x1F880] =	vst v63  }
0xbe: {  	_ =	swait.ge [sflag:s10], $0x1400  }
0xbf: {  	[sflag:s10] =	ssyncset.done $0x0  }
0xc0: {  	[sflag:s10] =	ssyncadd.s32 $0xFFFFEC00  }
0xc1: {  	_ =	swait.ge [sflag:s11], $0x1400  }
.Ltmp5:
0xc2: {  	[sflag:s11] =	ssyncset.done $0x0;
	(pc) =	sbr.rel .LBB2_8-.Ltmp5, $4  }
0xc3: {  	s25 =	sadd.s32 $0x410, s13;
	[sflag:s11] =	ssyncadd.s32 $0xFFFFEC00  }
0xc4: {  	[tilespmem:s30], [sflag:$0x6] =	stream.indirect.gather [hbm4b:s5+s18], $0x40, s25, s18, $0xb8;
	[tilespmem:$0x1F880] =	vst v63  }
0xc5: {  	s28 =	sadd.s32 $0x4E20, s14;
	s12 =	sadd.s32 $0xA00, s12  }
0xc6: {  	[spmem:s2] =	stream.indirect.scatter.add.f32 [tilespmem:s21], [sflag:$0x10], $0x40, s28, s18, $0xb8;
	[tilespmem:$0x1F880] =	vst v63  }
.LBB2_4:
0xc7: {  	[tilespmem:s19], [sflag:$0x1] =	stream.indirect.gather [hbm4b:s4+s18], $0x40, s12, s18, $0xb8;
	[tilespmem:$0x1F880] =	vst v63  }
0xc8: {  	_ = 	snop  }
0xc9: {  	[tilespmem:s20], [sflag:$0x2] =	stream.indirect.gather [hbm4b:s4+s18], $0x40, s18, s18, $0xb8;
	[tilespmem:$0x1F880] =	vst v63  }
0xca: {  	s6 =	simm.s32 $0xA0;
	s13 =	simm.s32 $0xC440  }
0xcb: {  	[tilespmem:s13], [sflag:$0x3] =	stream.indirect.gather [hbm4b:s4+s18], $0x40, s6, s18, $0xb8;
	[tilespmem:$0x1F880] =	vst v63  }
0xcc: {  	s16 =	simm.s32 $0xF0  }
0xcd: {  	[tilespmem:s24], [sflag:$0x4] =	stream.indirect.gather [hbm4b:s4+s18], $0x40, s16, s18, $0xb8;
	[tilespmem:$0x1F880] =	vst v63  }
0xce: {  	s22 =	simm.s32 $0x140;
	s25 =	simm.s32 $0xEC40  }
0xcf: {  	[tilespmem:s25], [sflag:$0x5] =	stream.indirect.gather [hbm4b:s4+s18], $0x40, s22, s18, $0xb8;
	[tilespmem:$0x1F880] =	vst v63  }
0xd0: {  	s28 =	simm.s32 $0x190  }
0xd1: {  	[tilespmem:s30], [sflag:$0x6] =	stream.indirect.gather [hbm4b:s4+s18], $0x40, s28, s18, $0xb8;
	[tilespmem:$0x1F880] =	vst v63  }
.LBB2_5:
0xd2: {  	_ =	swait.ge [sflag:s31], $0x1400  }
0xd3: {  	p1 =	seq.s32 s12, $0x0;
	[sflag:s31] =	ssyncset.done $0x0  }
0xd4: {  	s6 =	simm.s32 @!p1 $0xF;
	[sflag:s31] =	ssyncadd.s32 $0xFFFFEC00  }
0xd5: {  	s14 =	smov.u32 s12;
	s25 =	sadd.s32 @!p1 $0x780, s12;
	_ =	swait.ge @!p1 [sflag:s6], $0x1400  }
0xd6: {  	s14 =	simm.s32 @p1 $0x0;
	s25 =	simm.s32 @p1 $0x780;
	[sflag:s6] =	ssyncset.done @!p1 $0x0  }
0xd7: {  	s13 =	sshra.s32 s14, $0x2;
	s15 =	sshra.s32 s25, $0x2;
	[sflag:s6] =	ssyncadd.s32 @!p1 $0xFFFFEC00  }
0xd8: {  	[tilespmem:s1], [sflag:$0x7] =	stream.indirect.gather [hbm4b:s4+s18], $0x40, s15, s18, $0xb8;
	[tilespmem:$0x1F880] =	vst v63  }
0xd9: {  	s22 =	sadd.s32 $0x4E20, s13  }
0xda: {  	[spmem:s2] =	stream.indirect.scatter.add.f32 [tilespmem:s19], [sflag:$0x9], $0x40, s22, s18, $0xb8;
	[tilespmem:$0x1F880] =	vst v63  }
0xdb: {  	_ =	swait.ge [sflag:s17], $0x1400  }
0xdc: {  	[sflag:s17] =	ssyncset.done $0x0  }
0xdd: {  	s16 =	simm.s32 @!p1 $0x10;
	[sflag:s17] =	ssyncadd.s32 $0xFFFFEC00  }
0xde: {  	s6 =	sadd.s32 @!p1 $0x8C0, s14;
	_ =	swait.ge @!p1 [sflag:s16], $0x1400  }
0xdf: {  	s6 =	simm.s32 @p1 $0x8C0;
	[sflag:s16] =	ssyncset.done @!p1 $0x0  }
0xe0: {  	s14 =	sshra.s32 s6, $0x2;
	[sflag:s16] =	ssyncadd.s32 @!p1 $0xFFFFEC00  }
0xe1: {  	[tilespmem:s21], [sflag:$0x8] =	stream.indirect.gather [hbm4b:s4+s18], $0x40, s14, s18, $0xb8;
	[tilespmem:$0x1F880] =	vst v63  }
0xe2: {  	s28 =	sadd.s32 $0x4E70, s13  }
0xe3: {  	[spmem:s2] =	stream.indirect.scatter.add.f32 [tilespmem:s20], [sflag:$0xA], $0x40, s28, s18, $0xb8;
	[tilespmem:$0x1F880] =	vst v63  }
0xe4: {  	_ =	swait.ge [sflag:s23], $0x1400  }
0xe5: {  	[sflag:s23] =	ssyncset.done $0x0  }
0xe6: {  	[sflag:s23] =	ssyncadd.s32 $0xFFFFEC00  }
0xe7: {  	_ =	swait.ge [sflag:s0], $0x1400  }
0xe8: {  	[sflag:s0] =	ssyncset.done $0x0  }
0xe9: {  	s22 =	sadd.s32 $0x280, s13;
	[sflag:s0] =	ssyncadd.s32 $0xFFFFEC00  }
0xea: {  	[tilespmem:s19], [sflag:$0x1] =	stream.indirect.gather [hbm4b:s4+s18], $0x40, s22, s18, $0xb8;
	[tilespmem:$0x1F880] =	vst v63  }
0xeb: {  	s28 =	sadd.s32 $0x4EC0, s13;
	s22 =	simm.s32 $0xC440  }
0xec: {  	[spmem:s2] =	stream.indirect.scatter.add.f32 [tilespmem:s22], [sflag:$0xB], $0x40, s28, s18, $0xb8;
	[tilespmem:$0x1F880] =	vst v63  }
0xed: {  	_ =	swait.ge [sflag:s26], $0x1400  }
0xee: {  	[sflag:s26] =	ssyncset.done $0x0  }
0xef: {  	[sflag:s26] =	ssyncadd.s32 $0xFFFFEC00  }
0xf0: {  	_ =	swait.ge [sflag:s29], $0x1400  }
0xf1: {  	[sflag:s29] =	ssyncset.done $0x0  }
0xf2: {  	s28 =	sadd.s32 $0x2D0, s13;
	[sflag:s29] =	ssyncadd.s32 $0xFFFFEC00  }
0xf3: {  	[tilespmem:s20], [sflag:$0x2] =	stream.indirect.gather [hbm4b:s4+s18], $0x40, s28, s18, $0xb8;
	[tilespmem:$0x1F880] =	vst v63  }
0xf4: {  	s22 =	sadd.s32 $0x4F10, s13  }
0xf5: {  	[spmem:s2] =	stream.indirect.scatter.add.f32 [tilespmem:s24], [sflag:$0xC], $0x40, s22, s18, $0xb8;
	[tilespmem:$0x1F880] =	vst v63  }
0xf6: {  	_ =	swait.ge [sflag:s3], $0x1400  }
0xf7: {  	[sflag:s3] =	ssyncset.done $0x0  }
0xf8: {  	[sflag:s3] =	ssyncadd.s32 $0xFFFFEC00  }
0xf9: {  	p1 =	seq.s32 s12, $0x12C00;
	_ =	swait.ge [sflag:s7], $0x1400  }
0xfa: {  	s16 =	sadd.s32 @p1 $0x4F60, s13;
	[sflag:s7] =	ssyncset.done $0x0  }
0xfb: {  	s28 =	simm.s32 @p1 $0x50;
	s22 =	simm.s32 @p1 $0xEC40;
	[sflag:s7] =	ssyncadd.s32 $0xFFFFEC00  }
0xfc: {  	[spmem:s2] =	stream.indirect.scatter.add.f32 @p1 [tilespmem:s22], [sflag:$0xD], $0x40, s16, s28, $0xb8;
	[tilespmem:$0x1F880] =	vst v63  }
0xfd: {  	s16 =	simm.s32 @p1 $0x6  }
0xfe: {  	_ =	swait.ge @p1 [sflag:s16], $0x1400  }
0xff: {  	[sflag:s16] =	ssyncset.done @p1 $0x0  }
0x100: {  	[sflag:s16] =	ssyncadd.s32 @p1 $0xFFFFEC00;
	s16 =	simm.s32 @p1 $0xC  }
0x101: {  	_ =	swait.ge @p1 [sflag:s16], $0x1400  }
0x102: {  	s22 =	simm.s32 @!p1 $0x50;
	[sflag:s16] =	ssyncset.done @p1 $0x0  }
0x103: {  	s28 =	simm.s32 @!p1 $0xC440;
	[sflag:s16] =	ssyncadd.s32 @p1 $0xFFFFEC00;
	s16 =	sadd.s32 @!p1 $0x320, s13  }
0x104: {  	[tilespmem:s28], [sflag:$0x3] =	stream.indirect.gather @!p1 [hbm4b:s4+s22], $0x40, s16, s22, $0xb8;
	[tilespmem:$0x1F880] =	vst v63  }
0x105: {  	s16 =	sadd.s32 @!p1 $0x4F60, s13;
	s28 =	simm.s32 @!p1 $0xEC40  }
0x106: {  	[spmem:s2] =	stream.indirect.scatter.add.f32 @!p1 [tilespmem:s28], [sflag:$0xD], $0x40, s16, s22, $0xb8;
	[tilespmem:$0x1F880] =	vst v63  }
0x107: {  	s16 =	simm.s32 @!p1 $0x6  }
0x108: {  	_ =	swait.ge @!p1 [sflag:s16], $0x1400  }
0x109: {  	[sflag:s16] =	ssyncset.done @!p1 $0x0  }
0x10a: {  	[sflag:s16] =	ssyncadd.s32 @!p1 $0xFFFFEC00;
	s16 =	simm.s32 @!p1 $0xC  }
0x10b: {  	_ =	swait.ge @!p1 [sflag:s16], $0x1400  }
0x10c: {  	[sflag:s16] =	ssyncset.done @!p1 $0x0  }
0x10d: {  	s28 =	simm.s32 @!p1 $0xD840;
	[sflag:s16] =	ssyncadd.s32 @!p1 $0xFFFFEC00;
	s16 =	sadd.s32 @!p1 $0x370, s13  }
0x10e: {  	[tilespmem:s28], [sflag:$0x4] =	stream.indirect.gather @!p1 [hbm4b:s4+s22], $0x40, s16, s22, $0xb8;
	[tilespmem:$0x1F880] =	vst v63  }
0x10f: {  	s28 =	sadd.s32 $0x4FB0, s13  }
0x110: {  	[spmem:s2] =	stream.indirect.scatter.add.f32 [tilespmem:s30], [sflag:$0xE], $0x40, s28, s18, $0xb8;
	[tilespmem:$0x1F880] =	vst v63  }
0x111: {  	_ =	swait.ge [sflag:s8], $0x1400  }
.Ltmp6:
0x112: {  	[sflag:s8] =	ssyncset.done $0x0;
	(pc) =	sbr.rel @p1 .LBB2_10-.Ltmp6, $4  }
0x113: {  	[sflag:s8] =	ssyncadd.s32 $0xFFFFEC00  }
0x114: {  	_ =	swait.ge [sflag:s9], $0x1400  }
0x115: {  	[sflag:s9] =	ssyncset.done $0x0  }
0x116: {  	[sflag:s9] =	ssyncadd.s32 $0xFFFFEC00  }
0x117: {  	s6 =	sadd.s32 $0x3C0, s13;
	s16 =	simm.s32 $0xEC40  }
0x118: {  	[tilespmem:s16], [sflag:$0x5] =	stream.indirect.gather [hbm4b:s4+s18], $0x40, s6, s18, $0xb8;
	[tilespmem:$0x1F880] =	vst v63  }
0x119: {  	s22 =	sadd.s32 $0x4E20, s15  }
0x11a: {  	[spmem:s2] =	stream.indirect.scatter.add.f32 [tilespmem:s1], [sflag:$0xF], $0x40, s22, s18, $0xb8;
	[tilespmem:$0x1F880] =	vst v63  }
0x11b: {  	_ =	swait.ge [sflag:s10], $0x1400  }
0x11c: {  	[sflag:s10] =	ssyncset.done $0x0  }
0x11d: {  	[sflag:s10] =	ssyncadd.s32 $0xFFFFEC00  }
0x11e: {  	_ =	swait.ge [sflag:s11], $0x1400  }
.Ltmp7:
0x11f: {  	[sflag:s11] =	ssyncset.done $0x0;
	(pc) =	sbr.rel .LBB2_5-.Ltmp7, $4  }
0x120: {  	s25 =	sadd.s32 $0x410, s13;
	[sflag:s11] =	ssyncadd.s32 $0xFFFFEC00  }
0x121: {  	[tilespmem:s30], [sflag:$0x6] =	stream.indirect.gather [hbm4b:s4+s18], $0x40, s25, s18, $0xb8;
	[tilespmem:$0x1F880] =	vst v63  }
0x122: {  	s28 =	sadd.s32 $0x4E20, s14;
	s12 =	sadd.s32 $0xA00, s12  }
0x123: {  	[spmem:s2] =	stream.indirect.scatter.add.f32 [tilespmem:s21], [sflag:$0x10], $0x40, s28, s18, $0xb8;
	[tilespmem:$0x1F880] =	vst v63  }
.LBB2_11:
0x124: {  	_ =	sfence.sel $0x180000  }
0x125: {  	[bflag:$0x0] =	sbarrier.arrive $0xFFFF  }
0x126: {  	_ =	strace $0x9000004D  }
0x127: {  	s0 =	stileid.u32;
	[bflag:$0x2] =	sbarrier.arrive $0xFFFF  }
0x128: {  	p0 =	sne.s32 s0, $0x0;
	s0 =	rddreg [dreg:$0x2]  }
0x129: {  	s0 =	sadd.s32 @!p0 $0x100000, s0  }
0x12a: {  	[sflag:s0] =	ssyncadd.tile.s32 @!p0 $0x1;
	_ =	shalt  }
.Lfunc_end2:
_tile_overlayer_lowered:
.L_overlay_start_2:
0x12b: {  	(tag) =	ssettag $0x2  }
0x12c: {  	s0 =	rddreg [dreg:$0x0];
	s2 =	stileid.u32  }
0x12d: {  	s1 =	rddreg [dreg:$0x1];
	p0 =	sne.s32 s2, $0x0  }
0x12e: {  	s3 =	rddreg [dreg:$0x2];
	[bflag:$0x3] =	sbarrier.arrive $0xFFFF;
	s2 =	simm.s32 @!p0 $0x1C11  }
0x12f: {  	[timem:s3], [sflag:s2] =	dma.local @!p0 [hbm:s0], s1  }
0x130: {  	s0 =	simm.s32 @!p0 $0x11  }
0x131: {  	_ =	swait.ge @!p0 [sflag:s0], s1  }
0x132: {  	s1 =	ssub.s32 @!p0 $0x0, s1;
	[sflag:s0] =	ssyncset.done @!p0 $0x0  }
0x133: {  	[sflag:s0] =	ssyncadd.s32 @!p0 s1  }
0x134: {  	[bflag:$0x3] =	sbarrier.arrive $0xFFFF  }
0x135: {  	_ =	shalt  }

// kernel: kernel.8.cloned.1.call-start
scs
__scs_entry_jumppad:
0x0: {  	(pc) =	sbr.rel $0x88, $3  }
0x1: {  	(tag) =	ssettag $0x0;
	lr =	simm.s32 $0x1  }
0x2: {  	[smem:$0x3F96] =	sst lr;
	_ =	strace $0xD0000000  }
0x3: {  	_ = 	snop  }
0x4: {  	_ = 	snop  }
0x5: {  	_ = 	snop  }
0x6: {  	_ = 	snop  }
0x7: {  	_ = 	snop  }
__scs_overlays_trampoline_lowered:
0x8: {  	[smem:$0x3FA5] =	sst s0  }
0x9: {  	[smem:$0x3FA6] =	sst s1  }
0xa: {  	[smem:$0x3FA7] =	sst s2  }
0xb: {  	[smem:$0x3FA8] =	sst s3  }
0xc: {  	[smem:$0x3FA9] =	sst s4  }
0xd: {  	[smem:$0x3FAA] =	sst s5  }
0xe: {  	[smem:$0x3FAB] =	sst s6  }
0xf: {  	[smem:$0x3FAC] =	sst s7  }
0x10: {  	[smem:$0x3FAD] =	sst s8  }
0x11: {  	[smem:$0x3FAE] =	sst s9;
	s0 =	simm.s32 @!p0 $0x0  }
0x12: {  	s1 =	sld [smem:$0x3F94];
	s0 =	simm.s32 @p0 $0x1  }
0x13: {  	[smem:$0x3FAF] =	sst s0;
	s0 =	simm.s32 @!p1 $0x0  }
0x14: {  	s2 =	sld [smem:$0x3F93];
	s0 =	simm.s32 @p1 $0x1  }
0x15: {  	[smem:$0x3FB0] =	sst s0;
	s0 =	simm.s32 @!p2 $0x0  }
0x16: {  	s3 =	sld [smem:$0x3FDB];
	s0 =	simm.s32 @p2 $0x1  }
0x17: {  	s4 =	simm.s32 $0x1BF5;
	[smem:$0x3FB2] =	sst s0  }
0x18: {  	s0 =	sld [smem:$0x3F95];
	_ =	swait.ge [sflag:s4], $0x0  }
0x19: {  	s7 =	sld [smem:$0x3F96]  }
0x1a: {  	s8 =	sadd.s32 $0xFFFFE003, lr  }
0x1b: {  	s9 =	sadd.s32 $0xFFFFFEF7, lr;
	s5 =	simm.s32 $0xFFFFFFFF;
	p2 =	slt.u32 s8, $0xFFFFF086  }
0x1c: {  	p1 =	slt.u32 s9, $0xF7A;
	s5 =	simm.s32 @!p2 $0x0  }
0x1d: {  	s5 =	simm.s32 @p1 $0x1;
	p0 =	seq.s32 s7, s2  }
0x1e: {  	s7 =	smul.u32 @!p0 $0xF7A, s2;
	p2 =	seq.s32 @!p0 s5, $0x0  }
0x1f: {  	s9 =	smul.u32 $0xF7A, s1;
	s8 =	simm.s32 @!p0 $0x1BF5;
	p2 =	por !p2, p0  }
0x20: {  	[sflag:s8] =	ssyncset.s32 @!p0 $0xFFFFF086;
	s6 =	sadd.s32 @!p0 s3, s7;
	s7 =	simm.s32 @!p0 $0x108  }
0x21: {  	s3 =	sadd.s32 s3, s9;
	s6 =	sadd.s32 @!p0 $0x88, s6;
	s7 =	simm.s32 @p2 $0x1082  }
0x22: {  	[simem:s7], [sflag:s8] =	dma.local @!p0 [hbm:s6], $0xF7A  }
0x23: {  	s9 =	sor.u32 $0xD0000000, s2;
	s6 =	simm.s32 $0x108;
	_ =	swait.ge @!p0 [sflag:s8], $0x0  }
0x24: {  	s3 =	sadd.s32 $0x88, s3;
	s6 =	simm.s32 @!p1 $0x1082;
	[sflag:s4] =	ssyncset.s32 $0xFFFFF086  }
0x25: {  	[simem:s6], [sflag:s4] =	dma.local [hbm:s3], $0xF7A  }
0x26: {  	[smem:$0x3F96] =	sst s1;
	(tag) =	ssettag s2;
	_ =	strace s9  }
0x27: {  	s1 =	sld [smem:$0x3FA6]  }
0x28: {  	s2 =	sld [smem:$0x3FA7]  }
0x29: {  	s4 =	sld [smem:$0x3FA9]  }
0x2a: {  	p0 =	seq.s32 s5, $0x0;
	s5 =	sld [smem:$0x3FAA]  }
0x2b: {  	s6 =	sld [smem:$0x3FAB]  }
0x2c: {  	s7 =	sld [smem:$0x3FAC]  }
0x2d: {  	s3 =	simm.s32 $0x108;
	s8 =	sld [smem:$0x3FAD]  }
0x2e: {  	s3 =	simm.s32 @!p0 $0x1082;
	s9 =	sld [smem:$0x3FAE]  }
0x2f: {  	lr =	sadd.s32 s0, s3;
	s0 =	sld [smem:$0x3FA5]  }
0x30: {  	s3 =	sld [smem:$0x3FA8]  }
0x31: {  	[smem:$0x3FB1] =	sst s10  }
0x32: {  	s10 =	sld [smem:$0x3FAF];
	_ =	sdelay $0x3  }
0x33: {  	p0 =	seq.s32 s10, $0x1;
	s10 =	sld [smem:$0x3FB1];
	_ =	sdelay $0x3  }
0x34: {  	[smem:$0x3FB1] =	sst s10  }
0x35: {  	s10 =	sld [smem:$0x3FB0];
	_ =	sdelay $0x3  }
0x36: {  	p1 =	seq.s32 s10, $0x1;
	s10 =	sld [smem:$0x3FB1];
	_ =	sdelay $0x3  }
0x37: {  	[smem:$0x3FB1] =	sst s10  }
0x38: {  	s10 =	sld [smem:$0x3FB2]  }
0x39: {  	_ = 	snop;
	(pc) =	sbr.ind lr, $3  }
0x3a: {  	_ = 	snop  }
0x3b: {  	_ = 	snop  }
0x3c: {  	p2 =	seq.s32 s10, $0x1;
	s10 =	sld [smem:$0x3FB1]  }
0x3d: {  	_ =	shalt  }
0x3e: {  	_ =	shalt  }
0x3f: {  	_ =	shalt  }
0x40: {  	_ =	shalt  }
0x41: {  	_ =	shalt  }
0x42: {  	_ =	shalt  }
0x43: {  	_ =	shalt  }
0x44: {  	_ =	shalt  }
0x45: {  	_ =	shalt  }
0x46: {  	_ =	shalt  }
0x47: {  	_ =	shalt  }
0x48: {  	_ =	shalt  }
0x49: {  	_ =	shalt  }
0x4a: {  	_ =	shalt  }
0x4b: {  	_ =	shalt  }
0x4c: {  	_ =	shalt  }
0x4d: {  	_ =	shalt  }
0x4e: {  	_ =	shalt  }
0x4f: {  	_ =	shalt  }
0x50: {  	_ =	shalt  }
0x51: {  	_ =	shalt  }
0x52: {  	_ =	shalt  }
0x53: {  	_ =	shalt  }
0x54: {  	_ =	shalt  }
0x55: {  	_ =	shalt  }
0x56: {  	_ =	shalt  }
0x57: {  	_ =	shalt  }
0x58: {  	_ =	shalt  }
0x59: {  	_ =	shalt  }
0x5a: {  	_ =	shalt  }
0x5b: {  	_ =	shalt  }
0x5c: {  	_ =	shalt  }
0x5d: {  	_ =	shalt  }
0x5e: {  	_ =	shalt  }
0x5f: {  	_ =	shalt  }
0x60: {  	_ =	shalt  }
0x61: {  	_ =	shalt  }
0x62: {  	_ =	shalt  }
0x63: {  	_ =	shalt  }
0x64: {  	_ =	shalt  }
0x65: {  	_ =	shalt  }
0x66: {  	_ =	shalt  }
0x67: {  	_ =	shalt  }
0x68: {  	_ =	shalt  }
0x69: {  	_ =	shalt  }
0x6a: {  	_ =	shalt  }
0x6b: {  	_ =	shalt  }
0x6c: {  	_ =	shalt  }
0x6d: {  	_ =	shalt  }
0x6e: {  	_ =	shalt  }
0x6f: {  	_ =	shalt  }
0x70: {  	_ =	shalt  }
0x71: {  	_ =	shalt  }
0x72: {  	_ =	shalt  }
0x73: {  	_ =	shalt  }
0x74: {  	_ =	shalt  }
0x75: {  	_ =	shalt  }
0x76: {  	_ =	shalt  }
0x77: {  	_ =	shalt  }
0x78: {  	_ =	shalt  }
0x79: {  	_ =	shalt  }
0x7a: {  	_ =	shalt  }
0x7b: {  	_ =	shalt  }
0x7c: {  	_ =	shalt  }
0x7d: {  	_ =	shalt  }
0x7e: {  	_ =	shalt  }
0x7f: {  	_ =	shalt  }
0x80: {  	_ =	shalt  }
0x81: {  	_ =	shalt  }
0x82: {  	_ =	shalt  }
0x83: {  	_ =	shalt  }
0x84: {  	_ =	shalt  }
0x85: {  	_ =	shalt  }
0x86: {  	_ =	shalt  }
0x87: {  	_ =	shalt  }
.Lfunc_end0:
.L_simem_size_0:
called_computation_lowered:
.L_overlay_start_0:
0x88: {  	s2 =	sld [smem:$0x3FD9]  }
0x89: {  	s3 =	sld [smem:$0x3FFE];
	_ =	sdelay $0x1  }
0x8a: {  	s1 =	srdreg.scid  }
0x8b: {  	s0 =	sand.u32 $0x1, s1  }
0x8c: {  	s17 =	sshll.u32 s0, $0xA;
	s2 =	sadd.s32 s3, s2  }
0x8d: {  	s2 =	sadd.s32 s2, s17  }
0x8e: {  	[smem:$0x3FBD] =	sst s2  }
0x8f: {  	_ = 	snop  }
0x90: {  	s2 =	sld [smem:$0x3FD0];
	(tm) =	ssettm $0x1  }
0x91: {  	s18 =	sld [smem:$0x3FFB];
	_ =	sdelay $0x3  }
0x92: {  	_ =	strace s18  }
0x93: {  	s3 =	sld [smem:$0x3FFC];
	_ =	sdelay $0x3  }
0x94: {  	_ =	strace s3  }
0x95: {  	s3 =	sld [smem:$0x3FFD];
	_ =	sdelay $0x3  }
0x96: {  	_ =	strace s3  }
0x97: {  	_ =	strace $0x8FFFFFFF  }
0x98: {  	s19 =	sld [smem:$0x3FDB];
	_ =	sdelay $0x1  }
0x99: {  	s4 =	simm.s32 $_scs_section_size  }
0x9a: {  	s5 =	simm.s32 $_size__tile_overlayer_lowered;
	s6 =	simm.s32 $_tile_overlayer_lowered  }
0x9b: {  	s22 =	simm.s32 $0x1BFF;
	s21 =	sshll.u32 s6, $0x1;
	s3 =	sadd.s32 s4, s19  }
0x9c: {  	s7 =	simm.s32 $0x0;
	s20 =	sshll.u32 s5, $0x1;
	s5 =	sadd.s32 s21, s3  }
0x9d: {  	[timem:s7], [sflag:s22] =	dma.local [hbm:s5], s20  }
0x9e: {  	_ =	swait.ge [sflag:s22], s20  }
0x9f: {  	s4 =	ssub.s32 $0x0, s20;
	[sflag:s22] =	ssyncset.done $0x0  }
0xa0: {  	[sflag:s22] =	ssyncadd.s32 s4;
	_ =	sdelay $0x1  }
0xa1: {  	s23 =	simm.s32 $0x1B8B  }
0xa2: {  	_ =	swait.ge [sflag:s23], $0x1  }
0xa3: {  	[sflag:s23] =	ssyncset.done $0x0  }
0xa4: {  	s25 =	simm.s32 $0x1B8E;
	s24 =	sld [smem:$0x3FFE];
	[sflag:s23] =	ssyncadd.s32 $0xFFFFFFFF  }
0xa5: {  	s26 =	simm.s32 $execute0_lowered;
	[smem:$0x3FD2] =	sst s25  }
0xa6: {  	s5 =	sshll.u32 s26, $0x1;
	_ =	strace $0x80000046;
	[dreg:$0x1] =	wrdreg $0xFFFFFFFF  }
0xa7: {  	s28 =	simm.s32 $_size_execute0_lowered;
	s3 =	sadd.s32 s3, s5;
	[dreg:$0x0] =	wrdreg $0x0  }
0xa8: {  	s5 =	sshll.u32 s28, $0x1;
	[dreg:$0x2] =	wrdreg s3  }
0xa9: {  	[dreg:$0x3] =	wrdreg s5  }
0xaa: {  	[dreg:$0x4] =	wrdreg $0xC0  }
0xab: {  	_ =	task [dreg:s7], $0x5FFFF  }
0xac: {  	[dreg:$0x1] =	wrdreg $0xFFFFFFFF  }
0xad: {  	[dreg:$0x0] =	wrdreg $0x60  }
0xae: {  	[dreg:$0x2] =	wrdreg s24  }
0xaf: {  	[dreg:$0x3] =	wrdreg s2  }
0xb0: {  	[dreg:$0x4] =	wrdreg $0x34100  }
0xb1: {  	[dreg:$0x5] =	wrdreg $0x9  }
0xb2: {  	_ =	task.clear_ibuf [dreg:s7], $0x6FFFF;
	_ =	strace $0x90000046  }
0xb3: {  	s29 =	simm.s32 $0x9;
	_ =	strace $0x80000048  }
0xb4: {  	_ =	swait.ge [sflag:s29], $0x1  }
0xb5: {  	[sflag:s29] =	ssyncadd.s32 $0xFFFFFFFF  }
0xb6: {  	_ =	strace $0x90000048  }
0xb7: {  	_ =	sfence  }
0xb8: {  	s30 =	sld [smem:$0x0];
	_ =	sdelay $0x2  }
0xb9: {  	s31 =	sshll.u32 s1, $0xD;
	s1 =	sshrl.u32 s1, $0x2  }
0xba: {  	s3 =	sand.u32 $0x4000, s31;
	s1 =	sadd.s32 s1, s30  }
0xbb: {  	s0 =	sor.u32 s3, s0;
	s1 =	sshll.u32 s1, $0x11  }
0xbc: {  	s0 =	sor.u32 s1, s0  }
0xbd: {  	s0 =	sadd.s32 $0x8F2B, s0  }
0xbe: {  	[sflag:s0] =	ssyncadd.remote.s32 $0x1  }
0xbf: {  	_ =	sfence.sel $0xFFFF  }
0xc0: {  	[dreg:$0x0] =	wrdreg $0xFFFFFFFF;
	(pc) =	sbr.abs _section_cstart, $3  }
0xc1: {  	[dreg:$0x1] =	wrdreg $0xFFFFFFFF  }
0xc2: {  	_ =	task.clear_ibuf [dreg:s7], $0x2FFFF;
	_ =	strace $0x9FFFFFFF  }
0xc3: {  	(tm) =	ssettm $0x7FFFFFFF  }
tec
execute0_lowered:
.L_overlay_start_1:
0x0: {  	(tag) =	ssettag $0x1  }
0x1: {  	s1 =	srdreg.scid;
	s5 =	rddreg [dreg:$0x0]  }
0x2: {  	s0 =	stileid.u32;
	s6 =	rddreg [dreg:$0x1]  }
0x3: {  	s2 =	rddreg [dreg:$0x2];
	s3 =	simm.s32 $0x0;
	s12 =	simm.s32 $0x2C10  }
0x4: {  	s13 =	simm.s32 $0x2;
	s14 =	simm.s32 $0x50;
	s15 =	simm.s32 $0x2710  }
0x5: {  	s16 =	simm.s32 $0xA0;
	s17 =	simm.s32 $0xF0;
	s18 =	simm.s32 $0x140  }
0x6: {  	s19 =	simm.s32 $0x190;
	s20 =	simm.s32 $0x1;
	s8 =	smul.u32 $0x9C00, s0  }
0x7: {  	s4 =	sand.u32 $0x1, s1;
	s28 =	sshll.u32 s0, $0x1;
	s10 =	smul.u32 $0x2700, s0  }
0x8: {  	s22 =	simm.s32 $0x0;
	s1 =	sor.u32 s4, s28;
	s9 =	smul.u32 $0x27100, s4  }
0x9: {  	[smem:$0x7FF] =	sst s3;
	s4 =	ssub.s32 $0x2, s4;
	s7 =	smul.u32 $0x4E2, s1  }
0xa: {  	s1 =	rddreg [dreg:$0x3];
	_ =	strace $0x80000047;
	s29 =	sshrl.u32 s4, $0x1  }
0xb: {  	s30 =	sshrl.u32 s8, $0x2;
	s21 =	sadd.s32 s10, s2;
	s31 =	sadd.s32 s10, s9  }
0xc: {  	s21 =	sshrl.u32 s21, $0x3;
	s5 =	sadd.s32 s7, s5;
	s7 =	ssub.s32 s4, s29  }
0xd: {  	s4 =	sadd.s32 s30, s2;
	s8 =	sshrl.u32 s31, $0x3;
	s5 =	sadd.s32 $0x2A00, s5  }
0xe: {  	s6 =	sadd.s32 s6, s8;
	s7 =	smax.u32 s7, $0x1;
	s8 =	sadd.s32 $0x800, s4  }
0xf: {  	v0 =	vimm.f32 $1.000000000e+00;
	v1 =	vimm.f32 $0.0e+00;
	s9 =	sadd.s32 $0x1000, s4;
	s10 =	sadd.s32 $0x1800, s4;
	s11 =	sadd.s32 $0x2000, s4  }
.LBB2_1:
0x10: {  	s23 =	simm.s32 $0x0  }
.LBB2_2:
0x11: {  	p0 =	sne.s32 s23, $0x13C0  }
.Ltmp0:
0x12: {  	_ = 	snop;
	(pc) =	sbr.rel @p0 .LBB2_2-.Ltmp0, $3  }
0x13: {  	_ =	sdelay $0x1  }
0x14: {  	s24 =	sshra.s32 s23, $0x2  }
0x15: {  	s23 =	sadd.s32 $0x40, s23;
	[tilespmem:s24+$0x2710] =	vst v0  }
0x16: {  	s23 =	simm.s32 $0x40;
	s24 =	simm.s32 $0x0  }
.LBB2_4:
0x17: {  	p0 =	sne.s32 s23, $0x1FC0;
	[tilespmem:s24+$0x2C10] =	vst v1;
	s24 =	smov.u32 s23;
	s23 =	sadd.s32 $0x40, s23  }
.Ltmp1:
0x18: {  	(pc) =	sbr.rel @p0 .LBB2_4-.Ltmp1, $2  }
0x19: {  	_ =	sdelay $0x2  }
0x1a: {  	s24 =	sshra.s32 s24, $0x2  }
0x1b: {  	[tilespmem:s24+$0x2C10] =	vst v1  }
0x1c: {  	[spmem:s4] =	stream.linear.scatter [tilespmem:s12], [sflag:$0x2], $0x800, $0x38;
	[tilespmem:$0x5B20] =	vst v63  }
0x1d: {  	_ =	swait.ge [sflag:s13], $0x800  }
0x1e: {  	[sflag:s13] =	ssyncset.done $0x0  }
0x1f: {  	[sflag:s13] =	ssyncadd.s32 $0xFFFFF800  }
0x20: {  	[spmem:s8] =	stream.linear.scatter [tilespmem:s12], [sflag:$0x2], $0x800, $0x38;
	[tilespmem:$0x5B20] =	vst v63  }
0x21: {  	_ =	swait.ge [sflag:s13], $0x800  }
0x22: {  	[sflag:s13] =	ssyncset.done $0x0  }
0x23: {  	[sflag:s13] =	ssyncadd.s32 $0xFFFFF800  }
0x24: {  	[spmem:s9] =	stream.linear.scatter [tilespmem:s12], [sflag:$0x2], $0x800, $0x38;
	[tilespmem:$0x5B20] =	vst v63  }
0x25: {  	_ =	swait.ge [sflag:s13], $0x800  }
0x26: {  	[sflag:s13] =	ssyncset.done $0x0  }
0x27: {  	[sflag:s13] =	ssyncadd.s32 $0xFFFFF800  }
0x28: {  	[spmem:s10] =	stream.linear.scatter [tilespmem:s12], [sflag:$0x2], $0x800, $0x38;
	[tilespmem:$0x5B20] =	vst v63  }
0x29: {  	_ =	swait.ge [sflag:s13], $0x800  }
0x2a: {  	[sflag:s13] =	ssyncset.done $0x0  }
0x2b: {  	[sflag:s13] =	ssyncadd.s32 $0xFFFFF800  }
0x2c: {  	[spmem:s11] =	stream.linear.scatter [tilespmem:s12], [sflag:$0x2], $0x800, $0x38;
	[tilespmem:$0x5B20] =	vst v63  }
0x2d: {  	_ =	swait.ge [sflag:s13], $0x800  }
0x2e: {  	[sflag:s13] =	ssyncset.done $0x0  }
0x2f: {  	[sflag:s13] =	ssyncadd.s32 $0xFFFFF800  }
0x30: {  	[bflag:$0x0] =	sbarrier.arrive $0xFFFF  }
0x31: {  	[tilespmem:s3], [sflag:$0x2] =	stream.linear.gather [hbm4b:s5+s3], $0x2710, $0x38;
	[tilespmem:$0x5B20] =	vst v63  }
0x32: {  	_ =	swait.ge [sflag:s13], $0x2710  }
0x33: {  	[sflag:s13] =	ssyncset.done $0x0  }
0x34: {  	[sflag:s13] =	ssyncadd.s32 $0xFFFFD8F0  }
0x35: {  	[spmem:s2] =	stream.indirect.scatter.add.f32 [tilespmem:s15], [sflag:$0x1], $0x10, s3, s14, $0xb8;
	[tilespmem:$0x5B20] =	vst v63  }
0x36: {  	_ = 	snop  }
0x37: {  	[spmem:s2] =	stream.indirect.scatter.add.f32 [tilespmem:s15], [sflag:$0x1], $0x10, s14, s14, $0xb8;
	[tilespmem:$0x5B20] =	vst v63  }
0x38: {  	_ = 	snop  }
0x39: {  	[spmem:s2] =	stream.indirect.scatter.add.f32 [tilespmem:s15], [sflag:$0x1], $0x10, s16, s14, $0xb8;
	[tilespmem:$0x5B20] =	vst v63  }
0x3a: {  	_ = 	snop  }
0x3b: {  	[spmem:s2] =	stream.indirect.scatter.add.f32 [tilespmem:s15], [sflag:$0x1], $0x10, s17, s14, $0xb8;
	[tilespmem:$0x5B20] =	vst v63  }
0x3c: {  	_ = 	snop  }
0x3d: {  	[spmem:s2] =	stream.indirect.scatter.add.f32 [tilespmem:s15], [sflag:$0x1], $0x10, s18, s14, $0xb8;
	[tilespmem:$0x5B20] =	vst v63  }
0x3e: {  	_ = 	snop  }
0x3f: {  	[spmem:s2] =	stream.indirect.scatter.add.f32 [tilespmem:s15], [sflag:$0x1], $0x10, s19, s14, $0xb8;
	[tilespmem:$0x5B20] =	vst v63  }
0x40: {  	s23 =	simm.s32 $0x1E0  }
0x41: {  	[spmem:s2] =	stream.indirect.scatter.add.f32 [tilespmem:s15], [sflag:$0x1], $0x10, s23, s14, $0xb8;
	[tilespmem:$0x5B20] =	vst v63  }
0x42: {  	_ =	swait.ge [sflag:s20], $0x500  }
0x43: {  	s23 =	simm.s32 $0x8C0;
	[sflag:s20] =	ssyncset.done $0x0  }
.LBB2_6:
0x44: {  	s24 =	sshra.s32 s23, $0x2;
	[sflag:s20] =	ssyncadd.s32 $0xFFFFFB00;
	p0 =	sne.s32 s23, $0x9B00  }
0x45: {  	[spmem:s2] =	stream.indirect.scatter.add.f32 [tilespmem:s15], [sflag:$0x1], $0x10, s24, s14, $0xb8;
	[tilespmem:$0x5B20] =	vst v63  }
.Ltmp2:
0x46: {  	_ = 	snop;
	(pc) =	sbr.rel @p0 .LBB2_6-.Ltmp2, $4  }
0x47: {  	_ = 	snop  }
0x48: {  	s23 =	sadd.s32 $0x140, s23  }
0x49: {  	_ =	swait.ge [sflag:s20], $0x500  }
0x4a: {  	[sflag:s20] =	ssyncset.done $0x0  }
0x4b: {  	[sflag:s20] =	ssyncadd.s32 $0xFFFFFB00  }
0x4c: {  	_ =	swait.ge [sflag:s20], $0x500  }
0x4d: {  	[sflag:s20] =	ssyncset.done $0x0  }
0x4e: {  	[sflag:s20] =	ssyncadd.s32 $0xFFFFFB00  }
0x4f: {  	_ =	swait.ge [sflag:s20], $0x500  }
0x50: {  	[sflag:s20] =	ssyncset.done $0x0  }
0x51: {  	[sflag:s20] =	ssyncadd.s32 $0xFFFFFB00  }
0x52: {  	_ =	swait.ge [sflag:s20], $0x500  }
0x53: {  	[sflag:s20] =	ssyncset.done $0x0  }
0x54: {  	[sflag:s20] =	ssyncadd.s32 $0xFFFFFB00  }
0x55: {  	_ =	swait.ge [sflag:s20], $0x500  }
0x56: {  	[sflag:s20] =	ssyncset.done $0x0  }
0x57: {  	[sflag:s20] =	ssyncadd.s32 $0xFFFFFB00  }
0x58: {  	_ =	swait.ge [sflag:s20], $0x500  }
0x59: {  	[sflag:s20] =	ssyncset.done $0x0  }
0x5a: {  	[sflag:s20] =	ssyncadd.s32 $0xFFFFFB00  }
0x5b: {  	_ =	swait.ge [sflag:s20], $0x500  }
0x5c: {  	s22 =	sadd.s32 $0x1, s22;
	[sflag:s20] =	ssyncset.done $0x0  }
0x5d: {  	s23 =	sshll.u32 s0, $0x6;
	p0 =	sne.s32 s22, s7;
	[sflag:s20] =	ssyncadd.s32 $0xFFFFFB00  }
.Ltmp3:
0x5e: {  	s23 =	sor.u32 $0x1C02, s23;
	[bflag:$0x0] =	sbarrier.arrive $0xFFFF;
	(pc) =	sbr.rel @p0 .LBB2_1-.Ltmp3, $4  }
0x5f: {  	[hbm:s6], [sflag:s23] =	dma.local [spmem:s21], $0x500  }
0x60: {  	_ =	swait.ge [sflag:s13], $0x500  }
0x61: {  	[sflag:s13] =	ssyncset.done $0x0  }
0x62: {  	[sflag:s13] =	ssyncadd.s32 $0xFFFFFB00  }
0x63: {  	_ =	sfence.sel $0x180000  }
0x64: {  	[bflag:$0x0] =	sbarrier.arrive $0xFFFF  }
0x65: {  	p0 =	sne.s32 s0, $0x0;
	_ =	strace $0x90000047  }
0x66: {  	s0 =	sadd.s32 @!p0 $0x100000, s1;
	[bflag:$0x2] =	sbarrier.arrive $0xFFFF  }
0x67: {  	[sflag:s0] =	ssyncadd.tile.s32 @!p0 $0x1;
	_ =	shalt  }
.Lfunc_end2:
_tile_overlayer_lowered:
.L_overlay_start_2:
0x68: {  	(tag) =	ssettag $0x2  }
0x69: {  	s0 =	rddreg [dreg:$0x0];
	s2 =	stileid.u32  }
0x6a: {  	s1 =	rddreg [dreg:$0x1];
	p0 =	sne.s32 s2, $0x0  }
0x6b: {  	s3 =	rddreg [dreg:$0x2];
	[bflag:$0x3] =	sbarrier.arrive $0xFFFF;
	s2 =	simm.s32 @!p0 $0x1C02  }
0x6c: {  	[timem:s3], [sflag:s2] =	dma.local @!p0 [hbm:s0], s1  }
0x6d: {  	s0 =	simm.s32 @!p0 $0x2  }
0x6e: {  	_ =	swait.ge @!p0 [sflag:s0], s1  }
0x6f: {  	s1 =	ssub.s32 @!p0 $0x0, s1;
	[sflag:s0] =	ssyncset.done @!p0 $0x0  }
0x70: {  	[sflag:s0] =	ssyncadd.s32 @!p0 s1  }
0x71: {  	[bflag:$0x3] =	sbarrier.arrive $0xFFFF  }
0x72: {  	_ =	shalt  }

</sc_bundles>
